<compile_context>
chip_gen: v7x
topology: tpu7x:2x2x1
jax: 0.10.2.dev20260603
libtpu: 0.0.44.dev20260713+nightly
codegen_flags: <defaults>
</compile_context>

<pallas_src>
import functools

import jax
import jax.numpy as jnp
from jax import lax
from jax.experimental import pallas as pl
from jax.experimental.pallas import tpu as pltpu
from jax.experimental.pallas import tpu_sc as plsc

_NUM_WORKERS = 32
_CHUNK = 128
_GROUP = 16
_HALF = 256


def _make_bias_kernel(B):
    rows_per_w = B // _NUM_WORKERS
    n_chunks = rows_per_w // _CHUNK
    mesh = plsc.VectorSubcoreMesh(core_axis_name="c", subcore_axis_name="s")

    @functools.partial(
        pl.kernel,
        out_type=jax.ShapeDtypeStruct((B,), jnp.float32),
        mesh=mesh,
        compiler_params=pltpu.CompilerParams(use_tc_tiling_on_sc=False),
        scratch_types=[
            pltpu.VMEM((rows_per_w,), jnp.int32),
            pltpu.VMEM((rows_per_w,), jnp.int32),
            pltpu.VMEM((rows_per_w,), jnp.float32),
            pltpu.VMEM((rows_per_w,), jnp.float32),
            pltpu.VMEM((16,), jnp.float32),
            pltpu.VMEM((rows_per_w,), jnp.float32),
            pltpu.SemaphoreType.DMA,
        ],
    )
    def bias_kernel(uidx_hbm, iidx_hbm, ubt_hbm, ibt_hbm, oab_hbm, out_hbm,
                    uidx_v, iidx_v, ub_v, ib_v, oab_v, out_v, sem):
        wid = lax.axis_index("s") * 2 + lax.axis_index("c")
        base_row = wid * rows_per_w
        pltpu.sync_copy(uidx_hbm.at[pl.ds(base_row, rows_per_w)], uidx_v)
        pltpu.sync_copy(iidx_hbm.at[pl.ds(base_row, rows_per_w)], iidx_v)
        pltpu.sync_copy(oab_hbm, oab_v.at[pl.ds(0, 1)])
        copies = []
        for j in range(n_chunks):
            rows = pl.ds(j * _CHUNK, _CHUNK)
            copies.append(pltpu.async_copy(
                ubt_hbm.at[0].at[uidx_v.at[rows]], ub_v.at[rows], sem))
            copies.append(pltpu.async_copy(
                ibt_hbm.at[0].at[iidx_v.at[rows]], ib_v.at[rows], sem))
        for c in copies:
            c.wait()
        oab = oab_v[pl.ds(0, 16)][0]

        def body(g, carry):
            sl = pl.ds(g * _GROUP, 16)
            out_v[sl] = ub_v[sl] + ib_v[sl] + oab
            return carry

        lax.fori_loop(0, rows_per_w // _GROUP, body, 0)
        pltpu.sync_copy(out_v, out_hbm.at[pl.ds(base_row, rows_per_w)])

    return bias_kernel


def _make_dot_kernel(B, D):
    rows_per_w = B // _NUM_WORKERS
    n_halves = rows_per_w // _HALF
    n_groups = _HALF // _GROUP
    n_dim_chunks = D // 16
    mesh = plsc.VectorSubcoreMesh(core_axis_name="c", subcore_axis_name="s")

    @functools.partial(
        pl.kernel,
        out_type=jax.ShapeDtypeStruct((B,), jnp.float32),
        mesh=mesh,
        compiler_params=pltpu.CompilerParams(use_tc_tiling_on_sc=True),
        scratch_types=[
            pltpu.VMEM((rows_per_w,), jnp.int32),
            pltpu.VMEM((rows_per_w,), jnp.int32),
            pltpu.VMEM((_HALF, 2 * 64), jnp.float32),
            pltpu.VMEM((_HALF, 2 * 64), jnp.float32),
            pltpu.VMEM((rows_per_w,), jnp.float32),
            pltpu.VMEM((3 * 512,), jnp.float32),
            pltpu.VMEM((rows_per_w,), jnp.float32),
            pltpu.SemaphoreType.DMA,
        ],
    )
    def dot_kernel(uidx_hbm, iidx_hbm, big_hbm, bias_hbm, out_hbm,
                   uidx_v, iidx_v, urows_v, irows_v, bias_v, fb_v, out_v,
                   sem):
        wid = lax.axis_index("s") * 2 + lax.axis_index("c")
        base_row = wid * rows_per_w
        pltpu.sync_copy(uidx_hbm.at[pl.ds(base_row, rows_per_w)], uidx_v)
        pltpu.sync_copy(iidx_hbm.at[pl.ds(base_row, rows_per_w)], iidx_v)
        pltpu.sync_copy(bias_hbm.at[pl.ds(base_row, rows_per_w)], bias_v)

        iota16 = lax.iota(jnp.int32, 16)

        for h in range(n_halves):
            copies = []
            for j in range(_HALF // _CHUNK):
                src = pl.ds(h * _HALF + j * _CHUNK, _CHUNK)
                dst = pl.ds(j * _CHUNK, _CHUNK)
                copies.append(pltpu.async_copy(
                    big_hbm.at[uidx_v.at[src]], urows_v.at[dst], sem))
                copies.append(pltpu.async_copy(
                    big_hbm.at[iidx_v.at[src]], irows_v.at[dst], sem))
            for c in copies:
                c.wait()

            def group_body(g, carry):
                base = g * _GROUP
                res = bias_v[pl.ds(h * _HALF + base, 16)]
                dots = res * 0.0
                for r in range(_GROUP):
                    row = base + r
                    acc = (urows_v[row, pl.ds(0, 16)] *
                           irows_v[row, pl.ds(64, 16)])
                    for cdim in range(1, n_dim_chunks):
                        acc += (urows_v[row, pl.ds(cdim * 16, 16)] *
                                irows_v[row, pl.ds(64 + cdim * 16, 16)])
                    f1 = acc + lax.rev(acc, (0,))
                    fb_v[pl.ds(32 * r, 16)] = f1
                    f2 = f1 + fb_v[pl.ds(32 * r + 4, 16)]
                    fb_v[pl.ds(512 + 32 * r, 16)] = f2
                    f3 = f2 + fb_v[pl.ds(512 + 32 * r + 2, 16)]
                    fb_v[pl.ds(1024 + 32 * r, 16)] = f3
                    f4 = f3 + fb_v[pl.ds(1024 + 32 * r + 1, 16)]
                    dots = jnp.where(iota16 == r, f4[0], dots)
                out_v[pl.ds(h * _HALF + base, 16)] = dots + res
                return carry

            lax.fori_loop(0, n_groups, group_body, 0)

        pltpu.sync_copy(out_v, out_hbm.at[pl.ds(base_row, rows_per_w)])

    return dot_kernel


@jax.jit
def kernel(userIdx, itemIdx, uEmbd, iEmbd, uBias, iBias, overAllBias):
    B = userIdx.shape[0]
    D = uEmbd.shape[1]
    uidx = userIdx.astype(jnp.int32)
    iidx = itemIdx.astype(jnp.int32)
    big = jnp.concatenate([uEmbd, iEmbd], axis=1)
    bias_sums = _make_bias_kernel(B)(uidx, iidx, uBias.T, iBias.T,
                                     overAllBias.astype(jnp.float32))
    return _make_dot_kernel(B, D)(uidx, iidx, big, bias_sums)

# --- scband reference (transcript-rebuilt; emitter-appended) ---
"""Pipeline reference for scband-svd-9887014715392 (READ-ONLY COPY).

The authoritative reference and input builder live on the scoring server;
editing this copy changes nothing except your own understanding.
"""

import jax, jax.numpy as jnp
import numpy as np

USER_NUM = 1000000
ITEM_NUM = 1000000
DIM = 64
BATCH = 16384


def setup_inputs(seed: int = 0) -> dict:
    key = jax.random.key(seed)
    k1, k2, k3, k4, k5, k6 = jax.random.split(key, 6)
    userIdx = jax.random.randint(k1, (BATCH,), 0, USER_NUM, dtype=jnp.int64) if jax.config.jax_enable_x64 else jax.random.randint(k1, (BATCH,), 0, USER_NUM, dtype=jnp.int32)
    itemIdx = jax.random.randint(k2, (BATCH,), 0, ITEM_NUM, dtype=jnp.int64) if jax.config.jax_enable_x64 else jax.random.randint(k2, (BATCH,), 0, ITEM_NUM, dtype=jnp.int32)
    uEmbd = jax.random.normal(k3, (USER_NUM, DIM), dtype=jnp.float32)
    iEmbd = jax.random.normal(k4, (ITEM_NUM, DIM), dtype=jnp.float32)
    uBias = jax.random.normal(k5, (USER_NUM, 1), dtype=jnp.float32)
    iBias = jax.random.normal(k6, (ITEM_NUM, 1), dtype=jnp.float32)
    overAllBias = jnp.zeros((1,), dtype=jnp.float32)
    return {
        "userIdx": userIdx,
        "itemIdx": itemIdx,
        "uEmbd": uEmbd,
        "iEmbd": iEmbd,
        "uBias": uBias,
        "iBias": iBias,
        "overAllBias": overAllBias,
    }


def reference(userIdx, itemIdx, uEmbd, iEmbd, uBias, iBias, overAllBias):
    uembd = jnp.take(uEmbd, userIdx, axis=0)          # [B, dim]
    iembd = jnp.take(iEmbd, itemIdx, axis=0)          # [B, dim]
    ubias = jnp.take(uBias, userIdx, axis=0)          # [B, 1]
    ibias = jnp.take(iBias, itemIdx, axis=0)          # [B, 1]
    biases = ubias + ibias + overAllBias              # [B, 1]
    prediction = jnp.sum(uembd * iembd, axis=1) + biases.reshape(-1)
    return prediction

if __name__ == "__main__":
    import jax
    _d = setup_inputs()
    print(jax.jit(kernel)(*tuple(_d.values())))

</pallas_src>

<mosaic_0001>
#map = affine_map<(d0, d1) -> (0)>
#map1 = affine_map<(d0, d1) -> (0, 0)>
module attributes {stable_mosaic.version = 14 : i64} {
  func.func @bias_kernel(%arg0: i32, %arg1: i32, %arg2: memref<16384xi32, #tpu.memory_space<hbm>>, %arg3: memref<16384xi32, #tpu.memory_space<hbm>>, %arg4: memref<1x1000000xf32, #tpu.memory_space<hbm>>, %arg5: memref<1x1000000xf32, #tpu.memory_space<hbm>>, %arg6: memref<1xf32, #tpu.memory_space<hbm>>, %arg7: memref<16384xf32, #tpu.memory_space<hbm>>, %arg8: memref<512xi32, #tpu.memory_space<vmem>>, %arg9: memref<512xi32, #tpu.memory_space<vmem>>, %arg10: memref<512xf32, #tpu.memory_space<vmem>>, %arg11: memref<512xf32, #tpu.memory_space<vmem>>, %arg12: memref<16xf32, #tpu.memory_space<vmem>>, %arg13: memref<512xf32, #tpu.memory_space<vmem>>, %arg14: memref<!tpu.dma_semaphore, #tpu.memory_space<semaphore_mem>>) attributes {dimension_semantics = [#tpu.dimension_semantics<core_parallel>, #tpu.dimension_semantics<subcore_parallel>], iteration_bounds = array<i64: 2, 16>, scalar_prefetch = 0 : i64, scratch_operands = 7 : i64, tpu.core_type = #tpu.core_type<sc_vector_subcore>, window_params = [{transform_indices = #map}, {transform_indices = #map}, {transform_indices = #map1}, {transform_indices = #map1}, {transform_indices = #map}, {transform_indices = #map}]} {
    %mul3A = arith.constant 2 : i32
    %mul3A_0 = arith.muli %arg1, %mul3A : i32
    %add3A = arith.addi %mul3A_0, %arg0 : i32
    %mul3A_1 = arith.constant 512 : i32
    %mul3A_2 = arith.muli %add3A, %mul3A_1 : i32
    "tpu.region"() ({
      %run_scoped3A = tpu.sem_alloc : memref<!tpu.dma_semaphore, #tpu.memory_space<semaphore_mem>>
      %dma_start3A_168 = tpu.memref_slice %arg2[%mul3A_2] : memref<16384xi32, #tpu.memory_space<hbm>> -> memref<512xi32, #tpu.memory_space<hbm>>
      %dma_start3A_169 = tpu.memref_slice %arg2[%mul3A_2] : memref<16384xi32, #tpu.memory_space<hbm>> -> memref<512xi32, #tpu.memory_space<hbm>>
      tpu.enqueue_dma source(%dma_start3A_169 : memref<512xi32, #tpu.memory_space<hbm>>) target(%arg8 : memref<512xi32, #tpu.memory_space<vmem>>) target_semaphore(%run_scoped3A : memref<!tpu.dma_semaphore, #tpu.memory_space<semaphore_mem>>)
      %dma_wait3A_170 = tpu.memref_slice %arg2[%mul3A_2] : memref<16384xi32, #tpu.memory_space<hbm>> -> memref<512xi32, #tpu.memory_space<hbm>>
      %dma_wait3A_171 = tpu.memref_slice %arg2[%mul3A_2] : memref<16384xi32, #tpu.memory_space<hbm>> -> memref<512xi32, #tpu.memory_space<hbm>>
      tpu.wait_dma2 semaphore(%run_scoped3A : memref<!tpu.dma_semaphore, #tpu.memory_space<semaphore_mem>>) src(%dma_wait3A_171 : memref<512xi32, #tpu.memory_space<hbm>>) dst(%arg8 : memref<512xi32, #tpu.memory_space<vmem>>)
      tpu.yield
    }) : () -> ()
    "tpu.region"() ({
      %run_scoped3A = tpu.sem_alloc : memref<!tpu.dma_semaphore, #tpu.memory_space<semaphore_mem>>
      %dma_start3A_168 = tpu.memref_slice %arg3[%mul3A_2] : memref<16384xi32, #tpu.memory_space<hbm>> -> memref<512xi32, #tpu.memory_space<hbm>>
      %dma_start3A_169 = tpu.memref_slice %arg3[%mul3A_2] : memref<16384xi32, #tpu.memory_space<hbm>> -> memref<512xi32, #tpu.memory_space<hbm>>
      tpu.enqueue_dma source(%dma_start3A_169 : memref<512xi32, #tpu.memory_space<hbm>>) target(%arg9 : memref<512xi32, #tpu.memory_space<vmem>>) target_semaphore(%run_scoped3A : memref<!tpu.dma_semaphore, #tpu.memory_space<semaphore_mem>>)
      %dma_wait3A_170 = tpu.memref_slice %arg3[%mul3A_2] : memref<16384xi32, #tpu.memory_space<hbm>> -> memref<512xi32, #tpu.memory_space<hbm>>
      %dma_wait3A_171 = tpu.memref_slice %arg3[%mul3A_2] : memref<16384xi32, #tpu.memory_space<hbm>> -> memref<512xi32, #tpu.memory_space<hbm>>
      tpu.wait_dma2 semaphore(%run_scoped3A : memref<!tpu.dma_semaphore, #tpu.memory_space<semaphore_mem>>) src(%dma_wait3A_171 : memref<512xi32, #tpu.memory_space<hbm>>) dst(%arg9 : memref<512xi32, #tpu.memory_space<vmem>>)
      tpu.yield
    }) : () -> ()
    "tpu.region"() ({
      %run_scoped3A = tpu.sem_alloc : memref<!tpu.dma_semaphore, #tpu.memory_space<semaphore_mem>>
      %dma_start3A_168 = arith.constant 0 : i32
      %dma_start3A_169 = tpu.memref_slice %arg12[%dma_start3A_168] : memref<16xf32, #tpu.memory_space<vmem>> -> memref<1xf32, #tpu.memory_space<vmem>>
      %dma_start3A_170 = arith.constant 0 : i32
      %dma_start3A_171 = tpu.memref_slice %arg12[%dma_start3A_170] : memref<16xf32, #tpu.memory_space<vmem>> -> memref<1xf32, #tpu.memory_space<vmem>>
      tpu.enqueue_dma source(%arg6 : memref<1xf32, #tpu.memory_space<hbm>>) target(%dma_start3A_171 : memref<1xf32, #tpu.memory_space<vmem>>) target_semaphore(%run_scoped3A : memref<!tpu.dma_semaphore, #tpu.memory_space<semaphore_mem>>)
      %dma_wait3A_172 = arith.constant 0 : i32
      %dma_wait3A_173 = tpu.memref_slice %arg12[%dma_wait3A_172] : memref<16xf32, #tpu.memory_space<vmem>> -> memref<1xf32, #tpu.memory_space<vmem>>
      %dma_wait3A_174 = arith.constant 0 : i32
      %dma_wait3A_175 = tpu.memref_slice %arg12[%dma_wait3A_174] : memref<16xf32, #tpu.memory_space<vmem>> -> memref<1xf32, #tpu.memory_space<vmem>>
      tpu.wait_dma2 semaphore(%run_scoped3A : memref<!tpu.dma_semaphore, #tpu.memory_space<semaphore_mem>>) src(%arg6 : memref<1xf32, #tpu.memory_space<hbm>>) dst(%dma_wait3A_175 : memref<1xf32, #tpu.memory_space<vmem>>)
      tpu.yield
    }) : () -> ()
    %dma_start3A = arith.constant 0 : i32
    %dma_start3A_3 = arith.constant 0 : i32
    %dma_start3A_4 = tpu.memref_slice %arg10[%dma_start3A_3] : memref<512xf32, #tpu.memory_space<vmem>> -> memref<128xf32, #tpu.memory_space<vmem>>
    %dma_start3A_5 = arith.constant 0 : i32
    %dma_start3A_6 = tpu.memref_slice %arg8[%dma_start3A_5] : memref<512xi32, #tpu.memory_space<vmem>> -> memref<128xi32, #tpu.memory_space<vmem>>
    %dma_start3A_7 = arith.constant 0 : i32
    %dma_start3A_8 = tpu.memref_slice %arg4[%dma_start3A, %dma_start3A_7] : memref<1x1000000xf32, #tpu.memory_space<hbm>> -> memref<1x1000000xf32, #tpu.memory_space<hbm>>
    %dma_start3A_9 = tpu.memref_squeeze %dma_start3A_8 : memref<1x1000000xf32, #tpu.memory_space<hbm>> -> memref<1000000xf32, #tpu.memory_space<hbm>>
    %dma_start3A_10 = arith.constant 0 : i32
    %dma_start3A_11 = tpu.memref_slice %dma_start3A_9[%dma_start3A_10] : memref<1000000xf32, #tpu.memory_space<hbm>> -> memref<1000000xf32, #tpu.memory_space<hbm>>
    tpu.enqueue_indirect_dma source(%dma_start3A_11 : memref<1000000xf32, #tpu.memory_space<hbm>>) target(%dma_start3A_4 : memref<128xf32, #tpu.memory_space<vmem>>) offsets(%dma_start3A_6 : memref<128xi32, #tpu.memory_space<vmem>>) semaphore(%arg14 : memref<!tpu.dma_semaphore, #tpu.memory_space<semaphore_mem>>)
    %dma_start3A_12 = arith.constant 0 : i32
    %dma_start3A_13 = arith.constant 0 : i32
    %dma_start3A_14 = tpu.memref_slice %arg11[%dma_start3A_13] : memref<512xf32, #tpu.memory_space<vmem>> -> memref<128xf32, #tpu.memory_space<vmem>>
    %dma_start3A_15 = arith.constant 0 : i32
    %dma_start3A_16 = tpu.memref_slice %arg9[%dma_start3A_15] : memref<512xi32, #tpu.memory_space<vmem>> -> memref<128xi32, #tpu.memory_space<vmem>>
    %dma_start3A_17 = arith.constant 0 : i32
    %dma_start3A_18 = tpu.memref_slice %arg5[%dma_start3A_12, %dma_start3A_17] : memref<1x1000000xf32, #tpu.memory_space<hbm>> -> memref<1x1000000xf32, #tpu.memory_space<hbm>>
    %dma_start3A_19 = tpu.memref_squeeze %dma_start3A_18 : memref<1x1000000xf32, #tpu.memory_space<hbm>> -> memref<1000000xf32, #tpu.memory_space<hbm>>
    %dma_start3A_20 = arith.constant 0 : i32
    %dma_start3A_21 = tpu.memref_slice %dma_start3A_19[%dma_start3A_20] : memref<1000000xf32, #tpu.memory_space<hbm>> -> memref<1000000xf32, #tpu.memory_space<hbm>>
    tpu.enqueue_indirect_dma source(%dma_start3A_21 : memref<1000000xf32, #tpu.memory_space<hbm>>) target(%dma_start3A_14 : memref<128xf32, #tpu.memory_space<vmem>>) offsets(%dma_start3A_16 : memref<128xi32, #tpu.memory_space<vmem>>) semaphore(%arg14 : memref<!tpu.dma_semaphore, #tpu.memory_space<semaphore_mem>>)
    %dma_start3A_22 = arith.constant 0 : i32
    %dma_start3A_23 = arith.constant 128 : i32
    %dma_start3A_24 = tpu.memref_slice %arg10[%dma_start3A_23] : memref<512xf32, #tpu.memory_space<vmem>> -> memref<128xf32, #tpu.memory_space<vmem>>
    %dma_start3A_25 = arith.constant 128 : i32
    %dma_start3A_26 = tpu.memref_slice %arg8[%dma_start3A_25] : memref<512xi32, #tpu.memory_space<vmem>> -> memref<128xi32, #tpu.memory_space<vmem>>
    %dma_start3A_27 = arith.constant 0 : i32
    %dma_start3A_28 = tpu.memref_slice %arg4[%dma_start3A_22, %dma_start3A_27] : memref<1x1000000xf32, #tpu.memory_space<hbm>> -> memref<1x1000000xf32, #tpu.memory_space<hbm>>
    %dma_start3A_29 = tpu.memref_squeeze %dma_start3A_28 : memref<1x1000000xf32, #tpu.memory_space<hbm>> -> memref<1000000xf32, #tpu.memory_space<hbm>>
    %dma_start3A_30 = arith.constant 0 : i32
    %dma_start3A_31 = tpu.memref_slice %dma_start3A_29[%dma_start3A_30] : memref<1000000xf32, #tpu.memory_space<hbm>> -> memref<1000000xf32, #tpu.memory_space<hbm>>
    tpu.enqueue_indirect_dma source(%dma_start3A_31 : memref<1000000xf32, #tpu.memory_space<hbm>>) target(%dma_start3A_24 : memref<128xf32, #tpu.memory_space<vmem>>) offsets(%dma_start3A_26 : memref<128xi32, #tpu.memory_space<vmem>>) semaphore(%arg14 : memref<!tpu.dma_semaphore, #tpu.memory_space<semaphore_mem>>)
    %dma_start3A_32 = arith.constant 0 : i32
    %dma_start3A_33 = arith.constant 128 : i32
    %dma_start3A_34 = tpu.memref_slice %arg11[%dma_start3A_33] : memref<512xf32, #tpu.memory_space<vmem>> -> memref<128xf32, #tpu.memory_space<vmem>>
    %dma_start3A_35 = arith.constant 128 : i32
    %dma_start3A_36 = tpu.memref_slice %arg9[%dma_start3A_35] : memref<512xi32, #tpu.memory_space<vmem>> -> memref<128xi32, #tpu.memory_space<vmem>>
    %dma_start3A_37 = arith.constant 0 : i32
    %dma_start3A_38 = tpu.memref_slice %arg5[%dma_start3A_32, %dma_start3A_37] : memref<1x1000000xf32, #tpu.memory_space<hbm>> -> memref<1x1000000xf32, #tpu.memory_space<hbm>>
    %dma_start3A_39 = tpu.memref_squeeze %dma_start3A_38 : memref<1x1000000xf32, #tpu.memory_space<hbm>> -> memref<1000000xf32, #tpu.memory_space<hbm>>
    %dma_start3A_40 = arith.constant 0 : i32
    %dma_start3A_41 = tpu.memref_slice %dma_start3A_39[%dma_start3A_40] : memref<1000000xf32, #tpu.memory_space<hbm>> -> memref<1000000xf32, #tpu.memory_space<hbm>>
    tpu.enqueue_indirect_dma source(%dma_start3A_41 : memref<1000000xf32, #tpu.memory_space<hbm>>) target(%dma_start3A_34 : memref<128xf32, #tpu.memory_space<vmem>>) offsets(%dma_start3A_36 : memref<128xi32, #tpu.memory_space<vmem>>) semaphore(%arg14 : memref<!tpu.dma_semaphore, #tpu.memory_space<semaphore_mem>>)
    %dma_start3A_42 = arith.constant 0 : i32
    %dma_start3A_43 = arith.constant 256 : i32
    %dma_start3A_44 = tpu.memref_slice %arg10[%dma_start3A_43] : memref<512xf32, #tpu.memory_space<vmem>> -> memref<128xf32, #tpu.memory_space<vmem>>
    %dma_start3A_45 = arith.constant 256 : i32
    %dma_start3A_46 = tpu.memref_slice %arg8[%dma_start3A_45] : memref<512xi32, #tpu.memory_space<vmem>> -> memref<128xi32, #tpu.memory_space<vmem>>
    %dma_start3A_47 = arith.constant 0 : i32
    %dma_start3A_48 = tpu.memref_slice %arg4[%dma_start3A_42, %dma_start3A_47] : memref<1x1000000xf32, #tpu.memory_space<hbm>> -> memref<1x1000000xf32, #tpu.memory_space<hbm>>
    %dma_start3A_49 = tpu.memref_squeeze %dma_start3A_48 : memref<1x1000000xf32, #tpu.memory_space<hbm>> -> memref<1000000xf32, #tpu.memory_space<hbm>>
    %dma_start3A_50 = arith.constant 0 : i32
    %dma_start3A_51 = tpu.memref_slice %dma_start3A_49[%dma_start3A_50] : memref<1000000xf32, #tpu.memory_space<hbm>> -> memref<1000000xf32, #tpu.memory_space<hbm>>
    tpu.enqueue_indirect_dma source(%dma_start3A_51 : memref<1000000xf32, #tpu.memory_space<hbm>>) target(%dma_start3A_44 : memref<128xf32, #tpu.memory_space<vmem>>) offsets(%dma_start3A_46 : memref<128xi32, #tpu.memory_space<vmem>>) semaphore(%arg14 : memref<!tpu.dma_semaphore, #tpu.memory_space<semaphore_mem>>)
    %dma_start3A_52 = arith.constant 0 : i32
    %dma_start3A_53 = arith.constant 256 : i32
    %dma_start3A_54 = tpu.memref_slice %arg11[%dma_start3A_53] : memref<512xf32, #tpu.memory_space<vmem>> -> memref<128xf32, #tpu.memory_space<vmem>>
    %dma_start3A_55 = arith.constant 256 : i32
    %dma_start3A_56 = tpu.memref_slice %arg9[%dma_start3A_55] : memref<512xi32, #tpu.memory_space<vmem>> -> memref<128xi32, #tpu.memory_space<vmem>>
    %dma_start3A_57 = arith.constant 0 : i32
    %dma_start3A_58 = tpu.memref_slice %arg5[%dma_start3A_52, %dma_start3A_57] : memref<1x1000000xf32, #tpu.memory_space<hbm>> -> memref<1x1000000xf32, #tpu.memory_space<hbm>>
    %dma_start3A_59 = tpu.memref_squeeze %dma_start3A_58 : memref<1x1000000xf32, #tpu.memory_space<hbm>> -> memref<1000000xf32, #tpu.memory_space<hbm>>
    %dma_start3A_60 = arith.constant 0 : i32
    %dma_start3A_61 = tpu.memref_slice %dma_start3A_59[%dma_start3A_60] : memref<1000000xf32, #tpu.memory_space<hbm>> -> memref<1000000xf32, #tpu.memory_space<hbm>>
    tpu.enqueue_indirect_dma source(%dma_start3A_61 : memref<1000000xf32, #tpu.memory_space<hbm>>) target(%dma_start3A_54 : memref<128xf32, #tpu.memory_space<vmem>>) offsets(%dma_start3A_56 : memref<128xi32, #tpu.memory_space<vmem>>) semaphore(%arg14 : memref<!tpu.dma_semaphore, #tpu.memory_space<semaphore_mem>>)
    %dma_start3A_62 = arith.constant 0 : i32
    %dma_start3A_63 = arith.constant 384 : i32
    %dma_start3A_64 = tpu.memref_slice %arg10[%dma_start3A_63] : memref<512xf32, #tpu.memory_space<vmem>> -> memref<128xf32, #tpu.memory_space<vmem>>
    %dma_start3A_65 = arith.constant 384 : i32
    %dma_start3A_66 = tpu.memref_slice %arg8[%dma_start3A_65] : memref<512xi32, #tpu.memory_space<vmem>> -> memref<128xi32, #tpu.memory_space<vmem>>
    %dma_start3A_67 = arith.constant 0 : i32
    %dma_start3A_68 = tpu.memref_slice %arg4[%dma_start3A_62, %dma_start3A_67] : memref<1x1000000xf32, #tpu.memory_space<hbm>> -> memref<1x1000000xf32, #tpu.memory_space<hbm>>
    %dma_start3A_69 = tpu.memref_squeeze %dma_start3A_68 : memref<1x1000000xf32, #tpu.memory_space<hbm>> -> memref<1000000xf32, #tpu.memory_space<hbm>>
    %dma_start3A_70 = arith.constant 0 : i32
    %dma_start3A_71 = tpu.memref_slice %dma_start3A_69[%dma_start3A_70] : memref<1000000xf32, #tpu.memory_space<hbm>> -> memref<1000000xf32, #tpu.memory_space<hbm>>
    tpu.enqueue_indirect_dma source(%dma_start3A_71 : memref<1000000xf32, #tpu.memory_space<hbm>>) target(%dma_start3A_64 : memref<128xf32, #tpu.memory_space<vmem>>) offsets(%dma_start3A_66 : memref<128xi32, #tpu.memory_space<vmem>>) semaphore(%arg14 : memref<!tpu.dma_semaphore, #tpu.memory_space<semaphore_mem>>)
    %dma_start3A_72 = arith.constant 0 : i32
    %dma_start3A_73 = arith.constant 384 : i32
    %dma_start3A_74 = tpu.memref_slice %arg11[%dma_start3A_73] : memref<512xf32, #tpu.memory_space<vmem>> -> memref<128xf32, #tpu.memory_space<vmem>>
    %dma_start3A_75 = arith.constant 384 : i32
    %dma_start3A_76 = tpu.memref_slice %arg9[%dma_start3A_75] : memref<512xi32, #tpu.memory_space<vmem>> -> memref<128xi32, #tpu.memory_space<vmem>>
    %dma_start3A_77 = arith.constant 0 : i32
    %dma_start3A_78 = tpu.memref_slice %arg5[%dma_start3A_72, %dma_start3A_77] : memref<1x1000000xf32, #tpu.memory_space<hbm>> -> memref<1x1000000xf32, #tpu.memory_space<hbm>>
    %dma_start3A_79 = tpu.memref_squeeze %dma_start3A_78 : memref<1x1000000xf32, #tpu.memory_space<hbm>> -> memref<1000000xf32, #tpu.memory_space<hbm>>
    %dma_start3A_80 = arith.constant 0 : i32
    %dma_start3A_81 = tpu.memref_slice %dma_start3A_79[%dma_start3A_80] : memref<1000000xf32, #tpu.memory_space<hbm>> -> memref<1000000xf32, #tpu.memory_space<hbm>>
    tpu.enqueue_indirect_dma source(%dma_start3A_81 : memref<1000000xf32, #tpu.memory_space<hbm>>) target(%dma_start3A_74 : memref<128xf32, #tpu.memory_space<vmem>>) offsets(%dma_start3A_76 : memref<128xi32, #tpu.memory_space<vmem>>) semaphore(%arg14 : memref<!tpu.dma_semaphore, #tpu.memory_space<semaphore_mem>>)
    %dma_wait3A = arith.constant 0 : i32
    %dma_wait3A_82 = arith.constant 0 : i32
    %dma_wait3A_83 = tpu.memref_slice %arg10[%dma_wait3A_82] : memref<512xf32, #tpu.memory_space<vmem>> -> memref<128xf32, #tpu.memory_space<vmem>>
    %dma_wait3A_84 = arith.constant 0 : i32
    %dma_wait3A_85 = tpu.memref_slice %arg8[%dma_wait3A_84] : memref<512xi32, #tpu.memory_space<vmem>> -> memref<128xi32, #tpu.memory_space<vmem>>
    %dma_wait3A_86 = arith.constant 0 : i32
    %dma_wait3A_87 = tpu.memref_slice %arg4[%dma_wait3A, %dma_wait3A_86] : memref<1x1000000xf32, #tpu.memory_space<hbm>> -> memref<1x1000000xf32, #tpu.memory_space<hbm>>
    %dma_wait3A_88 = tpu.memref_squeeze %dma_wait3A_87 : memref<1x1000000xf32, #tpu.memory_space<hbm>> -> memref<1000000xf32, #tpu.memory_space<hbm>>
    %dma_wait3A_89 = arith.constant 0 : i32
    %dma_wait3A_90 = tpu.memref_slice %dma_wait3A_88[%dma_wait3A_89] : memref<1000000xf32, #tpu.memory_space<hbm>> -> memref<1000000xf32, #tpu.memory_space<hbm>>
    tpu.wait_indirect_dma semaphore(%arg14 : memref<!tpu.dma_semaphore, #tpu.memory_space<semaphore_mem>>) src(%dma_wait3A_90 : memref<1000000xf32, #tpu.memory_space<hbm>>) dst(%dma_wait3A_83 : memref<128xf32, #tpu.memory_space<vmem>>)
    %dma_wait3A_91 = arith.constant 0 : i32
    %dma_wait3A_92 = arith.constant 0 : i32
    %dma_wait3A_93 = tpu.memref_slice %arg11[%dma_wait3A_92] : memref<512xf32, #tpu.memory_space<vmem>> -> memref<128xf32, #tpu.memory_space<vmem>>
    %dma_wait3A_94 = arith.constant 0 : i32
    %dma_wait3A_95 = tpu.memref_slice %arg9[%dma_wait3A_94] : memref<512xi32, #tpu.memory_space<vmem>> -> memref<128xi32, #tpu.memory_space<vmem>>
    %dma_wait3A_96 = arith.constant 0 : i32
    %dma_wait3A_97 = tpu.memref_slice %arg5[%dma_wait3A_91, %dma_wait3A_96] : memref<1x1000000xf32, #tpu.memory_space<hbm>> -> memref<1x1000000xf32, #tpu.memory_space<hbm>>
    %dma_wait3A_98 = tpu.memref_squeeze %dma_wait3A_97 : memref<1x1000000xf32, #tpu.memory_space<hbm>> -> memref<1000000xf32, #tpu.memory_space<hbm>>
    %dma_wait3A_99 = arith.constant 0 : i32
    %dma_wait3A_100 = tpu.memref_slice %dma_wait3A_98[%dma_wait3A_99] : memref<1000000xf32, #tpu.memory_space<hbm>> -> memref<1000000xf32, #tpu.memory_space<hbm>>
    tpu.wait_indirect_dma semaphore(%arg14 : memref<!tpu.dma_semaphore, #tpu.memory_space<semaphore_mem>>) src(%dma_wait3A_100 : memref<1000000xf32, #tpu.memory_space<hbm>>) dst(%dma_wait3A_93 : memref<128xf32, #tpu.memory_space<vmem>>)
    %dma_wait3A_101 = arith.constant 0 : i32
    %dma_wait3A_102 = arith.constant 128 : i32
    %dma_wait3A_103 = tpu.memref_slice %arg10[%dma_wait3A_102] : memref<512xf32, #tpu.memory_space<vmem>> -> memref<128xf32, #tpu.memory_space<vmem>>
    %dma_wait3A_104 = arith.constant 128 : i32
    %dma_wait3A_105 = tpu.memref_slice %arg8[%dma_wait3A_104] : memref<512xi32, #tpu.memory_space<vmem>> -> memref<128xi32, #tpu.memory_space<vmem>>
    %dma_wait3A_106 = arith.constant 0 : i32
    %dma_wait3A_107 = tpu.memref_slice %arg4[%dma_wait3A_101, %dma_wait3A_106] : memref<1x1000000xf32, #tpu.memory_space<hbm>> -> memref<1x1000000xf32, #tpu.memory_space<hbm>>
    %dma_wait3A_108 = tpu.memref_squeeze %dma_wait3A_107 : memref<1x1000000xf32, #tpu.memory_space<hbm>> -> memref<1000000xf32, #tpu.memory_space<hbm>>
    %dma_wait3A_109 = arith.constant 0 : i32
    %dma_wait3A_110 = tpu.memref_slice %dma_wait3A_108[%dma_wait3A_109] : memref<1000000xf32, #tpu.memory_space<hbm>> -> memref<1000000xf32, #tpu.memory_space<hbm>>
    tpu.wait_indirect_dma semaphore(%arg14 : memref<!tpu.dma_semaphore, #tpu.memory_space<semaphore_mem>>) src(%dma_wait3A_110 : memref<1000000xf32, #tpu.memory_space<hbm>>) dst(%dma_wait3A_103 : memref<128xf32, #tpu.memory_space<vmem>>)
    %dma_wait3A_111 = arith.constant 0 : i32
    %dma_wait3A_112 = arith.constant 128 : i32
    %dma_wait3A_113 = tpu.memref_slice %arg11[%dma_wait3A_112] : memref<512xf32, #tpu.memory_space<vmem>> -> memref<128xf32, #tpu.memory_space<vmem>>
    %dma_wait3A_114 = arith.constant 128 : i32
    %dma_wait3A_115 = tpu.memref_slice %arg9[%dma_wait3A_114] : memref<512xi32, #tpu.memory_space<vmem>> -> memref<128xi32, #tpu.memory_space<vmem>>
    %dma_wait3A_116 = arith.constant 0 : i32
    %dma_wait3A_117 = tpu.memref_slice %arg5[%dma_wait3A_111, %dma_wait3A_116] : memref<1x1000000xf32, #tpu.memory_space<hbm>> -> memref<1x1000000xf32, #tpu.memory_space<hbm>>
    %dma_wait3A_118 = tpu.memref_squeeze %dma_wait3A_117 : memref<1x1000000xf32, #tpu.memory_space<hbm>> -> memref<1000000xf32, #tpu.memory_space<hbm>>
    %dma_wait3A_119 = arith.constant 0 : i32
    %dma_wait3A_120 = tpu.memref_slice %dma_wait3A_118[%dma_wait3A_119] : memref<1000000xf32, #tpu.memory_space<hbm>> -> memref<1000000xf32, #tpu.memory_space<hbm>>
    tpu.wait_indirect_dma semaphore(%arg14 : memref<!tpu.dma_semaphore, #tpu.memory_space<semaphore_mem>>) src(%dma_wait3A_120 : memref<1000000xf32, #tpu.memory_space<hbm>>) dst(%dma_wait3A_113 : memref<128xf32, #tpu.memory_space<vmem>>)
    %dma_wait3A_121 = arith.constant 0 : i32
    %dma_wait3A_122 = arith.constant 256 : i32
    %dma_wait3A_123 = tpu.memref_slice %arg10[%dma_wait3A_122] : memref<512xf32, #tpu.memory_space<vmem>> -> memref<128xf32, #tpu.memory_space<vmem>>
    %dma_wait3A_124 = arith.constant 256 : i32
    %dma_wait3A_125 = tpu.memref_slice %arg8[%dma_wait3A_124] : memref<512xi32, #tpu.memory_space<vmem>> -> memref<128xi32, #tpu.memory_space<vmem>>
    %dma_wait3A_126 = arith.constant 0 : i32
    %dma_wait3A_127 = tpu.memref_slice %arg4[%dma_wait3A_121, %dma_wait3A_126] : memref<1x1000000xf32, #tpu.memory_space<hbm>> -> memref<1x1000000xf32, #tpu.memory_space<hbm>>
    %dma_wait3A_128 = tpu.memref_squeeze %dma_wait3A_127 : memref<1x1000000xf32, #tpu.memory_space<hbm>> -> memref<1000000xf32, #tpu.memory_space<hbm>>
    %dma_wait3A_129 = arith.constant 0 : i32
    %dma_wait3A_130 = tpu.memref_slice %dma_wait3A_128[%dma_wait3A_129] : memref<1000000xf32, #tpu.memory_space<hbm>> -> memref<1000000xf32, #tpu.memory_space<hbm>>
    tpu.wait_indirect_dma semaphore(%arg14 : memref<!tpu.dma_semaphore, #tpu.memory_space<semaphore_mem>>) src(%dma_wait3A_130 : memref<1000000xf32, #tpu.memory_space<hbm>>) dst(%dma_wait3A_123 : memref<128xf32, #tpu.memory_space<vmem>>)
    %dma_wait3A_131 = arith.constant 0 : i32
    %dma_wait3A_132 = arith.constant 256 : i32
    %dma_wait3A_133 = tpu.memref_slice %arg11[%dma_wait3A_132] : memref<512xf32, #tpu.memory_space<vmem>> -> memref<128xf32, #tpu.memory_space<vmem>>
    %dma_wait3A_134 = arith.constant 256 : i32
    %dma_wait3A_135 = tpu.memref_slice %arg9[%dma_wait3A_134] : memref<512xi32, #tpu.memory_space<vmem>> -> memref<128xi32, #tpu.memory_space<vmem>>
    %dma_wait3A_136 = arith.constant 0 : i32
    %dma_wait3A_137 = tpu.memref_slice %arg5[%dma_wait3A_131, %dma_wait3A_136] : memref<1x1000000xf32, #tpu.memory_space<hbm>> -> memref<1x1000000xf32, #tpu.memory_space<hbm>>
    %dma_wait3A_138 = tpu.memref_squeeze %dma_wait3A_137 : memref<1x1000000xf32, #tpu.memory_space<hbm>> -> memref<1000000xf32, #tpu.memory_space<hbm>>
    %dma_wait3A_139 = arith.constant 0 : i32
    %dma_wait3A_140 = tpu.memref_slice %dma_wait3A_138[%dma_wait3A_139] : memref<1000000xf32, #tpu.memory_space<hbm>> -> memref<1000000xf32, #tpu.memory_space<hbm>>
    tpu.wait_indirect_dma semaphore(%arg14 : memref<!tpu.dma_semaphore, #tpu.memory_space<semaphore_mem>>) src(%dma_wait3A_140 : memref<1000000xf32, #tpu.memory_space<hbm>>) dst(%dma_wait3A_133 : memref<128xf32, #tpu.memory_space<vmem>>)
    %dma_wait3A_141 = arith.constant 0 : i32
    %dma_wait3A_142 = arith.constant 384 : i32
    %dma_wait3A_143 = tpu.memref_slice %arg10[%dma_wait3A_142] : memref<512xf32, #tpu.memory_space<vmem>> -> memref<128xf32, #tpu.memory_space<vmem>>
    %dma_wait3A_144 = arith.constant 384 : i32
    %dma_wait3A_145 = tpu.memref_slice %arg8[%dma_wait3A_144] : memref<512xi32, #tpu.memory_space<vmem>> -> memref<128xi32, #tpu.memory_space<vmem>>
    %dma_wait3A_146 = arith.constant 0 : i32
    %dma_wait3A_147 = tpu.memref_slice %arg4[%dma_wait3A_141, %dma_wait3A_146] : memref<1x1000000xf32, #tpu.memory_space<hbm>> -> memref<1x1000000xf32, #tpu.memory_space<hbm>>
    %dma_wait3A_148 = tpu.memref_squeeze %dma_wait3A_147 : memref<1x1000000xf32, #tpu.memory_space<hbm>> -> memref<1000000xf32, #tpu.memory_space<hbm>>
    %dma_wait3A_149 = arith.constant 0 : i32
    %dma_wait3A_150 = tpu.memref_slice %dma_wait3A_148[%dma_wait3A_149] : memref<1000000xf32, #tpu.memory_space<hbm>> -> memref<1000000xf32, #tpu.memory_space<hbm>>
    tpu.wait_indirect_dma semaphore(%arg14 : memref<!tpu.dma_semaphore, #tpu.memory_space<semaphore_mem>>) src(%dma_wait3A_150 : memref<1000000xf32, #tpu.memory_space<hbm>>) dst(%dma_wait3A_143 : memref<128xf32, #tpu.memory_space<vmem>>)
    %dma_wait3A_151 = arith.constant 0 : i32
    %dma_wait3A_152 = arith.constant 384 : i32
    %dma_wait3A_153 = tpu.memref_slice %arg11[%dma_wait3A_152] : memref<512xf32, #tpu.memory_space<vmem>> -> memref<128xf32, #tpu.memory_space<vmem>>
    %dma_wait3A_154 = arith.constant 384 : i32
    %dma_wait3A_155 = tpu.memref_slice %arg9[%dma_wait3A_154] : memref<512xi32, #tpu.memory_space<vmem>> -> memref<128xi32, #tpu.memory_space<vmem>>
    %dma_wait3A_156 = arith.constant 0 : i32
    %dma_wait3A_157 = tpu.memref_slice %arg5[%dma_wait3A_151, %dma_wait3A_156] : memref<1x1000000xf32, #tpu.memory_space<hbm>> -> memref<1x1000000xf32, #tpu.memory_space<hbm>>
    %dma_wait3A_158 = tpu.memref_squeeze %dma_wait3A_157 : memref<1x1000000xf32, #tpu.memory_space<hbm>> -> memref<1000000xf32, #tpu.memory_space<hbm>>
    %dma_wait3A_159 = arith.constant 0 : i32
    %dma_wait3A_160 = tpu.memref_slice %dma_wait3A_158[%dma_wait3A_159] : memref<1000000xf32, #tpu.memory_space<hbm>> -> memref<1000000xf32, #tpu.memory_space<hbm>>
    tpu.wait_indirect_dma semaphore(%arg14 : memref<!tpu.dma_semaphore, #tpu.memory_space<semaphore_mem>>) src(%dma_wait3A_160 : memref<1000000xf32, #tpu.memory_space<hbm>>) dst(%dma_wait3A_153 : memref<128xf32, #tpu.memory_space<vmem>>)
    %get3A = arith.constant 0 : index
    %get3A_161 = tpu.vector_load %arg12[%get3A] {strides = array<i32>} : memref<16xf32, #tpu.memory_space<vmem>>, vector<16xf32>,
    %get3A_162 = vector.shape_cast %get3A_161 : vector<16xf32> to vector<16xf32>
    %slice3A = vector.extract_strided_slice %get3A_162 {offsets = [0], sizes = [1], strides = [1]} : vector<16xf32> to vector<1xf32>
    %squeeze3A = vector.extract %slice3A[0] : f32 from vector<1xf32>
    %scan3A = arith.constant 0 : i32
    %scan3A_163 = arith.constant 0 : i32
    %scan3A_164 = arith.constant 32 : i32
    %scan3A_165 = arith.addi %scan3A_163, %scan3A_164 : i32
    %scan3A_166 = arith.constant 1 : i32
    scf.for %scan3A_168 = %scan3A_163 to %scan3A_165 step %scan3A_166  : i32 {
      %mul3A_169 = arith.constant 16 : i32
      %mul3A_170 = arith.muli %scan3A_168, %mul3A_169 : i32
      %get3A_171 = arith.index_cast %mul3A_170 : i32 to index
      %get3A_172 = tpu.vector_load %arg10[%get3A_171] {strides = array<i32>} : memref<512xf32, #tpu.memory_space<vmem>>, vector<16xf32>,
      %get3A_173 = vector.shape_cast %get3A_172 : vector<16xf32> to vector<16xf32>
      %get3A_174 = arith.index_cast %mul3A_170 : i32 to index
      %get3A_175 = tpu.vector_load %arg11[%get3A_174] {strides = array<i32>} : memref<512xf32, #tpu.memory_space<vmem>>, vector<16xf32>,
      %get3A_176 = vector.shape_cast %get3A_175 : vector<16xf32> to vector<16xf32>
      %add3A_177 = arith.addf %get3A_173, %get3A_176 : vector<16xf32>
      %add3A_178 = vector.broadcast %squeeze3A : f32 to vector<16xf32>
      %add3A_179 = arith.addf %add3A_177, %add3A_178 : vector<16xf32>
      %swap3A = arith.index_cast %mul3A_170 : i32 to index
      %swap3A_180 = tpu.vector_load %arg13[%swap3A] {strides = array<i32>} : memref<512xf32, #tpu.memory_space<vmem>>, vector<16xf32>,
      %swap3A_181 = vector.shape_cast %swap3A_180 : vector<16xf32> to vector<16xf32>
      %swap3A_182 = vector.shape_cast %add3A_179 : vector<16xf32> to vector<16xf32>
      tpu.vector_store %arg13[%swap3A], %swap3A_182 {strides = array<i32>} : memref<512xf32, #tpu.memory_space<vmem>>, vector<16xf32>,
    }
    %scan3A_167 = arith.constant 32 : i32
    "tpu.region"() ({
      %run_scoped3A = tpu.sem_alloc : memref<!tpu.dma_semaphore, #tpu.memory_space<semaphore_mem>>
      %dma_start3A_168 = tpu.memref_slice %arg7[%mul3A_2] : memref<16384xf32, #tpu.memory_space<hbm>> -> memref<512xf32, #tpu.memory_space<hbm>>
      %dma_start3A_169 = tpu.memref_slice %arg7[%mul3A_2] : memref<16384xf32, #tpu.memory_space<hbm>> -> memref<512xf32, #tpu.memory_space<hbm>>
      tpu.enqueue_dma source(%arg13 : memref<512xf32, #tpu.memory_space<vmem>>) target(%dma_start3A_169 : memref<512xf32, #tpu.memory_space<hbm>>) target_semaphore(%run_scoped3A : memref<!tpu.dma_semaphore, #tpu.memory_space<semaphore_mem>>)
      %dma_wait3A_170 = tpu.memref_slice %arg7[%mul3A_2] : memref<16384xf32, #tpu.memory_space<hbm>> -> memref<512xf32, #tpu.memory_space<hbm>>
      %dma_wait3A_171 = tpu.memref_slice %arg7[%mul3A_2] : memref<16384xf32, #tpu.memory_space<hbm>> -> memref<512xf32, #tpu.memory_space<hbm>>
      tpu.wait_dma2 semaphore(%run_scoped3A : memref<!tpu.dma_semaphore, #tpu.memory_space<semaphore_mem>>) src(%arg13 : memref<512xf32, #tpu.memory_space<vmem>>) dst(%dma_wait3A_171 : memref<512xf32, #tpu.memory_space<hbm>>)
      tpu.yield
    }) : () -> ()
    return
  }
}

#map = affine_map<(d0, d1) -> (0)>
#map1 = affine_map<(d0, d1) -> (0, 0)>
module attributes {stable_mosaic.version = 14 : i64} {
  func.func @dot_kernel(%arg0: i32, %arg1: i32, %arg2: memref<16384xi32, #tpu.memory_space<hbm>>, %arg3: memref<16384xi32, #tpu.memory_space<hbm>>, %arg4: memref<1000000x128xf32, #tpu.memory_space<hbm>>, %arg5: memref<16384xf32, #tpu.memory_space<hbm>>, %arg6: memref<16384xf32, #tpu.memory_space<hbm>>, %arg7: memref<512xi32, #tpu.memory_space<vmem>>, %arg8: memref<512xi32, #tpu.memory_space<vmem>>, %arg9: memref<256x128xf32, #tpu.memory_space<vmem>>, %arg10: memref<256x128xf32, #tpu.memory_space<vmem>>, %arg11: memref<512xf32, #tpu.memory_space<vmem>>, %arg12: memref<1536xf32, #tpu.memory_space<vmem>>, %arg13: memref<512xf32, #tpu.memory_space<vmem>>, %arg14: memref<!tpu.dma_semaphore, #tpu.memory_space<semaphore_mem>>) attributes {dimension_semantics = [#tpu.dimension_semantics<core_parallel>, #tpu.dimension_semantics<subcore_parallel>], iteration_bounds = array<i64: 2, 16>, scalar_prefetch = 0 : i64, scratch_operands = 8 : i64, tpu.core_type = #tpu.core_type<sc_vector_subcore>, window_params = [{transform_indices = #map}, {transform_indices = #map}, {transform_indices = #map1}, {transform_indices = #map}, {transform_indices = #map}]} {
    %mul3A = arith.constant 2 : i32
    %mul3A_0 = arith.muli %arg1, %mul3A : i32
    %add3A = arith.addi %mul3A_0, %arg0 : i32
    %mul3A_1 = arith.constant 512 : i32
    %mul3A_2 = arith.muli %add3A, %mul3A_1 : i32
    "tpu.region"() ({
      %run_scoped3A = tpu.sem_alloc : memref<!tpu.dma_semaphore, #tpu.memory_space<semaphore_mem>>
      %dma_start3A_140 = tpu.memref_slice %arg2[%mul3A_2] : memref<16384xi32, #tpu.memory_space<hbm>> -> memref<512xi32, #tpu.memory_space<hbm>>
      %dma_start3A_141 = tpu.memref_slice %arg2[%mul3A_2] : memref<16384xi32, #tpu.memory_space<hbm>> -> memref<512xi32, #tpu.memory_space<hbm>>
      tpu.enqueue_dma source(%dma_start3A_141 : memref<512xi32, #tpu.memory_space<hbm>>) target(%arg7 : memref<512xi32, #tpu.memory_space<vmem>>) target_semaphore(%run_scoped3A : memref<!tpu.dma_semaphore, #tpu.memory_space<semaphore_mem>>)
      %dma_wait3A_142 = tpu.memref_slice %arg2[%mul3A_2] : memref<16384xi32, #tpu.memory_space<hbm>> -> memref<512xi32, #tpu.memory_space<hbm>>
      %dma_wait3A_143 = tpu.memref_slice %arg2[%mul3A_2] : memref<16384xi32, #tpu.memory_space<hbm>> -> memref<512xi32, #tpu.memory_space<hbm>>
      tpu.wait_dma2 semaphore(%run_scoped3A : memref<!tpu.dma_semaphore, #tpu.memory_space<semaphore_mem>>) src(%dma_wait3A_143 : memref<512xi32, #tpu.memory_space<hbm>>) dst(%arg7 : memref<512xi32, #tpu.memory_space<vmem>>)
      tpu.yield
    }) : () -> ()
    "tpu.region"() ({
      %run_scoped3A = tpu.sem_alloc : memref<!tpu.dma_semaphore, #tpu.memory_space<semaphore_mem>>
      %dma_start3A_140 = tpu.memref_slice %arg3[%mul3A_2] : memref<16384xi32, #tpu.memory_space<hbm>> -> memref<512xi32, #tpu.memory_space<hbm>>
      %dma_start3A_141 = tpu.memref_slice %arg3[%mul3A_2] : memref<16384xi32, #tpu.memory_space<hbm>> -> memref<512xi32, #tpu.memory_space<hbm>>
      tpu.enqueue_dma source(%dma_start3A_141 : memref<512xi32, #tpu.memory_space<hbm>>) target(%arg8 : memref<512xi32, #tpu.memory_space<vmem>>) target_semaphore(%run_scoped3A : memref<!tpu.dma_semaphore, #tpu.memory_space<semaphore_mem>>)
      %dma_wait3A_142 = tpu.memref_slice %arg3[%mul3A_2] : memref<16384xi32, #tpu.memory_space<hbm>> -> memref<512xi32, #tpu.memory_space<hbm>>
      %dma_wait3A_143 = tpu.memref_slice %arg3[%mul3A_2] : memref<16384xi32, #tpu.memory_space<hbm>> -> memref<512xi32, #tpu.memory_space<hbm>>
      tpu.wait_dma2 semaphore(%run_scoped3A : memref<!tpu.dma_semaphore, #tpu.memory_space<semaphore_mem>>) src(%dma_wait3A_143 : memref<512xi32, #tpu.memory_space<hbm>>) dst(%arg8 : memref<512xi32, #tpu.memory_space<vmem>>)
      tpu.yield
    }) : () -> ()
    "tpu.region"() ({
      %run_scoped3A = tpu.sem_alloc : memref<!tpu.dma_semaphore, #tpu.memory_space<semaphore_mem>>
      %dma_start3A_140 = tpu.memref_slice %arg5[%mul3A_2] : memref<16384xf32, #tpu.memory_space<hbm>> -> memref<512xf32, #tpu.memory_space<hbm>>
      %dma_start3A_141 = tpu.memref_slice %arg5[%mul3A_2] : memref<16384xf32, #tpu.memory_space<hbm>> -> memref<512xf32, #tpu.memory_space<hbm>>
      tpu.enqueue_dma source(%dma_start3A_141 : memref<512xf32, #tpu.memory_space<hbm>>) target(%arg11 : memref<512xf32, #tpu.memory_space<vmem>>) target_semaphore(%run_scoped3A : memref<!tpu.dma_semaphore, #tpu.memory_space<semaphore_mem>>)
      %dma_wait3A_142 = tpu.memref_slice %arg5[%mul3A_2] : memref<16384xf32, #tpu.memory_space<hbm>> -> memref<512xf32, #tpu.memory_space<hbm>>
      %dma_wait3A_143 = tpu.memref_slice %arg5[%mul3A_2] : memref<16384xf32, #tpu.memory_space<hbm>> -> memref<512xf32, #tpu.memory_space<hbm>>
      tpu.wait_dma2 semaphore(%run_scoped3A : memref<!tpu.dma_semaphore, #tpu.memory_space<semaphore_mem>>) src(%dma_wait3A_143 : memref<512xf32, #tpu.memory_space<hbm>>) dst(%arg11 : memref<512xf32, #tpu.memory_space<vmem>>)
      tpu.yield
    }) : () -> ()
    %iota3A = tpu.iota {dimensions = array<i32: 0>} : vector<16xi32>
    %dma_start3A = arith.constant 0 : i32
    %dma_start3A_3 = arith.constant 0 : i32
    %dma_start3A_4 = tpu.memref_slice %arg9[%dma_start3A, %dma_start3A_3] : memref<256x128xf32, #tpu.memory_space<vmem>> -> memref<128x128xf32, #tpu.memory_space<vmem>>
    %dma_start3A_5 = arith.constant 0 : i32
    %dma_start3A_6 = tpu.memref_slice %arg7[%dma_start3A_5] : memref<512xi32, #tpu.memory_space<vmem>> -> memref<128xi32, #tpu.memory_space<vmem>>
    %dma_start3A_7 = arith.constant 0 : i32
    %dma_start3A_8 = arith.constant 0 : i32
    %dma_start3A_9 = tpu.memref_slice %arg4[%dma_start3A_7, %dma_start3A_8] : memref<1000000x128xf32, #tpu.memory_space<hbm>> -> memref<1000000x128xf32, #tpu.memory_space<hbm>>
    tpu.enqueue_indirect_dma source(%dma_start3A_9 : memref<1000000x128xf32, #tpu.memory_space<hbm>>) target(%dma_start3A_4 : memref<128x128xf32, #tpu.memory_space<vmem>>) offsets(%dma_start3A_6 : memref<128xi32, #tpu.memory_space<vmem>>) semaphore(%arg14 : memref<!tpu.dma_semaphore, #tpu.memory_space<semaphore_mem>>)
    %dma_start3A_10 = arith.constant 0 : i32
    %dma_start3A_11 = arith.constant 0 : i32
    %dma_start3A_12 = tpu.memref_slice %arg10[%dma_start3A_10, %dma_start3A_11] : memref<256x128xf32, #tpu.memory_space<vmem>> -> memref<128x128xf32, #tpu.memory_space<vmem>>
    %dma_start3A_13 = arith.constant 0 : i32
    %dma_start3A_14 = tpu.memref_slice %arg8[%dma_start3A_13] : memref<512xi32, #tpu.memory_space<vmem>> -> memref<128xi32, #tpu.memory_space<vmem>>
    %dma_start3A_15 = arith.constant 0 : i32
    %dma_start3A_16 = arith.constant 0 : i32
    %dma_start3A_17 = tpu.memref_slice %arg4[%dma_start3A_15, %dma_start3A_16] : memref<1000000x128xf32, #tpu.memory_space<hbm>> -> memref<1000000x128xf32, #tpu.memory_space<hbm>>
    tpu.enqueue_indirect_dma source(%dma_start3A_17 : memref<1000000x128xf32, #tpu.memory_space<hbm>>) target(%dma_start3A_12 : memref<128x128xf32, #tpu.memory_space<vmem>>) offsets(%dma_start3A_14 : memref<128xi32, #tpu.memory_space<vmem>>) semaphore(%arg14 : memref<!tpu.dma_semaphore, #tpu.memory_space<semaphore_mem>>)
    %dma_start3A_18 = arith.constant 128 : i32
    %dma_start3A_19 = arith.constant 0 : i32
    %dma_start3A_20 = tpu.memref_slice %arg9[%dma_start3A_18, %dma_start3A_19] : memref<256x128xf32, #tpu.memory_space<vmem>> -> memref<128x128xf32, #tpu.memory_space<vmem>>
    %dma_start3A_21 = arith.constant 128 : i32
    %dma_start3A_22 = tpu.memref_slice %arg7[%dma_start3A_21] : memref<512xi32, #tpu.memory_space<vmem>> -> memref<128xi32, #tpu.memory_space<vmem>>
    %dma_start3A_23 = arith.constant 0 : i32
    %dma_start3A_24 = arith.constant 0 : i32
    %dma_start3A_25 = tpu.memref_slice %arg4[%dma_start3A_23, %dma_start3A_24] : memref<1000000x128xf32, #tpu.memory_space<hbm>> -> memref<1000000x128xf32, #tpu.memory_space<hbm>>
    tpu.enqueue_indirect_dma source(%dma_start3A_25 : memref<1000000x128xf32, #tpu.memory_space<hbm>>) target(%dma_start3A_20 : memref<128x128xf32, #tpu.memory_space<vmem>>) offsets(%dma_start3A_22 : memref<128xi32, #tpu.memory_space<vmem>>) semaphore(%arg14 : memref<!tpu.dma_semaphore, #tpu.memory_space<semaphore_mem>>)
    %dma_start3A_26 = arith.constant 128 : i32
    %dma_start3A_27 = arith.constant 0 : i32
    %dma_start3A_28 = tpu.memref_slice %arg10[%dma_start3A_26, %dma_start3A_27] : memref<256x128xf32, #tpu.memory_space<vmem>> -> memref<128x128xf32, #tpu.memory_space<vmem>>
    %dma_start3A_29 = arith.constant 128 : i32
    %dma_start3A_30 = tpu.memref_slice %arg8[%dma_start3A_29] : memref<512xi32, #tpu.memory_space<vmem>> -> memref<128xi32, #tpu.memory_space<vmem>>
    %dma_start3A_31 = arith.constant 0 : i32
    %dma_start3A_32 = arith.constant 0 : i32
    %dma_start3A_33 = tpu.memref_slice %arg4[%dma_start3A_31, %dma_start3A_32] : memref<1000000x128xf32, #tpu.memory_space<hbm>> -> memref<1000000x128xf32, #tpu.memory_space<hbm>>
    tpu.enqueue_indirect_dma source(%dma_start3A_33 : memref<1000000x128xf32, #tpu.memory_space<hbm>>) target(%dma_start3A_28 : memref<128x128xf32, #tpu.memory_space<vmem>>) offsets(%dma_start3A_30 : memref<128xi32, #tpu.memory_space<vmem>>) semaphore(%arg14 : memref<!tpu.dma_semaphore, #tpu.memory_space<semaphore_mem>>)
    %dma_wait3A = arith.constant 0 : i32
    %dma_wait3A_34 = arith.constant 0 : i32
    %dma_wait3A_35 = tpu.memref_slice %arg9[%dma_wait3A, %dma_wait3A_34] : memref<256x128xf32, #tpu.memory_space<vmem>> -> memref<128x128xf32, #tpu.memory_space<vmem>>
    %dma_wait3A_36 = arith.constant 0 : i32
    %dma_wait3A_37 = tpu.memref_slice %arg7[%dma_wait3A_36] : memref<512xi32, #tpu.memory_space<vmem>> -> memref<128xi32, #tpu.memory_space<vmem>>
    %dma_wait3A_38 = arith.constant 0 : i32
    %dma_wait3A_39 = arith.constant 0 : i32
    %dma_wait3A_40 = tpu.memref_slice %arg4[%dma_wait3A_38, %dma_wait3A_39] : memref<1000000x128xf32, #tpu.memory_space<hbm>> -> memref<1000000x128xf32, #tpu.memory_space<hbm>>
    tpu.wait_indirect_dma semaphore(%arg14 : memref<!tpu.dma_semaphore, #tpu.memory_space<semaphore_mem>>) src(%dma_wait3A_40 : memref<1000000x128xf32, #tpu.memory_space<hbm>>) dst(%dma_wait3A_35 : memref<128x128xf32, #tpu.memory_space<vmem>>)
    %dma_wait3A_41 = arith.constant 0 : i32
    %dma_wait3A_42 = arith.constant 0 : i32
    %dma_wait3A_43 = tpu.memref_slice %arg10[%dma_wait3A_41, %dma_wait3A_42] : memref<256x128xf32, #tpu.memory_space<vmem>> -> memref<128x128xf32, #tpu.memory_space<vmem>>
    %dma_wait3A_44 = arith.constant 0 : i32
    %dma_wait3A_45 = tpu.memref_slice %arg8[%dma_wait3A_44] : memref<512xi32, #tpu.memory_space<vmem>> -> memref<128xi32, #tpu.memory_space<vmem>>
    %dma_wait3A_46 = arith.constant 0 : i32
    %dma_wait3A_47 = arith.constant 0 : i32
    %dma_wait3A_48 = tpu.memref_slice %arg4[%dma_wait3A_46, %dma_wait3A_47] : memref<1000000x128xf32, #tpu.memory_space<hbm>> -> memref<1000000x128xf32, #tpu.memory_space<hbm>>
    tpu.wait_indirect_dma semaphore(%arg14 : memref<!tpu.dma_semaphore, #tpu.memory_space<semaphore_mem>>) src(%dma_wait3A_48 : memref<1000000x128xf32, #tpu.memory_space<hbm>>) dst(%dma_wait3A_43 : memref<128x128xf32, #tpu.memory_space<vmem>>)
    %dma_wait3A_49 = arith.constant 128 : i32
    %dma_wait3A_50 = arith.constant 0 : i32
    %dma_wait3A_51 = tpu.memref_slice %arg9[%dma_wait3A_49, %dma_wait3A_50] : memref<256x128xf32, #tpu.memory_space<vmem>> -> memref<128x128xf32, #tpu.memory_space<vmem>>
    %dma_wait3A_52 = arith.constant 128 : i32
    %dma_wait3A_53 = tpu.memref_slice %arg7[%dma_wait3A_52] : memref<512xi32, #tpu.memory_space<vmem>> -> memref<128xi32, #tpu.memory_space<vmem>>
    %dma_wait3A_54 = arith.constant 0 : i32
    %dma_wait3A_55 = arith.constant 0 : i32
    %dma_wait3A_56 = tpu.memref_slice %arg4[%dma_wait3A_54, %dma_wait3A_55] : memref<1000000x128xf32, #tpu.memory_space<hbm>> -> memref<1000000x128xf32, #tpu.memory_space<hbm>>
    tpu.wait_indirect_dma semaphore(%arg14 : memref<!tpu.dma_semaphore, #tpu.memory_space<semaphore_mem>>) src(%dma_wait3A_56 : memref<1000000x128xf32, #tpu.memory_space<hbm>>) dst(%dma_wait3A_51 : memref<128x128xf32, #tpu.memory_space<vmem>>)
    %dma_wait3A_57 = arith.constant 128 : i32
    %dma_wait3A_58 = arith.constant 0 : i32
    %dma_wait3A_59 = tpu.memref_slice %arg10[%dma_wait3A_57, %dma_wait3A_58] : memref<256x128xf32, #tpu.memory_space<vmem>> -> memref<128x128xf32, #tpu.memory_space<vmem>>
    %dma_wait3A_60 = arith.constant 128 : i32
    %dma_wait3A_61 = tpu.memref_slice %arg8[%dma_wait3A_60] : memref<512xi32, #tpu.memory_space<vmem>> -> memref<128xi32, #tpu.memory_space<vmem>>
    %dma_wait3A_62 = arith.constant 0 : i32
    %dma_wait3A_63 = arith.constant 0 : i32
    %dma_wait3A_64 = tpu.memref_slice %arg4[%dma_wait3A_62, %dma_wait3A_63] : memref<1000000x128xf32, #tpu.memory_space<hbm>> -> memref<1000000x128xf32, #tpu.memory_space<hbm>>
    tpu.wait_indirect_dma semaphore(%arg14 : memref<!tpu.dma_semaphore, #tpu.memory_space<semaphore_mem>>) src(%dma_wait3A_64 : memref<1000000x128xf32, #tpu.memory_space<hbm>>) dst(%dma_wait3A_59 : memref<128x128xf32, #tpu.memory_space<vmem>>)
    %scan3A = arith.constant 0 : i32
    %scan3A_65 = arith.constant 0 : i32
    %scan3A_66 = arith.constant 16 : i32
    %scan3A_67 = arith.addi %scan3A_65, %scan3A_66 : i32
    %scan3A_68 = arith.constant 1 : i32
    scf.for %scan3A_140 = %scan3A_65 to %scan3A_67 step %scan3A_68  : i32 {
      %mul3A_141 = arith.constant 16 : i32
      %mul3A_142 = arith.muli %scan3A_140, %mul3A_141 : i32
      %add3A_143 = arith.constant 0 : i32
      %add3A_144 = arith.addi %add3A_143, %mul3A_142 : i32
      %get3A = arith.index_cast %add3A_144 : i32 to index
      %get3A_145 = tpu.vector_load %arg11[%get3A] {strides = array<i32>} : memref<512xf32, #tpu.memory_space<vmem>>, vector<16xf32>,
      %get3A_146 = vector.shape_cast %get3A_145 : vector<16xf32> to vector<16xf32>
      %mul3A_147 = arith.constant 0.000000e+00 : f32
      %mul3A_148 = vector.broadcast %mul3A_147 : f32 to vector<16xf32>
      %mul3A_149 = arith.mulf %get3A_146, %mul3A_148 : vector<16xf32>
      %add3A_150 = arith.constant 0 : i32
      %add3A_151 = arith.addi %mul3A_142, %add3A_150 : i32
      %get3A_152 = arith.index_cast %add3A_151 : i32 to index
      %get3A_153 = arith.constant 0 : index
      %get3A_154 = tpu.vector_load %arg9[%get3A_152, %get3A_153] {strides = array<i32>} : memref<256x128xf32, #tpu.memory_space<vmem>>, vector<1x16xf32>,
      %get3A_155 = vector.shape_cast %get3A_154 : vector<1x16xf32> to vector<16xf32>
      %get3A_156 = arith.index_cast %add3A_151 : i32 to index
      %get3A_157 = arith.constant 64 : index
      %get3A_158 = tpu.vector_load %arg10[%get3A_156, %get3A_157] {strides = array<i32>} : memref<256x128xf32, #tpu.memory_space<vmem>>, vector<1x16xf32>,
      %get3A_159 = vector.shape_cast %get3A_158 : vector<1x16xf32> to vector<16xf32>
      %mul3A_160 = arith.mulf %get3A_155, %get3A_159 : vector<16xf32>
      %get3A_161 = arith.index_cast %add3A_151 : i32 to index
      %get3A_162 = arith.constant 16 : index
      %get3A_163 = tpu.vector_load %arg9[%get3A_161, %get3A_162] {strides = array<i32>} : memref<256x128xf32, #tpu.memory_space<vmem>>, vector<1x16xf32>,
      %get3A_164 = vector.shape_cast %get3A_163 : vector<1x16xf32> to vector<16xf32>
      %get3A_165 = arith.index_cast %add3A_151 : i32 to index
      %get3A_166 = arith.constant 80 : index
      %get3A_167 = tpu.vector_load %arg10[%get3A_165, %get3A_166] {strides = array<i32>} : memref<256x128xf32, #tpu.memory_space<vmem>>, vector<1x16xf32>,
      %get3A_168 = vector.shape_cast %get3A_167 : vector<1x16xf32> to vector<16xf32>
      %mul3A_169 = arith.mulf %get3A_164, %get3A_168 : vector<16xf32>
      %add3A_170 = arith.addf %mul3A_160, %mul3A_169 : vector<16xf32>
      %get3A_171 = arith.index_cast %add3A_151 : i32 to index
      %get3A_172 = arith.constant 32 : index
      %get3A_173 = tpu.vector_load %arg9[%get3A_171, %get3A_172] {strides = array<i32>} : memref<256x128xf32, #tpu.memory_space<vmem>>, vector<1x16xf32>,
      %get3A_174 = vector.shape_cast %get3A_173 : vector<1x16xf32> to vector<16xf32>
      %get3A_175 = arith.index_cast %add3A_151 : i32 to index
      %get3A_176 = arith.constant 96 : index
      %get3A_177 = tpu.vector_load %arg10[%get3A_175, %get3A_176] {strides = array<i32>} : memref<256x128xf32, #tpu.memory_space<vmem>>, vector<1x16xf32>,
      %get3A_178 = vector.shape_cast %get3A_177 : vector<1x16xf32> to vector<16xf32>
      %mul3A_179 = arith.mulf %get3A_174, %get3A_178 : vector<16xf32>
      %add3A_180 = arith.addf %add3A_170, %mul3A_179 : vector<16xf32>
      %get3A_181 = arith.index_cast %add3A_151 : i32 to index
      %get3A_182 = arith.constant 48 : index
      %get3A_183 = tpu.vector_load %arg9[%get3A_181, %get3A_182] {strides = array<i32>} : memref<256x128xf32, #tpu.memory_space<vmem>>, vector<1x16xf32>,
      %get3A_184 = vector.shape_cast %get3A_183 : vector<1x16xf32> to vector<16xf32>
      %get3A_185 = arith.index_cast %add3A_151 : i32 to index
      %get3A_186 = arith.constant 112 : index
      %get3A_187 = tpu.vector_load %arg10[%get3A_185, %get3A_186] {strides = array<i32>} : memref<256x128xf32, #tpu.memory_space<vmem>>, vector<1x16xf32>,
      %get3A_188 = vector.shape_cast %get3A_187 : vector<1x16xf32> to vector<16xf32>
      %mul3A_189 = arith.mulf %get3A_184, %get3A_188 : vector<16xf32>
      %add3A_190 = arith.addf %add3A_180, %mul3A_189 : vector<16xf32>
      %rev3A = arith.constant 15 : i32
      %rev3A_191 = vector.broadcast %rev3A : i32 to vector<16xi32>
      %rev3A_192 = tpu.iota {dimensions = array<i32: 0>} : vector<16xi32>
      %rev3A_193 = arith.subi %rev3A_191, %rev3A_192 : vector<16xi32>
      %rev3A_194 = tpu.dynamic_gather %add3A_190[%rev3A_193] in [0] : vector<16xf32>, vector<16xi32> -> vector<16xf32>
      %add3A_195 = arith.addf %add3A_190, %rev3A_194 : vector<16xf32>
      %swap3A = arith.constant 0 : index
      %swap3A_196 = tpu.vector_load %arg12[%swap3A] {strides = array<i32>} : memref<1536xf32, #tpu.memory_space<vmem>>, vector<16xf32>,
      %swap3A_197 = vector.shape_cast %swap3A_196 : vector<16xf32> to vector<16xf32>
      %swap3A_198 = vector.shape_cast %add3A_195 : vector<16xf32> to vector<16xf32>
      tpu.vector_store %arg12[%swap3A], %swap3A_198 {strides = array<i32>} : memref<1536xf32, #tpu.memory_space<vmem>>, vector<16xf32>,
      %get3A_199 = arith.constant 4 : index
      %get3A_200 = tpu.vector_load %arg12[%get3A_199] {strides = array<i32>} : memref<1536xf32, #tpu.memory_space<vmem>>, vector<16xf32>,
      %get3A_201 = vector.shape_cast %get3A_200 : vector<16xf32> to vector<16xf32>
      %add3A_202 = arith.addf %add3A_195, %get3A_201 : vector<16xf32>
      %swap3A_203 = arith.constant 512 : index
      %swap3A_204 = tpu.vector_load %arg12[%swap3A_203] {strides = array<i32>} : memref<1536xf32, #tpu.memory_space<vmem>>, vector<16xf32>,
      %swap3A_205 = vector.shape_cast %swap3A_204 : vector<16xf32> to vector<16xf32>
      %swap3A_206 = vector.shape_cast %add3A_202 : vector<16xf32> to vector<16xf32>
      tpu.vector_store %arg12[%swap3A_203], %swap3A_206 {strides = array<i32>} : memref<1536xf32, #tpu.memory_space<vmem>>, vector<16xf32>,
      %get3A_207 = arith.constant 514 : index
      %get3A_208 = tpu.vector_load %arg12[%get3A_207] {strides = array<i32>} : memref<1536xf32, #tpu.memory_space<vmem>>, vector<16xf32>,
      %get3A_209 = vector.shape_cast %get3A_208 : vector<16xf32> to vector<16xf32>
      %add3A_210 = arith.addf %add3A_202, %get3A_209 : vector<16xf32>
      %swap3A_211 = arith.constant 1024 : index
      %swap3A_212 = tpu.vector_load %arg12[%swap3A_211] {strides = array<i32>} : memref<1536xf32, #tpu.memory_space<vmem>>, vector<16xf32>,
      %swap3A_213 = vector.shape_cast %swap3A_212 : vector<16xf32> to vector<16xf32>
      %swap3A_214 = vector.shape_cast %add3A_210 : vector<16xf32> to vector<16xf32>
      tpu.vector_store %arg12[%swap3A_211], %swap3A_214 {strides = array<i32>} : memref<1536xf32, #tpu.memory_space<vmem>>, vector<16xf32>,
      %get3A_215 = arith.constant 1025 : index
      %get3A_216 = tpu.vector_load %arg12[%get3A_215] {strides = array<i32>} : memref<1536xf32, #tpu.memory_space<vmem>>, vector<16xf32>,
      %get3A_217 = vector.shape_cast %get3A_216 : vector<16xf32> to vector<16xf32>
      %add3A_218 = arith.addf %add3A_210, %get3A_217 : vector<16xf32>
      %eq3A = arith.constant 0 : i32
      %eq3A_219 = vector.broadcast %eq3A : i32 to vector<16xi32>
      %eq3A_220 = arith.cmpi eq, %iota3A, %eq3A_219 : vector<16xi32>
      %slice3A = vector.extract_strided_slice %add3A_218 {offsets = [0], sizes = [1], strides = [1]} : vector<16xf32> to vector<1xf32>
      %squeeze3A = vector.extract %slice3A[0] : f32 from vector<1xf32>
      %broadcast_in_dim3A = vector.broadcast %squeeze3A : f32 to vector<16xf32>
      %select_n3A = arith.select %eq3A_220, %broadcast_in_dim3A, %mul3A_149 : vector<16xi1>, vector<16xf32>
      %add3A_221 = arith.constant 1 : i32
      %add3A_222 = arith.addi %mul3A_142, %add3A_221 : i32
      %get3A_223 = arith.index_cast %add3A_222 : i32 to index
      %get3A_224 = arith.constant 0 : index
      %get3A_225 = tpu.vector_load %arg9[%get3A_223, %get3A_224] {strides = array<i32>} : memref<256x128xf32, #tpu.memory_space<vmem>>, vector<1x16xf32>,
      %get3A_226 = vector.shape_cast %get3A_225 : vector<1x16xf32> to vector<16xf32>
      %get3A_227 = arith.index_cast %add3A_222 : i32 to index
      %get3A_228 = arith.constant 64 : index
      %get3A_229 = tpu.vector_load %arg10[%get3A_227, %get3A_228] {strides = array<i32>} : memref<256x128xf32, #tpu.memory_space<vmem>>, vector<1x16xf32>,
      %get3A_230 = vector.shape_cast %get3A_229 : vector<1x16xf32> to vector<16xf32>
      %mul3A_231 = arith.mulf %get3A_226, %get3A_230 : vector<16xf32>
      %get3A_232 = arith.index_cast %add3A_222 : i32 to index
      %get3A_233 = arith.constant 16 : index
      %get3A_234 = tpu.vector_load %arg9[%get3A_232, %get3A_233] {strides = array<i32>} : memref<256x128xf32, #tpu.memory_space<vmem>>, vector<1x16xf32>,
      %get3A_235 = vector.shape_cast %get3A_234 : vector<1x16xf32> to vector<16xf32>
      %get3A_236 = arith.index_cast %add3A_222 : i32 to index
      %get3A_237 = arith.constant 80 : index
      %get3A_238 = tpu.vector_load %arg10[%get3A_236, %get3A_237] {strides = array<i32>} : memref<256x128xf32, #tpu.memory_space<vmem>>, vector<1x16xf32>,
      %get3A_239 = vector.shape_cast %get3A_238 : vector<1x16xf32> to vector<16xf32>
      %mul3A_240 = arith.mulf %get3A_235, %get3A_239 : vector<16xf32>
      %add3A_241 = arith.addf %mul3A_231, %mul3A_240 : vector<16xf32>
      %get3A_242 = arith.index_cast %add3A_222 : i32 to index
      %get3A_243 = arith.constant 32 : index
      %get3A_244 = tpu.vector_load %arg9[%get3A_242, %get3A_243] {strides = array<i32>} : memref<256x128xf32, #tpu.memory_space<vmem>>, vector<1x16xf32>,
      %get3A_245 = vector.shape_cast %get3A_244 : vector<1x16xf32> to vector<16xf32>
      %get3A_246 = arith.index_cast %add3A_222 : i32 to index
      %get3A_247 = arith.constant 96 : index
      %get3A_248 = tpu.vector_load %arg10[%get3A_246, %get3A_247] {strides = array<i32>} : memref<256x128xf32, #tpu.memory_space<vmem>>, vector<1x16xf32>,
      %get3A_249 = vector.shape_cast %get3A_248 : vector<1x16xf32> to vector<16xf32>
      %mul3A_250 = arith.mulf %get3A_245, %get3A_249 : vector<16xf32>
      %add3A_251 = arith.addf %add3A_241, %mul3A_250 : vector<16xf32>
      %get3A_252 = arith.index_cast %add3A_222 : i32 to index
      %get3A_253 = arith.constant 48 : index
      %get3A_254 = tpu.vector_load %arg9[%get3A_252, %get3A_253] {strides = array<i32>} : memref<256x128xf32, #tpu.memory_space<vmem>>, vector<1x16xf32>,
      %get3A_255 = vector.shape_cast %get3A_254 : vector<1x16xf32> to vector<16xf32>
      %get3A_256 = arith.index_cast %add3A_222 : i32 to index
      %get3A_257 = arith.constant 112 : index
      %get3A_258 = tpu.vector_load %arg10[%get3A_256, %get3A_257] {strides = array<i32>} : memref<256x128xf32, #tpu.memory_space<vmem>>, vector<1x16xf32>,
      %get3A_259 = vector.shape_cast %get3A_258 : vector<1x16xf32> to vector<16xf32>
      %mul3A_260 = arith.mulf %get3A_255, %get3A_259 : vector<16xf32>
      %add3A_261 = arith.addf %add3A_251, %mul3A_260 : vector<16xf32>
      %rev3A_262 = arith.constant 15 : i32
      %rev3A_263 = vector.broadcast %rev3A_262 : i32 to vector<16xi32>
      %rev3A_264 = tpu.iota {dimensions = array<i32: 0>} : vector<16xi32>
      %rev3A_265 = arith.subi %rev3A_263, %rev3A_264 : vector<16xi32>
      %rev3A_266 = tpu.dynamic_gather %add3A_261[%rev3A_265] in [0] : vector<16xf32>, vector<16xi32> -> vector<16xf32>
      %add3A_267 = arith.addf %add3A_261, %rev3A_266 : vector<16xf32>
      %swap3A_268 = arith.constant 32 : index
      %swap3A_269 = tpu.vector_load %arg12[%swap3A_268] {strides = array<i32>} : memref<1536xf32, #tpu.memory_space<vmem>>, vector<16xf32>,
      %swap3A_270 = vector.shape_cast %swap3A_269 : vector<16xf32> to vector<16xf32>
      %swap3A_271 = vector.shape_cast %add3A_267 : vector<16xf32> to vector<16xf32>
      tpu.vector_store %arg12[%swap3A_268], %swap3A_271 {strides = array<i32>} : memref<1536xf32, #tpu.memory_space<vmem>>, vector<16xf32>,
      %get3A_272 = arith.constant 36 : index
      %get3A_273 = tpu.vector_load %arg12[%get3A_272] {strides = array<i32>} : memref<1536xf32, #tpu.memory_space<vmem>>, vector<16xf32>,
      %get3A_274 = vector.shape_cast %get3A_273 : vector<16xf32> to vector<16xf32>
      %add3A_275 = arith.addf %add3A_267, %get3A_274 : vector<16xf32>
      %swap3A_276 = arith.constant 544 : index
      %swap3A_277 = tpu.vector_load %arg12[%swap3A_276] {strides = array<i32>} : memref<1536xf32, #tpu.memory_space<vmem>>, vector<16xf32>,
      %swap3A_278 = vector.shape_cast %swap3A_277 : vector<16xf32> to vector<16xf32>
      %swap3A_279 = vector.shape_cast %add3A_275 : vector<16xf32> to vector<16xf32>
      tpu.vector_store %arg12[%swap3A_276], %swap3A_279 {strides = array<i32>} : memref<1536xf32, #tpu.memory_space<vmem>>, vector<16xf32>,
      %get3A_280 = arith.constant 546 : index
      %get3A_281 = tpu.vector_load %arg12[%get3A_280] {strides = array<i32>} : memref<1536xf32, #tpu.memory_space<vmem>>, vector<16xf32>,
      %get3A_282 = vector.shape_cast %get3A_281 : vector<16xf32> to vector<16xf32>
      %add3A_283 = arith.addf %add3A_275, %get3A_282 : vector<16xf32>
      %swap3A_284 = arith.constant 1056 : index
      %swap3A_285 = tpu.vector_load %arg12[%swap3A_284] {strides = array<i32>} : memref<1536xf32, #tpu.memory_space<vmem>>, vector<16xf32>,
      %swap3A_286 = vector.shape_cast %swap3A_285 : vector<16xf32> to vector<16xf32>
      %swap3A_287 = vector.shape_cast %add3A_283 : vector<16xf32> to vector<16xf32>
      tpu.vector_store %arg12[%swap3A_284], %swap3A_287 {strides = array<i32>} : memref<1536xf32, #tpu.memory_space<vmem>>, vector<16xf32>,
      %get3A_288 = arith.constant 1057 : index
      %get3A_289 = tpu.vector_load %arg12[%get3A_288] {strides = array<i32>} : memref<1536xf32, #tpu.memory_space<vmem>>, vector<16xf32>,
      %get3A_290 = vector.shape_cast %get3A_289 : vector<16xf32> to vector<16xf32>
      %add3A_291 = arith.addf %add3A_283, %get3A_290 : vector<16xf32>
      %eq3A_292 = arith.constant 1 : i32
      %eq3A_293 = vector.broadcast %eq3A_292 : i32 to vector<16xi32>
      %eq3A_294 = arith.cmpi eq, %iota3A, %eq3A_293 : vector<16xi32>
      %slice3A_295 = vector.extract_strided_slice %add3A_291 {offsets = [0], sizes = [1], strides = [1]} : vector<16xf32> to vector<1xf32>
      %squeeze3A_296 = vector.extract %slice3A_295[0] : f32 from vector<1xf32>
      %broadcast_in_dim3A_297 = vector.broadcast %squeeze3A_296 : f32 to vector<16xf32>
      %select_n3A_298 = arith.select %eq3A_294, %broadcast_in_dim3A_297, %select_n3A : vector<16xi1>, vector<16xf32>
      %add3A_299 = arith.constant 2 : i32
      %add3A_300 = arith.addi %mul3A_142, %add3A_299 : i32
      %get3A_301 = arith.index_cast %add3A_300 : i32 to index
      %get3A_302 = arith.constant 0 : index
      %get3A_303 = tpu.vector_load %arg9[%get3A_301, %get3A_302] {strides = array<i32>} : memref<256x128xf32, #tpu.memory_space<vmem>>, vector<1x16xf32>,
      %get3A_304 = vector.shape_cast %get3A_303 : vector<1x16xf32> to vector<16xf32>
      %get3A_305 = arith.index_cast %add3A_300 : i32 to index
      %get3A_306 = arith.constant 64 : index
      %get3A_307 = tpu.vector_load %arg10[%get3A_305, %get3A_306] {strides = array<i32>} : memref<256x128xf32, #tpu.memory_space<vmem>>, vector<1x16xf32>,
      %get3A_308 = vector.shape_cast %get3A_307 : vector<1x16xf32> to vector<16xf32>
      %mul3A_309 = arith.mulf %get3A_304, %get3A_308 : vector<16xf32>
      %get3A_310 = arith.index_cast %add3A_300 : i32 to index
      %get3A_311 = arith.constant 16 : index
      %get3A_312 = tpu.vector_load %arg9[%get3A_310, %get3A_311] {strides = array<i32>} : memref<256x128xf32, #tpu.memory_space<vmem>>, vector<1x16xf32>,
      %get3A_313 = vector.shape_cast %get3A_312 : vector<1x16xf32> to vector<16xf32>
      %get3A_314 = arith.index_cast %add3A_300 : i32 to index
      %get3A_315 = arith.constant 80 : index
      %get3A_316 = tpu.vector_load %arg10[%get3A_314, %get3A_315] {strides = array<i32>} : memref<256x128xf32, #tpu.memory_space<vmem>>, vector<1x16xf32>,
      %get3A_317 = vector.shape_cast %get3A_316 : vector<1x16xf32> to vector<16xf32>
      %mul3A_318 = arith.mulf %get3A_313, %get3A_317 : vector<16xf32>
      %add3A_319 = arith.addf %mul3A_309, %mul3A_318 : vector<16xf32>
      %get3A_320 = arith.index_cast %add3A_300 : i32 to index
      %get3A_321 = arith.constant 32 : index
      %get3A_322 = tpu.vector_load %arg9[%get3A_320, %get3A_321] {strides = array<i32>} : memref<256x128xf32, #tpu.memory_space<vmem>>, vector<1x16xf32>,
      %get3A_323 = vector.shape_cast %get3A_322 : vector<1x16xf32> to vector<16xf32>
      %get3A_324 = arith.index_cast %add3A_300 : i32 to index
      %get3A_325 = arith.constant 96 : index
      %get3A_326 = tpu.vector_load %arg10[%get3A_324, %get3A_325] {strides = array<i32>} : memref<256x128xf32, #tpu.memory_space<vmem>>, vector<1x16xf32>,
      %get3A_327 = vector.shape_cast %get3A_326 : vector<1x16xf32> to vector<16xf32>
      %mul3A_328 = arith.mulf %get3A_323, %get3A_327 : vector<16xf32>
      %add3A_329 = arith.addf %add3A_319, %mul3A_328 : vector<16xf32>
      %get3A_330 = arith.index_cast %add3A_300 : i32 to index
      %get3A_331 = arith.constant 48 : index
      %get3A_332 = tpu.vector_load %arg9[%get3A_330, %get3A_331] {strides = array<i32>} : memref<256x128xf32, #tpu.memory_space<vmem>>, vector<1x16xf32>,
      %get3A_333 = vector.shape_cast %get3A_332 : vector<1x16xf32> to vector<16xf32>
      %get3A_334 = arith.index_cast %add3A_300 : i32 to index
      %get3A_335 = arith.constant 112 : index
      %get3A_336 = tpu.vector_load %arg10[%get3A_334, %get3A_335] {strides = array<i32>} : memref<256x128xf32, #tpu.memory_space<vmem>>, vector<1x16xf32>,
      %get3A_337 = vector.shape_cast %get3A_336 : vector<1x16xf32> to vector<16xf32>
      %mul3A_338 = arith.mulf %get3A_333, %get3A_337 : vector<16xf32>
      %add3A_339 = arith.addf %add3A_329, %mul3A_338 : vector<16xf32>
      %rev3A_340 = arith.constant 15 : i32
      %rev3A_341 = vector.broadcast %rev3A_340 : i32 to vector<16xi32>
      %rev3A_342 = tpu.iota {dimensions = array<i32: 0>} : vector<16xi32>
      %rev3A_343 = arith.subi %rev3A_341, %rev3A_342 : vector<16xi32>
      %rev3A_344 = tpu.dynamic_gather %add3A_339[%rev3A_343] in [0] : vector<16xf32>, vector<16xi32> -> vector<16xf32>
      %add3A_345 = arith.addf %add3A_339, %rev3A_344 : vector<16xf32>
      %swap3A_346 = arith.constant 64 : index
      %swap3A_347 = tpu.vector_load %arg12[%swap3A_346] {strides = array<i32>} : memref<1536xf32, #tpu.memory_space<vmem>>, vector<16xf32>,
      %swap3A_348 = vector.shape_cast %swap3A_347 : vector<16xf32> to vector<16xf32>
      %swap3A_349 = vector.shape_cast %add3A_345 : vector<16xf32> to vector<16xf32>
      tpu.vector_store %arg12[%swap3A_346], %swap3A_349 {strides = array<i32>} : memref<1536xf32, #tpu.memory_space<vmem>>, vector<16xf32>,
      %get3A_350 = arith.constant 68 : index
      %get3A_351 = tpu.vector_load %arg12[%get3A_350] {strides = array<i32>} : memref<1536xf32, #tpu.memory_space<vmem>>, vector<16xf32>,
      %get3A_352 = vector.shape_cast %get3A_351 : vector<16xf32> to vector<16xf32>
      %add3A_353 = arith.addf %add3A_345, %get3A_352 : vector<16xf32>
      %swap3A_354 = arith.constant 576 : index
      %swap3A_355 = tpu.vector_load %arg12[%swap3A_354] {strides = array<i32>} : memref<1536xf32, #tpu.memory_space<vmem>>, vector<16xf32>,
      %swap3A_356 = vector.shape_cast %swap3A_355 : vector<16xf32> to vector<16xf32>
      %swap3A_357 = vector.shape_cast %add3A_353 : vector<16xf32> to vector<16xf32>
      tpu.vector_store %arg12[%swap3A_354], %swap3A_357 {strides = array<i32>} : memref<1536xf32, #tpu.memory_space<vmem>>, vector<16xf32>,
      %get3A_358 = arith.constant 578 : index
      %get3A_359 = tpu.vector_load %arg12[%get3A_358] {strides = array<i32>} : memref<1536xf32, #tpu.memory_space<vmem>>, vector<16xf32>,
      %get3A_360 = vector.shape_cast %get3A_359 : vector<16xf32> to vector<16xf32>
      %add3A_361 = arith.addf %add3A_353, %get3A_360 : vector<16xf32>
      %swap3A_362 = arith.constant 1088 : index
      %swap3A_363 = tpu.vector_load %arg12[%swap3A_362] {strides = array<i32>} : memref<1536xf32, #tpu.memory_space<vmem>>, vector<16xf32>,
      %swap3A_364 = vector.shape_cast %swap3A_363 : vector<16xf32> to vector<16xf32>
      %swap3A_365 = vector.shape_cast %add3A_361 : vector<16xf32> to vector<16xf32>
      tpu.vector_store %arg12[%swap3A_362], %swap3A_365 {strides = array<i32>} : memref<1536xf32, #tpu.memory_space<vmem>>, vector<16xf32>,
      %get3A_366 = arith.constant 1089 : index
      %get3A_367 = tpu.vector_load %arg12[%get3A_366] {strides = array<i32>} : memref<1536xf32, #tpu.memory_space<vmem>>, vector<16xf32>,
      %get3A_368 = vector.shape_cast %get3A_367 : vector<16xf32> to vector<16xf32>
      %add3A_369 = arith.addf %add3A_361, %get3A_368 : vector<16xf32>
      %eq3A_370 = arith.constant 2 : i32
      %eq3A_371 = vector.broadcast %eq3A_370 : i32 to vector<16xi32>
      %eq3A_372 = arith.cmpi eq, %iota3A, %eq3A_371 : vector<16xi32>
      %slice3A_373 = vector.extract_strided_slice %add3A_369 {offsets = [0], sizes = [1], strides = [1]} : vector<16xf32> to vector<1xf32>
      %squeeze3A_374 = vector.extract %slice3A_373[0] : f32 from vector<1xf32>
      %broadcast_in_dim3A_375 = vector.broadcast %squeeze3A_374 : f32 to vector<16xf32>
      %select_n3A_376 = arith.select %eq3A_372, %broadcast_in_dim3A_375, %select_n3A_298 : vector<16xi1>, vector<16xf32>
      %add3A_377 = arith.constant 3 : i32
      %add3A_378 = arith.addi %mul3A_142, %add3A_377 : i32
      %get3A_379 = arith.index_cast %add3A_378 : i32 to index
      %get3A_380 = arith.constant 0 : index
      %get3A_381 = tpu.vector_load %arg9[%get3A_379, %get3A_380] {strides = array<i32>} : memref<256x128xf32, #tpu.memory_space<vmem>>, vector<1x16xf32>,
      %get3A_382 = vector.shape_cast %get3A_381 : vector<1x16xf32> to vector<16xf32>
      %get3A_383 = arith.index_cast %add3A_378 : i32 to index
      %get3A_384 = arith.constant 64 : index
      %get3A_385 = tpu.vector_load %arg10[%get3A_383, %get3A_384] {strides = array<i32>} : memref<256x128xf32, #tpu.memory_space<vmem>>, vector<1x16xf32>,
      %get3A_386 = vector.shape_cast %get3A_385 : vector<1x16xf32> to vector<16xf32>
      %mul3A_387 = arith.mulf %get3A_382, %get3A_386 : vector<16xf32>
      %get3A_388 = arith.index_cast %add3A_378 : i32 to index
      %get3A_389 = arith.constant 16 : index
      %get3A_390 = tpu.vector_load %arg9[%get3A_388, %get3A_389] {strides = array<i32>} : memref<256x128xf32, #tpu.memory_space<vmem>>, vector<1x16xf32>,
      %get3A_391 = vector.shape_cast %get3A_390 : vector<1x16xf32> to vector<16xf32>
      %get3A_392 = arith.index_cast %add3A_378 : i32 to index
      %get3A_393 = arith.constant 80 : index
      %get3A_394 = tpu.vector_load %arg10[%get3A_392, %get3A_393] {strides = array<i32>} : memref<256x128xf32, #tpu.memory_space<vmem>>, vector<1x16xf32>,
      %get3A_395 = vector.shape_cast %get3A_394 : vector<1x16xf32> to vector<16xf32>
      %mul3A_396 = arith.mulf %get3A_391, %get3A_395 : vector<16xf32>
      %add3A_397 = arith.addf %mul3A_387, %mul3A_396 : vector<16xf32>
      %get3A_398 = arith.index_cast %add3A_378 : i32 to index
      %get3A_399 = arith.constant 32 : index
      %get3A_400 = tpu.vector_load %arg9[%get3A_398, %get3A_399] {strides = array<i32>} : memref<256x128xf32, #tpu.memory_space<vmem>>, vector<1x16xf32>,
      %get3A_401 = vector.shape_cast %get3A_400 : vector<1x16xf32> to vector<16xf32>
      %get3A_402 = arith.index_cast %add3A_378 : i32 to index
      %get3A_403 = arith.constant 96 : index
      %get3A_404 = tpu.vector_load %arg10[%get3A_402, %get3A_403] {strides = array<i32>} : memref<256x128xf32, #tpu.memory_space<vmem>>, vector<1x16xf32>,
      %get3A_405 = vector.shape_cast %get3A_404 : vector<1x16xf32> to vector<16xf32>
      %mul3A_406 = arith.mulf %get3A_401, %get3A_405 : vector<16xf32>
      %add3A_407 = arith.addf %add3A_397, %mul3A_406 : vector<16xf32>
      %get3A_408 = arith.index_cast %add3A_378 : i32 to index
      %get3A_409 = arith.constant 48 : index
      %get3A_410 = tpu.vector_load %arg9[%get3A_408, %get3A_409] {strides = array<i32>} : memref<256x128xf32, #tpu.memory_space<vmem>>, vector<1x16xf32>,
      %get3A_411 = vector.shape_cast %get3A_410 : vector<1x16xf32> to vector<16xf32>
      %get3A_412 = arith.index_cast %add3A_378 : i32 to index
      %get3A_413 = arith.constant 112 : index
      %get3A_414 = tpu.vector_load %arg10[%get3A_412, %get3A_413] {strides = array<i32>} : memref<256x128xf32, #tpu.memory_space<vmem>>, vector<1x16xf32>,
      %get3A_415 = vector.shape_cast %get3A_414 : vector<1x16xf32> to vector<16xf32>
      %mul3A_416 = arith.mulf %get3A_411, %get3A_415 : vector<16xf32>
      %add3A_417 = arith.addf %add3A_407, %mul3A_416 : vector<16xf32>
      %rev3A_418 = arith.constant 15 : i32
      %rev3A_419 = vector.broadcast %rev3A_418 : i32 to vector<16xi32>
      %rev3A_420 = tpu.iota {dimensions = array<i32: 0>} : vector<16xi32>
      %rev3A_421 = arith.subi %rev3A_419, %rev3A_420 : vector<16xi32>
      %rev3A_422 = tpu.dynamic_gather %add3A_417[%rev3A_421] in [0] : vector<16xf32>, vector<16xi32> -> vector<16xf32>
      %add3A_423 = arith.addf %add3A_417, %rev3A_422 : vector<16xf32>
      %swap3A_424 = arith.constant 96 : index
      %swap3A_425 = tpu.vector_load %arg12[%swap3A_424] {strides = array<i32>} : memref<1536xf32, #tpu.memory_space<vmem>>, vector<16xf32>,
      %swap3A_426 = vector.shape_cast %swap3A_425 : vector<16xf32> to vector<16xf32>
      %swap3A_427 = vector.shape_cast %add3A_423 : vector<16xf32> to vector<16xf32>
      tpu.vector_store %arg12[%swap3A_424], %swap3A_427 {strides = array<i32>} : memref<1536xf32, #tpu.memory_space<vmem>>, vector<16xf32>,
      %get3A_428 = arith.constant 100 : index
      %get3A_429 = tpu.vector_load %arg12[%get3A_428] {strides = array<i32>} : memref<1536xf32, #tpu.memory_space<vmem>>, vector<16xf32>,
      %get3A_430 = vector.shape_cast %get3A_429 : vector<16xf32> to vector<16xf32>
      %add3A_431 = arith.addf %add3A_423, %get3A_430 : vector<16xf32>
      %swap3A_432 = arith.constant 608 : index
      %swap3A_433 = tpu.vector_load %arg12[%swap3A_432] {strides = array<i32>} : memref<1536xf32, #tpu.memory_space<vmem>>, vector<16xf32>,
      %swap3A_434 = vector.shape_cast %swap3A_433 : vector<16xf32> to vector<16xf32>
      %swap3A_435 = vector.shape_cast %add3A_431 : vector<16xf32> to vector<16xf32>
      tpu.vector_store %arg12[%swap3A_432], %swap3A_435 {strides = array<i32>} : memref<1536xf32, #tpu.memory_space<vmem>>, vector<16xf32>,
      %get3A_436 = arith.constant 610 : index
      %get3A_437 = tpu.vector_load %arg12[%get3A_436] {strides = array<i32>} : memref<1536xf32, #tpu.memory_space<vmem>>, vector<16xf32>,
      %get3A_438 = vector.shape_cast %get3A_437 : vector<16xf32> to vector<16xf32>
      %add3A_439 = arith.addf %add3A_431, %get3A_438 : vector<16xf32>
      %swap3A_440 = arith.constant 1120 : index
      %swap3A_441 = tpu.vector_load %arg12[%swap3A_440] {strides = array<i32>} : memref<1536xf32, #tpu.memory_space<vmem>>, vector<16xf32>,
      %swap3A_442 = vector.shape_cast %swap3A_441 : vector<16xf32> to vector<16xf32>
      %swap3A_443 = vector.shape_cast %add3A_439 : vector<16xf32> to vector<16xf32>
      tpu.vector_store %arg12[%swap3A_440], %swap3A_443 {strides = array<i32>} : memref<1536xf32, #tpu.memory_space<vmem>>, vector<16xf32>,
      %get3A_444 = arith.constant 1121 : index
      %get3A_445 = tpu.vector_load %arg12[%get3A_444] {strides = array<i32>} : memref<1536xf32, #tpu.memory_space<vmem>>, vector<16xf32>,
      %get3A_446 = vector.shape_cast %get3A_445 : vector<16xf32> to vector<16xf32>
      %add3A_447 = arith.addf %add3A_439, %get3A_446 : vector<16xf32>
      %eq3A_448 = arith.constant 3 : i32
      %eq3A_449 = vector.broadcast %eq3A_448 : i32 to vector<16xi32>
      %eq3A_450 = arith.cmpi eq, %iota3A, %eq3A_449 : vector<16xi32>
      %slice3A_451 = vector.extract_strided_slice %add3A_447 {offsets = [0], sizes = [1], strides = [1]} : vector<16xf32> to vector<1xf32>
      %squeeze3A_452 = vector.extract %slice3A_451[0] : f32 from vector<1xf32>
      %broadcast_in_dim3A_453 = vector.broadcast %squeeze3A_452 : f32 to vector<16xf32>
      %select_n3A_454 = arith.select %eq3A_450, %broadcast_in_dim3A_453, %select_n3A_376 : vector<16xi1>, vector<16xf32>
      %add3A_455 = arith.constant 4 : i32
      %add3A_456 = arith.addi %mul3A_142, %add3A_455 : i32
      %get3A_457 = arith.index_cast %add3A_456 : i32 to index
      %get3A_458 = arith.constant 0 : index
      %get3A_459 = tpu.vector_load %arg9[%get3A_457, %get3A_458] {strides = array<i32>} : memref<256x128xf32, #tpu.memory_space<vmem>>, vector<1x16xf32>,
      %get3A_460 = vector.shape_cast %get3A_459 : vector<1x16xf32> to vector<16xf32>
      %get3A_461 = arith.index_cast %add3A_456 : i32 to index
      %get3A_462 = arith.constant 64 : index
      %get3A_463 = tpu.vector_load %arg10[%get3A_461, %get3A_462] {strides = array<i32>} : memref<256x128xf32, #tpu.memory_space<vmem>>, vector<1x16xf32>,
      %get3A_464 = vector.shape_cast %get3A_463 : vector<1x16xf32> to vector<16xf32>
      %mul3A_465 = arith.mulf %get3A_460, %get3A_464 : vector<16xf32>
      %get3A_466 = arith.index_cast %add3A_456 : i32 to index
      %get3A_467 = arith.constant 16 : index
      %get3A_468 = tpu.vector_load %arg9[%get3A_466, %get3A_467] {strides = array<i32>} : memref<256x128xf32, #tpu.memory_space<vmem>>, vector<1x16xf32>,
      %get3A_469 = vector.shape_cast %get3A_468 : vector<1x16xf32> to vector<16xf32>
      %get3A_470 = arith.index_cast %add3A_456 : i32 to index
      %get3A_471 = arith.constant 80 : index
      %get3A_472 = tpu.vector_load %arg10[%get3A_470, %get3A_471] {strides = array<i32>} : memref<256x128xf32, #tpu.memory_space<vmem>>, vector<1x16xf32>,
      %get3A_473 = vector.shape_cast %get3A_472 : vector<1x16xf32> to vector<16xf32>
      %mul3A_474 = arith.mulf %get3A_469, %get3A_473 : vector<16xf32>
      %add3A_475 = arith.addf %mul3A_465, %mul3A_474 : vector<16xf32>
      %get3A_476 = arith.index_cast %add3A_456 : i32 to index
      %get3A_477 = arith.constant 32 : index
      %get3A_478 = tpu.vector_load %arg9[%get3A_476, %get3A_477] {strides = array<i32>} : memref<256x128xf32, #tpu.memory_space<vmem>>, vector<1x16xf32>,
      %get3A_479 = vector.shape_cast %get3A_478 : vector<1x16xf32> to vector<16xf32>
      %get3A_480 = arith.index_cast %add3A_456 : i32 to index
      %get3A_481 = arith.constant 96 : index
      %get3A_482 = tpu.vector_load %arg10[%get3A_480, %get3A_481] {strides = array<i32>} : memref<256x128xf32, #tpu.memory_space<vmem>>, vector<1x16xf32>,
      %get3A_483 = vector.shape_cast %get3A_482 : vector<1x16xf32> to vector<16xf32>
      %mul3A_484 = arith.mulf %get3A_479, %get3A_483 : vector<16xf32>
      %add3A_485 = arith.addf %add3A_475, %mul3A_484 : vector<16xf32>
      %get3A_486 = arith.index_cast %add3A_456 : i32 to index
      %get3A_487 = arith.constant 48 : index
      %get3A_488 = tpu.vector_load %arg9[%get3A_486, %get3A_487] {strides = array<i32>} : memref<256x128xf32, #tpu.memory_space<vmem>>, vector<1x16xf32>,
      %get3A_489 = vector.shape_cast %get3A_488 : vector<1x16xf32> to vector<16xf32>
      %get3A_490 = arith.index_cast %add3A_456 : i32 to index
      %get3A_491 = arith.constant 112 : index
      %get3A_492 = tpu.vector_load %arg10[%get3A_490, %get3A_491] {strides = array<i32>} : memref<256x128xf32, #tpu.memory_space<vmem>>, vector<1x16xf32>,
      %get3A_493 = vector.shape_cast %get3A_492 : vector<1x16xf32> to vector<16xf32>
      %mul3A_494 = arith.mulf %get3A_489, %get3A_493 : vector<16xf32>
      %add3A_495 = arith.addf %add3A_485, %mul3A_494 : vector<16xf32>
      %rev3A_496 = arith.constant 15 : i32
      %rev3A_497 = vector.broadcast %rev3A_496 : i32 to vector<16xi32>
      %rev3A_498 = tpu.iota {dimensions = array<i32: 0>} : vector<16xi32>
      %rev3A_499 = arith.subi %rev3A_497, %rev3A_498 : vector<16xi32>
      %rev3A_500 = tpu.dynamic_gather %add3A_495[%rev3A_499] in [0] : vector<16xf32>, vector<16xi32> -> vector<16xf32>
      %add3A_501 = arith.addf %add3A_495, %rev3A_500 : vector<16xf32>
      %swap3A_502 = arith.constant 128 : index
      %swap3A_503 = tpu.vector_load %arg12[%swap3A_502] {strides = array<i32>} : memref<1536xf32, #tpu.memory_space<vmem>>, vector<16xf32>,
      %swap3A_504 = vector.shape_cast %swap3A_503 : vector<16xf32> to vector<16xf32>
      %swap3A_505 = vector.shape_cast %add3A_501 : vector<16xf32> to vector<16xf32>
      tpu.vector_store %arg12[%swap3A_502], %swap3A_505 {strides = array<i32>} : memref<1536xf32, #tpu.memory_space<vmem>>, vector<16xf32>,
      %get3A_506 = arith.constant 132 : index
      %get3A_507 = tpu.vector_load %arg12[%get3A_506] {strides = array<i32>} : memref<1536xf32, #tpu.memory_space<vmem>>, vector<16xf32>,
      %get3A_508 = vector.shape_cast %get3A_507 : vector<16xf32> to vector<16xf32>
      %add3A_509 = arith.addf %add3A_501, %get3A_508 : vector<16xf32>
      %swap3A_510 = arith.constant 640 : index
      %swap3A_511 = tpu.vector_load %arg12[%swap3A_510] {strides = array<i32>} : memref<1536xf32, #tpu.memory_space<vmem>>, vector<16xf32>,
      %swap3A_512 = vector.shape_cast %swap3A_511 : vector<16xf32> to vector<16xf32>
      %swap3A_513 = vector.shape_cast %add3A_509 : vector<16xf32> to vector<16xf32>
      tpu.vector_store %arg12[%swap3A_510], %swap3A_513 {strides = array<i32>} : memref<1536xf32, #tpu.memory_space<vmem>>, vector<16xf32>,
      %get3A_514 = arith.constant 642 : index
      %get3A_515 = tpu.vector_load %arg12[%get3A_514] {strides = array<i32>} : memref<1536xf32, #tpu.memory_space<vmem>>, vector<16xf32>,
      %get3A_516 = vector.shape_cast %get3A_515 : vector<16xf32> to vector<16xf32>
      %add3A_517 = arith.addf %add3A_509, %get3A_516 : vector<16xf32>
      %swap3A_518 = arith.constant 1152 : index
      %swap3A_519 = tpu.vector_load %arg12[%swap3A_518] {strides = array<i32>} : memref<1536xf32, #tpu.memory_space<vmem>>, vector<16xf32>,
      %swap3A_520 = vector.shape_cast %swap3A_519 : vector<16xf32> to vector<16xf32>
      %swap3A_521 = vector.shape_cast %add3A_517 : vector<16xf32> to vector<16xf32>
      tpu.vector_store %arg12[%swap3A_518], %swap3A_521 {strides = array<i32>} : memref<1536xf32, #tpu.memory_space<vmem>>, vector<16xf32>,
      %get3A_522 = arith.constant 1153 : index
      %get3A_523 = tpu.vector_load %arg12[%get3A_522] {strides = array<i32>} : memref<1536xf32, #tpu.memory_space<vmem>>, vector<16xf32>,
      %get3A_524 = vector.shape_cast %get3A_523 : vector<16xf32> to vector<16xf32>
      %add3A_525 = arith.addf %add3A_517, %get3A_524 : vector<16xf32>
      %eq3A_526 = arith.constant 4 : i32
      %eq3A_527 = vector.broadcast %eq3A_526 : i32 to vector<16xi32>
      %eq3A_528 = arith.cmpi eq, %iota3A, %eq3A_527 : vector<16xi32>
      %slice3A_529 = vector.extract_strided_slice %add3A_525 {offsets = [0], sizes = [1], strides = [1]} : vector<16xf32> to vector<1xf32>
      %squeeze3A_530 = vector.extract %slice3A_529[0] : f32 from vector<1xf32>
      %broadcast_in_dim3A_531 = vector.broadcast %squeeze3A_530 : f32 to vector<16xf32>
      %select_n3A_532 = arith.select %eq3A_528, %broadcast_in_dim3A_531, %select_n3A_454 : vector<16xi1>, vector<16xf32>
      %add3A_533 = arith.constant 5 : i32
      %add3A_534 = arith.addi %mul3A_142, %add3A_533 : i32
      %get3A_535 = arith.index_cast %add3A_534 : i32 to index
      %get3A_536 = arith.constant 0 : index
      %get3A_537 = tpu.vector_load %arg9[%get3A_535, %get3A_536] {strides = array<i32>} : memref<256x128xf32, #tpu.memory_space<vmem>>, vector<1x16xf32>,
      %get3A_538 = vector.shape_cast %get3A_537 : vector<1x16xf32> to vector<16xf32>
      %get3A_539 = arith.index_cast %add3A_534 : i32 to index
      %get3A_540 = arith.constant 64 : index
      %get3A_541 = tpu.vector_load %arg10[%get3A_539, %get3A_540] {strides = array<i32>} : memref<256x128xf32, #tpu.memory_space<vmem>>, vector<1x16xf32>,
      %get3A_542 = vector.shape_cast %get3A_541 : vector<1x16xf32> to vector<16xf32>
      %mul3A_543 = arith.mulf %get3A_538, %get3A_542 : vector<16xf32>
      %get3A_544 = arith.index_cast %add3A_534 : i32 to index
      %get3A_545 = arith.constant 16 : index
      %get3A_546 = tpu.vector_load %arg9[%get3A_544, %get3A_545] {strides = array<i32>} : memref<256x128xf32, #tpu.memory_space<vmem>>, vector<1x16xf32>,
      %get3A_547 = vector.shape_cast %get3A_546 : vector<1x16xf32> to vector<16xf32>
      %get3A_548 = arith.index_cast %add3A_534 : i32 to index
      %get3A_549 = arith.constant 80 : index
      %get3A_550 = tpu.vector_load %arg10[%get3A_548, %get3A_549] {strides = array<i32>} : memref<256x128xf32, #tpu.memory_space<vmem>>, vector<1x16xf32>,
      %get3A_551 = vector.shape_cast %get3A_550 : vector<1x16xf32> to vector<16xf32>
      %mul3A_552 = arith.mulf %get3A_547, %get3A_551 : vector<16xf32>
      %add3A_553 = arith.addf %mul3A_543, %mul3A_552 : vector<16xf32>
      %get3A_554 = arith.index_cast %add3A_534 : i32 to index
      %get3A_555 = arith.constant 32 : index
      %get3A_556 = tpu.vector_load %arg9[%get3A_554, %get3A_555] {strides = array<i32>} : memref<256x128xf32, #tpu.memory_space<vmem>>, vector<1x16xf32>,
      %get3A_557 = vector.shape_cast %get3A_556 : vector<1x16xf32> to vector<16xf32>
      %get3A_558 = arith.index_cast %add3A_534 : i32 to index
      %get3A_559 = arith.constant 96 : index
      %get3A_560 = tpu.vector_load %arg10[%get3A_558, %get3A_559] {strides = array<i32>} : memref<256x128xf32, #tpu.memory_space<vmem>>, vector<1x16xf32>,
      %get3A_561 = vector.shape_cast %get3A_560 : vector<1x16xf32> to vector<16xf32>
      %mul3A_562 = arith.mulf %get3A_557, %get3A_561 : vector<16xf32>
      %add3A_563 = arith.addf %add3A_553, %mul3A_562 : vector<16xf32>
      %get3A_564 = arith.index_cast %add3A_534 : i32 to index
      %get3A_565 = arith.constant 48 : index
      %get3A_566 = tpu.vector_load %arg9[%get3A_564, %get3A_565] {strides = array<i32>} : memref<256x128xf32, #tpu.memory_space<vmem>>, vector<1x16xf32>,
      %get3A_567 = vector.shape_cast %get3A_566 : vector<1x16xf32> to vector<16xf32>
      %get3A_568 = arith.index_cast %add3A_534 : i32 to index
      %get3A_569 = arith.constant 112 : index
      %get3A_570 = tpu.vector_load %arg10[%get3A_568, %get3A_569] {strides = array<i32>} : memref<256x128xf32, #tpu.memory_space<vmem>>, vector<1x16xf32>,
      %get3A_571 = vector.shape_cast %get3A_570 : vector<1x16xf32> to vector<16xf32>
      %mul3A_572 = arith.mulf %get3A_567, %get3A_571 : vector<16xf32>
      %add3A_573 = arith.addf %add3A_563, %mul3A_572 : vector<16xf32>
      %rev3A_574 = arith.constant 15 : i32
      %rev3A_575 = vector.broadcast %rev3A_574 : i32 to vector<16xi32>
      %rev3A_576 = tpu.iota {dimensions = array<i32: 0>} : vector<16xi32>
      %rev3A_577 = arith.subi %rev3A_575, %rev3A_576 : vector<16xi32>
      %rev3A_578 = tpu.dynamic_gather %add3A_573[%rev3A_577] in [0] : vector<16xf32>, vector<16xi32> -> vector<16xf32>
      %add3A_579 = arith.addf %add3A_573, %rev3A_578 : vector<16xf32>
      %swap3A_580 = arith.constant 160 : index
      %swap3A_581 = tpu.vector_load %arg12[%swap3A_580] {strides = array<i32>} : memref<1536xf32, #tpu.memory_space<vmem>>, vector<16xf32>,
      %swap3A_582 = vector.shape_cast %swap3A_581 : vector<16xf32> to vector<16xf32>
      %swap3A_583 = vector.shape_cast %add3A_579 : vector<16xf32> to vector<16xf32>
      tpu.vector_store %arg12[%swap3A_580], %swap3A_583 {strides = array<i32>} : memref<1536xf32, #tpu.memory_space<vmem>>, vector<16xf32>,
      %get3A_584 = arith.constant 164 : index
      %get3A_585 = tpu.vector_load %arg12[%get3A_584] {strides = array<i32>} : memref<1536xf32, #tpu.memory_space<vmem>>, vector<16xf32>,
      %get3A_586 = vector.shape_cast %get3A_585 : vector<16xf32> to vector<16xf32>
      %add3A_587 = arith.addf %add3A_579, %get3A_586 : vector<16xf32>
      %swap3A_588 = arith.constant 672 : index
      %swap3A_589 = tpu.vector_load %arg12[%swap3A_588] {strides = array<i32>} : memref<1536xf32, #tpu.memory_space<vmem>>, vector<16xf32>,
      %swap3A_590 = vector.shape_cast %swap3A_589 : vector<16xf32> to vector<16xf32>
      %swap3A_591 = vector.shape_cast %add3A_587 : vector<16xf32> to vector<16xf32>
      tpu.vector_store %arg12[%swap3A_588], %swap3A_591 {strides = array<i32>} : memref<1536xf32, #tpu.memory_space<vmem>>, vector<16xf32>,
      %get3A_592 = arith.constant 674 : index
      %get3A_593 = tpu.vector_load %arg12[%get3A_592] {strides = array<i32>} : memref<1536xf32, #tpu.memory_space<vmem>>, vector<16xf32>,
      %get3A_594 = vector.shape_cast %get3A_593 : vector<16xf32> to vector<16xf32>
      %add3A_595 = arith.addf %add3A_587, %get3A_594 : vector<16xf32>
      %swap3A_596 = arith.constant 1184 : index
      %swap3A_597 = tpu.vector_load %arg12[%swap3A_596] {strides = array<i32>} : memref<1536xf32, #tpu.memory_space<vmem>>, vector<16xf32>,
      %swap3A_598 = vector.shape_cast %swap3A_597 : vector<16xf32> to vector<16xf32>
      %swap3A_599 = vector.shape_cast %add3A_595 : vector<16xf32> to vector<16xf32>
      tpu.vector_store %arg12[%swap3A_596], %swap3A_599 {strides = array<i32>} : memref<1536xf32, #tpu.memory_space<vmem>>, vector<16xf32>,
      %get3A_600 = arith.constant 1185 : index
      %get3A_601 = tpu.vector_load %arg12[%get3A_600] {strides = array<i32>} : memref<1536xf32, #tpu.memory_space<vmem>>, vector<16xf32>,
      %get3A_602 = vector.shape_cast %get3A_601 : vector<16xf32> to vector<16xf32>
      %add3A_603 = arith.addf %add3A_595, %get3A_602 : vector<16xf32>
      %eq3A_604 = arith.constant 5 : i32
      %eq3A_605 = vector.broadcast %eq3A_604 : i32 to vector<16xi32>
      %eq3A_606 = arith.cmpi eq, %iota3A, %eq3A_605 : vector<16xi32>
      %slice3A_607 = vector.extract_strided_slice %add3A_603 {offsets = [0], sizes = [1], strides = [1]} : vector<16xf32> to vector<1xf32>
      %squeeze3A_608 = vector.extract %slice3A_607[0] : f32 from vector<1xf32>
      %broadcast_in_dim3A_609 = vector.broadcast %squeeze3A_608 : f32 to vector<16xf32>
      %select_n3A_610 = arith.select %eq3A_606, %broadcast_in_dim3A_609, %select_n3A_532 : vector<16xi1>, vector<16xf32>
      %add3A_611 = arith.constant 6 : i32
      %add3A_612 = arith.addi %mul3A_142, %add3A_611 : i32
      %get3A_613 = arith.index_cast %add3A_612 : i32 to index
      %get3A_614 = arith.constant 0 : index
      %get3A_615 = tpu.vector_load %arg9[%get3A_613, %get3A_614] {strides = array<i32>} : memref<256x128xf32, #tpu.memory_space<vmem>>, vector<1x16xf32>,
      %get3A_616 = vector.shape_cast %get3A_615 : vector<1x16xf32> to vector<16xf32>
      %get3A_617 = arith.index_cast %add3A_612 : i32 to index
      %get3A_618 = arith.constant 64 : index
      %get3A_619 = tpu.vector_load %arg10[%get3A_617, %get3A_618] {strides = array<i32>} : memref<256x128xf32, #tpu.memory_space<vmem>>, vector<1x16xf32>,
      %get3A_620 = vector.shape_cast %get3A_619 : vector<1x16xf32> to vector<16xf32>
      %mul3A_621 = arith.mulf %get3A_616, %get3A_620 : vector<16xf32>
      %get3A_622 = arith.index_cast %add3A_612 : i32 to index
      %get3A_623 = arith.constant 16 : index
      %get3A_624 = tpu.vector_load %arg9[%get3A_622, %get3A_623] {strides = array<i32>} : memref<256x128xf32, #tpu.memory_space<vmem>>, vector<1x16xf32>,
      %get3A_625 = vector.shape_cast %get3A_624 : vector<1x16xf32> to vector<16xf32>
      %get3A_626 = arith.index_cast %add3A_612 : i32 to index
      %get3A_627 = arith.constant 80 : index
      %get3A_628 = tpu.vector_load %arg10[%get3A_626, %get3A_627] {strides = array<i32>} : memref<256x128xf32, #tpu.memory_space<vmem>>, vector<1x16xf32>,
      %get3A_629 = vector.shape_cast %get3A_628 : vector<1x16xf32> to vector<16xf32>
      %mul3A_630 = arith.mulf %get3A_625, %get3A_629 : vector<16xf32>
      %add3A_631 = arith.addf %mul3A_621, %mul3A_630 : vector<16xf32>
      %get3A_632 = arith.index_cast %add3A_612 : i32 to index
      %get3A_633 = arith.constant 32 : index
      %get3A_634 = tpu.vector_load %arg9[%get3A_632, %get3A_633] {strides = array<i32>} : memref<256x128xf32, #tpu.memory_space<vmem>>, vector<1x16xf32>,
      %get3A_635 = vector.shape_cast %get3A_634 : vector<1x16xf32> to vector<16xf32>
      %get3A_636 = arith.index_cast %add3A_612 : i32 to index
      %get3A_637 = arith.constant 96 : index
      %get3A_638 = tpu.vector_load %arg10[%get3A_636, %get3A_637] {strides = array<i32>} : memref<256x128xf32, #tpu.memory_space<vmem>>, vector<1x16xf32>,
      %get3A_639 = vector.shape_cast %get3A_638 : vector<1x16xf32> to vector<16xf32>
      %mul3A_640 = arith.mulf %get3A_635, %get3A_639 : vector<16xf32>
      %add3A_641 = arith.addf %add3A_631, %mul3A_640 : vector<16xf32>
      %get3A_642 = arith.index_cast %add3A_612 : i32 to index
      %get3A_643 = arith.constant 48 : index
      %get3A_644 = tpu.vector_load %arg9[%get3A_642, %get3A_643] {strides = array<i32>} : memref<256x128xf32, #tpu.memory_space<vmem>>, vector<1x16xf32>,
      %get3A_645 = vector.shape_cast %get3A_644 : vector<1x16xf32> to vector<16xf32>
      %get3A_646 = arith.index_cast %add3A_612 : i32 to index
      %get3A_647 = arith.constant 112 : index
      %get3A_648 = tpu.vector_load %arg10[%get3A_646, %get3A_647] {strides = array<i32>} : memref<256x128xf32, #tpu.memory_space<vmem>>, vector<1x16xf32>,
      %get3A_649 = vector.shape_cast %get3A_648 : vector<1x16xf32> to vector<16xf32>
      %mul3A_650 = arith.mulf %get3A_645, %get3A_649 : vector<16xf32>
      %add3A_651 = arith.addf %add3A_641, %mul3A_650 : vector<16xf32>
      %rev3A_652 = arith.constant 15 : i32
      %rev3A_653 = vector.broadcast %rev3A_652 : i32 to vector<16xi32>
      %rev3A_654 = tpu.iota {dimensions = array<i32: 0>} : vector<16xi32>
      %rev3A_655 = arith.subi %rev3A_653, %rev3A_654 : vector<16xi32>
      %rev3A_656 = tpu.dynamic_gather %add3A_651[%rev3A_655] in [0] : vector<16xf32>, vector<16xi32> -> vector<16xf32>
      %add3A_657 = arith.addf %add3A_651, %rev3A_656 : vector<16xf32>
      %swap3A_658 = arith.constant 192 : index
      %swap3A_659 = tpu.vector_load %arg12[%swap3A_658] {strides = array<i32>} : memref<1536xf32, #tpu.memory_space<vmem>>, vector<16xf32>,
      %swap3A_660 = vector.shape_cast %swap3A_659 : vector<16xf32> to vector<16xf32>
      %swap3A_661 = vector.shape_cast %add3A_657 : vector<16xf32> to vector<16xf32>
      tpu.vector_store %arg12[%swap3A_658], %swap3A_661 {strides = array<i32>} : memref<1536xf32, #tpu.memory_space<vmem>>, vector<16xf32>,
      %get3A_662 = arith.constant 196 : index
      %get3A_663 = tpu.vector_load %arg12[%get3A_662] {strides = array<i32>} : memref<1536xf32, #tpu.memory_space<vmem>>, vector<16xf32>,
      %get3A_664 = vector.shape_cast %get3A_663 : vector<16xf32> to vector<16xf32>
      %add3A_665 = arith.addf %add3A_657, %get3A_664 : vector<16xf32>
      %swap3A_666 = arith.constant 704 : index
      %swap3A_667 = tpu.vector_load %arg12[%swap3A_666] {strides = array<i32>} : memref<1536xf32, #tpu.memory_space<vmem>>, vector<16xf32>,
      %swap3A_668 = vector.shape_cast %swap3A_667 : vector<16xf32> to vector<16xf32>
      %swap3A_669 = vector.shape_cast %add3A_665 : vector<16xf32> to vector<16xf32>
      tpu.vector_store %arg12[%swap3A_666], %swap3A_669 {strides = array<i32>} : memref<1536xf32, #tpu.memory_space<vmem>>, vector<16xf32>,
      %get3A_670 = arith.constant 706 : index
      %get3A_671 = tpu.vector_load %arg12[%get3A_670] {strides = array<i32>} : memref<1536xf32, #tpu.memory_space<vmem>>, vector<16xf32>,
      %get3A_672 = vector.shape_cast %get3A_671 : vector<16xf32> to vector<16xf32>
      %add3A_673 = arith.addf %add3A_665, %get3A_672 : vector<16xf32>
      %swap3A_674 = arith.constant 1216 : index
      %swap3A_675 = tpu.vector_load %arg12[%swap3A_674] {strides = array<i32>} : memref<1536xf32, #tpu.memory_space<vmem>>, vector<16xf32>,
      %swap3A_676 = vector.shape_cast %swap3A_675 : vector<16xf32> to vector<16xf32>
      %swap3A_677 = vector.shape_cast %add3A_673 : vector<16xf32> to vector<16xf32>
      tpu.vector_store %arg12[%swap3A_674], %swap3A_677 {strides = array<i32>} : memref<1536xf32, #tpu.memory_space<vmem>>, vector<16xf32>,
      %get3A_678 = arith.constant 1217 : index
      %get3A_679 = tpu.vector_load %arg12[%get3A_678] {strides = array<i32>} : memref<1536xf32, #tpu.memory_space<vmem>>, vector<16xf32>,
      %get3A_680 = vector.shape_cast %get3A_679 : vector<16xf32> to vector<16xf32>
      %add3A_681 = arith.addf %add3A_673, %get3A_680 : vector<16xf32>
      %eq3A_682 = arith.constant 6 : i32
      %eq3A_683 = vector.broadcast %eq3A_682 : i32 to vector<16xi32>
      %eq3A_684 = arith.cmpi eq, %iota3A, %eq3A_683 : vector<16xi32>
      %slice3A_685 = vector.extract_strided_slice %add3A_681 {offsets = [0], sizes = [1], strides = [1]} : vector<16xf32> to vector<1xf32>
      %squeeze3A_686 = vector.extract %slice3A_685[0] : f32 from vector<1xf32>
      %broadcast_in_dim3A_687 = vector.broadcast %squeeze3A_686 : f32 to vector<16xf32>
      %select_n3A_688 = arith.select %eq3A_684, %broadcast_in_dim3A_687, %select_n3A_610 : vector<16xi1>, vector<16xf32>
      %add3A_689 = arith.constant 7 : i32
      %add3A_690 = arith.addi %mul3A_142, %add3A_689 : i32
      %get3A_691 = arith.index_cast %add3A_690 : i32 to index
      %get3A_692 = arith.constant 0 : index
      %get3A_693 = tpu.vector_load %arg9[%get3A_691, %get3A_692] {strides = array<i32>} : memref<256x128xf32, #tpu.memory_space<vmem>>, vector<1x16xf32>,
      %get3A_694 = vector.shape_cast %get3A_693 : vector<1x16xf32> to vector<16xf32>
      %get3A_695 = arith.index_cast %add3A_690 : i32 to index
      %get3A_696 = arith.constant 64 : index
      %get3A_697 = tpu.vector_load %arg10[%get3A_695, %get3A_696] {strides = array<i32>} : memref<256x128xf32, #tpu.memory_space<vmem>>, vector<1x16xf32>,
      %get3A_698 = vector.shape_cast %get3A_697 : vector<1x16xf32> to vector<16xf32>
      %mul3A_699 = arith.mulf %get3A_694, %get3A_698 : vector<16xf32>
      %get3A_700 = arith.index_cast %add3A_690 : i32 to index
      %get3A_701 = arith.constant 16 : index
      %get3A_702 = tpu.vector_load %arg9[%get3A_700, %get3A_701] {strides = array<i32>} : memref<256x128xf32, #tpu.memory_space<vmem>>, vector<1x16xf32>,
      %get3A_703 = vector.shape_cast %get3A_702 : vector<1x16xf32> to vector<16xf32>
      %get3A_704 = arith.index_cast %add3A_690 : i32 to index
      %get3A_705 = arith.constant 80 : index
      %get3A_706 = tpu.vector_load %arg10[%get3A_704, %get3A_705] {strides = array<i32>} : memref<256x128xf32, #tpu.memory_space<vmem>>, vector<1x16xf32>,
      %get3A_707 = vector.shape_cast %get3A_706 : vector<1x16xf32> to vector<16xf32>
      %mul3A_708 = arith.mulf %get3A_703, %get3A_707 : vector<16xf32>
      %add3A_709 = arith.addf %mul3A_699, %mul3A_708 : vector<16xf32>
      %get3A_710 = arith.index_cast %add3A_690 : i32 to index
      %get3A_711 = arith.constant 32 : index
      %get3A_712 = tpu.vector_load %arg9[%get3A_710, %get3A_711] {strides = array<i32>} : memref<256x128xf32, #tpu.memory_space<vmem>>, vector<1x16xf32>,
      %get3A_713 = vector.shape_cast %get3A_712 : vector<1x16xf32> to vector<16xf32>
      %get3A_714 = arith.index_cast %add3A_690 : i32 to index
      %get3A_715 = arith.constant 96 : index
      %get3A_716 = tpu.vector_load %arg10[%get3A_714, %get3A_715] {strides = array<i32>} : memref<256x128xf32, #tpu.memory_space<vmem>>, vector<1x16xf32>,
      %get3A_717 = vector.shape_cast %get3A_716 : vector<1x16xf32> to vector<16xf32>
      %mul3A_718 = arith.mulf %get3A_713, %get3A_717 : vector<16xf32>
      %add3A_719 = arith.addf %add3A_709, %mul3A_718 : vector<16xf32>
      %get3A_720 = arith.index_cast %add3A_690 : i32 to index
      %get3A_721 = arith.constant 48 : index
      %get3A_722 = tpu.vector_load %arg9[%get3A_720, %get3A_721] {strides = array<i32>} : memref<256x128xf32, #tpu.memory_space<vmem>>, vector<1x16xf32>,
      %get3A_723 = vector.shape_cast %get3A_722 : vector<1x16xf32> to vector<16xf32>
      %get3A_724 = arith.index_cast %add3A_690 : i32 to index
      %get3A_725 = arith.constant 112 : index
      %get3A_726 = tpu.vector_load %arg10[%get3A_724, %get3A_725] {strides = array<i32>} : memref<256x128xf32, #tpu.memory_space<vmem>>, vector<1x16xf32>,
      %get3A_727 = vector.shape_cast %get3A_726 : vector<1x16xf32> to vector<16xf32>
      %mul3A_728 = arith.mulf %get3A_723, %get3A_727 : vector<16xf32>
      %add3A_729 = arith.addf %add3A_719, %mul3A_728 : vector<16xf32>
      %rev3A_730 = arith.constant 15 : i32
      %rev3A_731 = vector.broadcast %rev3A_730 : i32 to vector<16xi32>
      %rev3A_732 = tpu.iota {dimensions = array<i32: 0>} : vector<16xi32>
      %rev3A_733 = arith.subi %rev3A_731, %rev3A_732 : vector<16xi32>
      %rev3A_734 = tpu.dynamic_gather %add3A_729[%rev3A_733] in [0] : vector<16xf32>, vector<16xi32> -> vector<16xf32>
      %add3A_735 = arith.addf %add3A_729, %rev3A_734 : vector<16xf32>
      %swap3A_736 = arith.constant 224 : index
      %swap3A_737 = tpu.vector_load %arg12[%swap3A_736] {strides = array<i32>} : memref<1536xf32, #tpu.memory_space<vmem>>, vector<16xf32>,
      %swap3A_738 = vector.shape_cast %swap3A_737 : vector<16xf32> to vector<16xf32>
      %swap3A_739 = vector.shape_cast %add3A_735 : vector<16xf32> to vector<16xf32>
      tpu.vector_store %arg12[%swap3A_736], %swap3A_739 {strides = array<i32>} : memref<1536xf32, #tpu.memory_space<vmem>>, vector<16xf32>,
      %get3A_740 = arith.constant 228 : index
      %get3A_741 = tpu.vector_load %arg12[%get3A_740] {strides = array<i32>} : memref<1536xf32, #tpu.memory_space<vmem>>, vector<16xf32>,
      %get3A_742 = vector.shape_cast %get3A_741 : vector<16xf32> to vector<16xf32>
      %add3A_743 = arith.addf %add3A_735, %get3A_742 : vector<16xf32>
      %swap3A_744 = arith.constant 736 : index
      %swap3A_745 = tpu.vector_load %arg12[%swap3A_744] {strides = array<i32>} : memref<1536xf32, #tpu.memory_space<vmem>>, vector<16xf32>,
      %swap3A_746 = vector.shape_cast %swap3A_745 : vector<16xf32> to vector<16xf32>
      %swap3A_747 = vector.shape_cast %add3A_743 : vector<16xf32> to vector<16xf32>
      tpu.vector_store %arg12[%swap3A_744], %swap3A_747 {strides = array<i32>} : memref<1536xf32, #tpu.memory_space<vmem>>, vector<16xf32>,
      %get3A_748 = arith.constant 738 : index
      %get3A_749 = tpu.vector_load %arg12[%get3A_748] {strides = array<i32>} : memref<1536xf32, #tpu.memory_space<vmem>>, vector<16xf32>,
      %get3A_750 = vector.shape_cast %get3A_749 : vector<16xf32> to vector<16xf32>
      %add3A_751 = arith.addf %add3A_743, %get3A_750 : vector<16xf32>
      %swap3A_752 = arith.constant 1248 : index
      %swap3A_753 = tpu.vector_load %arg12[%swap3A_752] {strides = array<i32>} : memref<1536xf32, #tpu.memory_space<vmem>>, vector<16xf32>,
      %swap3A_754 = vector.shape_cast %swap3A_753 : vector<16xf32> to vector<16xf32>
      %swap3A_755 = vector.shape_cast %add3A_751 : vector<16xf32> to vector<16xf32>
      tpu.vector_store %arg12[%swap3A_752], %swap3A_755 {strides = array<i32>} : memref<1536xf32, #tpu.memory_space<vmem>>, vector<16xf32>,
      %get3A_756 = arith.constant 1249 : index
      %get3A_757 = tpu.vector_load %arg12[%get3A_756] {strides = array<i32>} : memref<1536xf32, #tpu.memory_space<vmem>>, vector<16xf32>,
      %get3A_758 = vector.shape_cast %get3A_757 : vector<16xf32> to vector<16xf32>
      %add3A_759 = arith.addf %add3A_751, %get3A_758 : vector<16xf32>
      %eq3A_760 = arith.constant 7 : i32
      %eq3A_761 = vector.broadcast %eq3A_760 : i32 to vector<16xi32>
      %eq3A_762 = arith.cmpi eq, %iota3A, %eq3A_761 : vector<16xi32>
      %slice3A_763 = vector.extract_strided_slice %add3A_759 {offsets = [0], sizes = [1], strides = [1]} : vector<16xf32> to vector<1xf32>
      %squeeze3A_764 = vector.extract %slice3A_763[0] : f32 from vector<1xf32>
      %broadcast_in_dim3A_765 = vector.broadcast %squeeze3A_764 : f32 to vector<16xf32>
      %select_n3A_766 = arith.select %eq3A_762, %broadcast_in_dim3A_765, %select_n3A_688 : vector<16xi1>, vector<16xf32>
      %add3A_767 = arith.constant 8 : i32
      %add3A_768 = arith.addi %mul3A_142, %add3A_767 : i32
      %get3A_769 = arith.index_cast %add3A_768 : i32 to index
      %get3A_770 = arith.constant 0 : index
      %get3A_771 = tpu.vector_load %arg9[%get3A_769, %get3A_770] {strides = array<i32>} : memref<256x128xf32, #tpu.memory_space<vmem>>, vector<1x16xf32>,
      %get3A_772 = vector.shape_cast %get3A_771 : vector<1x16xf32> to vector<16xf32>
      %get3A_773 = arith.index_cast %add3A_768 : i32 to index
      %get3A_774 = arith.constant 64 : index
      %get3A_775 = tpu.vector_load %arg10[%get3A_773, %get3A_774] {strides = array<i32>} : memref<256x128xf32, #tpu.memory_space<vmem>>, vector<1x16xf32>,
      %get3A_776 = vector.shape_cast %get3A_775 : vector<1x16xf32> to vector<16xf32>
      %mul3A_777 = arith.mulf %get3A_772, %get3A_776 : vector<16xf32>
      %get3A_778 = arith.index_cast %add3A_768 : i32 to index
      %get3A_779 = arith.constant 16 : index
      %get3A_780 = tpu.vector_load %arg9[%get3A_778, %get3A_779] {strides = array<i32>} : memref<256x128xf32, #tpu.memory_space<vmem>>, vector<1x16xf32>,
      %get3A_781 = vector.shape_cast %get3A_780 : vector<1x16xf32> to vector<16xf32>
      %get3A_782 = arith.index_cast %add3A_768 : i32 to index
      %get3A_783 = arith.constant 80 : index
      %get3A_784 = tpu.vector_load %arg10[%get3A_782, %get3A_783] {strides = array<i32>} : memref<256x128xf32, #tpu.memory_space<vmem>>, vector<1x16xf32>,
      %get3A_785 = vector.shape_cast %get3A_784 : vector<1x16xf32> to vector<16xf32>
      %mul3A_786 = arith.mulf %get3A_781, %get3A_785 : vector<16xf32>
      %add3A_787 = arith.addf %mul3A_777, %mul3A_786 : vector<16xf32>
      %get3A_788 = arith.index_cast %add3A_768 : i32 to index
      %get3A_789 = arith.constant 32 : index
      %get3A_790 = tpu.vector_load %arg9[%get3A_788, %get3A_789] {strides = array<i32>} : memref<256x128xf32, #tpu.memory_space<vmem>>, vector<1x16xf32>,
      %get3A_791 = vector.shape_cast %get3A_790 : vector<1x16xf32> to vector<16xf32>
      %get3A_792 = arith.index_cast %add3A_768 : i32 to index
      %get3A_793 = arith.constant 96 : index
      %get3A_794 = tpu.vector_load %arg10[%get3A_792, %get3A_793] {strides = array<i32>} : memref<256x128xf32, #tpu.memory_space<vmem>>, vector<1x16xf32>,
      %get3A_795 = vector.shape_cast %get3A_794 : vector<1x16xf32> to vector<16xf32>
      %mul3A_796 = arith.mulf %get3A_791, %get3A_795 : vector<16xf32>
      %add3A_797 = arith.addf %add3A_787, %mul3A_796 : vector<16xf32>
      %get3A_798 = arith.index_cast %add3A_768 : i32 to index
      %get3A_799 = arith.constant 48 : index
      %get3A_800 = tpu.vector_load %arg9[%get3A_798, %get3A_799] {strides = array<i32>} : memref<256x128xf32, #tpu.memory_space<vmem>>, vector<1x16xf32>,
      %get3A_801 = vector.shape_cast %get3A_800 : vector<1x16xf32> to vector<16xf32>
      %get3A_802 = arith.index_cast %add3A_768 : i32 to index
      %get3A_803 = arith.constant 112 : index
      %get3A_804 = tpu.vector_load %arg10[%get3A_802, %get3A_803] {strides = array<i32>} : memref<256x128xf32, #tpu.memory_space<vmem>>, vector<1x16xf32>,
      %get3A_805 = vector.shape_cast %get3A_804 : vector<1x16xf32> to vector<16xf32>
      %mul3A_806 = arith.mulf %get3A_801, %get3A_805 : vector<16xf32>
      %add3A_807 = arith.addf %add3A_797, %mul3A_806 : vector<16xf32>
      %rev3A_808 = arith.constant 15 : i32
      %rev3A_809 = vector.broadcast %rev3A_808 : i32 to vector<16xi32>
      %rev3A_810 = tpu.iota {dimensions = array<i32: 0>} : vector<16xi32>
      %rev3A_811 = arith.subi %rev3A_809, %rev3A_810 : vector<16xi32>
      %rev3A_812 = tpu.dynamic_gather %add3A_807[%rev3A_811] in [0] : vector<16xf32>, vector<16xi32> -> vector<16xf32>
      %add3A_813 = arith.addf %add3A_807, %rev3A_812 : vector<16xf32>
      %swap3A_814 = arith.constant 256 : index
      %swap3A_815 = tpu.vector_load %arg12[%swap3A_814] {strides = array<i32>} : memref<1536xf32, #tpu.memory_space<vmem>>, vector<16xf32>,
      %swap3A_816 = vector.shape_cast %swap3A_815 : vector<16xf32> to vector<16xf32>
      %swap3A_817 = vector.shape_cast %add3A_813 : vector<16xf32> to vector<16xf32>
      tpu.vector_store %arg12[%swap3A_814], %swap3A_817 {strides = array<i32>} : memref<1536xf32, #tpu.memory_space<vmem>>, vector<16xf32>,
      %get3A_818 = arith.constant 260 : index
      %get3A_819 = tpu.vector_load %arg12[%get3A_818] {strides = array<i32>} : memref<1536xf32, #tpu.memory_space<vmem>>, vector<16xf32>,
      %get3A_820 = vector.shape_cast %get3A_819 : vector<16xf32> to vector<16xf32>
      %add3A_821 = arith.addf %add3A_813, %get3A_820 : vector<16xf32>
      %swap3A_822 = arith.constant 768 : index
      %swap3A_823 = tpu.vector_load %arg12[%swap3A_822] {strides = array<i32>} : memref<1536xf32, #tpu.memory_space<vmem>>, vector<16xf32>,
      %swap3A_824 = vector.shape_cast %swap3A_823 : vector<16xf32> to vector<16xf32>
      %swap3A_825 = vector.shape_cast %add3A_821 : vector<16xf32> to vector<16xf32>
      tpu.vector_store %arg12[%swap3A_822], %swap3A_825 {strides = array<i32>} : memref<1536xf32, #tpu.memory_space<vmem>>, vector<16xf32>,
      %get3A_826 = arith.constant 770 : index
      %get3A_827 = tpu.vector_load %arg12[%get3A_826] {strides = array<i32>} : memref<1536xf32, #tpu.memory_space<vmem>>, vector<16xf32>,
      %get3A_828 = vector.shape_cast %get3A_827 : vector<16xf32> to vector<16xf32>
      %add3A_829 = arith.addf %add3A_821, %get3A_828 : vector<16xf32>
      %swap3A_830 = arith.constant 1280 : index
      %swap3A_831 = tpu.vector_load %arg12[%swap3A_830] {strides = array<i32>} : memref<1536xf32, #tpu.memory_space<vmem>>, vector<16xf32>,
      %swap3A_832 = vector.shape_cast %swap3A_831 : vector<16xf32> to vector<16xf32>
      %swap3A_833 = vector.shape_cast %add3A_829 : vector<16xf32> to vector<16xf32>
      tpu.vector_store %arg12[%swap3A_830], %swap3A_833 {strides = array<i32>} : memref<1536xf32, #tpu.memory_space<vmem>>, vector<16xf32>,
      %get3A_834 = arith.constant 1281 : index
      %get3A_835 = tpu.vector_load %arg12[%get3A_834] {strides = array<i32>} : memref<1536xf32, #tpu.memory_space<vmem>>, vector<16xf32>,
      %get3A_836 = vector.shape_cast %get3A_835 : vector<16xf32> to vector<16xf32>
      %add3A_837 = arith.addf %add3A_829, %get3A_836 : vector<16xf32>
      %eq3A_838 = arith.constant 8 : i32
      %eq3A_839 = vector.broadcast %eq3A_838 : i32 to vector<16xi32>
      %eq3A_840 = arith.cmpi eq, %iota3A, %eq3A_839 : vector<16xi32>
      %slice3A_841 = vector.extract_strided_slice %add3A_837 {offsets = [0], sizes = [1], strides = [1]} : vector<16xf32> to vector<1xf32>
      %squeeze3A_842 = vector.extract %slice3A_841[0] : f32 from vector<1xf32>
      %broadcast_in_dim3A_843 = vector.broadcast %squeeze3A_842 : f32 to vector<16xf32>
      %select_n3A_844 = arith.select %eq3A_840, %broadcast_in_dim3A_843, %select_n3A_766 : vector<16xi1>, vector<16xf32>
      %add3A_845 = arith.constant 9 : i32
      %add3A_846 = arith.addi %mul3A_142, %add3A_845 : i32
      %get3A_847 = arith.index_cast %add3A_846 : i32 to index
      %get3A_848 = arith.constant 0 : index
      %get3A_849 = tpu.vector_load %arg9[%get3A_847, %get3A_848] {strides = array<i32>} : memref<256x128xf32, #tpu.memory_space<vmem>>, vector<1x16xf32>,
      %get3A_850 = vector.shape_cast %get3A_849 : vector<1x16xf32> to vector<16xf32>
      %get3A_851 = arith.index_cast %add3A_846 : i32 to index
      %get3A_852 = arith.constant 64 : index
      %get3A_853 = tpu.vector_load %arg10[%get3A_851, %get3A_852] {strides = array<i32>} : memref<256x128xf32, #tpu.memory_space<vmem>>, vector<1x16xf32>,
      %get3A_854 = vector.shape_cast %get3A_853 : vector<1x16xf32> to vector<16xf32>
      %mul3A_855 = arith.mulf %get3A_850, %get3A_854 : vector<16xf32>
      %get3A_856 = arith.index_cast %add3A_846 : i32 to index
      %get3A_857 = arith.constant 16 : index
      %get3A_858 = tpu.vector_load %arg9[%get3A_856, %get3A_857] {strides = array<i32>} : memref<256x128xf32, #tpu.memory_space<vmem>>, vector<1x16xf32>,
      %get3A_859 = vector.shape_cast %get3A_858 : vector<1x16xf32> to vector<16xf32>
      %get3A_860 = arith.index_cast %add3A_846 : i32 to index
      %get3A_861 = arith.constant 80 : index
      %get3A_862 = tpu.vector_load %arg10[%get3A_860, %get3A_861] {strides = array<i32>} : memref<256x128xf32, #tpu.memory_space<vmem>>, vector<1x16xf32>,
      %get3A_863 = vector.shape_cast %get3A_862 : vector<1x16xf32> to vector<16xf32>
      %mul3A_864 = arith.mulf %get3A_859, %get3A_863 : vector<16xf32>
      %add3A_865 = arith.addf %mul3A_855, %mul3A_864 : vector<16xf32>
      %get3A_866 = arith.index_cast %add3A_846 : i32 to index
      %get3A_867 = arith.constant 32 : index
      %get3A_868 = tpu.vector_load %arg9[%get3A_866, %get3A_867] {strides = array<i32>} : memref<256x128xf32, #tpu.memory_space<vmem>>, vector<1x16xf32>,
      %get3A_869 = vector.shape_cast %get3A_868 : vector<1x16xf32> to vector<16xf32>
      %get3A_870 = arith.index_cast %add3A_846 : i32 to index
      %get3A_871 = arith.constant 96 : index
      %get3A_872 = tpu.vector_load %arg10[%get3A_870, %get3A_871] {strides = array<i32>} : memref<256x128xf32, #tpu.memory_space<vmem>>, vector<1x16xf32>,
      %get3A_873 = vector.shape_cast %get3A_872 : vector<1x16xf32> to vector<16xf32>
      %mul3A_874 = arith.mulf %get3A_869, %get3A_873 : vector<16xf32>
      %add3A_875 = arith.addf %add3A_865, %mul3A_874 : vector<16xf32>
      %get3A_876 = arith.index_cast %add3A_846 : i32 to index
      %get3A_877 = arith.constant 48 : index
      %get3A_878 = tpu.vector_load %arg9[%get3A_876, %get3A_877] {strides = array<i32>} : memref<256x128xf32, #tpu.memory_space<vmem>>, vector<1x16xf32>,
      %get3A_879 = vector.shape_cast %get3A_878 : vector<1x16xf32> to vector<16xf32>
      %get3A_880 = arith.index_cast %add3A_846 : i32 to index
      %get3A_881 = arith.constant 112 : index
      %get3A_882 = tpu.vector_load %arg10[%get3A_880, %get3A_881] {strides = array<i32>} : memref<256x128xf32, #tpu.memory_space<vmem>>, vector<1x16xf32>,
      %get3A_883 = vector.shape_cast %get3A_882 : vector<1x16xf32> to vector<16xf32>
      %mul3A_884 = arith.mulf %get3A_879, %get3A_883 : vector<16xf32>
      %add3A_885 = arith.addf %add3A_875, %mul3A_884 : vector<16xf32>
      %rev3A_886 = arith.constant 15 : i32
      %rev3A_887 = vector.broadcast %rev3A_886 : i32 to vector<16xi32>
      %rev3A_888 = tpu.iota {dimensions = array<i32: 0>} : vector<16xi32>
      %rev3A_889 = arith.subi %rev3A_887, %rev3A_888 : vector<16xi32>
      %rev3A_890 = tpu.dynamic_gather %add3A_885[%rev3A_889] in [0] : vector<16xf32>, vector<16xi32> -> vector<16xf32>
      %add3A_891 = arith.addf %add3A_885, %rev3A_890 : vector<16xf32>
      %swap3A_892 = arith.constant 288 : index
      %swap3A_893 = tpu.vector_load %arg12[%swap3A_892] {strides = array<i32>} : memref<1536xf32, #tpu.memory_space<vmem>>, vector<16xf32>,
      %swap3A_894 = vector.shape_cast %swap3A_893 : vector<16xf32> to vector<16xf32>
      %swap3A_895 = vector.shape_cast %add3A_891 : vector<16xf32> to vector<16xf32>
      tpu.vector_store %arg12[%swap3A_892], %swap3A_895 {strides = array<i32>} : memref<1536xf32, #tpu.memory_space<vmem>>, vector<16xf32>,
      %get3A_896 = arith.constant 292 : index
      %get3A_897 = tpu.vector_load %arg12[%get3A_896] {strides = array<i32>} : memref<1536xf32, #tpu.memory_space<vmem>>, vector<16xf32>,
      %get3A_898 = vector.shape_cast %get3A_897 : vector<16xf32> to vector<16xf32>
      %add3A_899 = arith.addf %add3A_891, %get3A_898 : vector<16xf32>
      %swap3A_900 = arith.constant 800 : index
      %swap3A_901 = tpu.vector_load %arg12[%swap3A_900] {strides = array<i32>} : memref<1536xf32, #tpu.memory_space<vmem>>, vector<16xf32>,
      %swap3A_902 = vector.shape_cast %swap3A_901 : vector<16xf32> to vector<16xf32>
      %swap3A_903 = vector.shape_cast %add3A_899 : vector<16xf32> to vector<16xf32>
      tpu.vector_store %arg12[%swap3A_900], %swap3A_903 {strides = array<i32>} : memref<1536xf32, #tpu.memory_space<vmem>>, vector<16xf32>,
      %get3A_904 = arith.constant 802 : index
      %get3A_905 = tpu.vector_load %arg12[%get3A_904] {strides = array<i32>} : memref<1536xf32, #tpu.memory_space<vmem>>, vector<16xf32>,
      %get3A_906 = vector.shape_cast %get3A_905 : vector<16xf32> to vector<16xf32>
      %add3A_907 = arith.addf %add3A_899, %get3A_906 : vector<16xf32>
      %swap3A_908 = arith.constant 1312 : index
      %swap3A_909 = tpu.vector_load %arg12[%swap3A_908] {strides = array<i32>} : memref<1536xf32, #tpu.memory_space<vmem>>, vector<16xf32>,
      %swap3A_910 = vector.shape_cast %swap3A_909 : vector<16xf32> to vector<16xf32>
      %swap3A_911 = vector.shape_cast %add3A_907 : vector<16xf32> to vector<16xf32>
      tpu.vector_store %arg12[%swap3A_908], %swap3A_911 {strides = array<i32>} : memref<1536xf32, #tpu.memory_space<vmem>>, vector<16xf32>,
      %get3A_912 = arith.constant 1313 : index
      %get3A_913 = tpu.vector_load %arg12[%get3A_912] {strides = array<i32>} : memref<1536xf32, #tpu.memory_space<vmem>>, vector<16xf32>,
      %get3A_914 = vector.shape_cast %get3A_913 : vector<16xf32> to vector<16xf32>
      %add3A_915 = arith.addf %add3A_907, %get3A_914 : vector<16xf32>
      %eq3A_916 = arith.constant 9 : i32
      %eq3A_917 = vector.broadcast %eq3A_916 : i32 to vector<16xi32>
      %eq3A_918 = arith.cmpi eq, %iota3A, %eq3A_917 : vector<16xi32>
      %slice3A_919 = vector.extract_strided_slice %add3A_915 {offsets = [0], sizes = [1], strides = [1]} : vector<16xf32> to vector<1xf32>
      %squeeze3A_920 = vector.extract %slice3A_919[0] : f32 from vector<1xf32>
      %broadcast_in_dim3A_921 = vector.broadcast %squeeze3A_920 : f32 to vector<16xf32>
      %select_n3A_922 = arith.select %eq3A_918, %broadcast_in_dim3A_921, %select_n3A_844 : vector<16xi1>, vector<16xf32>
      %add3A_923 = arith.constant 10 : i32
      %add3A_924 = arith.addi %mul3A_142, %add3A_923 : i32
      %get3A_925 = arith.index_cast %add3A_924 : i32 to index
      %get3A_926 = arith.constant 0 : index
      %get3A_927 = tpu.vector_load %arg9[%get3A_925, %get3A_926] {strides = array<i32>} : memref<256x128xf32, #tpu.memory_space<vmem>>, vector<1x16xf32>,
      %get3A_928 = vector.shape_cast %get3A_927 : vector<1x16xf32> to vector<16xf32>
      %get3A_929 = arith.index_cast %add3A_924 : i32 to index
      %get3A_930 = arith.constant 64 : index
      %get3A_931 = tpu.vector_load %arg10[%get3A_929, %get3A_930] {strides = array<i32>} : memref<256x128xf32, #tpu.memory_space<vmem>>, vector<1x16xf32>,
      %get3A_932 = vector.shape_cast %get3A_931 : vector<1x16xf32> to vector<16xf32>
      %mul3A_933 = arith.mulf %get3A_928, %get3A_932 : vector<16xf32>
      %get3A_934 = arith.index_cast %add3A_924 : i32 to index
      %get3A_935 = arith.constant 16 : index
      %get3A_936 = tpu.vector_load %arg9[%get3A_934, %get3A_935] {strides = array<i32>} : memref<256x128xf32, #tpu.memory_space<vmem>>, vector<1x16xf32>,
      %get3A_937 = vector.shape_cast %get3A_936 : vector<1x16xf32> to vector<16xf32>
      %get3A_938 = arith.index_cast %add3A_924 : i32 to index
      %get3A_939 = arith.constant 80 : index
      %get3A_940 = tpu.vector_load %arg10[%get3A_938, %get3A_939] {strides = array<i32>} : memref<256x128xf32, #tpu.memory_space<vmem>>, vector<1x16xf32>,
      %get3A_941 = vector.shape_cast %get3A_940 : vector<1x16xf32> to vector<16xf32>
      %mul3A_942 = arith.mulf %get3A_937, %get3A_941 : vector<16xf32>
      %add3A_943 = arith.addf %mul3A_933, %mul3A_942 : vector<16xf32>
      %get3A_944 = arith.index_cast %add3A_924 : i32 to index
      %get3A_945 = arith.constant 32 : index
      %get3A_946 = tpu.vector_load %arg9[%get3A_944, %get3A_945] {strides = array<i32>} : memref<256x128xf32, #tpu.memory_space<vmem>>, vector<1x16xf32>,
      %get3A_947 = vector.shape_cast %get3A_946 : vector<1x16xf32> to vector<16xf32>
      %get3A_948 = arith.index_cast %add3A_924 : i32 to index
      %get3A_949 = arith.constant 96 : index
      %get3A_950 = tpu.vector_load %arg10[%get3A_948, %get3A_949] {strides = array<i32>} : memref<256x128xf32, #tpu.memory_space<vmem>>, vector<1x16xf32>,
      %get3A_951 = vector.shape_cast %get3A_950 : vector<1x16xf32> to vector<16xf32>
      %mul3A_952 = arith.mulf %get3A_947, %get3A_951 : vector<16xf32>
      %add3A_953 = arith.addf %add3A_943, %mul3A_952 : vector<16xf32>
      %get3A_954 = arith.index_cast %add3A_924 : i32 to index
      %get3A_955 = arith.constant 48 : index
      %get3A_956 = tpu.vector_load %arg9[%get3A_954, %get3A_955] {strides = array<i32>} : memref<256x128xf32, #tpu.memory_space<vmem>>, vector<1x16xf32>,
      %get3A_957 = vector.shape_cast %get3A_956 : vector<1x16xf32> to vector<16xf32>
      %get3A_958 = arith.index_cast %add3A_924 : i32 to index
      %get3A_959 = arith.constant 112 : index
      %get3A_960 = tpu.vector_load %arg10[%get3A_958, %get3A_959] {strides = array<i32>} : memref<256x128xf32, #tpu.memory_space<vmem>>, vector<1x16xf32>,
      %get3A_961 = vector.shape_cast %get3A_960 : vector<1x16xf32> to vector<16xf32>
      %mul3A_962 = arith.mulf %get3A_957, %get3A_961 : vector<16xf32>
      %add3A_963 = arith.addf %add3A_953, %mul3A_962 : vector<16xf32>
      %rev3A_964 = arith.constant 15 : i32
      %rev3A_965 = vector.broadcast %rev3A_964 : i32 to vector<16xi32>
      %rev3A_966 = tpu.iota {dimensions = array<i32: 0>} : vector<16xi32>
      %rev3A_967 = arith.subi %rev3A_965, %rev3A_966 : vector<16xi32>
      %rev3A_968 = tpu.dynamic_gather %add3A_963[%rev3A_967] in [0] : vector<16xf32>, vector<16xi32> -> vector<16xf32>
      %add3A_969 = arith.addf %add3A_963, %rev3A_968 : vector<16xf32>
      %swap3A_970 = arith.constant 320 : index
      %swap3A_971 = tpu.vector_load %arg12[%swap3A_970] {strides = array<i32>} : memref<1536xf32, #tpu.memory_space<vmem>>, vector<16xf32>,
      %swap3A_972 = vector.shape_cast %swap3A_971 : vector<16xf32> to vector<16xf32>
      %swap3A_973 = vector.shape_cast %add3A_969 : vector<16xf32> to vector<16xf32>
      tpu.vector_store %arg12[%swap3A_970], %swap3A_973 {strides = array<i32>} : memref<1536xf32, #tpu.memory_space<vmem>>, vector<16xf32>,
      %get3A_974 = arith.constant 324 : index
      %get3A_975 = tpu.vector_load %arg12[%get3A_974] {strides = array<i32>} : memref<1536xf32, #tpu.memory_space<vmem>>, vector<16xf32>,
      %get3A_976 = vector.shape_cast %get3A_975 : vector<16xf32> to vector<16xf32>
      %add3A_977 = arith.addf %add3A_969, %get3A_976 : vector<16xf32>
      %swap3A_978 = arith.constant 832 : index
      %swap3A_979 = tpu.vector_load %arg12[%swap3A_978] {strides = array<i32>} : memref<1536xf32, #tpu.memory_space<vmem>>, vector<16xf32>,
      %swap3A_980 = vector.shape_cast %swap3A_979 : vector<16xf32> to vector<16xf32>
      %swap3A_981 = vector.shape_cast %add3A_977 : vector<16xf32> to vector<16xf32>
      tpu.vector_store %arg12[%swap3A_978], %swap3A_981 {strides = array<i32>} : memref<1536xf32, #tpu.memory_space<vmem>>, vector<16xf32>,
      %get3A_982 = arith.constant 834 : index
      %get3A_983 = tpu.vector_load %arg12[%get3A_982] {strides = array<i32>} : memref<1536xf32, #tpu.memory_space<vmem>>, vector<16xf32>,
      %get3A_984 = vector.shape_cast %get3A_983 : vector<16xf32> to vector<16xf32>
      %add3A_985 = arith.addf %add3A_977, %get3A_984 : vector<16xf32>
      %swap3A_986 = arith.constant 1344 : index
      %swap3A_987 = tpu.vector_load %arg12[%swap3A_986] {strides = array<i32>} : memref<1536xf32, #tpu.memory_space<vmem>>, vector<16xf32>,
      %swap3A_988 = vector.shape_cast %swap3A_987 : vector<16xf32> to vector<16xf32>
      %swap3A_989 = vector.shape_cast %add3A_985 : vector<16xf32> to vector<16xf32>
      tpu.vector_store %arg12[%swap3A_986], %swap3A_989 {strides = array<i32>} : memref<1536xf32, #tpu.memory_space<vmem>>, vector<16xf32>,
      %get3A_990 = arith.constant 1345 : index
      %get3A_991 = tpu.vector_load %arg12[%get3A_990] {strides = array<i32>} : memref<1536xf32, #tpu.memory_space<vmem>>, vector<16xf32>,
      %get3A_992 = vector.shape_cast %get3A_991 : vector<16xf32> to vector<16xf32>
      %add3A_993 = arith.addf %add3A_985, %get3A_992 : vector<16xf32>
      %eq3A_994 = arith.constant 10 : i32
      %eq3A_995 = vector.broadcast %eq3A_994 : i32 to vector<16xi32>
      %eq3A_996 = arith.cmpi eq, %iota3A, %eq3A_995 : vector<16xi32>
      %slice3A_997 = vector.extract_strided_slice %add3A_993 {offsets = [0], sizes = [1], strides = [1]} : vector<16xf32> to vector<1xf32>
      %squeeze3A_998 = vector.extract %slice3A_997[0] : f32 from vector<1xf32>
      %broadcast_in_dim3A_999 = vector.broadcast %squeeze3A_998 : f32 to vector<16xf32>
      %select_n3A_1000 = arith.select %eq3A_996, %broadcast_in_dim3A_999, %select_n3A_922 : vector<16xi1>, vector<16xf32>
      %add3A_1001 = arith.constant 11 : i32
      %add3A_1002 = arith.addi %mul3A_142, %add3A_1001 : i32
      %get3A_1003 = arith.index_cast %add3A_1002 : i32 to index
      %get3A_1004 = arith.constant 0 : index
      %get3A_1005 = tpu.vector_load %arg9[%get3A_1003, %get3A_1004] {strides = array<i32>} : memref<256x128xf32, #tpu.memory_space<vmem>>, vector<1x16xf32>,
      %get3A_1006 = vector.shape_cast %get3A_1005 : vector<1x16xf32> to vector<16xf32>
      %get3A_1007 = arith.index_cast %add3A_1002 : i32 to index
      %get3A_1008 = arith.constant 64 : index
      %get3A_1009 = tpu.vector_load %arg10[%get3A_1007, %get3A_1008] {strides = array<i32>} : memref<256x128xf32, #tpu.memory_space<vmem>>, vector<1x16xf32>,
      %get3A_1010 = vector.shape_cast %get3A_1009 : vector<1x16xf32> to vector<16xf32>
      %mul3A_1011 = arith.mulf %get3A_1006, %get3A_1010 : vector<16xf32>
      %get3A_1012 = arith.index_cast %add3A_1002 : i32 to index
      %get3A_1013 = arith.constant 16 : index
      %get3A_1014 = tpu.vector_load %arg9[%get3A_1012, %get3A_1013] {strides = array<i32>} : memref<256x128xf32, #tpu.memory_space<vmem>>, vector<1x16xf32>,
      %get3A_1015 = vector.shape_cast %get3A_1014 : vector<1x16xf32> to vector<16xf32>
      %get3A_1016 = arith.index_cast %add3A_1002 : i32 to index
      %get3A_1017 = arith.constant 80 : index
      %get3A_1018 = tpu.vector_load %arg10[%get3A_1016, %get3A_1017] {strides = array<i32>} : memref<256x128xf32, #tpu.memory_space<vmem>>, vector<1x16xf32>,
      %get3A_1019 = vector.shape_cast %get3A_1018 : vector<1x16xf32> to vector<16xf32>
      %mul3A_1020 = arith.mulf %get3A_1015, %get3A_1019 : vector<16xf32>
      %add3A_1021 = arith.addf %mul3A_1011, %mul3A_1020 : vector<16xf32>
      %get3A_1022 = arith.index_cast %add3A_1002 : i32 to index
      %get3A_1023 = arith.constant 32 : index
      %get3A_1024 = tpu.vector_load %arg9[%get3A_1022, %get3A_1023] {strides = array<i32>} : memref<256x128xf32, #tpu.memory_space<vmem>>, vector<1x16xf32>,
      %get3A_1025 = vector.shape_cast %get3A_1024 : vector<1x16xf32> to vector<16xf32>
      %get3A_1026 = arith.index_cast %add3A_1002 : i32 to index
      %get3A_1027 = arith.constant 96 : index
      %get3A_1028 = tpu.vector_load %arg10[%get3A_1026, %get3A_1027] {strides = array<i32>} : memref<256x128xf32, #tpu.memory_space<vmem>>, vector<1x16xf32>,
      %get3A_1029 = vector.shape_cast %get3A_1028 : vector<1x16xf32> to vector<16xf32>
      %mul3A_1030 = arith.mulf %get3A_1025, %get3A_1029 : vector<16xf32>
      %add3A_1031 = arith.addf %add3A_1021, %mul3A_1030 : vector<16xf32>
      %get3A_1032 = arith.index_cast %add3A_1002 : i32 to index
      %get3A_1033 = arith.constant 48 : index
      %get3A_1034 = tpu.vector_load %arg9[%get3A_1032, %get3A_1033] {strides = array<i32>} : memref<256x128xf32, #tpu.memory_space<vmem>>, vector<1x16xf32>,
      %get3A_1035 = vector.shape_cast %get3A_1034 : vector<1x16xf32> to vector<16xf32>
      %get3A_1036 = arith.index_cast %add3A_1002 : i32 to index
      %get3A_1037 = arith.constant 112 : index
      %get3A_1038 = tpu.vector_load %arg10[%get3A_1036, %get3A_1037] {strides = array<i32>} : memref<256x128xf32, #tpu.memory_space<vmem>>, vector<1x16xf32>,
      %get3A_1039 = vector.shape_cast %get3A_1038 : vector<1x16xf32> to vector<16xf32>
      %mul3A_1040 = arith.mulf %get3A_1035, %get3A_1039 : vector<16xf32>
      %add3A_1041 = arith.addf %add3A_1031, %mul3A_1040 : vector<16xf32>
      %rev3A_1042 = arith.constant 15 : i32
      %rev3A_1043 = vector.broadcast %rev3A_1042 : i32 to vector<16xi32>
      %rev3A_1044 = tpu.iota {dimensions = array<i32: 0>} : vector<16xi32>
      %rev3A_1045 = arith.subi %rev3A_1043, %rev3A_1044 : vector<16xi32>
      %rev3A_1046 = tpu.dynamic_gather %add3A_1041[%rev3A_1045] in [0] : vector<16xf32>, vector<16xi32> -> vector<16xf32>
      %add3A_1047 = arith.addf %add3A_1041, %rev3A_1046 : vector<16xf32>
      %swap3A_1048 = arith.constant 352 : index
      %swap3A_1049 = tpu.vector_load %arg12[%swap3A_1048] {strides = array<i32>} : memref<1536xf32, #tpu.memory_space<vmem>>, vector<16xf32>,
      %swap3A_1050 = vector.shape_cast %swap3A_1049 : vector<16xf32> to vector<16xf32>
      %swap3A_1051 = vector.shape_cast %add3A_1047 : vector<16xf32> to vector<16xf32>
      tpu.vector_store %arg12[%swap3A_1048], %swap3A_1051 {strides = array<i32>} : memref<1536xf32, #tpu.memory_space<vmem>>, vector<16xf32>,
      %get3A_1052 = arith.constant 356 : index
      %get3A_1053 = tpu.vector_load %arg12[%get3A_1052] {strides = array<i32>} : memref<1536xf32, #tpu.memory_space<vmem>>, vector<16xf32>,
      %get3A_1054 = vector.shape_cast %get3A_1053 : vector<16xf32> to vector<16xf32>
      %add3A_1055 = arith.addf %add3A_1047, %get3A_1054 : vector<16xf32>
      %swap3A_1056 = arith.constant 864 : index
      %swap3A_1057 = tpu.vector_load %arg12[%swap3A_1056] {strides = array<i32>} : memref<1536xf32, #tpu.memory_space<vmem>>, vector<16xf32>,
      %swap3A_1058 = vector.shape_cast %swap3A_1057 : vector<16xf32> to vector<16xf32>
      %swap3A_1059 = vector.shape_cast %add3A_1055 : vector<16xf32> to vector<16xf32>
      tpu.vector_store %arg12[%swap3A_1056], %swap3A_1059 {strides = array<i32>} : memref<1536xf32, #tpu.memory_space<vmem>>, vector<16xf32>,
      %get3A_1060 = arith.constant 866 : index
      %get3A_1061 = tpu.vector_load %arg12[%get3A_1060] {strides = array<i32>} : memref<1536xf32, #tpu.memory_space<vmem>>, vector<16xf32>,
      %get3A_1062 = vector.shape_cast %get3A_1061 : vector<16xf32> to vector<16xf32>
      %add3A_1063 = arith.addf %add3A_1055, %get3A_1062 : vector<16xf32>
      %swap3A_1064 = arith.constant 1376 : index
      %swap3A_1065 = tpu.vector_load %arg12[%swap3A_1064] {strides = array<i32>} : memref<1536xf32, #tpu.memory_space<vmem>>, vector<16xf32>,
      %swap3A_1066 = vector.shape_cast %swap3A_1065 : vector<16xf32> to vector<16xf32>
      %swap3A_1067 = vector.shape_cast %add3A_1063 : vector<16xf32> to vector<16xf32>
      tpu.vector_store %arg12[%swap3A_1064], %swap3A_1067 {strides = array<i32>} : memref<1536xf32, #tpu.memory_space<vmem>>, vector<16xf32>,
      %get3A_1068 = arith.constant 1377 : index
      %get3A_1069 = tpu.vector_load %arg12[%get3A_1068] {strides = array<i32>} : memref<1536xf32, #tpu.memory_space<vmem>>, vector<16xf32>,
      %get3A_1070 = vector.shape_cast %get3A_1069 : vector<16xf32> to vector<16xf32>
      %add3A_1071 = arith.addf %add3A_1063, %get3A_1070 : vector<16xf32>
      %eq3A_1072 = arith.constant 11 : i32
      %eq3A_1073 = vector.broadcast %eq3A_1072 : i32 to vector<16xi32>
      %eq3A_1074 = arith.cmpi eq, %iota3A, %eq3A_1073 : vector<16xi32>
      %slice3A_1075 = vector.extract_strided_slice %add3A_1071 {offsets = [0], sizes = [1], strides = [1]} : vector<16xf32> to vector<1xf32>
      %squeeze3A_1076 = vector.extract %slice3A_1075[0] : f32 from vector<1xf32>
      %broadcast_in_dim3A_1077 = vector.broadcast %squeeze3A_1076 : f32 to vector<16xf32>
      %select_n3A_1078 = arith.select %eq3A_1074, %broadcast_in_dim3A_1077, %select_n3A_1000 : vector<16xi1>, vector<16xf32>
      %add3A_1079 = arith.constant 12 : i32
      %add3A_1080 = arith.addi %mul3A_142, %add3A_1079 : i32
      %get3A_1081 = arith.index_cast %add3A_1080 : i32 to index
      %get3A_1082 = arith.constant 0 : index
      %get3A_1083 = tpu.vector_load %arg9[%get3A_1081, %get3A_1082] {strides = array<i32>} : memref<256x128xf32, #tpu.memory_space<vmem>>, vector<1x16xf32>,
      %get3A_1084 = vector.shape_cast %get3A_1083 : vector<1x16xf32> to vector<16xf32>
      %get3A_1085 = arith.index_cast %add3A_1080 : i32 to index
      %get3A_1086 = arith.constant 64 : index
      %get3A_1087 = tpu.vector_load %arg10[%get3A_1085, %get3A_1086] {strides = array<i32>} : memref<256x128xf32, #tpu.memory_space<vmem>>, vector<1x16xf32>,
      %get3A_1088 = vector.shape_cast %get3A_1087 : vector<1x16xf32> to vector<16xf32>
      %mul3A_1089 = arith.mulf %get3A_1084, %get3A_1088 : vector<16xf32>
      %get3A_1090 = arith.index_cast %add3A_1080 : i32 to index
      %get3A_1091 = arith.constant 16 : index
      %get3A_1092 = tpu.vector_load %arg9[%get3A_1090, %get3A_1091] {strides = array<i32>} : memref<256x128xf32, #tpu.memory_space<vmem>>, vector<1x16xf32>,
      %get3A_1093 = vector.shape_cast %get3A_1092 : vector<1x16xf32> to vector<16xf32>
      %get3A_1094 = arith.index_cast %add3A_1080 : i32 to index
      %get3A_1095 = arith.constant 80 : index
      %get3A_1096 = tpu.vector_load %arg10[%get3A_1094, %get3A_1095] {strides = array<i32>} : memref<256x128xf32, #tpu.memory_space<vmem>>, vector<1x16xf32>,
      %get3A_1097 = vector.shape_cast %get3A_1096 : vector<1x16xf32> to vector<16xf32>
      %mul3A_1098 = arith.mulf %get3A_1093, %get3A_1097 : vector<16xf32>
      %add3A_1099 = arith.addf %mul3A_1089, %mul3A_1098 : vector<16xf32>
      %get3A_1100 = arith.index_cast %add3A_1080 : i32 to index
      %get3A_1101 = arith.constant 32 : index
      %get3A_1102 = tpu.vector_load %arg9[%get3A_1100, %get3A_1101] {strides = array<i32>} : memref<256x128xf32, #tpu.memory_space<vmem>>, vector<1x16xf32>,
      %get3A_1103 = vector.shape_cast %get3A_1102 : vector<1x16xf32> to vector<16xf32>
      %get3A_1104 = arith.index_cast %add3A_1080 : i32 to index
      %get3A_1105 = arith.constant 96 : index
      %get3A_1106 = tpu.vector_load %arg10[%get3A_1104, %get3A_1105] {strides = array<i32>} : memref<256x128xf32, #tpu.memory_space<vmem>>, vector<1x16xf32>,
      %get3A_1107 = vector.shape_cast %get3A_1106 : vector<1x16xf32> to vector<16xf32>
      %mul3A_1108 = arith.mulf %get3A_1103, %get3A_1107 : vector<16xf32>
      %add3A_1109 = arith.addf %add3A_1099, %mul3A_1108 : vector<16xf32>
      %get3A_1110 = arith.index_cast %add3A_1080 : i32 to index
      %get3A_1111 = arith.constant 48 : index
      %get3A_1112 = tpu.vector_load %arg9[%get3A_1110, %get3A_1111] {strides = array<i32>} : memref<256x128xf32, #tpu.memory_space<vmem>>, vector<1x16xf32>,
      %get3A_1113 = vector.shape_cast %get3A_1112 : vector<1x16xf32> to vector<16xf32>
      %get3A_1114 = arith.index_cast %add3A_1080 : i32 to index
      %get3A_1115 = arith.constant 112 : index
      %get3A_1116 = tpu.vector_load %arg10[%get3A_1114, %get3A_1115] {strides = array<i32>} : memref<256x128xf32, #tpu.memory_space<vmem>>, vector<1x16xf32>,
      %get3A_1117 = vector.shape_cast %get3A_1116 : vector<1x16xf32> to vector<16xf32>
      %mul3A_1118 = arith.mulf %get3A_1113, %get3A_1117 : vector<16xf32>
      %add3A_1119 = arith.addf %add3A_1109, %mul3A_1118 : vector<16xf32>
      %rev3A_1120 = arith.constant 15 : i32
      %rev3A_1121 = vector.broadcast %rev3A_1120 : i32 to vector<16xi32>
      %rev3A_1122 = tpu.iota {dimensions = array<i32: 0>} : vector<16xi32>
      %rev3A_1123 = arith.subi %rev3A_1121, %rev3A_1122 : vector<16xi32>
      %rev3A_1124 = tpu.dynamic_gather %add3A_1119[%rev3A_1123] in [0] : vector<16xf32>, vector<16xi32> -> vector<16xf32>
      %add3A_1125 = arith.addf %add3A_1119, %rev3A_1124 : vector<16xf32>
      %swap3A_1126 = arith.constant 384 : index
      %swap3A_1127 = tpu.vector_load %arg12[%swap3A_1126] {strides = array<i32>} : memref<1536xf32, #tpu.memory_space<vmem>>, vector<16xf32>,
      %swap3A_1128 = vector.shape_cast %swap3A_1127 : vector<16xf32> to vector<16xf32>
      %swap3A_1129 = vector.shape_cast %add3A_1125 : vector<16xf32> to vector<16xf32>
      tpu.vector_store %arg12[%swap3A_1126], %swap3A_1129 {strides = array<i32>} : memref<1536xf32, #tpu.memory_space<vmem>>, vector<16xf32>,
      %get3A_1130 = arith.constant 388 : index
      %get3A_1131 = tpu.vector_load %arg12[%get3A_1130] {strides = array<i32>} : memref<1536xf32, #tpu.memory_space<vmem>>, vector<16xf32>,
      %get3A_1132 = vector.shape_cast %get3A_1131 : vector<16xf32> to vector<16xf32>
      %add3A_1133 = arith.addf %add3A_1125, %get3A_1132 : vector<16xf32>
      %swap3A_1134 = arith.constant 896 : index
      %swap3A_1135 = tpu.vector_load %arg12[%swap3A_1134] {strides = array<i32>} : memref<1536xf32, #tpu.memory_space<vmem>>, vector<16xf32>,
      %swap3A_1136 = vector.shape_cast %swap3A_1135 : vector<16xf32> to vector<16xf32>
      %swap3A_1137 = vector.shape_cast %add3A_1133 : vector<16xf32> to vector<16xf32>
      tpu.vector_store %arg12[%swap3A_1134], %swap3A_1137 {strides = array<i32>} : memref<1536xf32, #tpu.memory_space<vmem>>, vector<16xf32>,
      %get3A_1138 = arith.constant 898 : index
      %get3A_1139 = tpu.vector_load %arg12[%get3A_1138] {strides = array<i32>} : memref<1536xf32, #tpu.memory_space<vmem>>, vector<16xf32>,
      %get3A_1140 = vector.shape_cast %get3A_1139 : vector<16xf32> to vector<16xf32>
      %add3A_1141 = arith.addf %add3A_1133, %get3A_1140 : vector<16xf32>
      %swap3A_1142 = arith.constant 1408 : index
      %swap3A_1143 = tpu.vector_load %arg12[%swap3A_1142] {strides = array<i32>} : memref<1536xf32, #tpu.memory_space<vmem>>, vector<16xf32>,
      %swap3A_1144 = vector.shape_cast %swap3A_1143 : vector<16xf32> to vector<16xf32>
      %swap3A_1145 = vector.shape_cast %add3A_1141 : vector<16xf32> to vector<16xf32>
      tpu.vector_store %arg12[%swap3A_1142], %swap3A_1145 {strides = array<i32>} : memref<1536xf32, #tpu.memory_space<vmem>>, vector<16xf32>,
      %get3A_1146 = arith.constant 1409 : index
      %get3A_1147 = tpu.vector_load %arg12[%get3A_1146] {strides = array<i32>} : memref<1536xf32, #tpu.memory_space<vmem>>, vector<16xf32>,
      %get3A_1148 = vector.shape_cast %get3A_1147 : vector<16xf32> to vector<16xf32>
      %add3A_1149 = arith.addf %add3A_1141, %get3A_1148 : vector<16xf32>
      %eq3A_1150 = arith.constant 12 : i32
      %eq3A_1151 = vector.broadcast %eq3A_1150 : i32 to vector<16xi32>
      %eq3A_1152 = arith.cmpi eq, %iota3A, %eq3A_1151 : vector<16xi32>
      %slice3A_1153 = vector.extract_strided_slice %add3A_1149 {offsets = [0], sizes = [1], strides = [1]} : vector<16xf32> to vector<1xf32>
      %squeeze3A_1154 = vector.extract %slice3A_1153[0] : f32 from vector<1xf32>
      %broadcast_in_dim3A_1155 = vector.broadcast %squeeze3A_1154 : f32 to vector<16xf32>
      %select_n3A_1156 = arith.select %eq3A_1152, %broadcast_in_dim3A_1155, %select_n3A_1078 : vector<16xi1>, vector<16xf32>
      %add3A_1157 = arith.constant 13 : i32
      %add3A_1158 = arith.addi %mul3A_142, %add3A_1157 : i32
      %get3A_1159 = arith.index_cast %add3A_1158 : i32 to index
      %get3A_1160 = arith.constant 0 : index
      %get3A_1161 = tpu.vector_load %arg9[%get3A_1159, %get3A_1160] {strides = array<i32>} : memref<256x128xf32, #tpu.memory_space<vmem>>, vector<1x16xf32>,
      %get3A_1162 = vector.shape_cast %get3A_1161 : vector<1x16xf32> to vector<16xf32>
      %get3A_1163 = arith.index_cast %add3A_1158 : i32 to index
      %get3A_1164 = arith.constant 64 : index
      %get3A_1165 = tpu.vector_load %arg10[%get3A_1163, %get3A_1164] {strides = array<i32>} : memref<256x128xf32, #tpu.memory_space<vmem>>, vector<1x16xf32>,
      %get3A_1166 = vector.shape_cast %get3A_1165 : vector<1x16xf32> to vector<16xf32>
      %mul3A_1167 = arith.mulf %get3A_1162, %get3A_1166 : vector<16xf32>
      %get3A_1168 = arith.index_cast %add3A_1158 : i32 to index
      %get3A_1169 = arith.constant 16 : index
      %get3A_1170 = tpu.vector_load %arg9[%get3A_1168, %get3A_1169] {strides = array<i32>} : memref<256x128xf32, #tpu.memory_space<vmem>>, vector<1x16xf32>,
      %get3A_1171 = vector.shape_cast %get3A_1170 : vector<1x16xf32> to vector<16xf32>
      %get3A_1172 = arith.index_cast %add3A_1158 : i32 to index
      %get3A_1173 = arith.constant 80 : index
      %get3A_1174 = tpu.vector_load %arg10[%get3A_1172, %get3A_1173] {strides = array<i32>} : memref<256x128xf32, #tpu.memory_space<vmem>>, vector<1x16xf32>,
      %get3A_1175 = vector.shape_cast %get3A_1174 : vector<1x16xf32> to vector<16xf32>
      %mul3A_1176 = arith.mulf %get3A_1171, %get3A_1175 : vector<16xf32>
      %add3A_1177 = arith.addf %mul3A_1167, %mul3A_1176 : vector<16xf32>
      %get3A_1178 = arith.index_cast %add3A_1158 : i32 to index
      %get3A_1179 = arith.constant 32 : index
      %get3A_1180 = tpu.vector_load %arg9[%get3A_1178, %get3A_1179] {strides = array<i32>} : memref<256x128xf32, #tpu.memory_space<vmem>>, vector<1x16xf32>,
      %get3A_1181 = vector.shape_cast %get3A_1180 : vector<1x16xf32> to vector<16xf32>
      %get3A_1182 = arith.index_cast %add3A_1158 : i32 to index
      %get3A_1183 = arith.constant 96 : index
      %get3A_1184 = tpu.vector_load %arg10[%get3A_1182, %get3A_1183] {strides = array<i32>} : memref<256x128xf32, #tpu.memory_space<vmem>>, vector<1x16xf32>,
      %get3A_1185 = vector.shape_cast %get3A_1184 : vector<1x16xf32> to vector<16xf32>
      %mul3A_1186 = arith.mulf %get3A_1181, %get3A_1185 : vector<16xf32>
      %add3A_1187 = arith.addf %add3A_1177, %mul3A_1186 : vector<16xf32>
      %get3A_1188 = arith.index_cast %add3A_1158 : i32 to index
      %get3A_1189 = arith.constant 48 : index
      %get3A_1190 = tpu.vector_load %arg9[%get3A_1188, %get3A_1189] {strides = array<i32>} : memref<256x128xf32, #tpu.memory_space<vmem>>, vector<1x16xf32>,
      %get3A_1191 = vector.shape_cast %get3A_1190 : vector<1x16xf32> to vector<16xf32>
      %get3A_1192 = arith.index_cast %add3A_1158 : i32 to index
      %get3A_1193 = arith.constant 112 : index
      %get3A_1194 = tpu.vector_load %arg10[%get3A_1192, %get3A_1193] {strides = array<i32>} : memref<256x128xf32, #tpu.memory_space<vmem>>, vector<1x16xf32>,
      %get3A_1195 = vector.shape_cast %get3A_1194 : vector<1x16xf32> to vector<16xf32>
      %mul3A_1196 = arith.mulf %get3A_1191, %get3A_1195 : vector<16xf32>
      %add3A_1197 = arith.addf %add3A_1187, %mul3A_1196 : vector<16xf32>
      %rev3A_1198 = arith.constant 15 : i32
      %rev3A_1199 = vector.broadcast %rev3A_1198 : i32 to vector<16xi32>
      %rev3A_1200 = tpu.iota {dimensions = array<i32: 0>} : vector<16xi32>
      %rev3A_1201 = arith.subi %rev3A_1199, %rev3A_1200 : vector<16xi32>
      %rev3A_1202 = tpu.dynamic_gather %add3A_1197[%rev3A_1201] in [0] : vector<16xf32>, vector<16xi32> -> vector<16xf32>
      %add3A_1203 = arith.addf %add3A_1197, %rev3A_1202 : vector<16xf32>
      %swap3A_1204 = arith.constant 416 : index
      %swap3A_1205 = tpu.vector_load %arg12[%swap3A_1204] {strides = array<i32>} : memref<1536xf32, #tpu.memory_space<vmem>>, vector<16xf32>,
      %swap3A_1206 = vector.shape_cast %swap3A_1205 : vector<16xf32> to vector<16xf32>
      %swap3A_1207 = vector.shape_cast %add3A_1203 : vector<16xf32> to vector<16xf32>
      tpu.vector_store %arg12[%swap3A_1204], %swap3A_1207 {strides = array<i32>} : memref<1536xf32, #tpu.memory_space<vmem>>, vector<16xf32>,
      %get3A_1208 = arith.constant 420 : index
      %get3A_1209 = tpu.vector_load %arg12[%get3A_1208] {strides = array<i32>} : memref<1536xf32, #tpu.memory_space<vmem>>, vector<16xf32>,
      %get3A_1210 = vector.shape_cast %get3A_1209 : vector<16xf32> to vector<16xf32>
      %add3A_1211 = arith.addf %add3A_1203, %get3A_1210 : vector<16xf32>
      %swap3A_1212 = arith.constant 928 : index
      %swap3A_1213 = tpu.vector_load %arg12[%swap3A_1212] {strides = array<i32>} : memref<1536xf32, #tpu.memory_space<vmem>>, vector<16xf32>,
      %swap3A_1214 = vector.shape_cast %swap3A_1213 : vector<16xf32> to vector<16xf32>
      %swap3A_1215 = vector.shape_cast %add3A_1211 : vector<16xf32> to vector<16xf32>
      tpu.vector_store %arg12[%swap3A_1212], %swap3A_1215 {strides = array<i32>} : memref<1536xf32, #tpu.memory_space<vmem>>, vector<16xf32>,
      %get3A_1216 = arith.constant 930 : index
      %get3A_1217 = tpu.vector_load %arg12[%get3A_1216] {strides = array<i32>} : memref<1536xf32, #tpu.memory_space<vmem>>, vector<16xf32>,
      %get3A_1218 = vector.shape_cast %get3A_1217 : vector<16xf32> to vector<16xf32>
      %add3A_1219 = arith.addf %add3A_1211, %get3A_1218 : vector<16xf32>
      %swap3A_1220 = arith.constant 1440 : index
      %swap3A_1221 = tpu.vector_load %arg12[%swap3A_1220] {strides = array<i32>} : memref<1536xf32, #tpu.memory_space<vmem>>, vector<16xf32>,
      %swap3A_1222 = vector.shape_cast %swap3A_1221 : vector<16xf32> to vector<16xf32>
      %swap3A_1223 = vector.shape_cast %add3A_1219 : vector<16xf32> to vector<16xf32>
      tpu.vector_store %arg12[%swap3A_1220], %swap3A_1223 {strides = array<i32>} : memref<1536xf32, #tpu.memory_space<vmem>>, vector<16xf32>,
      %get3A_1224 = arith.constant 1441 : index
      %get3A_1225 = tpu.vector_load %arg12[%get3A_1224] {strides = array<i32>} : memref<1536xf32, #tpu.memory_space<vmem>>, vector<16xf32>,
      %get3A_1226 = vector.shape_cast %get3A_1225 : vector<16xf32> to vector<16xf32>
      %add3A_1227 = arith.addf %add3A_1219, %get3A_1226 : vector<16xf32>
      %eq3A_1228 = arith.constant 13 : i32
      %eq3A_1229 = vector.broadcast %eq3A_1228 : i32 to vector<16xi32>
      %eq3A_1230 = arith.cmpi eq, %iota3A, %eq3A_1229 : vector<16xi32>
      %slice3A_1231 = vector.extract_strided_slice %add3A_1227 {offsets = [0], sizes = [1], strides = [1]} : vector<16xf32> to vector<1xf32>
      %squeeze3A_1232 = vector.extract %slice3A_1231[0] : f32 from vector<1xf32>
      %broadcast_in_dim3A_1233 = vector.broadcast %squeeze3A_1232 : f32 to vector<16xf32>
      %select_n3A_1234 = arith.select %eq3A_1230, %broadcast_in_dim3A_1233, %select_n3A_1156 : vector<16xi1>, vector<16xf32>
      %add3A_1235 = arith.constant 14 : i32
      %add3A_1236 = arith.addi %mul3A_142, %add3A_1235 : i32
      %get3A_1237 = arith.index_cast %add3A_1236 : i32 to index
      %get3A_1238 = arith.constant 0 : index
      %get3A_1239 = tpu.vector_load %arg9[%get3A_1237, %get3A_1238] {strides = array<i32>} : memref<256x128xf32, #tpu.memory_space<vmem>>, vector<1x16xf32>,
      %get3A_1240 = vector.shape_cast %get3A_1239 : vector<1x16xf32> to vector<16xf32>
      %get3A_1241 = arith.index_cast %add3A_1236 : i32 to index
      %get3A_1242 = arith.constant 64 : index
      %get3A_1243 = tpu.vector_load %arg10[%get3A_1241, %get3A_1242] {strides = array<i32>} : memref<256x128xf32, #tpu.memory_space<vmem>>, vector<1x16xf32>,
      %get3A_1244 = vector.shape_cast %get3A_1243 : vector<1x16xf32> to vector<16xf32>
      %mul3A_1245 = arith.mulf %get3A_1240, %get3A_1244 : vector<16xf32>
      %get3A_1246 = arith.index_cast %add3A_1236 : i32 to index
      %get3A_1247 = arith.constant 16 : index
      %get3A_1248 = tpu.vector_load %arg9[%get3A_1246, %get3A_1247] {strides = array<i32>} : memref<256x128xf32, #tpu.memory_space<vmem>>, vector<1x16xf32>,
      %get3A_1249 = vector.shape_cast %get3A_1248 : vector<1x16xf32> to vector<16xf32>
      %get3A_1250 = arith.index_cast %add3A_1236 : i32 to index
      %get3A_1251 = arith.constant 80 : index
      %get3A_1252 = tpu.vector_load %arg10[%get3A_1250, %get3A_1251] {strides = array<i32>} : memref<256x128xf32, #tpu.memory_space<vmem>>, vector<1x16xf32>,
      %get3A_1253 = vector.shape_cast %get3A_1252 : vector<1x16xf32> to vector<16xf32>
      %mul3A_1254 = arith.mulf %get3A_1249, %get3A_1253 : vector<16xf32>
      %add3A_1255 = arith.addf %mul3A_1245, %mul3A_1254 : vector<16xf32>
      %get3A_1256 = arith.index_cast %add3A_1236 : i32 to index
      %get3A_1257 = arith.constant 32 : index
      %get3A_1258 = tpu.vector_load %arg9[%get3A_1256, %get3A_1257] {strides = array<i32>} : memref<256x128xf32, #tpu.memory_space<vmem>>, vector<1x16xf32>,
      %get3A_1259 = vector.shape_cast %get3A_1258 : vector<1x16xf32> to vector<16xf32>
      %get3A_1260 = arith.index_cast %add3A_1236 : i32 to index
      %get3A_1261 = arith.constant 96 : index
      %get3A_1262 = tpu.vector_load %arg10[%get3A_1260, %get3A_1261] {strides = array<i32>} : memref<256x128xf32, #tpu.memory_space<vmem>>, vector<1x16xf32>,
      %get3A_1263 = vector.shape_cast %get3A_1262 : vector<1x16xf32> to vector<16xf32>
      %mul3A_1264 = arith.mulf %get3A_1259, %get3A_1263 : vector<16xf32>
      %add3A_1265 = arith.addf %add3A_1255, %mul3A_1264 : vector<16xf32>
      %get3A_1266 = arith.index_cast %add3A_1236 : i32 to index
      %get3A_1267 = arith.constant 48 : index
      %get3A_1268 = tpu.vector_load %arg9[%get3A_1266, %get3A_1267] {strides = array<i32>} : memref<256x128xf32, #tpu.memory_space<vmem>>, vector<1x16xf32>,
      %get3A_1269 = vector.shape_cast %get3A_1268 : vector<1x16xf32> to vector<16xf32>
      %get3A_1270 = arith.index_cast %add3A_1236 : i32 to index
      %get3A_1271 = arith.constant 112 : index
      %get3A_1272 = tpu.vector_load %arg10[%get3A_1270, %get3A_1271] {strides = array<i32>} : memref<256x128xf32, #tpu.memory_space<vmem>>, vector<1x16xf32>,
      %get3A_1273 = vector.shape_cast %get3A_1272 : vector<1x16xf32> to vector<16xf32>
      %mul3A_1274 = arith.mulf %get3A_1269, %get3A_1273 : vector<16xf32>
      %add3A_1275 = arith.addf %add3A_1265, %mul3A_1274 : vector<16xf32>
      %rev3A_1276 = arith.constant 15 : i32
      %rev3A_1277 = vector.broadcast %rev3A_1276 : i32 to vector<16xi32>
      %rev3A_1278 = tpu.iota {dimensions = array<i32: 0>} : vector<16xi32>
      %rev3A_1279 = arith.subi %rev3A_1277, %rev3A_1278 : vector<16xi32>
      %rev3A_1280 = tpu.dynamic_gather %add3A_1275[%rev3A_1279] in [0] : vector<16xf32>, vector<16xi32> -> vector<16xf32>
      %add3A_1281 = arith.addf %add3A_1275, %rev3A_1280 : vector<16xf32>
      %swap3A_1282 = arith.constant 448 : index
      %swap3A_1283 = tpu.vector_load %arg12[%swap3A_1282] {strides = array<i32>} : memref<1536xf32, #tpu.memory_space<vmem>>, vector<16xf32>,
      %swap3A_1284 = vector.shape_cast %swap3A_1283 : vector<16xf32> to vector<16xf32>
      %swap3A_1285 = vector.shape_cast %add3A_1281 : vector<16xf32> to vector<16xf32>
      tpu.vector_store %arg12[%swap3A_1282], %swap3A_1285 {strides = array<i32>} : memref<1536xf32, #tpu.memory_space<vmem>>, vector<16xf32>,
      %get3A_1286 = arith.constant 452 : index
      %get3A_1287 = tpu.vector_load %arg12[%get3A_1286] {strides = array<i32>} : memref<1536xf32, #tpu.memory_space<vmem>>, vector<16xf32>,
      %get3A_1288 = vector.shape_cast %get3A_1287 : vector<16xf32> to vector<16xf32>
      %add3A_1289 = arith.addf %add3A_1281, %get3A_1288 : vector<16xf32>
      %swap3A_1290 = arith.constant 960 : index
      %swap3A_1291 = tpu.vector_load %arg12[%swap3A_1290] {strides = array<i32>} : memref<1536xf32, #tpu.memory_space<vmem>>, vector<16xf32>,
      %swap3A_1292 = vector.shape_cast %swap3A_1291 : vector<16xf32> to vector<16xf32>
      %swap3A_1293 = vector.shape_cast %add3A_1289 : vector<16xf32> to vector<16xf32>
      tpu.vector_store %arg12[%swap3A_1290], %swap3A_1293 {strides = array<i32>} : memref<1536xf32, #tpu.memory_space<vmem>>, vector<16xf32>,
      %get3A_1294 = arith.constant 962 : index
      %get3A_1295 = tpu.vector_load %arg12[%get3A_1294] {strides = array<i32>} : memref<1536xf32, #tpu.memory_space<vmem>>, vector<16xf32>,
      %get3A_1296 = vector.shape_cast %get3A_1295 : vector<16xf32> to vector<16xf32>
      %add3A_1297 = arith.addf %add3A_1289, %get3A_1296 : vector<16xf32>
      %swap3A_1298 = arith.constant 1472 : index
      %swap3A_1299 = tpu.vector_load %arg12[%swap3A_1298] {strides = array<i32>} : memref<1536xf32, #tpu.memory_space<vmem>>, vector<16xf32>,
      %swap3A_1300 = vector.shape_cast %swap3A_1299 : vector<16xf32> to vector<16xf32>
      %swap3A_1301 = vector.shape_cast %add3A_1297 : vector<16xf32> to vector<16xf32>
      tpu.vector_store %arg12[%swap3A_1298], %swap3A_1301 {strides = array<i32>} : memref<1536xf32, #tpu.memory_space<vmem>>, vector<16xf32>,
      %get3A_1302 = arith.constant 1473 : index
      %get3A_1303 = tpu.vector_load %arg12[%get3A_1302] {strides = array<i32>} : memref<1536xf32, #tpu.memory_space<vmem>>, vector<16xf32>,
      %get3A_1304 = vector.shape_cast %get3A_1303 : vector<16xf32> to vector<16xf32>
      %add3A_1305 = arith.addf %add3A_1297, %get3A_1304 : vector<16xf32>
      %eq3A_1306 = arith.constant 14 : i32
      %eq3A_1307 = vector.broadcast %eq3A_1306 : i32 to vector<16xi32>
      %eq3A_1308 = arith.cmpi eq, %iota3A, %eq3A_1307 : vector<16xi32>
      %slice3A_1309 = vector.extract_strided_slice %add3A_1305 {offsets = [0], sizes = [1], strides = [1]} : vector<16xf32> to vector<1xf32>
      %squeeze3A_1310 = vector.extract %slice3A_1309[0] : f32 from vector<1xf32>
      %broadcast_in_dim3A_1311 = vector.broadcast %squeeze3A_1310 : f32 to vector<16xf32>
      %select_n3A_1312 = arith.select %eq3A_1308, %broadcast_in_dim3A_1311, %select_n3A_1234 : vector<16xi1>, vector<16xf32>
      %add3A_1313 = arith.constant 15 : i32
      %add3A_1314 = arith.addi %mul3A_142, %add3A_1313 : i32
      %get3A_1315 = arith.index_cast %add3A_1314 : i32 to index
      %get3A_1316 = arith.constant 0 : index
      %get3A_1317 = tpu.vector_load %arg9[%get3A_1315, %get3A_1316] {strides = array<i32>} : memref<256x128xf32, #tpu.memory_space<vmem>>, vector<1x16xf32>,
      %get3A_1318 = vector.shape_cast %get3A_1317 : vector<1x16xf32> to vector<16xf32>
      %get3A_1319 = arith.index_cast %add3A_1314 : i32 to index
      %get3A_1320 = arith.constant 64 : index
      %get3A_1321 = tpu.vector_load %arg10[%get3A_1319, %get3A_1320] {strides = array<i32>} : memref<256x128xf32, #tpu.memory_space<vmem>>, vector<1x16xf32>,
      %get3A_1322 = vector.shape_cast %get3A_1321 : vector<1x16xf32> to vector<16xf32>
      %mul3A_1323 = arith.mulf %get3A_1318, %get3A_1322 : vector<16xf32>
      %get3A_1324 = arith.index_cast %add3A_1314 : i32 to index
      %get3A_1325 = arith.constant 16 : index
      %get3A_1326 = tpu.vector_load %arg9[%get3A_1324, %get3A_1325] {strides = array<i32>} : memref<256x128xf32, #tpu.memory_space<vmem>>, vector<1x16xf32>,
      %get3A_1327 = vector.shape_cast %get3A_1326 : vector<1x16xf32> to vector<16xf32>
      %get3A_1328 = arith.index_cast %add3A_1314 : i32 to index
      %get3A_1329 = arith.constant 80 : index
      %get3A_1330 = tpu.vector_load %arg10[%get3A_1328, %get3A_1329] {strides = array<i32>} : memref<256x128xf32, #tpu.memory_space<vmem>>, vector<1x16xf32>,
      %get3A_1331 = vector.shape_cast %get3A_1330 : vector<1x16xf32> to vector<16xf32>
      %mul3A_1332 = arith.mulf %get3A_1327, %get3A_1331 : vector<16xf32>
      %add3A_1333 = arith.addf %mul3A_1323, %mul3A_1332 : vector<16xf32>
      %get3A_1334 = arith.index_cast %add3A_1314 : i32 to index
      %get3A_1335 = arith.constant 32 : index
      %get3A_1336 = tpu.vector_load %arg9[%get3A_1334, %get3A_1335] {strides = array<i32>} : memref<256x128xf32, #tpu.memory_space<vmem>>, vector<1x16xf32>,
      %get3A_1337 = vector.shape_cast %get3A_1336 : vector<1x16xf32> to vector<16xf32>
      %get3A_1338 = arith.index_cast %add3A_1314 : i32 to index
      %get3A_1339 = arith.constant 96 : index
      %get3A_1340 = tpu.vector_load %arg10[%get3A_1338, %get3A_1339] {strides = array<i32>} : memref<256x128xf32, #tpu.memory_space<vmem>>, vector<1x16xf32>,
      %get3A_1341 = vector.shape_cast %get3A_1340 : vector<1x16xf32> to vector<16xf32>
      %mul3A_1342 = arith.mulf %get3A_1337, %get3A_1341 : vector<16xf32>
      %add3A_1343 = arith.addf %add3A_1333, %mul3A_1342 : vector<16xf32>
      %get3A_1344 = arith.index_cast %add3A_1314 : i32 to index
      %get3A_1345 = arith.constant 48 : index
      %get3A_1346 = tpu.vector_load %arg9[%get3A_1344, %get3A_1345] {strides = array<i32>} : memref<256x128xf32, #tpu.memory_space<vmem>>, vector<1x16xf32>,
      %get3A_1347 = vector.shape_cast %get3A_1346 : vector<1x16xf32> to vector<16xf32>
      %get3A_1348 = arith.index_cast %add3A_1314 : i32 to index
      %get3A_1349 = arith.constant 112 : index
      %get3A_1350 = tpu.vector_load %arg10[%get3A_1348, %get3A_1349] {strides = array<i32>} : memref<256x128xf32, #tpu.memory_space<vmem>>, vector<1x16xf32>,
      %get3A_1351 = vector.shape_cast %get3A_1350 : vector<1x16xf32> to vector<16xf32>
      %mul3A_1352 = arith.mulf %get3A_1347, %get3A_1351 : vector<16xf32>
      %add3A_1353 = arith.addf %add3A_1343, %mul3A_1352 : vector<16xf32>
      %rev3A_1354 = arith.constant 15 : i32
      %rev3A_1355 = vector.broadcast %rev3A_1354 : i32 to vector<16xi32>
      %rev3A_1356 = tpu.iota {dimensions = array<i32: 0>} : vector<16xi32>
      %rev3A_1357 = arith.subi %rev3A_1355, %rev3A_1356 : vector<16xi32>
      %rev3A_1358 = tpu.dynamic_gather %add3A_1353[%rev3A_1357] in [0] : vector<16xf32>, vector<16xi32> -> vector<16xf32>
      %add3A_1359 = arith.addf %add3A_1353, %rev3A_1358 : vector<16xf32>
      %swap3A_1360 = arith.constant 480 : index
      %swap3A_1361 = tpu.vector_load %arg12[%swap3A_1360] {strides = array<i32>} : memref<1536xf32, #tpu.memory_space<vmem>>, vector<16xf32>,
      %swap3A_1362 = vector.shape_cast %swap3A_1361 : vector<16xf32> to vector<16xf32>
      %swap3A_1363 = vector.shape_cast %add3A_1359 : vector<16xf32> to vector<16xf32>
      tpu.vector_store %arg12[%swap3A_1360], %swap3A_1363 {strides = array<i32>} : memref<1536xf32, #tpu.memory_space<vmem>>, vector<16xf32>,
      %get3A_1364 = arith.constant 484 : index
      %get3A_1365 = tpu.vector_load %arg12[%get3A_1364] {strides = array<i32>} : memref<1536xf32, #tpu.memory_space<vmem>>, vector<16xf32>,
      %get3A_1366 = vector.shape_cast %get3A_1365 : vector<16xf32> to vector<16xf32>
      %add3A_1367 = arith.addf %add3A_1359, %get3A_1366 : vector<16xf32>
      %swap3A_1368 = arith.constant 992 : index
      %swap3A_1369 = tpu.vector_load %arg12[%swap3A_1368] {strides = array<i32>} : memref<1536xf32, #tpu.memory_space<vmem>>, vector<16xf32>,
      %swap3A_1370 = vector.shape_cast %swap3A_1369 : vector<16xf32> to vector<16xf32>
      %swap3A_1371 = vector.shape_cast %add3A_1367 : vector<16xf32> to vector<16xf32>
      tpu.vector_store %arg12[%swap3A_1368], %swap3A_1371 {strides = array<i32>} : memref<1536xf32, #tpu.memory_space<vmem>>, vector<16xf32>,
      %get3A_1372 = arith.constant 994 : index
      %get3A_1373 = tpu.vector_load %arg12[%get3A_1372] {strides = array<i32>} : memref<1536xf32, #tpu.memory_space<vmem>>, vector<16xf32>,
      %get3A_1374 = vector.shape_cast %get3A_1373 : vector<16xf32> to vector<16xf32>
      %add3A_1375 = arith.addf %add3A_1367, %get3A_1374 : vector<16xf32>
      %swap3A_1376 = arith.constant 1504 : index
      %swap3A_1377 = tpu.vector_load %arg12[%swap3A_1376] {strides = array<i32>} : memref<1536xf32, #tpu.memory_space<vmem>>, vector<16xf32>,
      %swap3A_1378 = vector.shape_cast %swap3A_1377 : vector<16xf32> to vector<16xf32>
      %swap3A_1379 = vector.shape_cast %add3A_1375 : vector<16xf32> to vector<16xf32>
      tpu.vector_store %arg12[%swap3A_1376], %swap3A_1379 {strides = array<i32>} : memref<1536xf32, #tpu.memory_space<vmem>>, vector<16xf32>,
      %get3A_1380 = arith.constant 1505 : index
      %get3A_1381 = tpu.vector_load %arg12[%get3A_1380] {strides = array<i32>} : memref<1536xf32, #tpu.memory_space<vmem>>, vector<16xf32>,
      %get3A_1382 = vector.shape_cast %get3A_1381 : vector<16xf32> to vector<16xf32>
      %add3A_1383 = arith.addf %add3A_1375, %get3A_1382 : vector<16xf32>
      %eq3A_1384 = arith.constant 15 : i32
      %eq3A_1385 = vector.broadcast %eq3A_1384 : i32 to vector<16xi32>
      %eq3A_1386 = arith.cmpi eq, %iota3A, %eq3A_1385 : vector<16xi32>
      %slice3A_1387 = vector.extract_strided_slice %add3A_1383 {offsets = [0], sizes = [1], strides = [1]} : vector<16xf32> to vector<1xf32>
      %squeeze3A_1388 = vector.extract %slice3A_1387[0] : f32 from vector<1xf32>
      %broadcast_in_dim3A_1389 = vector.broadcast %squeeze3A_1388 : f32 to vector<16xf32>
      %select_n3A_1390 = arith.select %eq3A_1386, %broadcast_in_dim3A_1389, %select_n3A_1312 : vector<16xi1>, vector<16xf32>
      %add3A_1391 = arith.addf %select_n3A_1390, %get3A_146 : vector<16xf32>
      %add3A_1392 = arith.constant 0 : i32
      %add3A_1393 = arith.addi %add3A_1392, %mul3A_142 : i32
      %swap3A_1394 = arith.index_cast %add3A_1393 : i32 to index
      %swap3A_1395 = tpu.vector_load %arg13[%swap3A_1394] {strides = array<i32>} : memref<512xf32, #tpu.memory_space<vmem>>, vector<16xf32>,
      %swap3A_1396 = vector.shape_cast %swap3A_1395 : vector<16xf32> to vector<16xf32>
      %swap3A_1397 = vector.shape_cast %add3A_1391 : vector<16xf32> to vector<16xf32>
      tpu.vector_store %arg13[%swap3A_1394], %swap3A_1397 {strides = array<i32>} : memref<512xf32, #tpu.memory_space<vmem>>, vector<16xf32>,
    }
    %scan3A_69 = arith.constant 16 : i32
    %dma_start3A_70 = arith.constant 0 : i32
    %dma_start3A_71 = arith.constant 0 : i32
    %dma_start3A_72 = tpu.memref_slice %arg9[%dma_start3A_70, %dma_start3A_71] : memref<256x128xf32, #tpu.memory_space<vmem>> -> memref<128x128xf32, #tpu.memory_space<vmem>>
    %dma_start3A_73 = arith.constant 256 : i32
    %dma_start3A_74 = tpu.memref_slice %arg7[%dma_start3A_73] : memref<512xi32, #tpu.memory_space<vmem>> -> memref<128xi32, #tpu.memory_space<vmem>>
    %dma_start3A_75 = arith.constant 0 : i32
    %dma_start3A_76 = arith.constant 0 : i32
    %dma_start3A_77 = tpu.memref_slice %arg4[%dma_start3A_75, %dma_start3A_76] : memref<1000000x128xf32, #tpu.memory_space<hbm>> -> memref<1000000x128xf32, #tpu.memory_space<hbm>>
    tpu.enqueue_indirect_dma source(%dma_start3A_77 : memref<1000000x128xf32, #tpu.memory_space<hbm>>) target(%dma_start3A_72 : memref<128x128xf32, #tpu.memory_space<vmem>>) offsets(%dma_start3A_74 : memref<128xi32, #tpu.memory_space<vmem>>) semaphore(%arg14 : memref<!tpu.dma_semaphore, #tpu.memory_space<semaphore_mem>>)
    %dma_start3A_78 = arith.constant 0 : i32
    %dma_start3A_79 = arith.constant 0 : i32
    %dma_start3A_80 = tpu.memref_slice %arg10[%dma_start3A_78, %dma_start3A_79] : memref<256x128xf32, #tpu.memory_space<vmem>> -> memref<128x128xf32, #tpu.memory_space<vmem>>
    %dma_start3A_81 = arith.constant 256 : i32
    %dma_start3A_82 = tpu.memref_slice %arg8[%dma_start3A_81] : memref<512xi32, #tpu.memory_space<vmem>> -> memref<128xi32, #tpu.memory_space<vmem>>
    %dma_start3A_83 = arith.constant 0 : i32
    %dma_start3A_84 = arith.constant 0 : i32
    %dma_start3A_85 = tpu.memref_slice %arg4[%dma_start3A_83, %dma_start3A_84] : memref<1000000x128xf32, #tpu.memory_space<hbm>> -> memref<1000000x128xf32, #tpu.memory_space<hbm>>
    tpu.enqueue_indirect_dma source(%dma_start3A_85 : memref<1000000x128xf32, #tpu.memory_space<hbm>>) target(%dma_start3A_80 : memref<128x128xf32, #tpu.memory_space<vmem>>) offsets(%dma_start3A_82 : memref<128xi32, #tpu.memory_space<vmem>>) semaphore(%arg14 : memref<!tpu.dma_semaphore, #tpu.memory_space<semaphore_mem>>)
    %dma_start3A_86 = arith.constant 128 : i32
    %dma_start3A_87 = arith.constant 0 : i32
    %dma_start3A_88 = tpu.memref_slice %arg9[%dma_start3A_86, %dma_start3A_87] : memref<256x128xf32, #tpu.memory_space<vmem>> -> memref<128x128xf32, #tpu.memory_space<vmem>>
    %dma_start3A_89 = arith.constant 384 : i32
    %dma_start3A_90 = tpu.memref_slice %arg7[%dma_start3A_89] : memref<512xi32, #tpu.memory_space<vmem>> -> memref<128xi32, #tpu.memory_space<vmem>>
    %dma_start3A_91 = arith.constant 0 : i32
    %dma_start3A_92 = arith.constant 0 : i32
    %dma_start3A_93 = tpu.memref_slice %arg4[%dma_start3A_91, %dma_start3A_92] : memref<1000000x128xf32, #tpu.memory_space<hbm>> -> memref<1000000x128xf32, #tpu.memory_space<hbm>>
    tpu.enqueue_indirect_dma source(%dma_start3A_93 : memref<1000000x128xf32, #tpu.memory_space<hbm>>) target(%dma_start3A_88 : memref<128x128xf32, #tpu.memory_space<vmem>>) offsets(%dma_start3A_90 : memref<128xi32, #tpu.memory_space<vmem>>) semaphore(%arg14 : memref<!tpu.dma_semaphore, #tpu.memory_space<semaphore_mem>>)
    %dma_start3A_94 = arith.constant 128 : i32
    %dma_start3A_95 = arith.constant 0 : i32
    %dma_start3A_96 = tpu.memref_slice %arg10[%dma_start3A_94, %dma_start3A_95] : memref<256x128xf32, #tpu.memory_space<vmem>> -> memref<128x128xf32, #tpu.memory_space<vmem>>
    %dma_start3A_97 = arith.constant 384 : i32
    %dma_start3A_98 = tpu.memref_slice %arg8[%dma_start3A_97] : memref<512xi32, #tpu.memory_space<vmem>> -> memref<128xi32, #tpu.memory_space<vmem>>
    %dma_start3A_99 = arith.constant 0 : i32
    %dma_start3A_100 = arith.constant 0 : i32
    %dma_start3A_101 = tpu.memref_slice %arg4[%dma_start3A_99, %dma_start3A_100] : memref<1000000x128xf32, #tpu.memory_space<hbm>> -> memref<1000000x128xf32, #tpu.memory_space<hbm>>
    tpu.enqueue_indirect_dma source(%dma_start3A_101 : memref<1000000x128xf32, #tpu.memory_space<hbm>>) target(%dma_start3A_96 : memref<128x128xf32, #tpu.memory_space<vmem>>) offsets(%dma_start3A_98 : memref<128xi32, #tpu.memory_space<vmem>>) semaphore(%arg14 : memref<!tpu.dma_semaphore, #tpu.memory_space<semaphore_mem>>)
    %dma_wait3A_102 = arith.constant 0 : i32
    %dma_wait3A_103 = arith.constant 0 : i32
    %dma_wait3A_104 = tpu.memref_slice %arg9[%dma_wait3A_102, %dma_wait3A_103] : memref<256x128xf32, #tpu.memory_space<vmem>> -> memref<128x128xf32, #tpu.memory_space<vmem>>
    %dma_wait3A_105 = arith.constant 256 : i32
    %dma_wait3A_106 = tpu.memref_slice %arg7[%dma_wait3A_105] : memref<512xi32, #tpu.memory_space<vmem>> -> memref<128xi32, #tpu.memory_space<vmem>>
    %dma_wait3A_107 = arith.constant 0 : i32
    %dma_wait3A_108 = arith.constant 0 : i32
    %dma_wait3A_109 = tpu.memref_slice %arg4[%dma_wait3A_107, %dma_wait3A_108] : memref<1000000x128xf32, #tpu.memory_space<hbm>> -> memref<1000000x128xf32, #tpu.memory_space<hbm>>
    tpu.wait_indirect_dma semaphore(%arg14 : memref<!tpu.dma_semaphore, #tpu.memory_space<semaphore_mem>>) src(%dma_wait3A_109 : memref<1000000x128xf32, #tpu.memory_space<hbm>>) dst(%dma_wait3A_104 : memref<128x128xf32, #tpu.memory_space<vmem>>)
    %dma_wait3A_110 = arith.constant 0 : i32
    %dma_wait3A_111 = arith.constant 0 : i32
    %dma_wait3A_112 = tpu.memref_slice %arg10[%dma_wait3A_110, %dma_wait3A_111] : memref<256x128xf32, #tpu.memory_space<vmem>> -> memref<128x128xf32, #tpu.memory_space<vmem>>
    %dma_wait3A_113 = arith.constant 256 : i32
    %dma_wait3A_114 = tpu.memref_slice %arg8[%dma_wait3A_113] : memref<512xi32, #tpu.memory_space<vmem>> -> memref<128xi32, #tpu.memory_space<vmem>>
    %dma_wait3A_115 = arith.constant 0 : i32
    %dma_wait3A_116 = arith.constant 0 : i32
    %dma_wait3A_117 = tpu.memref_slice %arg4[%dma_wait3A_115, %dma_wait3A_116] : memref<1000000x128xf32, #tpu.memory_space<hbm>> -> memref<1000000x128xf32, #tpu.memory_space<hbm>>
    tpu.wait_indirect_dma semaphore(%arg14 : memref<!tpu.dma_semaphore, #tpu.memory_space<semaphore_mem>>) src(%dma_wait3A_117 : memref<1000000x128xf32, #tpu.memory_space<hbm>>) dst(%dma_wait3A_112 : memref<128x128xf32, #tpu.memory_space<vmem>>)
    %dma_wait3A_118 = arith.constant 128 : i32
    %dma_wait3A_119 = arith.constant 0 : i32
    %dma_wait3A_120 = tpu.memref_slice %arg9[%dma_wait3A_118, %dma_wait3A_119] : memref<256x128xf32, #tpu.memory_space<vmem>> -> memref<128x128xf32, #tpu.memory_space<vmem>>
    %dma_wait3A_121 = arith.constant 384 : i32
    %dma_wait3A_122 = tpu.memref_slice %arg7[%dma_wait3A_121] : memref<512xi32, #tpu.memory_space<vmem>> -> memref<128xi32, #tpu.memory_space<vmem>>
    %dma_wait3A_123 = arith.constant 0 : i32
    %dma_wait3A_124 = arith.constant 0 : i32
    %dma_wait3A_125 = tpu.memref_slice %arg4[%dma_wait3A_123, %dma_wait3A_124] : memref<1000000x128xf32, #tpu.memory_space<hbm>> -> memref<1000000x128xf32, #tpu.memory_space<hbm>>
    tpu.wait_indirect_dma semaphore(%arg14 : memref<!tpu.dma_semaphore, #tpu.memory_space<semaphore_mem>>) src(%dma_wait3A_125 : memref<1000000x128xf32, #tpu.memory_space<hbm>>) dst(%dma_wait3A_120 : memref<128x128xf32, #tpu.memory_space<vmem>>)
    %dma_wait3A_126 = arith.constant 128 : i32
    %dma_wait3A_127 = arith.constant 0 : i32
    %dma_wait3A_128 = tpu.memref_slice %arg10[%dma_wait3A_126, %dma_wait3A_127] : memref<256x128xf32, #tpu.memory_space<vmem>> -> memref<128x128xf32, #tpu.memory_space<vmem>>
    %dma_wait3A_129 = arith.constant 384 : i32
    %dma_wait3A_130 = tpu.memref_slice %arg8[%dma_wait3A_129] : memref<512xi32, #tpu.memory_space<vmem>> -> memref<128xi32, #tpu.memory_space<vmem>>
    %dma_wait3A_131 = arith.constant 0 : i32
    %dma_wait3A_132 = arith.constant 0 : i32
    %dma_wait3A_133 = tpu.memref_slice %arg4[%dma_wait3A_131, %dma_wait3A_132] : memref<1000000x128xf32, #tpu.memory_space<hbm>> -> memref<1000000x128xf32, #tpu.memory_space<hbm>>
    tpu.wait_indirect_dma semaphore(%arg14 : memref<!tpu.dma_semaphore, #tpu.memory_space<semaphore_mem>>) src(%dma_wait3A_133 : memref<1000000x128xf32, #tpu.memory_space<hbm>>) dst(%dma_wait3A_128 : memref<128x128xf32, #tpu.memory_space<vmem>>)
    %scan3A_134 = arith.constant 0 : i32
    %scan3A_135 = arith.constant 0 : i32
    %scan3A_136 = arith.constant 16 : i32
    %scan3A_137 = arith.addi %scan3A_135, %scan3A_136 : i32
    %scan3A_138 = arith.constant 1 : i32
    scf.for %scan3A_140 = %scan3A_135 to %scan3A_137 step %scan3A_138  : i32 {
      %mul3A_141 = arith.constant 16 : i32
      %mul3A_142 = arith.muli %scan3A_140, %mul3A_141 : i32
      %add3A_143 = arith.constant 256 : i32
      %add3A_144 = arith.addi %add3A_143, %mul3A_142 : i32
      %get3A = arith.index_cast %add3A_144 : i32 to index
      %get3A_145 = tpu.vector_load %arg11[%get3A] {strides = array<i32>} : memref<512xf32, #tpu.memory_space<vmem>>, vector<16xf32>,
      %get3A_146 = vector.shape_cast %get3A_145 : vector<16xf32> to vector<16xf32>
      %mul3A_147 = arith.constant 0.000000e+00 : f32
      %mul3A_148 = vector.broadcast %mul3A_147 : f32 to vector<16xf32>
      %mul3A_149 = arith.mulf %get3A_146, %mul3A_148 : vector<16xf32>
      %add3A_150 = arith.constant 0 : i32
      %add3A_151 = arith.addi %mul3A_142, %add3A_150 : i32
      %get3A_152 = arith.index_cast %add3A_151 : i32 to index
      %get3A_153 = arith.constant 0 : index
      %get3A_154 = tpu.vector_load %arg9[%get3A_152, %get3A_153] {strides = array<i32>} : memref<256x128xf32, #tpu.memory_space<vmem>>, vector<1x16xf32>,
      %get3A_155 = vector.shape_cast %get3A_154 : vector<1x16xf32> to vector<16xf32>
      %get3A_156 = arith.index_cast %add3A_151 : i32 to index
      %get3A_157 = arith.constant 64 : index
      %get3A_158 = tpu.vector_load %arg10[%get3A_156, %get3A_157] {strides = array<i32>} : memref<256x128xf32, #tpu.memory_space<vmem>>, vector<1x16xf32>,
      %get3A_159 = vector.shape_cast %get3A_158 : vector<1x16xf32> to vector<16xf32>
      %mul3A_160 = arith.mulf %get3A_155, %get3A_159 : vector<16xf32>
      %get3A_161 = arith.index_cast %add3A_151 : i32 to index
      %get3A_162 = arith.constant 16 : index
      %get3A_163 = tpu.vector_load %arg9[%get3A_161, %get3A_162] {strides = array<i32>} : memref<256x128xf32, #tpu.memory_space<vmem>>, vector<1x16xf32>,
      %get3A_164 = vector.shape_cast %get3A_163 : vector<1x16xf32> to vector<16xf32>
      %get3A_165 = arith.index_cast %add3A_151 : i32 to index
      %get3A_166 = arith.constant 80 : index
      %get3A_167 = tpu.vector_load %arg10[%get3A_165, %get3A_166] {strides = array<i32>} : memref<256x128xf32, #tpu.memory_space<vmem>>, vector<1x16xf32>,
      %get3A_168 = vector.shape_cast %get3A_167 : vector<1x16xf32> to vector<16xf32>
      %mul3A_169 = arith.mulf %get3A_164, %get3A_168 : vector<16xf32>
      %add3A_170 = arith.addf %mul3A_160, %mul3A_169 : vector<16xf32>
      %get3A_171 = arith.index_cast %add3A_151 : i32 to index
      %get3A_172 = arith.constant 32 : index
      %get3A_173 = tpu.vector_load %arg9[%get3A_171, %get3A_172] {strides = array<i32>} : memref<256x128xf32, #tpu.memory_space<vmem>>, vector<1x16xf32>,
      %get3A_174 = vector.shape_cast %get3A_173 : vector<1x16xf32> to vector<16xf32>
      %get3A_175 = arith.index_cast %add3A_151 : i32 to index
      %get3A_176 = arith.constant 96 : index
      %get3A_177 = tpu.vector_load %arg10[%get3A_175, %get3A_176] {strides = array<i32>} : memref<256x128xf32, #tpu.memory_space<vmem>>, vector<1x16xf32>,
      %get3A_178 = vector.shape_cast %get3A_177 : vector<1x16xf32> to vector<16xf32>
      %mul3A_179 = arith.mulf %get3A_174, %get3A_178 : vector<16xf32>
      %add3A_180 = arith.addf %add3A_170, %mul3A_179 : vector<16xf32>
      %get3A_181 = arith.index_cast %add3A_151 : i32 to index
      %get3A_182 = arith.constant 48 : index
      %get3A_183 = tpu.vector_load %arg9[%get3A_181, %get3A_182] {strides = array<i32>} : memref<256x128xf32, #tpu.memory_space<vmem>>, vector<1x16xf32>,
      %get3A_184 = vector.shape_cast %get3A_183 : vector<1x16xf32> to vector<16xf32>
      %get3A_185 = arith.index_cast %add3A_151 : i32 to index
      %get3A_186 = arith.constant 112 : index
      %get3A_187 = tpu.vector_load %arg10[%get3A_185, %get3A_186] {strides = array<i32>} : memref<256x128xf32, #tpu.memory_space<vmem>>, vector<1x16xf32>,
      %get3A_188 = vector.shape_cast %get3A_187 : vector<1x16xf32> to vector<16xf32>
      %mul3A_189 = arith.mulf %get3A_184, %get3A_188 : vector<16xf32>
      %add3A_190 = arith.addf %add3A_180, %mul3A_189 : vector<16xf32>
      %rev3A = arith.constant 15 : i32
      %rev3A_191 = vector.broadcast %rev3A : i32 to vector<16xi32>
      %rev3A_192 = tpu.iota {dimensions = array<i32: 0>} : vector<16xi32>
      %rev3A_193 = arith.subi %rev3A_191, %rev3A_192 : vector<16xi32>
      %rev3A_194 = tpu.dynamic_gather %add3A_190[%rev3A_193] in [0] : vector<16xf32>, vector<16xi32> -> vector<16xf32>
      %add3A_195 = arith.addf %add3A_190, %rev3A_194 : vector<16xf32>
      %swap3A = arith.constant 0 : index
      %swap3A_196 = tpu.vector_load %arg12[%swap3A] {strides = array<i32>} : memref<1536xf32, #tpu.memory_space<vmem>>, vector<16xf32>,
      %swap3A_197 = vector.shape_cast %swap3A_196 : vector<16xf32> to vector<16xf32>
      %swap3A_198 = vector.shape_cast %add3A_195 : vector<16xf32> to vector<16xf32>
      tpu.vector_store %arg12[%swap3A], %swap3A_198 {strides = array<i32>} : memref<1536xf32, #tpu.memory_space<vmem>>, vector<16xf32>,
      %get3A_199 = arith.constant 4 : index
      %get3A_200 = tpu.vector_load %arg12[%get3A_199] {strides = array<i32>} : memref<1536xf32, #tpu.memory_space<vmem>>, vector<16xf32>,
      %get3A_201 = vector.shape_cast %get3A_200 : vector<16xf32> to vector<16xf32>
      %add3A_202 = arith.addf %add3A_195, %get3A_201 : vector<16xf32>
      %swap3A_203 = arith.constant 512 : index
      %swap3A_204 = tpu.vector_load %arg12[%swap3A_203] {strides = array<i32>} : memref<1536xf32, #tpu.memory_space<vmem>>, vector<16xf32>,
      %swap3A_205 = vector.shape_cast %swap3A_204 : vector<16xf32> to vector<16xf32>
      %swap3A_206 = vector.shape_cast %add3A_202 : vector<16xf32> to vector<16xf32>
      tpu.vector_store %arg12[%swap3A_203], %swap3A_206 {strides = array<i32>} : memref<1536xf32, #tpu.memory_space<vmem>>, vector<16xf32>,
      %get3A_207 = arith.constant 514 : index
      %get3A_208 = tpu.vector_load %arg12[%get3A_207] {strides = array<i32>} : memref<1536xf32, #tpu.memory_space<vmem>>, vector<16xf32>,
      %get3A_209 = vector.shape_cast %get3A_208 : vector<16xf32> to vector<16xf32>
      %add3A_210 = arith.addf %add3A_202, %get3A_209 : vector<16xf32>
      %swap3A_211 = arith.constant 1024 : index
      %swap3A_212 = tpu.vector_load %arg12[%swap3A_211] {strides = array<i32>} : memref<1536xf32, #tpu.memory_space<vmem>>, vector<16xf32>,
      %swap3A_213 = vector.shape_cast %swap3A_212 : vector<16xf32> to vector<16xf32>
      %swap3A_214 = vector.shape_cast %add3A_210 : vector<16xf32> to vector<16xf32>
      tpu.vector_store %arg12[%swap3A_211], %swap3A_214 {strides = array<i32>} : memref<1536xf32, #tpu.memory_space<vmem>>, vector<16xf32>,
      %get3A_215 = arith.constant 1025 : index
      %get3A_216 = tpu.vector_load %arg12[%get3A_215] {strides = array<i32>} : memref<1536xf32, #tpu.memory_space<vmem>>, vector<16xf32>,
      %get3A_217 = vector.shape_cast %get3A_216 : vector<16xf32> to vector<16xf32>
      %add3A_218 = arith.addf %add3A_210, %get3A_217 : vector<16xf32>
      %eq3A = arith.constant 0 : i32
      %eq3A_219 = vector.broadcast %eq3A : i32 to vector<16xi32>
      %eq3A_220 = arith.cmpi eq, %iota3A, %eq3A_219 : vector<16xi32>
      %slice3A = vector.extract_strided_slice %add3A_218 {offsets = [0], sizes = [1], strides = [1]} : vector<16xf32> to vector<1xf32>
      %squeeze3A = vector.extract %slice3A[0] : f32 from vector<1xf32>
      %broadcast_in_dim3A = vector.broadcast %squeeze3A : f32 to vector<16xf32>
      %select_n3A = arith.select %eq3A_220, %broadcast_in_dim3A, %mul3A_149 : vector<16xi1>, vector<16xf32>
      %add3A_221 = arith.constant 1 : i32
      %add3A_222 = arith.addi %mul3A_142, %add3A_221 : i32
      %get3A_223 = arith.index_cast %add3A_222 : i32 to index
      %get3A_224 = arith.constant 0 : index
      %get3A_225 = tpu.vector_load %arg9[%get3A_223, %get3A_224] {strides = array<i32>} : memref<256x128xf32, #tpu.memory_space<vmem>>, vector<1x16xf32>,
      %get3A_226 = vector.shape_cast %get3A_225 : vector<1x16xf32> to vector<16xf32>
      %get3A_227 = arith.index_cast %add3A_222 : i32 to index
      %get3A_228 = arith.constant 64 : index
      %get3A_229 = tpu.vector_load %arg10[%get3A_227, %get3A_228] {strides = array<i32>} : memref<256x128xf32, #tpu.memory_space<vmem>>, vector<1x16xf32>,
      %get3A_230 = vector.shape_cast %get3A_229 : vector<1x16xf32> to vector<16xf32>
      %mul3A_231 = arith.mulf %get3A_226, %get3A_230 : vector<16xf32>
      %get3A_232 = arith.index_cast %add3A_222 : i32 to index
      %get3A_233 = arith.constant 16 : index
      %get3A_234 = tpu.vector_load %arg9[%get3A_232, %get3A_233] {strides = array<i32>} : memref<256x128xf32, #tpu.memory_space<vmem>>, vector<1x16xf32>,
      %get3A_235 = vector.shape_cast %get3A_234 : vector<1x16xf32> to vector<16xf32>
      %get3A_236 = arith.index_cast %add3A_222 : i32 to index
      %get3A_237 = arith.constant 80 : index
      %get3A_238 = tpu.vector_load %arg10[%get3A_236, %get3A_237] {strides = array<i32>} : memref<256x128xf32, #tpu.memory_space<vmem>>, vector<1x16xf32>,
      %get3A_239 = vector.shape_cast %get3A_238 : vector<1x16xf32> to vector<16xf32>
      %mul3A_240 = arith.mulf %get3A_235, %get3A_239 : vector<16xf32>
      %add3A_241 = arith.addf %mul3A_231, %mul3A_240 : vector<16xf32>
      %get3A_242 = arith.index_cast %add3A_222 : i32 to index
      %get3A_243 = arith.constant 32 : index
      %get3A_244 = tpu.vector_load %arg9[%get3A_242, %get3A_243] {strides = array<i32>} : memref<256x128xf32, #tpu.memory_space<vmem>>, vector<1x16xf32>,
      %get3A_245 = vector.shape_cast %get3A_244 : vector<1x16xf32> to vector<16xf32>
      %get3A_246 = arith.index_cast %add3A_222 : i32 to index
      %get3A_247 = arith.constant 96 : index
      %get3A_248 = tpu.vector_load %arg10[%get3A_246, %get3A_247] {strides = array<i32>} : memref<256x128xf32, #tpu.memory_space<vmem>>, vector<1x16xf32>,
      %get3A_249 = vector.shape_cast %get3A_248 : vector<1x16xf32> to vector<16xf32>
      %mul3A_250 = arith.mulf %get3A_245, %get3A_249 : vector<16xf32>
      %add3A_251 = arith.addf %add3A_241, %mul3A_250 : vector<16xf32>
      %get3A_252 = arith.index_cast %add3A_222 : i32 to index
      %get3A_253 = arith.constant 48 : index
      %get3A_254 = tpu.vector_load %arg9[%get3A_252, %get3A_253] {strides = array<i32>} : memref<256x128xf32, #tpu.memory_space<vmem>>, vector<1x16xf32>,
      %get3A_255 = vector.shape_cast %get3A_254 : vector<1x16xf32> to vector<16xf32>
      %get3A_256 = arith.index_cast %add3A_222 : i32 to index
      %get3A_257 = arith.constant 112 : index
      %get3A_258 = tpu.vector_load %arg10[%get3A_256, %get3A_257] {strides = array<i32>} : memref<256x128xf32, #tpu.memory_space<vmem>>, vector<1x16xf32>,
      %get3A_259 = vector.shape_cast %get3A_258 : vector<1x16xf32> to vector<16xf32>
      %mul3A_260 = arith.mulf %get3A_255, %get3A_259 : vector<16xf32>
      %add3A_261 = arith.addf %add3A_251, %mul3A_260 : vector<16xf32>
      %rev3A_262 = arith.constant 15 : i32
      %rev3A_263 = vector.broadcast %rev3A_262 : i32 to vector<16xi32>
      %rev3A_264 = tpu.iota {dimensions = array<i32: 0>} : vector<16xi32>
      %rev3A_265 = arith.subi %rev3A_263, %rev3A_264 : vector<16xi32>
      %rev3A_266 = tpu.dynamic_gather %add3A_261[%rev3A_265] in [0] : vector<16xf32>, vector<16xi32> -> vector<16xf32>
      %add3A_267 = arith.addf %add3A_261, %rev3A_266 : vector<16xf32>
      %swap3A_268 = arith.constant 32 : index
      %swap3A_269 = tpu.vector_load %arg12[%swap3A_268] {strides = array<i32>} : memref<1536xf32, #tpu.memory_space<vmem>>, vector<16xf32>,
      %swap3A_270 = vector.shape_cast %swap3A_269 : vector<16xf32> to vector<16xf32>
      %swap3A_271 = vector.shape_cast %add3A_267 : vector<16xf32> to vector<16xf32>
      tpu.vector_store %arg12[%swap3A_268], %swap3A_271 {strides = array<i32>} : memref<1536xf32, #tpu.memory_space<vmem>>, vector<16xf32>,
      %get3A_272 = arith.constant 36 : index
      %get3A_273 = tpu.vector_load %arg12[%get3A_272] {strides = array<i32>} : memref<1536xf32, #tpu.memory_space<vmem>>, vector<16xf32>,
      %get3A_274 = vector.shape_cast %get3A_273 : vector<16xf32> to vector<16xf32>
      %add3A_275 = arith.addf %add3A_267, %get3A_274 : vector<16xf32>
      %swap3A_276 = arith.constant 544 : index
      %swap3A_277 = tpu.vector_load %arg12[%swap3A_276] {strides = array<i32>} : memref<1536xf32, #tpu.memory_space<vmem>>, vector<16xf32>,
      %swap3A_278 = vector.shape_cast %swap3A_277 : vector<16xf32> to vector<16xf32>
      %swap3A_279 = vector.shape_cast %add3A_275 : vector<16xf32> to vector<16xf32>
      tpu.vector_store %arg12[%swap3A_276], %swap3A_279 {strides = array<i32>} : memref<1536xf32, #tpu.memory_space<vmem>>, vector<16xf32>,
      %get3A_280 = arith.constant 546 : index
      %get3A_281 = tpu.vector_load %arg12[%get3A_280] {strides = array<i32>} : memref<1536xf32, #tpu.memory_space<vmem>>, vector<16xf32>,
      %get3A_282 = vector.shape_cast %get3A_281 : vector<16xf32> to vector<16xf32>
      %add3A_283 = arith.addf %add3A_275, %get3A_282 : vector<16xf32>
      %swap3A_284 = arith.constant 1056 : index
      %swap3A_285 = tpu.vector_load %arg12[%swap3A_284] {strides = array<i32>} : memref<1536xf32, #tpu.memory_space<vmem>>, vector<16xf32>,
      %swap3A_286 = vector.shape_cast %swap3A_285 : vector<16xf32> to vector<16xf32>
      %swap3A_287 = vector.shape_cast %add3A_283 : vector<16xf32> to vector<16xf32>
      tpu.vector_store %arg12[%swap3A_284], %swap3A_287 {strides = array<i32>} : memref<1536xf32, #tpu.memory_space<vmem>>, vector<16xf32>,
      %get3A_288 = arith.constant 1057 : index
      %get3A_289 = tpu.vector_load %arg12[%get3A_288] {strides = array<i32>} : memref<1536xf32, #tpu.memory_space<vmem>>, vector<16xf32>,
      %get3A_290 = vector.shape_cast %get3A_289 : vector<16xf32> to vector<16xf32>
      %add3A_291 = arith.addf %add3A_283, %get3A_290 : vector<16xf32>
      %eq3A_292 = arith.constant 1 : i32
      %eq3A_293 = vector.broadcast %eq3A_292 : i32 to vector<16xi32>
      %eq3A_294 = arith.cmpi eq, %iota3A, %eq3A_293 : vector<16xi32>
      %slice3A_295 = vector.extract_strided_slice %add3A_291 {offsets = [0], sizes = [1], strides = [1]} : vector<16xf32> to vector<1xf32>
      %squeeze3A_296 = vector.extract %slice3A_295[0] : f32 from vector<1xf32>
      %broadcast_in_dim3A_297 = vector.broadcast %squeeze3A_296 : f32 to vector<16xf32>
      %select_n3A_298 = arith.select %eq3A_294, %broadcast_in_dim3A_297, %select_n3A : vector<16xi1>, vector<16xf32>
      %add3A_299 = arith.constant 2 : i32
      %add3A_300 = arith.addi %mul3A_142, %add3A_299 : i32
      %get3A_301 = arith.index_cast %add3A_300 : i32 to index
      %get3A_302 = arith.constant 0 : index
      %get3A_303 = tpu.vector_load %arg9[%get3A_301, %get3A_302] {strides = array<i32>} : memref<256x128xf32, #tpu.memory_space<vmem>>, vector<1x16xf32>,
      %get3A_304 = vector.shape_cast %get3A_303 : vector<1x16xf32> to vector<16xf32>
      %get3A_305 = arith.index_cast %add3A_300 : i32 to index
      %get3A_306 = arith.constant 64 : index
      %get3A_307 = tpu.vector_load %arg10[%get3A_305, %get3A_306] {strides = array<i32>} : memref<256x128xf32, #tpu.memory_space<vmem>>, vector<1x16xf32>,
      %get3A_308 = vector.shape_cast %get3A_307 : vector<1x16xf32> to vector<16xf32>
      %mul3A_309 = arith.mulf %get3A_304, %get3A_308 : vector<16xf32>
      %get3A_310 = arith.index_cast %add3A_300 : i32 to index
      %get3A_311 = arith.constant 16 : index
      %get3A_312 = tpu.vector_load %arg9[%get3A_310, %get3A_311] {strides = array<i32>} : memref<256x128xf32, #tpu.memory_space<vmem>>, vector<1x16xf32>,
      %get3A_313 = vector.shape_cast %get3A_312 : vector<1x16xf32> to vector<16xf32>
      %get3A_314 = arith.index_cast %add3A_300 : i32 to index
      %get3A_315 = arith.constant 80 : index
      %get3A_316 = tpu.vector_load %arg10[%get3A_314, %get3A_315] {strides = array<i32>} : memref<256x128xf32, #tpu.memory_space<vmem>>, vector<1x16xf32>,
      %get3A_317 = vector.shape_cast %get3A_316 : vector<1x16xf32> to vector<16xf32>
      %mul3A_318 = arith.mulf %get3A_313, %get3A_317 : vector<16xf32>
      %add3A_319 = arith.addf %mul3A_309, %mul3A_318 : vector<16xf32>
      %get3A_320 = arith.index_cast %add3A_300 : i32 to index
      %get3A_321 = arith.constant 32 : index
      %get3A_322 = tpu.vector_load %arg9[%get3A_320, %get3A_321] {strides = array<i32>} : memref<256x128xf32, #tpu.memory_space<vmem>>, vector<1x16xf32>,
      %get3A_323 = vector.shape_cast %get3A_322 : vector<1x16xf32> to vector<16xf32>
      %get3A_324 = arith.index_cast %add3A_300 : i32 to index
      %get3A_325 = arith.constant 96 : index
      %get3A_326 = tpu.vector_load %arg10[%get3A_324, %get3A_325] {strides = array<i32>} : memref<256x128xf32, #tpu.memory_space<vmem>>, vector<1x16xf32>,
      %get3A_327 = vector.shape_cast %get3A_326 : vector<1x16xf32> to vector<16xf32>
      %mul3A_328 = arith.mulf %get3A_323, %get3A_327 : vector<16xf32>
      %add3A_329 = arith.addf %add3A_319, %mul3A_328 : vector<16xf32>
      %get3A_330 = arith.index_cast %add3A_300 : i32 to index
      %get3A_331 = arith.constant 48 : index
      %get3A_332 = tpu.vector_load %arg9[%get3A_330, %get3A_331] {strides = array<i32>} : memref<256x128xf32, #tpu.memory_space<vmem>>, vector<1x16xf32>,
      %get3A_333 = vector.shape_cast %get3A_332 : vector<1x16xf32> to vector<16xf32>
      %get3A_334 = arith.index_cast %add3A_300 : i32 to index
      %get3A_335 = arith.constant 112 : index
      %get3A_336 = tpu.vector_load %arg10[%get3A_334, %get3A_335] {strides = array<i32>} : memref<256x128xf32, #tpu.memory_space<vmem>>, vector<1x16xf32>,
      %get3A_337 = vector.shape_cast %get3A_336 : vector<1x16xf32> to vector<16xf32>
      %mul3A_338 = arith.mulf %get3A_333, %get3A_337 : vector<16xf32>
      %add3A_339 = arith.addf %add3A_329, %mul3A_338 : vector<16xf32>
      %rev3A_340 = arith.constant 15 : i32
      %rev3A_341 = vector.broadcast %rev3A_340 : i32 to vector<16xi32>
      %rev3A_342 = tpu.iota {dimensions = array<i32: 0>} : vector<16xi32>
      %rev3A_343 = arith.subi %rev3A_341, %rev3A_342 : vector<16xi32>
      %rev3A_344 = tpu.dynamic_gather %add3A_339[%rev3A_343] in [0] : vector<16xf32>, vector<16xi32> -> vector<16xf32>
      %add3A_345 = arith.addf %add3A_339, %rev3A_344 : vector<16xf32>
      %swap3A_346 = arith.constant 64 : index
      %swap3A_347 = tpu.vector_load %arg12[%swap3A_346] {strides = array<i32>} : memref<1536xf32, #tpu.memory_space<vmem>>, vector<16xf32>,
      %swap3A_348 = vector.shape_cast %swap3A_347 : vector<16xf32> to vector<16xf32>
      %swap3A_349 = vector.shape_cast %add3A_345 : vector<16xf32> to vector<16xf32>
      tpu.vector_store %arg12[%swap3A_346], %swap3A_349 {strides = array<i32>} : memref<1536xf32, #tpu.memory_space<vmem>>, vector<16xf32>,
      %get3A_350 = arith.constant 68 : index
      %get3A_351 = tpu.vector_load %arg12[%get3A_350] {strides = array<i32>} : memref<1536xf32, #tpu.memory_space<vmem>>, vector<16xf32>,
      %get3A_352 = vector.shape_cast %get3A_351 : vector<16xf32> to vector<16xf32>
      %add3A_353 = arith.addf %add3A_345, %get3A_352 : vector<16xf32>
      %swap3A_354 = arith.constant 576 : index
      %swap3A_355 = tpu.vector_load %arg12[%swap3A_354] {strides = array<i32>} : memref<1536xf32, #tpu.memory_space<vmem>>, vector<16xf32>,
      %swap3A_356 = vector.shape_cast %swap3A_355 : vector<16xf32> to vector<16xf32>
      %swap3A_357 = vector.shape_cast %add3A_353 : vector<16xf32> to vector<16xf32>
      tpu.vector_store %arg12[%swap3A_354], %swap3A_357 {strides = array<i32>} : memref<1536xf32, #tpu.memory_space<vmem>>, vector<16xf32>,
      %get3A_358 = arith.constant 578 : index
      %get3A_359 = tpu.vector_load %arg12[%get3A_358] {strides = array<i32>} : memref<1536xf32, #tpu.memory_space<vmem>>, vector<16xf32>,
      %get3A_360 = vector.shape_cast %get3A_359 : vector<16xf32> to vector<16xf32>
      %add3A_361 = arith.addf %add3A_353, %get3A_360 : vector<16xf32>
      %swap3A_362 = arith.constant 1088 : index
      %swap3A_363 = tpu.vector_load %arg12[%swap3A_362] {strides = array<i32>} : memref<1536xf32, #tpu.memory_space<vmem>>, vector<16xf32>,
      %swap3A_364 = vector.shape_cast %swap3A_363 : vector<16xf32> to vector<16xf32>
      %swap3A_365 = vector.shape_cast %add3A_361 : vector<16xf32> to vector<16xf32>
      tpu.vector_store %arg12[%swap3A_362], %swap3A_365 {strides = array<i32>} : memref<1536xf32, #tpu.memory_space<vmem>>, vector<16xf32>,
      %get3A_366 = arith.constant 1089 : index
      %get3A_367 = tpu.vector_load %arg12[%get3A_366] {strides = array<i32>} : memref<1536xf32, #tpu.memory_space<vmem>>, vector<16xf32>,
      %get3A_368 = vector.shape_cast %get3A_367 : vector<16xf32> to vector<16xf32>
      %add3A_369 = arith.addf %add3A_361, %get3A_368 : vector<16xf32>
      %eq3A_370 = arith.constant 2 : i32
      %eq3A_371 = vector.broadcast %eq3A_370 : i32 to vector<16xi32>
      %eq3A_372 = arith.cmpi eq, %iota3A, %eq3A_371 : vector<16xi32>
      %slice3A_373 = vector.extract_strided_slice %add3A_369 {offsets = [0], sizes = [1], strides = [1]} : vector<16xf32> to vector<1xf32>
      %squeeze3A_374 = vector.extract %slice3A_373[0] : f32 from vector<1xf32>
      %broadcast_in_dim3A_375 = vector.broadcast %squeeze3A_374 : f32 to vector<16xf32>
      %select_n3A_376 = arith.select %eq3A_372, %broadcast_in_dim3A_375, %select_n3A_298 : vector<16xi1>, vector<16xf32>
      %add3A_377 = arith.constant 3 : i32
      %add3A_378 = arith.addi %mul3A_142, %add3A_377 : i32
      %get3A_379 = arith.index_cast %add3A_378 : i32 to index
      %get3A_380 = arith.constant 0 : index
      %get3A_381 = tpu.vector_load %arg9[%get3A_379, %get3A_380] {strides = array<i32>} : memref<256x128xf32, #tpu.memory_space<vmem>>, vector<1x16xf32>,
      %get3A_382 = vector.shape_cast %get3A_381 : vector<1x16xf32> to vector<16xf32>
      %get3A_383 = arith.index_cast %add3A_378 : i32 to index
      %get3A_384 = arith.constant 64 : index
      %get3A_385 = tpu.vector_load %arg10[%get3A_383, %get3A_384] {strides = array<i32>} : memref<256x128xf32, #tpu.memory_space<vmem>>, vector<1x16xf32>,
      %get3A_386 = vector.shape_cast %get3A_385 : vector<1x16xf32> to vector<16xf32>
      %mul3A_387 = arith.mulf %get3A_382, %get3A_386 : vector<16xf32>
      %get3A_388 = arith.index_cast %add3A_378 : i32 to index
      %get3A_389 = arith.constant 16 : index
      %get3A_390 = tpu.vector_load %arg9[%get3A_388, %get3A_389] {strides = array<i32>} : memref<256x128xf32, #tpu.memory_space<vmem>>, vector<1x16xf32>,
      %get3A_391 = vector.shape_cast %get3A_390 : vector<1x16xf32> to vector<16xf32>
      %get3A_392 = arith.index_cast %add3A_378 : i32 to index
      %get3A_393 = arith.constant 80 : index
      %get3A_394 = tpu.vector_load %arg10[%get3A_392, %get3A_393] {strides = array<i32>} : memref<256x128xf32, #tpu.memory_space<vmem>>, vector<1x16xf32>,
      %get3A_395 = vector.shape_cast %get3A_394 : vector<1x16xf32> to vector<16xf32>
      %mul3A_396 = arith.mulf %get3A_391, %get3A_395 : vector<16xf32>
      %add3A_397 = arith.addf %mul3A_387, %mul3A_396 : vector<16xf32>
      %get3A_398 = arith.index_cast %add3A_378 : i32 to index
      %get3A_399 = arith.constant 32 : index
      %get3A_400 = tpu.vector_load %arg9[%get3A_398, %get3A_399] {strides = array<i32>} : memref<256x128xf32, #tpu.memory_space<vmem>>, vector<1x16xf32>,
      %get3A_401 = vector.shape_cast %get3A_400 : vector<1x16xf32> to vector<16xf32>
      %get3A_402 = arith.index_cast %add3A_378 : i32 to index
      %get3A_403 = arith.constant 96 : index
      %get3A_404 = tpu.vector_load %arg10[%get3A_402, %get3A_403] {strides = array<i32>} : memref<256x128xf32, #tpu.memory_space<vmem>>, vector<1x16xf32>,
      %get3A_405 = vector.shape_cast %get3A_404 : vector<1x16xf32> to vector<16xf32>
      %mul3A_406 = arith.mulf %get3A_401, %get3A_405 : vector<16xf32>
      %add3A_407 = arith.addf %add3A_397, %mul3A_406 : vector<16xf32>
      %get3A_408 = arith.index_cast %add3A_378 : i32 to index
      %get3A_409 = arith.constant 48 : index
      %get3A_410 = tpu.vector_load %arg9[%get3A_408, %get3A_409] {strides = array<i32>} : memref<256x128xf32, #tpu.memory_space<vmem>>, vector<1x16xf32>,
      %get3A_411 = vector.shape_cast %get3A_410 : vector<1x16xf32> to vector<16xf32>
      %get3A_412 = arith.index_cast %add3A_378 : i32 to index
      %get3A_413 = arith.constant 112 : index
      %get3A_414 = tpu.vector_load %arg10[%get3A_412, %get3A_413] {strides = array<i32>} : memref<256x128xf32, #tpu.memory_space<vmem>>, vector<1x16xf32>,
      %get3A_415 = vector.shape_cast %get3A_414 : vector<1x16xf32> to vector<16xf32>
      %mul3A_416 = arith.mulf %get3A_411, %get3A_415 : vector<16xf32>
      %add3A_417 = arith.addf %add3A_407, %mul3A_416 : vector<16xf32>
      %rev3A_418 = arith.constant 15 : i32
      %rev3A_419 = vector.broadcast %rev3A_418 : i32 to vector<16xi32>
      %rev3A_420 = tpu.iota {dimensions = array<i32: 0>} : vector<16xi32>
      %rev3A_421 = arith.subi %rev3A_419, %rev3A_420 : vector<16xi32>
      %rev3A_422 = tpu.dynamic_gather %add3A_417[%rev3A_421] in [0] : vector<16xf32>, vector<16xi32> -> vector<16xf32>
      %add3A_423 = arith.addf %add3A_417, %rev3A_422 : vector<16xf32>
      %swap3A_424 = arith.constant 96 : index
      %swap3A_425 = tpu.vector_load %arg12[%swap3A_424] {strides = array<i32>} : memref<1536xf32, #tpu.memory_space<vmem>>, vector<16xf32>,
      %swap3A_426 = vector.shape_cast %swap3A_425 : vector<16xf32> to vector<16xf32>
      %swap3A_427 = vector.shape_cast %add3A_423 : vector<16xf32> to vector<16xf32>
      tpu.vector_store %arg12[%swap3A_424], %swap3A_427 {strides = array<i32>} : memref<1536xf32, #tpu.memory_space<vmem>>, vector<16xf32>,
      %get3A_428 = arith.constant 100 : index
      %get3A_429 = tpu.vector_load %arg12[%get3A_428] {strides = array<i32>} : memref<1536xf32, #tpu.memory_space<vmem>>, vector<16xf32>,
      %get3A_430 = vector.shape_cast %get3A_429 : vector<16xf32> to vector<16xf32>
      %add3A_431 = arith.addf %add3A_423, %get3A_430 : vector<16xf32>
      %swap3A_432 = arith.constant 608 : index
      %swap3A_433 = tpu.vector_load %arg12[%swap3A_432] {strides = array<i32>} : memref<1536xf32, #tpu.memory_space<vmem>>, vector<16xf32>,
      %swap3A_434 = vector.shape_cast %swap3A_433 : vector<16xf32> to vector<16xf32>
      %swap3A_435 = vector.shape_cast %add3A_431 : vector<16xf32> to vector<16xf32>
      tpu.vector_store %arg12[%swap3A_432], %swap3A_435 {strides = array<i32>} : memref<1536xf32, #tpu.memory_space<vmem>>, vector<16xf32>,
      %get3A_436 = arith.constant 610 : index
      %get3A_437 = tpu.vector_load %arg12[%get3A_436] {strides = array<i32>} : memref<1536xf32, #tpu.memory_space<vmem>>, vector<16xf32>,
      %get3A_438 = vector.shape_cast %get3A_437 : vector<16xf32> to vector<16xf32>
      %add3A_439 = arith.addf %add3A_431, %get3A_438 : vector<16xf32>
      %swap3A_440 = arith.constant 1120 : index
      %swap3A_441 = tpu.vector_load %arg12[%swap3A_440] {strides = array<i32>} : memref<1536xf32, #tpu.memory_space<vmem>>, vector<16xf32>,
      %swap3A_442 = vector.shape_cast %swap3A_441 : vector<16xf32> to vector<16xf32>
      %swap3A_443 = vector.shape_cast %add3A_439 : vector<16xf32> to vector<16xf32>
      tpu.vector_store %arg12[%swap3A_440], %swap3A_443 {strides = array<i32>} : memref<1536xf32, #tpu.memory_space<vmem>>, vector<16xf32>,
      %get3A_444 = arith.constant 1121 : index
      %get3A_445 = tpu.vector_load %arg12[%get3A_444] {strides = array<i32>} : memref<1536xf32, #tpu.memory_space<vmem>>, vector<16xf32>,
      %get3A_446 = vector.shape_cast %get3A_445 : vector<16xf32> to vector<16xf32>
      %add3A_447 = arith.addf %add3A_439, %get3A_446 : vector<16xf32>
      %eq3A_448 = arith.constant 3 : i32
      %eq3A_449 = vector.broadcast %eq3A_448 : i32 to vector<16xi32>
      %eq3A_450 = arith.cmpi eq, %iota3A, %eq3A_449 : vector<16xi32>
      %slice3A_451 = vector.extract_strided_slice %add3A_447 {offsets = [0], sizes = [1], strides = [1]} : vector<16xf32> to vector<1xf32>
      %squeeze3A_452 = vector.extract %slice3A_451[0] : f32 from vector<1xf32>
      %broadcast_in_dim3A_453 = vector.broadcast %squeeze3A_452 : f32 to vector<16xf32>
      %select_n3A_454 = arith.select %eq3A_450, %broadcast_in_dim3A_453, %select_n3A_376 : vector<16xi1>, vector<16xf32>
      %add3A_455 = arith.constant 4 : i32
      %add3A_456 = arith.addi %mul3A_142, %add3A_455 : i32
      %get3A_457 = arith.index_cast %add3A_456 : i32 to index
      %get3A_458 = arith.constant 0 : index
      %get3A_459 = tpu.vector_load %arg9[%get3A_457, %get3A_458] {strides = array<i32>} : memref<256x128xf32, #tpu.memory_space<vmem>>, vector<1x16xf32>,
      %get3A_460 = vector.shape_cast %get3A_459 : vector<1x16xf32> to vector<16xf32>
      %get3A_461 = arith.index_cast %add3A_456 : i32 to index
      %get3A_462 = arith.constant 64 : index
      %get3A_463 = tpu.vector_load %arg10[%get3A_461, %get3A_462] {strides = array<i32>} : memref<256x128xf32, #tpu.memory_space<vmem>>, vector<1x16xf32>,
      %get3A_464 = vector.shape_cast %get3A_463 : vector<1x16xf32> to vector<16xf32>
      %mul3A_465 = arith.mulf %get3A_460, %get3A_464 : vector<16xf32>
      %get3A_466 = arith.index_cast %add3A_456 : i32 to index
      %get3A_467 = arith.constant 16 : index
      %get3A_468 = tpu.vector_load %arg9[%get3A_466, %get3A_467] {strides = array<i32>} : memref<256x128xf32, #tpu.memory_space<vmem>>, vector<1x16xf32>,
      %get3A_469 = vector.shape_cast %get3A_468 : vector<1x16xf32> to vector<16xf32>
      %get3A_470 = arith.index_cast %add3A_456 : i32 to index
      %get3A_471 = arith.constant 80 : index
      %get3A_472 = tpu.vector_load %arg10[%get3A_470, %get3A_471] {strides = array<i32>} : memref<256x128xf32, #tpu.memory_space<vmem>>, vector<1x16xf32>,
      %get3A_473 = vector.shape_cast %get3A_472 : vector<1x16xf32> to vector<16xf32>
      %mul3A_474 = arith.mulf %get3A_469, %get3A_473 : vector<16xf32>
      %add3A_475 = arith.addf %mul3A_465, %mul3A_474 : vector<16xf32>
      %get3A_476 = arith.index_cast %add3A_456 : i32 to index
      %get3A_477 = arith.constant 32 : index
      %get3A_478 = tpu.vector_load %arg9[%get3A_476, %get3A_477] {strides = array<i32>} : memref<256x128xf32, #tpu.memory_space<vmem>>, vector<1x16xf32>,
      %get3A_479 = vector.shape_cast %get3A_478 : vector<1x16xf32> to vector<16xf32>
      %get3A_480 = arith.index_cast %add3A_456 : i32 to index
      %get3A_481 = arith.constant 96 : index
      %get3A_482 = tpu.vector_load %arg10[%get3A_480, %get3A_481] {strides = array<i32>} : memref<256x128xf32, #tpu.memory_space<vmem>>, vector<1x16xf32>,
      %get3A_483 = vector.shape_cast %get3A_482 : vector<1x16xf32> to vector<16xf32>
      %mul3A_484 = arith.mulf %get3A_479, %get3A_483 : vector<16xf32>
      %add3A_485 = arith.addf %add3A_475, %mul3A_484 : vector<16xf32>
      %get3A_486 = arith.index_cast %add3A_456 : i32 to index
      %get3A_487 = arith.constant 48 : index
      %get3A_488 = tpu.vector_load %arg9[%get3A_486, %get3A_487] {strides = array<i32>} : memref<256x128xf32, #tpu.memory_space<vmem>>, vector<1x16xf32>,
      %get3A_489 = vector.shape_cast %get3A_488 : vector<1x16xf32> to vector<16xf32>
      %get3A_490 = arith.index_cast %add3A_456 : i32 to index
      %get3A_491 = arith.constant 112 : index
      %get3A_492 = tpu.vector_load %arg10[%get3A_490, %get3A_491] {strides = array<i32>} : memref<256x128xf32, #tpu.memory_space<vmem>>, vector<1x16xf32>,
      %get3A_493 = vector.shape_cast %get3A_492 : vector<1x16xf32> to vector<16xf32>
      %mul3A_494 = arith.mulf %get3A_489, %get3A_493 : vector<16xf32>
      %add3A_495 = arith.addf %add3A_485, %mul3A_494 : vector<16xf32>
      %rev3A_496 = arith.constant 15 : i32
      %rev3A_497 = vector.broadcast %rev3A_496 : i32 to vector<16xi32>
      %rev3A_498 = tpu.iota {dimensions = array<i32: 0>} : vector<16xi32>
      %rev3A_499 = arith.subi %rev3A_497, %rev3A_498 : vector<16xi32>
      %rev3A_500 = tpu.dynamic_gather %add3A_495[%rev3A_499] in [0] : vector<16xf32>, vector<16xi32> -> vector<16xf32>
      %add3A_501 = arith.addf %add3A_495, %rev3A_500 : vector<16xf32>
      %swap3A_502 = arith.constant 128 : index
      %swap3A_503 = tpu.vector_load %arg12[%swap3A_502] {strides = array<i32>} : memref<1536xf32, #tpu.memory_space<vmem>>, vector<16xf32>,
      %swap3A_504 = vector.shape_cast %swap3A_503 : vector<16xf32> to vector<16xf32>
      %swap3A_505 = vector.shape_cast %add3A_501 : vector<16xf32> to vector<16xf32>
      tpu.vector_store %arg12[%swap3A_502], %swap3A_505 {strides = array<i32>} : memref<1536xf32, #tpu.memory_space<vmem>>, vector<16xf32>,
      %get3A_506 = arith.constant 132 : index
      %get3A_507 = tpu.vector_load %arg12[%get3A_506] {strides = array<i32>} : memref<1536xf32, #tpu.memory_space<vmem>>, vector<16xf32>,
      %get3A_508 = vector.shape_cast %get3A_507 : vector<16xf32> to vector<16xf32>
      %add3A_509 = arith.addf %add3A_501, %get3A_508 : vector<16xf32>
      %swap3A_510 = arith.constant 640 : index
      %swap3A_511 = tpu.vector_load %arg12[%swap3A_510] {strides = array<i32>} : memref<1536xf32, #tpu.memory_space<vmem>>, vector<16xf32>,
      %swap3A_512 = vector.shape_cast %swap3A_511 : vector<16xf32> to vector<16xf32>
      %swap3A_513 = vector.shape_cast %add3A_509 : vector<16xf32> to vector<16xf32>
      tpu.vector_store %arg12[%swap3A_510], %swap3A_513 {strides = array<i32>} : memref<1536xf32, #tpu.memory_space<vmem>>, vector<16xf32>,
      %get3A_514 = arith.constant 642 : index
      %get3A_515 = tpu.vector_load %arg12[%get3A_514] {strides = array<i32>} : memref<1536xf32, #tpu.memory_space<vmem>>, vector<16xf32>,
      %get3A_516 = vector.shape_cast %get3A_515 : vector<16xf32> to vector<16xf32>
      %add3A_517 = arith.addf %add3A_509, %get3A_516 : vector<16xf32>
      %swap3A_518 = arith.constant 1152 : index
      %swap3A_519 = tpu.vector_load %arg12[%swap3A_518] {strides = array<i32>} : memref<1536xf32, #tpu.memory_space<vmem>>, vector<16xf32>,
      %swap3A_520 = vector.shape_cast %swap3A_519 : vector<16xf32> to vector<16xf32>
      %swap3A_521 = vector.shape_cast %add3A_517 : vector<16xf32> to vector<16xf32>
      tpu.vector_store %arg12[%swap3A_518], %swap3A_521 {strides = array<i32>} : memref<1536xf32, #tpu.memory_space<vmem>>, vector<16xf32>,
      %get3A_522 = arith.constant 1153 : index
      %get3A_523 = tpu.vector_load %arg12[%get3A_522] {strides = array<i32>} : memref<1536xf32, #tpu.memory_space<vmem>>, vector<16xf32>,
      %get3A_524 = vector.shape_cast %get3A_523 : vector<16xf32> to vector<16xf32>
      %add3A_525 = arith.addf %add3A_517, %get3A_524 : vector<16xf32>
      %eq3A_526 = arith.constant 4 : i32
      %eq3A_527 = vector.broadcast %eq3A_526 : i32 to vector<16xi32>
      %eq3A_528 = arith.cmpi eq, %iota3A, %eq3A_527 : vector<16xi32>
      %slice3A_529 = vector.extract_strided_slice %add3A_525 {offsets = [0], sizes = [1], strides = [1]} : vector<16xf32> to vector<1xf32>
      %squeeze3A_530 = vector.extract %slice3A_529[0] : f32 from vector<1xf32>
      %broadcast_in_dim3A_531 = vector.broadcast %squeeze3A_530 : f32 to vector<16xf32>
      %select_n3A_532 = arith.select %eq3A_528, %broadcast_in_dim3A_531, %select_n3A_454 : vector<16xi1>, vector<16xf32>
      %add3A_533 = arith.constant 5 : i32
      %add3A_534 = arith.addi %mul3A_142, %add3A_533 : i32
      %get3A_535 = arith.index_cast %add3A_534 : i32 to index
      %get3A_536 = arith.constant 0 : index
      %get3A_537 = tpu.vector_load %arg9[%get3A_535, %get3A_536] {strides = array<i32>} : memref<256x128xf32, #tpu.memory_space<vmem>>, vector<1x16xf32>,
      %get3A_538 = vector.shape_cast %get3A_537 : vector<1x16xf32> to vector<16xf32>
      %get3A_539 = arith.index_cast %add3A_534 : i32 to index
      %get3A_540 = arith.constant 64 : index
      %get3A_541 = tpu.vector_load %arg10[%get3A_539, %get3A_540] {strides = array<i32>} : memref<256x128xf32, #tpu.memory_space<vmem>>, vector<1x16xf32>,
      %get3A_542 = vector.shape_cast %get3A_541 : vector<1x16xf32> to vector<16xf32>
      %mul3A_543 = arith.mulf %get3A_538, %get3A_542 : vector<16xf32>
      %get3A_544 = arith.index_cast %add3A_534 : i32 to index
      %get3A_545 = arith.constant 16 : index
      %get3A_546 = tpu.vector_load %arg9[%get3A_544, %get3A_545] {strides = array<i32>} : memref<256x128xf32, #tpu.memory_space<vmem>>, vector<1x16xf32>,
      %get3A_547 = vector.shape_cast %get3A_546 : vector<1x16xf32> to vector<16xf32>
      %get3A_548 = arith.index_cast %add3A_534 : i32 to index
      %get3A_549 = arith.constant 80 : index
      %get3A_550 = tpu.vector_load %arg10[%get3A_548, %get3A_549] {strides = array<i32>} : memref<256x128xf32, #tpu.memory_space<vmem>>, vector<1x16xf32>,
      %get3A_551 = vector.shape_cast %get3A_550 : vector<1x16xf32> to vector<16xf32>
      %mul3A_552 = arith.mulf %get3A_547, %get3A_551 : vector<16xf32>
      %add3A_553 = arith.addf %mul3A_543, %mul3A_552 : vector<16xf32>
      %get3A_554 = arith.index_cast %add3A_534 : i32 to index
      %get3A_555 = arith.constant 32 : index
      %get3A_556 = tpu.vector_load %arg9[%get3A_554, %get3A_555] {strides = array<i32>} : memref<256x128xf32, #tpu.memory_space<vmem>>, vector<1x16xf32>,
      %get3A_557 = vector.shape_cast %get3A_556 : vector<1x16xf32> to vector<16xf32>
      %get3A_558 = arith.index_cast %add3A_534 : i32 to index
      %get3A_559 = arith.constant 96 : index
      %get3A_560 = tpu.vector_load %arg10[%get3A_558, %get3A_559] {strides = array<i32>} : memref<256x128xf32, #tpu.memory_space<vmem>>, vector<1x16xf32>,
      %get3A_561 = vector.shape_cast %get3A_560 : vector<1x16xf32> to vector<16xf32>
      %mul3A_562 = arith.mulf %get3A_557, %get3A_561 : vector<16xf32>
      %add3A_563 = arith.addf %add3A_553, %mul3A_562 : vector<16xf32>
      %get3A_564 = arith.index_cast %add3A_534 : i32 to index
      %get3A_565 = arith.constant 48 : index
      %get3A_566 = tpu.vector_load %arg9[%get3A_564, %get3A_565] {strides = array<i32>} : memref<256x128xf32, #tpu.memory_space<vmem>>, vector<1x16xf32>,
      %get3A_567 = vector.shape_cast %get3A_566 : vector<1x16xf32> to vector<16xf32>
      %get3A_568 = arith.index_cast %add3A_534 : i32 to index
      %get3A_569 = arith.constant 112 : index
      %get3A_570 = tpu.vector_load %arg10[%get3A_568, %get3A_569] {strides = array<i32>} : memref<256x128xf32, #tpu.memory_space<vmem>>, vector<1x16xf32>,
      %get3A_571 = vector.shape_cast %get3A_570 : vector<1x16xf32> to vector<16xf32>
      %mul3A_572 = arith.mulf %get3A_567, %get3A_571 : vector<16xf32>
      %add3A_573 = arith.addf %add3A_563, %mul3A_572 : vector<16xf32>
      %rev3A_574 = arith.constant 15 : i32
      %rev3A_575 = vector.broadcast %rev3A_574 : i32 to vector<16xi32>
      %rev3A_576 = tpu.iota {dimensions = array<i32: 0>} : vector<16xi32>
      %rev3A_577 = arith.subi %rev3A_575, %rev3A_576 : vector<16xi32>
      %rev3A_578 = tpu.dynamic_gather %add3A_573[%rev3A_577] in [0] : vector<16xf32>, vector<16xi32> -> vector<16xf32>
      %add3A_579 = arith.addf %add3A_573, %rev3A_578 : vector<16xf32>
      %swap3A_580 = arith.constant 160 : index
      %swap3A_581 = tpu.vector_load %arg12[%swap3A_580] {strides = array<i32>} : memref<1536xf32, #tpu.memory_space<vmem>>, vector<16xf32>,
      %swap3A_582 = vector.shape_cast %swap3A_581 : vector<16xf32> to vector<16xf32>
      %swap3A_583 = vector.shape_cast %add3A_579 : vector<16xf32> to vector<16xf32>
      tpu.vector_store %arg12[%swap3A_580], %swap3A_583 {strides = array<i32>} : memref<1536xf32, #tpu.memory_space<vmem>>, vector<16xf32>,
      %get3A_584 = arith.constant 164 : index
      %get3A_585 = tpu.vector_load %arg12[%get3A_584] {strides = array<i32>} : memref<1536xf32, #tpu.memory_space<vmem>>, vector<16xf32>,
      %get3A_586 = vector.shape_cast %get3A_585 : vector<16xf32> to vector<16xf32>
      %add3A_587 = arith.addf %add3A_579, %get3A_586 : vector<16xf32>
      %swap3A_588 = arith.constant 672 : index
      %swap3A_589 = tpu.vector_load %arg12[%swap3A_588] {strides = array<i32>} : memref<1536xf32, #tpu.memory_space<vmem>>, vector<16xf32>,
      %swap3A_590 = vector.shape_cast %swap3A_589 : vector<16xf32> to vector<16xf32>
      %swap3A_591 = vector.shape_cast %add3A_587 : vector<16xf32> to vector<16xf32>
      tpu.vector_store %arg12[%swap3A_588], %swap3A_591 {strides = array<i32>} : memref<1536xf32, #tpu.memory_space<vmem>>, vector<16xf32>,
      %get3A_592 = arith.constant 674 : index
      %get3A_593 = tpu.vector_load %arg12[%get3A_592] {strides = array<i32>} : memref<1536xf32, #tpu.memory_space<vmem>>, vector<16xf32>,
      %get3A_594 = vector.shape_cast %get3A_593 : vector<16xf32> to vector<16xf32>
      %add3A_595 = arith.addf %add3A_587, %get3A_594 : vector<16xf32>
      %swap3A_596 = arith.constant 1184 : index
      %swap3A_597 = tpu.vector_load %arg12[%swap3A_596] {strides = array<i32>} : memref<1536xf32, #tpu.memory_space<vmem>>, vector<16xf32>,
      %swap3A_598 = vector.shape_cast %swap3A_597 : vector<16xf32> to vector<16xf32>
      %swap3A_599 = vector.shape_cast %add3A_595 : vector<16xf32> to vector<16xf32>
      tpu.vector_store %arg12[%swap3A_596], %swap3A_599 {strides = array<i32>} : memref<1536xf32, #tpu.memory_space<vmem>>, vector<16xf32>,
      %get3A_600 = arith.constant 1185 : index
      %get3A_601 = tpu.vector_load %arg12[%get3A_600] {strides = array<i32>} : memref<1536xf32, #tpu.memory_space<vmem>>, vector<16xf32>,
      %get3A_602 = vector.shape_cast %get3A_601 : vector<16xf32> to vector<16xf32>
      %add3A_603 = arith.addf %add3A_595, %get3A_602 : vector<16xf32>
      %eq3A_604 = arith.constant 5 : i32
      %eq3A_605 = vector.broadcast %eq3A_604 : i32 to vector<16xi32>
      %eq3A_606 = arith.cmpi eq, %iota3A, %eq3A_605 : vector<16xi32>
      %slice3A_607 = vector.extract_strided_slice %add3A_603 {offsets = [0], sizes = [1], strides = [1]} : vector<16xf32> to vector<1xf32>
      %squeeze3A_608 = vector.extract %slice3A_607[0] : f32 from vector<1xf32>
      %broadcast_in_dim3A_609 = vector.broadcast %squeeze3A_608 : f32 to vector<16xf32>
      %select_n3A_610 = arith.select %eq3A_606, %broadcast_in_dim3A_609, %select_n3A_532 : vector<16xi1>, vector<16xf32>
      %add3A_611 = arith.constant 6 : i32
      %add3A_612 = arith.addi %mul3A_142, %add3A_611 : i32
      %get3A_613 = arith.index_cast %add3A_612 : i32 to index
      %get3A_614 = arith.constant 0 : index
      %get3A_615 = tpu.vector_load %arg9[%get3A_613, %get3A_614] {strides = array<i32>} : memref<256x128xf32, #tpu.memory_space<vmem>>, vector<1x16xf32>,
      %get3A_616 = vector.shape_cast %get3A_615 : vector<1x16xf32> to vector<16xf32>
      %get3A_617 = arith.index_cast %add3A_612 : i32 to index
      %get3A_618 = arith.constant 64 : index
      %get3A_619 = tpu.vector_load %arg10[%get3A_617, %get3A_618] {strides = array<i32>} : memref<256x128xf32, #tpu.memory_space<vmem>>, vector<1x16xf32>,
      %get3A_620 = vector.shape_cast %get3A_619 : vector<1x16xf32> to vector<16xf32>
      %mul3A_621 = arith.mulf %get3A_616, %get3A_620 : vector<16xf32>
      %get3A_622 = arith.index_cast %add3A_612 : i32 to index
      %get3A_623 = arith.constant 16 : index
      %get3A_624 = tpu.vector_load %arg9[%get3A_622, %get3A_623] {strides = array<i32>} : memref<256x128xf32, #tpu.memory_space<vmem>>, vector<1x16xf32>,
      %get3A_625 = vector.shape_cast %get3A_624 : vector<1x16xf32> to vector<16xf32>
      %get3A_626 = arith.index_cast %add3A_612 : i32 to index
      %get3A_627 = arith.constant 80 : index
      %get3A_628 = tpu.vector_load %arg10[%get3A_626, %get3A_627] {strides = array<i32>} : memref<256x128xf32, #tpu.memory_space<vmem>>, vector<1x16xf32>,
      %get3A_629 = vector.shape_cast %get3A_628 : vector<1x16xf32> to vector<16xf32>
      %mul3A_630 = arith.mulf %get3A_625, %get3A_629 : vector<16xf32>
      %add3A_631 = arith.addf %mul3A_621, %mul3A_630 : vector<16xf32>
      %get3A_632 = arith.index_cast %add3A_612 : i32 to index
      %get3A_633 = arith.constant 32 : index
      %get3A_634 = tpu.vector_load %arg9[%get3A_632, %get3A_633] {strides = array<i32>} : memref<256x128xf32, #tpu.memory_space<vmem>>, vector<1x16xf32>,
      %get3A_635 = vector.shape_cast %get3A_634 : vector<1x16xf32> to vector<16xf32>
      %get3A_636 = arith.index_cast %add3A_612 : i32 to index
      %get3A_637 = arith.constant 96 : index
      %get3A_638 = tpu.vector_load %arg10[%get3A_636, %get3A_637] {strides = array<i32>} : memref<256x128xf32, #tpu.memory_space<vmem>>, vector<1x16xf32>,
      %get3A_639 = vector.shape_cast %get3A_638 : vector<1x16xf32> to vector<16xf32>
      %mul3A_640 = arith.mulf %get3A_635, %get3A_639 : vector<16xf32>
      %add3A_641 = arith.addf %add3A_631, %mul3A_640 : vector<16xf32>
      %get3A_642 = arith.index_cast %add3A_612 : i32 to index
      %get3A_643 = arith.constant 48 : index
      %get3A_644 = tpu.vector_load %arg9[%get3A_642, %get3A_643] {strides = array<i32>} : memref<256x128xf32, #tpu.memory_space<vmem>>, vector<1x16xf32>,
      %get3A_645 = vector.shape_cast %get3A_644 : vector<1x16xf32> to vector<16xf32>
      %get3A_646 = arith.index_cast %add3A_612 : i32 to index
      %get3A_647 = arith.constant 112 : index
      %get3A_648 = tpu.vector_load %arg10[%get3A_646, %get3A_647] {strides = array<i32>} : memref<256x128xf32, #tpu.memory_space<vmem>>, vector<1x16xf32>,
      %get3A_649 = vector.shape_cast %get3A_648 : vector<1x16xf32> to vector<16xf32>
      %mul3A_650 = arith.mulf %get3A_645, %get3A_649 : vector<16xf32>
      %add3A_651 = arith.addf %add3A_641, %mul3A_650 : vector<16xf32>
      %rev3A_652 = arith.constant 15 : i32
      %rev3A_653 = vector.broadcast %rev3A_652 : i32 to vector<16xi32>
      %rev3A_654 = tpu.iota {dimensions = array<i32: 0>} : vector<16xi32>
      %rev3A_655 = arith.subi %rev3A_653, %rev3A_654 : vector<16xi32>
      %rev3A_656 = tpu.dynamic_gather %add3A_651[%rev3A_655] in [0] : vector<16xf32>, vector<16xi32> -> vector<16xf32>
      %add3A_657 = arith.addf %add3A_651, %rev3A_656 : vector<16xf32>
      %swap3A_658 = arith.constant 192 : index
      %swap3A_659 = tpu.vector_load %arg12[%swap3A_658] {strides = array<i32>} : memref<1536xf32, #tpu.memory_space<vmem>>, vector<16xf32>,
      %swap3A_660 = vector.shape_cast %swap3A_659 : vector<16xf32> to vector<16xf32>
      %swap3A_661 = vector.shape_cast %add3A_657 : vector<16xf32> to vector<16xf32>
      tpu.vector_store %arg12[%swap3A_658], %swap3A_661 {strides = array<i32>} : memref<1536xf32, #tpu.memory_space<vmem>>, vector<16xf32>,
      %get3A_662 = arith.constant 196 : index
      %get3A_663 = tpu.vector_load %arg12[%get3A_662] {strides = array<i32>} : memref<1536xf32, #tpu.memory_space<vmem>>, vector<16xf32>,
      %get3A_664 = vector.shape_cast %get3A_663 : vector<16xf32> to vector<16xf32>
      %add3A_665 = arith.addf %add3A_657, %get3A_664 : vector<16xf32>
      %swap3A_666 = arith.constant 704 : index
      %swap3A_667 = tpu.vector_load %arg12[%swap3A_666] {strides = array<i32>} : memref<1536xf32, #tpu.memory_space<vmem>>, vector<16xf32>,
      %swap3A_668 = vector.shape_cast %swap3A_667 : vector<16xf32> to vector<16xf32>
      %swap3A_669 = vector.shape_cast %add3A_665 : vector<16xf32> to vector<16xf32>
      tpu.vector_store %arg12[%swap3A_666], %swap3A_669 {strides = array<i32>} : memref<1536xf32, #tpu.memory_space<vmem>>, vector<16xf32>,
      %get3A_670 = arith.constant 706 : index
      %get3A_671 = tpu.vector_load %arg12[%get3A_670] {strides = array<i32>} : memref<1536xf32, #tpu.memory_space<vmem>>, vector<16xf32>,
      %get3A_672 = vector.shape_cast %get3A_671 : vector<16xf32> to vector<16xf32>
      %add3A_673 = arith.addf %add3A_665, %get3A_672 : vector<16xf32>
      %swap3A_674 = arith.constant 1216 : index
      %swap3A_675 = tpu.vector_load %arg12[%swap3A_674] {strides = array<i32>} : memref<1536xf32, #tpu.memory_space<vmem>>, vector<16xf32>,
      %swap3A_676 = vector.shape_cast %swap3A_675 : vector<16xf32> to vector<16xf32>
      %swap3A_677 = vector.shape_cast %add3A_673 : vector<16xf32> to vector<16xf32>
      tpu.vector_store %arg12[%swap3A_674], %swap3A_677 {strides = array<i32>} : memref<1536xf32, #tpu.memory_space<vmem>>, vector<16xf32>,
      %get3A_678 = arith.constant 1217 : index
      %get3A_679 = tpu.vector_load %arg12[%get3A_678] {strides = array<i32>} : memref<1536xf32, #tpu.memory_space<vmem>>, vector<16xf32>,
      %get3A_680 = vector.shape_cast %get3A_679 : vector<16xf32> to vector<16xf32>
      %add3A_681 = arith.addf %add3A_673, %get3A_680 : vector<16xf32>
      %eq3A_682 = arith.constant 6 : i32
      %eq3A_683 = vector.broadcast %eq3A_682 : i32 to vector<16xi32>
      %eq3A_684 = arith.cmpi eq, %iota3A, %eq3A_683 : vector<16xi32>
      %slice3A_685 = vector.extract_strided_slice %add3A_681 {offsets = [0], sizes = [1], strides = [1]} : vector<16xf32> to vector<1xf32>
      %squeeze3A_686 = vector.extract %slice3A_685[0] : f32 from vector<1xf32>
      %broadcast_in_dim3A_687 = vector.broadcast %squeeze3A_686 : f32 to vector<16xf32>
      %select_n3A_688 = arith.select %eq3A_684, %broadcast_in_dim3A_687, %select_n3A_610 : vector<16xi1>, vector<16xf32>
      %add3A_689 = arith.constant 7 : i32
      %add3A_690 = arith.addi %mul3A_142, %add3A_689 : i32
      %get3A_691 = arith.index_cast %add3A_690 : i32 to index
      %get3A_692 = arith.constant 0 : index
      %get3A_693 = tpu.vector_load %arg9[%get3A_691, %get3A_692] {strides = array<i32>} : memref<256x128xf32, #tpu.memory_space<vmem>>, vector<1x16xf32>,
      %get3A_694 = vector.shape_cast %get3A_693 : vector<1x16xf32> to vector<16xf32>
      %get3A_695 = arith.index_cast %add3A_690 : i32 to index
      %get3A_696 = arith.constant 64 : index
      %get3A_697 = tpu.vector_load %arg10[%get3A_695, %get3A_696] {strides = array<i32>} : memref<256x128xf32, #tpu.memory_space<vmem>>, vector<1x16xf32>,
      %get3A_698 = vector.shape_cast %get3A_697 : vector<1x16xf32> to vector<16xf32>
      %mul3A_699 = arith.mulf %get3A_694, %get3A_698 : vector<16xf32>
      %get3A_700 = arith.index_cast %add3A_690 : i32 to index
      %get3A_701 = arith.constant 16 : index
      %get3A_702 = tpu.vector_load %arg9[%get3A_700, %get3A_701] {strides = array<i32>} : memref<256x128xf32, #tpu.memory_space<vmem>>, vector<1x16xf32>,
      %get3A_703 = vector.shape_cast %get3A_702 : vector<1x16xf32> to vector<16xf32>
      %get3A_704 = arith.index_cast %add3A_690 : i32 to index
      %get3A_705 = arith.constant 80 : index
      %get3A_706 = tpu.vector_load %arg10[%get3A_704, %get3A_705] {strides = array<i32>} : memref<256x128xf32, #tpu.memory_space<vmem>>, vector<1x16xf32>,
      %get3A_707 = vector.shape_cast %get3A_706 : vector<1x16xf32> to vector<16xf32>
      %mul3A_708 = arith.mulf %get3A_703, %get3A_707 : vector<16xf32>
      %add3A_709 = arith.addf %mul3A_699, %mul3A_708 : vector<16xf32>
      %get3A_710 = arith.index_cast %add3A_690 : i32 to index
      %get3A_711 = arith.constant 32 : index
      %get3A_712 = tpu.vector_load %arg9[%get3A_710, %get3A_711] {strides = array<i32>} : memref<256x128xf32, #tpu.memory_space<vmem>>, vector<1x16xf32>,
      %get3A_713 = vector.shape_cast %get3A_712 : vector<1x16xf32> to vector<16xf32>
      %get3A_714 = arith.index_cast %add3A_690 : i32 to index
      %get3A_715 = arith.constant 96 : index
      %get3A_716 = tpu.vector_load %arg10[%get3A_714, %get3A_715] {strides = array<i32>} : memref<256x128xf32, #tpu.memory_space<vmem>>, vector<1x16xf32>,
      %get3A_717 = vector.shape_cast %get3A_716 : vector<1x16xf32> to vector<16xf32>
      %mul3A_718 = arith.mulf %get3A_713, %get3A_717 : vector<16xf32>
      %add3A_719 = arith.addf %add3A_709, %mul3A_718 : vector<16xf32>
      %get3A_720 = arith.index_cast %add3A_690 : i32 to index
      %get3A_721 = arith.constant 48 : index
      %get3A_722 = tpu.vector_load %arg9[%get3A_720, %get3A_721] {strides = array<i32>} : memref<256x128xf32, #tpu.memory_space<vmem>>, vector<1x16xf32>,
      %get3A_723 = vector.shape_cast %get3A_722 : vector<1x16xf32> to vector<16xf32>
      %get3A_724 = arith.index_cast %add3A_690 : i32 to index
      %get3A_725 = arith.constant 112 : index
      %get3A_726 = tpu.vector_load %arg10[%get3A_724, %get3A_725] {strides = array<i32>} : memref<256x128xf32, #tpu.memory_space<vmem>>, vector<1x16xf32>,
      %get3A_727 = vector.shape_cast %get3A_726 : vector<1x16xf32> to vector<16xf32>
      %mul3A_728 = arith.mulf %get3A_723, %get3A_727 : vector<16xf32>
      %add3A_729 = arith.addf %add3A_719, %mul3A_728 : vector<16xf32>
      %rev3A_730 = arith.constant 15 : i32
      %rev3A_731 = vector.broadcast %rev3A_730 : i32 to vector<16xi32>
      %rev3A_732 = tpu.iota {dimensions = array<i32: 0>} : vector<16xi32>
      %rev3A_733 = arith.subi %rev3A_731, %rev3A_732 : vector<16xi32>
      %rev3A_734 = tpu.dynamic_gather %add3A_729[%rev3A_733] in [0] : vector<16xf32>, vector<16xi32> -> vector<16xf32>
      %add3A_735 = arith.addf %add3A_729, %rev3A_734 : vector<16xf32>
      %swap3A_736 = arith.constant 224 : index
      %swap3A_737 = tpu.vector_load %arg12[%swap3A_736] {strides = array<i32>} : memref<1536xf32, #tpu.memory_space<vmem>>, vector<16xf32>,
      %swap3A_738 = vector.shape_cast %swap3A_737 : vector<16xf32> to vector<16xf32>
      %swap3A_739 = vector.shape_cast %add3A_735 : vector<16xf32> to vector<16xf32>
      tpu.vector_store %arg12[%swap3A_736], %swap3A_739 {strides = array<i32>} : memref<1536xf32, #tpu.memory_space<vmem>>, vector<16xf32>,
      %get3A_740 = arith.constant 228 : index
      %get3A_741 = tpu.vector_load %arg12[%get3A_740] {strides = array<i32>} : memref<1536xf32, #tpu.memory_space<vmem>>, vector<16xf32>,
      %get3A_742 = vector.shape_cast %get3A_741 : vector<16xf32> to vector<16xf32>
      %add3A_743 = arith.addf %add3A_735, %get3A_742 : vector<16xf32>
      %swap3A_744 = arith.constant 736 : index
      %swap3A_745 = tpu.vector_load %arg12[%swap3A_744] {strides = array<i32>} : memref<1536xf32, #tpu.memory_space<vmem>>, vector<16xf32>,
      %swap3A_746 = vector.shape_cast %swap3A_745 : vector<16xf32> to vector<16xf32>
      %swap3A_747 = vector.shape_cast %add3A_743 : vector<16xf32> to vector<16xf32>
      tpu.vector_store %arg12[%swap3A_744], %swap3A_747 {strides = array<i32>} : memref<1536xf32, #tpu.memory_space<vmem>>, vector<16xf32>,
      %get3A_748 = arith.constant 738 : index
      %get3A_749 = tpu.vector_load %arg12[%get3A_748] {strides = array<i32>} : memref<1536xf32, #tpu.memory_space<vmem>>, vector<16xf32>,
      %get3A_750 = vector.shape_cast %get3A_749 : vector<16xf32> to vector<16xf32>
      %add3A_751 = arith.addf %add3A_743, %get3A_750 : vector<16xf32>
      %swap3A_752 = arith.constant 1248 : index
      %swap3A_753 = tpu.vector_load %arg12[%swap3A_752] {strides = array<i32>} : memref<1536xf32, #tpu.memory_space<vmem>>, vector<16xf32>,
      %swap3A_754 = vector.shape_cast %swap3A_753 : vector<16xf32> to vector<16xf32>
      %swap3A_755 = vector.shape_cast %add3A_751 : vector<16xf32> to vector<16xf32>
      tpu.vector_store %arg12[%swap3A_752], %swap3A_755 {strides = array<i32>} : memref<1536xf32, #tpu.memory_space<vmem>>, vector<16xf32>,
      %get3A_756 = arith.constant 1249 : index
      %get3A_757 = tpu.vector_load %arg12[%get3A_756] {strides = array<i32>} : memref<1536xf32, #tpu.memory_space<vmem>>, vector<16xf32>,
      %get3A_758 = vector.shape_cast %get3A_757 : vector<16xf32> to vector<16xf32>
      %add3A_759 = arith.addf %add3A_751, %get3A_758 : vector<16xf32>
      %eq3A_760 = arith.constant 7 : i32
      %eq3A_761 = vector.broadcast %eq3A_760 : i32 to vector<16xi32>
      %eq3A_762 = arith.cmpi eq, %iota3A, %eq3A_761 : vector<16xi32>
      %slice3A_763 = vector.extract_strided_slice %add3A_759 {offsets = [0], sizes = [1], strides = [1]} : vector<16xf32> to vector<1xf32>
      %squeeze3A_764 = vector.extract %slice3A_763[0] : f32 from vector<1xf32>
      %broadcast_in_dim3A_765 = vector.broadcast %squeeze3A_764 : f32 to vector<16xf32>
      %select_n3A_766 = arith.select %eq3A_762, %broadcast_in_dim3A_765, %select_n3A_688 : vector<16xi1>, vector<16xf32>
      %add3A_767 = arith.constant 8 : i32
      %add3A_768 = arith.addi %mul3A_142, %add3A_767 : i32
      %get3A_769 = arith.index_cast %add3A_768 : i32 to index
      %get3A_770 = arith.constant 0 : index
      %get3A_771 = tpu.vector_load %arg9[%get3A_769, %get3A_770] {strides = array<i32>} : memref<256x128xf32, #tpu.memory_space<vmem>>, vector<1x16xf32>,
      %get3A_772 = vector.shape_cast %get3A_771 : vector<1x16xf32> to vector<16xf32>
      %get3A_773 = arith.index_cast %add3A_768 : i32 to index
      %get3A_774 = arith.constant 64 : index
      %get3A_775 = tpu.vector_load %arg10[%get3A_773, %get3A_774] {strides = array<i32>} : memref<256x128xf32, #tpu.memory_space<vmem>>, vector<1x16xf32>,
      %get3A_776 = vector.shape_cast %get3A_775 : vector<1x16xf32> to vector<16xf32>
      %mul3A_777 = arith.mulf %get3A_772, %get3A_776 : vector<16xf32>
      %get3A_778 = arith.index_cast %add3A_768 : i32 to index
      %get3A_779 = arith.constant 16 : index
      %get3A_780 = tpu.vector_load %arg9[%get3A_778, %get3A_779] {strides = array<i32>} : memref<256x128xf32, #tpu.memory_space<vmem>>, vector<1x16xf32>,
      %get3A_781 = vector.shape_cast %get3A_780 : vector<1x16xf32> to vector<16xf32>
      %get3A_782 = arith.index_cast %add3A_768 : i32 to index
      %get3A_783 = arith.constant 80 : index
      %get3A_784 = tpu.vector_load %arg10[%get3A_782, %get3A_783] {strides = array<i32>} : memref<256x128xf32, #tpu.memory_space<vmem>>, vector<1x16xf32>,
      %get3A_785 = vector.shape_cast %get3A_784 : vector<1x16xf32> to vector<16xf32>
      %mul3A_786 = arith.mulf %get3A_781, %get3A_785 : vector<16xf32>
      %add3A_787 = arith.addf %mul3A_777, %mul3A_786 : vector<16xf32>
      %get3A_788 = arith.index_cast %add3A_768 : i32 to index
      %get3A_789 = arith.constant 32 : index
      %get3A_790 = tpu.vector_load %arg9[%get3A_788, %get3A_789] {strides = array<i32>} : memref<256x128xf32, #tpu.memory_space<vmem>>, vector<1x16xf32>,
      %get3A_791 = vector.shape_cast %get3A_790 : vector<1x16xf32> to vector<16xf32>
      %get3A_792 = arith.index_cast %add3A_768 : i32 to index
      %get3A_793 = arith.constant 96 : index
      %get3A_794 = tpu.vector_load %arg10[%get3A_792, %get3A_793] {strides = array<i32>} : memref<256x128xf32, #tpu.memory_space<vmem>>, vector<1x16xf32>,
      %get3A_795 = vector.shape_cast %get3A_794 : vector<1x16xf32> to vector<16xf32>
      %mul3A_796 = arith.mulf %get3A_791, %get3A_795 : vector<16xf32>
      %add3A_797 = arith.addf %add3A_787, %mul3A_796 : vector<16xf32>
      %get3A_798 = arith.index_cast %add3A_768 : i32 to index
      %get3A_799 = arith.constant 48 : index
      %get3A_800 = tpu.vector_load %arg9[%get3A_798, %get3A_799] {strides = array<i32>} : memref<256x128xf32, #tpu.memory_space<vmem>>, vector<1x16xf32>,
      %get3A_801 = vector.shape_cast %get3A_800 : vector<1x16xf32> to vector<16xf32>
      %get3A_802 = arith.index_cast %add3A_768 : i32 to index
      %get3A_803 = arith.constant 112 : index
      %get3A_804 = tpu.vector_load %arg10[%get3A_802, %get3A_803] {strides = array<i32>} : memref<256x128xf32, #tpu.memory_space<vmem>>, vector<1x16xf32>,
      %get3A_805 = vector.shape_cast %get3A_804 : vector<1x16xf32> to vector<16xf32>
      %mul3A_806 = arith.mulf %get3A_801, %get3A_805 : vector<16xf32>
      %add3A_807 = arith.addf %add3A_797, %mul3A_806 : vector<16xf32>
      %rev3A_808 = arith.constant 15 : i32
      %rev3A_809 = vector.broadcast %rev3A_808 : i32 to vector<16xi32>
      %rev3A_810 = tpu.iota {dimensions = array<i32: 0>} : vector<16xi32>
      %rev3A_811 = arith.subi %rev3A_809, %rev3A_810 : vector<16xi32>
      %rev3A_812 = tpu.dynamic_gather %add3A_807[%rev3A_811] in [0] : vector<16xf32>, vector<16xi32> -> vector<16xf32>
      %add3A_813 = arith.addf %add3A_807, %rev3A_812 : vector<16xf32>
      %swap3A_814 = arith.constant 256 : index
      %swap3A_815 = tpu.vector_load %arg12[%swap3A_814] {strides = array<i32>} : memref<1536xf32, #tpu.memory_space<vmem>>, vector<16xf32>,
      %swap3A_816 = vector.shape_cast %swap3A_815 : vector<16xf32> to vector<16xf32>
      %swap3A_817 = vector.shape_cast %add3A_813 : vector<16xf32> to vector<16xf32>
      tpu.vector_store %arg12[%swap3A_814], %swap3A_817 {strides = array<i32>} : memref<1536xf32, #tpu.memory_space<vmem>>, vector<16xf32>,
      %get3A_818 = arith.constant 260 : index
      %get3A_819 = tpu.vector_load %arg12[%get3A_818] {strides = array<i32>} : memref<1536xf32, #tpu.memory_space<vmem>>, vector<16xf32>,
      %get3A_820 = vector.shape_cast %get3A_819 : vector<16xf32> to vector<16xf32>
      %add3A_821 = arith.addf %add3A_813, %get3A_820 : vector<16xf32>
      %swap3A_822 = arith.constant 768 : index
      %swap3A_823 = tpu.vector_load %arg12[%swap3A_822] {strides = array<i32>} : memref<1536xf32, #tpu.memory_space<vmem>>, vector<16xf32>,
      %swap3A_824 = vector.shape_cast %swap3A_823 : vector<16xf32> to vector<16xf32>
      %swap3A_825 = vector.shape_cast %add3A_821 : vector<16xf32> to vector<16xf32>
      tpu.vector_store %arg12[%swap3A_822], %swap3A_825 {strides = array<i32>} : memref<1536xf32, #tpu.memory_space<vmem>>, vector<16xf32>,
      %get3A_826 = arith.constant 770 : index
      %get3A_827 = tpu.vector_load %arg12[%get3A_826] {strides = array<i32>} : memref<1536xf32, #tpu.memory_space<vmem>>, vector<16xf32>,
      %get3A_828 = vector.shape_cast %get3A_827 : vector<16xf32> to vector<16xf32>
      %add3A_829 = arith.addf %add3A_821, %get3A_828 : vector<16xf32>
      %swap3A_830 = arith.constant 1280 : index
      %swap3A_831 = tpu.vector_load %arg12[%swap3A_830] {strides = array<i32>} : memref<1536xf32, #tpu.memory_space<vmem>>, vector<16xf32>,
      %swap3A_832 = vector.shape_cast %swap3A_831 : vector<16xf32> to vector<16xf32>
      %swap3A_833 = vector.shape_cast %add3A_829 : vector<16xf32> to vector<16xf32>
      tpu.vector_store %arg12[%swap3A_830], %swap3A_833 {strides = array<i32>} : memref<1536xf32, #tpu.memory_space<vmem>>, vector<16xf32>,
      %get3A_834 = arith.constant 1281 : index
      %get3A_835 = tpu.vector_load %arg12[%get3A_834] {strides = array<i32>} : memref<1536xf32, #tpu.memory_space<vmem>>, vector<16xf32>,
      %get3A_836 = vector.shape_cast %get3A_835 : vector<16xf32> to vector<16xf32>
      %add3A_837 = arith.addf %add3A_829, %get3A_836 : vector<16xf32>
      %eq3A_838 = arith.constant 8 : i32
      %eq3A_839 = vector.broadcast %eq3A_838 : i32 to vector<16xi32>
      %eq3A_840 = arith.cmpi eq, %iota3A, %eq3A_839 : vector<16xi32>
      %slice3A_841 = vector.extract_strided_slice %add3A_837 {offsets = [0], sizes = [1], strides = [1]} : vector<16xf32> to vector<1xf32>
      %squeeze3A_842 = vector.extract %slice3A_841[0] : f32 from vector<1xf32>
      %broadcast_in_dim3A_843 = vector.broadcast %squeeze3A_842 : f32 to vector<16xf32>
      %select_n3A_844 = arith.select %eq3A_840, %broadcast_in_dim3A_843, %select_n3A_766 : vector<16xi1>, vector<16xf32>
      %add3A_845 = arith.constant 9 : i32
      %add3A_846 = arith.addi %mul3A_142, %add3A_845 : i32
      %get3A_847 = arith.index_cast %add3A_846 : i32 to index
      %get3A_848 = arith.constant 0 : index
      %get3A_849 = tpu.vector_load %arg9[%get3A_847, %get3A_848] {strides = array<i32>} : memref<256x128xf32, #tpu.memory_space<vmem>>, vector<1x16xf32>,
      %get3A_850 = vector.shape_cast %get3A_849 : vector<1x16xf32> to vector<16xf32>
      %get3A_851 = arith.index_cast %add3A_846 : i32 to index
      %get3A_852 = arith.constant 64 : index
      %get3A_853 = tpu.vector_load %arg10[%get3A_851, %get3A_852] {strides = array<i32>} : memref<256x128xf32, #tpu.memory_space<vmem>>, vector<1x16xf32>,
      %get3A_854 = vector.shape_cast %get3A_853 : vector<1x16xf32> to vector<16xf32>
      %mul3A_855 = arith.mulf %get3A_850, %get3A_854 : vector<16xf32>
      %get3A_856 = arith.index_cast %add3A_846 : i32 to index
      %get3A_857 = arith.constant 16 : index
      %get3A_858 = tpu.vector_load %arg9[%get3A_856, %get3A_857] {strides = array<i32>} : memref<256x128xf32, #tpu.memory_space<vmem>>, vector<1x16xf32>,
      %get3A_859 = vector.shape_cast %get3A_858 : vector<1x16xf32> to vector<16xf32>
      %get3A_860 = arith.index_cast %add3A_846 : i32 to index
      %get3A_861 = arith.constant 80 : index
      %get3A_862 = tpu.vector_load %arg10[%get3A_860, %get3A_861] {strides = array<i32>} : memref<256x128xf32, #tpu.memory_space<vmem>>, vector<1x16xf32>,
      %get3A_863 = vector.shape_cast %get3A_862 : vector<1x16xf32> to vector<16xf32>
      %mul3A_864 = arith.mulf %get3A_859, %get3A_863 : vector<16xf32>
      %add3A_865 = arith.addf %mul3A_855, %mul3A_864 : vector<16xf32>
      %get3A_866 = arith.index_cast %add3A_846 : i32 to index
      %get3A_867 = arith.constant 32 : index
      %get3A_868 = tpu.vector_load %arg9[%get3A_866, %get3A_867] {strides = array<i32>} : memref<256x128xf32, #tpu.memory_space<vmem>>, vector<1x16xf32>,
      %get3A_869 = vector.shape_cast %get3A_868 : vector<1x16xf32> to vector<16xf32>
      %get3A_870 = arith.index_cast %add3A_846 : i32 to index
      %get3A_871 = arith.constant 96 : index
      %get3A_872 = tpu.vector_load %arg10[%get3A_870, %get3A_871] {strides = array<i32>} : memref<256x128xf32, #tpu.memory_space<vmem>>, vector<1x16xf32>,
      %get3A_873 = vector.shape_cast %get3A_872 : vector<1x16xf32> to vector<16xf32>
      %mul3A_874 = arith.mulf %get3A_869, %get3A_873 : vector<16xf32>
      %add3A_875 = arith.addf %add3A_865, %mul3A_874 : vector<16xf32>
      %get3A_876 = arith.index_cast %add3A_846 : i32 to index
      %get3A_877 = arith.constant 48 : index
      %get3A_878 = tpu.vector_load %arg9[%get3A_876, %get3A_877] {strides = array<i32>} : memref<256x128xf32, #tpu.memory_space<vmem>>, vector<1x16xf32>,
      %get3A_879 = vector.shape_cast %get3A_878 : vector<1x16xf32> to vector<16xf32>
      %get3A_880 = arith.index_cast %add3A_846 : i32 to index
      %get3A_881 = arith.constant 112 : index
      %get3A_882 = tpu.vector_load %arg10[%get3A_880, %get3A_881] {strides = array<i32>} : memref<256x128xf32, #tpu.memory_space<vmem>>, vector<1x16xf32>,
      %get3A_883 = vector.shape_cast %get3A_882 : vector<1x16xf32> to vector<16xf32>
      %mul3A_884 = arith.mulf %get3A_879, %get3A_883 : vector<16xf32>
      %add3A_885 = arith.addf %add3A_875, %mul3A_884 : vector<16xf32>
      %rev3A_886 = arith.constant 15 : i32
      %rev3A_887 = vector.broadcast %rev3A_886 : i32 to vector<16xi32>
      %rev3A_888 = tpu.iota {dimensions = array<i32: 0>} : vector<16xi32>
      %rev3A_889 = arith.subi %rev3A_887, %rev3A_888 : vector<16xi32>
      %rev3A_890 = tpu.dynamic_gather %add3A_885[%rev3A_889] in [0] : vector<16xf32>, vector<16xi32> -> vector<16xf32>
      %add3A_891 = arith.addf %add3A_885, %rev3A_890 : vector<16xf32>
      %swap3A_892 = arith.constant 288 : index
      %swap3A_893 = tpu.vector_load %arg12[%swap3A_892] {strides = array<i32>} : memref<1536xf32, #tpu.memory_space<vmem>>, vector<16xf32>,
      %swap3A_894 = vector.shape_cast %swap3A_893 : vector<16xf32> to vector<16xf32>
      %swap3A_895 = vector.shape_cast %add3A_891 : vector<16xf32> to vector<16xf32>
      tpu.vector_store %arg12[%swap3A_892], %swap3A_895 {strides = array<i32>} : memref<1536xf32, #tpu.memory_space<vmem>>, vector<16xf32>,
      %get3A_896 = arith.constant 292 : index
      %get3A_897 = tpu.vector_load %arg12[%get3A_896] {strides = array<i32>} : memref<1536xf32, #tpu.memory_space<vmem>>, vector<16xf32>,
      %get3A_898 = vector.shape_cast %get3A_897 : vector<16xf32> to vector<16xf32>
      %add3A_899 = arith.addf %add3A_891, %get3A_898 : vector<16xf32>
      %swap3A_900 = arith.constant 800 : index
      %swap3A_901 = tpu.vector_load %arg12[%swap3A_900] {strides = array<i32>} : memref<1536xf32, #tpu.memory_space<vmem>>, vector<16xf32>,
      %swap3A_902 = vector.shape_cast %swap3A_901 : vector<16xf32> to vector<16xf32>
      %swap3A_903 = vector.shape_cast %add3A_899 : vector<16xf32> to vector<16xf32>
      tpu.vector_store %arg12[%swap3A_900], %swap3A_903 {strides = array<i32>} : memref<1536xf32, #tpu.memory_space<vmem>>, vector<16xf32>,
      %get3A_904 = arith.constant 802 : index
      %get3A_905 = tpu.vector_load %arg12[%get3A_904] {strides = array<i32>} : memref<1536xf32, #tpu.memory_space<vmem>>, vector<16xf32>,
      %get3A_906 = vector.shape_cast %get3A_905 : vector<16xf32> to vector<16xf32>
      %add3A_907 = arith.addf %add3A_899, %get3A_906 : vector<16xf32>
      %swap3A_908 = arith.constant 1312 : index
      %swap3A_909 = tpu.vector_load %arg12[%swap3A_908] {strides = array<i32>} : memref<1536xf32, #tpu.memory_space<vmem>>, vector<16xf32>,
      %swap3A_910 = vector.shape_cast %swap3A_909 : vector<16xf32> to vector<16xf32>
      %swap3A_911 = vector.shape_cast %add3A_907 : vector<16xf32> to vector<16xf32>
      tpu.vector_store %arg12[%swap3A_908], %swap3A_911 {strides = array<i32>} : memref<1536xf32, #tpu.memory_space<vmem>>, vector<16xf32>,
      %get3A_912 = arith.constant 1313 : index
      %get3A_913 = tpu.vector_load %arg12[%get3A_912] {strides = array<i32>} : memref<1536xf32, #tpu.memory_space<vmem>>, vector<16xf32>,
      %get3A_914 = vector.shape_cast %get3A_913 : vector<16xf32> to vector<16xf32>
      %add3A_915 = arith.addf %add3A_907, %get3A_914 : vector<16xf32>
      %eq3A_916 = arith.constant 9 : i32
      %eq3A_917 = vector.broadcast %eq3A_916 : i32 to vector<16xi32>
      %eq3A_918 = arith.cmpi eq, %iota3A, %eq3A_917 : vector<16xi32>
      %slice3A_919 = vector.extract_strided_slice %add3A_915 {offsets = [0], sizes = [1], strides = [1]} : vector<16xf32> to vector<1xf32>
      %squeeze3A_920 = vector.extract %slice3A_919[0] : f32 from vector<1xf32>
      %broadcast_in_dim3A_921 = vector.broadcast %squeeze3A_920 : f32 to vector<16xf32>
      %select_n3A_922 = arith.select %eq3A_918, %broadcast_in_dim3A_921, %select_n3A_844 : vector<16xi1>, vector<16xf32>
      %add3A_923 = arith.constant 10 : i32
      %add3A_924 = arith.addi %mul3A_142, %add3A_923 : i32
      %get3A_925 = arith.index_cast %add3A_924 : i32 to index
      %get3A_926 = arith.constant 0 : index
      %get3A_927 = tpu.vector_load %arg9[%get3A_925, %get3A_926] {strides = array<i32>} : memref<256x128xf32, #tpu.memory_space<vmem>>, vector<1x16xf32>,
      %get3A_928 = vector.shape_cast %get3A_927 : vector<1x16xf32> to vector<16xf32>
      %get3A_929 = arith.index_cast %add3A_924 : i32 to index
      %get3A_930 = arith.constant 64 : index
      %get3A_931 = tpu.vector_load %arg10[%get3A_929, %get3A_930] {strides = array<i32>} : memref<256x128xf32, #tpu.memory_space<vmem>>, vector<1x16xf32>,
      %get3A_932 = vector.shape_cast %get3A_931 : vector<1x16xf32> to vector<16xf32>
      %mul3A_933 = arith.mulf %get3A_928, %get3A_932 : vector<16xf32>
      %get3A_934 = arith.index_cast %add3A_924 : i32 to index
      %get3A_935 = arith.constant 16 : index
      %get3A_936 = tpu.vector_load %arg9[%get3A_934, %get3A_935] {strides = array<i32>} : memref<256x128xf32, #tpu.memory_space<vmem>>, vector<1x16xf32>,
      %get3A_937 = vector.shape_cast %get3A_936 : vector<1x16xf32> to vector<16xf32>
      %get3A_938 = arith.index_cast %add3A_924 : i32 to index
      %get3A_939 = arith.constant 80 : index
      %get3A_940 = tpu.vector_load %arg10[%get3A_938, %get3A_939] {strides = array<i32>} : memref<256x128xf32, #tpu.memory_space<vmem>>, vector<1x16xf32>,
      %get3A_941 = vector.shape_cast %get3A_940 : vector<1x16xf32> to vector<16xf32>
      %mul3A_942 = arith.mulf %get3A_937, %get3A_941 : vector<16xf32>
      %add3A_943 = arith.addf %mul3A_933, %mul3A_942 : vector<16xf32>
      %get3A_944 = arith.index_cast %add3A_924 : i32 to index
      %get3A_945 = arith.constant 32 : index
      %get3A_946 = tpu.vector_load %arg9[%get3A_944, %get3A_945] {strides = array<i32>} : memref<256x128xf32, #tpu.memory_space<vmem>>, vector<1x16xf32>,
      %get3A_947 = vector.shape_cast %get3A_946 : vector<1x16xf32> to vector<16xf32>
      %get3A_948 = arith.index_cast %add3A_924 : i32 to index
      %get3A_949 = arith.constant 96 : index
      %get3A_950 = tpu.vector_load %arg10[%get3A_948, %get3A_949] {strides = array<i32>} : memref<256x128xf32, #tpu.memory_space<vmem>>, vector<1x16xf32>,
      %get3A_951 = vector.shape_cast %get3A_950 : vector<1x16xf32> to vector<16xf32>
      %mul3A_952 = arith.mulf %get3A_947, %get3A_951 : vector<16xf32>
      %add3A_953 = arith.addf %add3A_943, %mul3A_952 : vector<16xf32>
      %get3A_954 = arith.index_cast %add3A_924 : i32 to index
      %get3A_955 = arith.constant 48 : index
      %get3A_956 = tpu.vector_load %arg9[%get3A_954, %get3A_955] {strides = array<i32>} : memref<256x128xf32, #tpu.memory_space<vmem>>, vector<1x16xf32>,
      %get3A_957 = vector.shape_cast %get3A_956 : vector<1x16xf32> to vector<16xf32>
      %get3A_958 = arith.index_cast %add3A_924 : i32 to index
      %get3A_959 = arith.constant 112 : index
      %get3A_960 = tpu.vector_load %arg10[%get3A_958, %get3A_959] {strides = array<i32>} : memref<256x128xf32, #tpu.memory_space<vmem>>, vector<1x16xf32>,
      %get3A_961 = vector.shape_cast %get3A_960 : vector<1x16xf32> to vector<16xf32>
      %mul3A_962 = arith.mulf %get3A_957, %get3A_961 : vector<16xf32>
      %add3A_963 = arith.addf %add3A_953, %mul3A_962 : vector<16xf32>
      %rev3A_964 = arith.constant 15 : i32
      %rev3A_965 = vector.broadcast %rev3A_964 : i32 to vector<16xi32>
      %rev3A_966 = tpu.iota {dimensions = array<i32: 0>} : vector<16xi32>
      %rev3A_967 = arith.subi %rev3A_965, %rev3A_966 : vector<16xi32>
      %rev3A_968 = tpu.dynamic_gather %add3A_963[%rev3A_967] in [0] : vector<16xf32>, vector<16xi32> -> vector<16xf32>
      %add3A_969 = arith.addf %add3A_963, %rev3A_968 : vector<16xf32>
      %swap3A_970 = arith.constant 320 : index
      %swap3A_971 = tpu.vector_load %arg12[%swap3A_970] {strides = array<i32>} : memref<1536xf32, #tpu.memory_space<vmem>>, vector<16xf32>,
      %swap3A_972 = vector.shape_cast %swap3A_971 : vector<16xf32> to vector<16xf32>
      %swap3A_973 = vector.shape_cast %add3A_969 : vector<16xf32> to vector<16xf32>
      tpu.vector_store %arg12[%swap3A_970], %swap3A_973 {strides = array<i32>} : memref<1536xf32, #tpu.memory_space<vmem>>, vector<16xf32>,
      %get3A_974 = arith.constant 324 : index
      %get3A_975 = tpu.vector_load %arg12[%get3A_974] {strides = array<i32>} : memref<1536xf32, #tpu.memory_space<vmem>>, vector<16xf32>,
      %get3A_976 = vector.shape_cast %get3A_975 : vector<16xf32> to vector<16xf32>
      %add3A_977 = arith.addf %add3A_969, %get3A_976 : vector<16xf32>
      %swap3A_978 = arith.constant 832 : index
      %swap3A_979 = tpu.vector_load %arg12[%swap3A_978] {strides = array<i32>} : memref<1536xf32, #tpu.memory_space<vmem>>, vector<16xf32>,
      %swap3A_980 = vector.shape_cast %swap3A_979 : vector<16xf32> to vector<16xf32>
      %swap3A_981 = vector.shape_cast %add3A_977 : vector<16xf32> to vector<16xf32>
      tpu.vector_store %arg12[%swap3A_978], %swap3A_981 {strides = array<i32>} : memref<1536xf32, #tpu.memory_space<vmem>>, vector<16xf32>,
      %get3A_982 = arith.constant 834 : index
      %get3A_983 = tpu.vector_load %arg12[%get3A_982] {strides = array<i32>} : memref<1536xf32, #tpu.memory_space<vmem>>, vector<16xf32>,
      %get3A_984 = vector.shape_cast %get3A_983 : vector<16xf32> to vector<16xf32>
      %add3A_985 = arith.addf %add3A_977, %get3A_984 : vector<16xf32>
      %swap3A_986 = arith.constant 1344 : index
      %swap3A_987 = tpu.vector_load %arg12[%swap3A_986] {strides = array<i32>} : memref<1536xf32, #tpu.memory_space<vmem>>, vector<16xf32>,
      %swap3A_988 = vector.shape_cast %swap3A_987 : vector<16xf32> to vector<16xf32>
      %swap3A_989 = vector.shape_cast %add3A_985 : vector<16xf32> to vector<16xf32>
      tpu.vector_store %arg12[%swap3A_986], %swap3A_989 {strides = array<i32>} : memref<1536xf32, #tpu.memory_space<vmem>>, vector<16xf32>,
      %get3A_990 = arith.constant 1345 : index
      %get3A_991 = tpu.vector_load %arg12[%get3A_990] {strides = array<i32>} : memref<1536xf32, #tpu.memory_space<vmem>>, vector<16xf32>,
      %get3A_992 = vector.shape_cast %get3A_991 : vector<16xf32> to vector<16xf32>
      %add3A_993 = arith.addf %add3A_985, %get3A_992 : vector<16xf32>
      %eq3A_994 = arith.constant 10 : i32
      %eq3A_995 = vector.broadcast %eq3A_994 : i32 to vector<16xi32>
      %eq3A_996 = arith.cmpi eq, %iota3A, %eq3A_995 : vector<16xi32>
      %slice3A_997 = vector.extract_strided_slice %add3A_993 {offsets = [0], sizes = [1], strides = [1]} : vector<16xf32> to vector<1xf32>
      %squeeze3A_998 = vector.extract %slice3A_997[0] : f32 from vector<1xf32>
      %broadcast_in_dim3A_999 = vector.broadcast %squeeze3A_998 : f32 to vector<16xf32>
      %select_n3A_1000 = arith.select %eq3A_996, %broadcast_in_dim3A_999, %select_n3A_922 : vector<16xi1>, vector<16xf32>
      %add3A_1001 = arith.constant 11 : i32
      %add3A_1002 = arith.addi %mul3A_142, %add3A_1001 : i32
      %get3A_1003 = arith.index_cast %add3A_1002 : i32 to index
      %get3A_1004 = arith.constant 0 : index
      %get3A_1005 = tpu.vector_load %arg9[%get3A_1003, %get3A_1004] {strides = array<i32>} : memref<256x128xf32, #tpu.memory_space<vmem>>, vector<1x16xf32>,
      %get3A_1006 = vector.shape_cast %get3A_1005 : vector<1x16xf32> to vector<16xf32>
      %get3A_1007 = arith.index_cast %add3A_1002 : i32 to index
      %get3A_1008 = arith.constant 64 : index
      %get3A_1009 = tpu.vector_load %arg10[%get3A_1007, %get3A_1008] {strides = array<i32>} : memref<256x128xf32, #tpu.memory_space<vmem>>, vector<1x16xf32>,
      %get3A_1010 = vector.shape_cast %get3A_1009 : vector<1x16xf32> to vector<16xf32>
      %mul3A_1011 = arith.mulf %get3A_1006, %get3A_1010 : vector<16xf32>
      %get3A_1012 = arith.index_cast %add3A_1002 : i32 to index
      %get3A_1013 = arith.constant 16 : index
      %get3A_1014 = tpu.vector_load %arg9[%get3A_1012, %get3A_1013] {strides = array<i32>} : memref<256x128xf32, #tpu.memory_space<vmem>>, vector<1x16xf32>,
      %get3A_1015 = vector.shape_cast %get3A_1014 : vector<1x16xf32> to vector<16xf32>
      %get3A_1016 = arith.index_cast %add3A_1002 : i32 to index
      %get3A_1017 = arith.constant 80 : index
      %get3A_1018 = tpu.vector_load %arg10[%get3A_1016, %get3A_1017] {strides = array<i32>} : memref<256x128xf32, #tpu.memory_space<vmem>>, vector<1x16xf32>,
      %get3A_1019 = vector.shape_cast %get3A_1018 : vector<1x16xf32> to vector<16xf32>
      %mul3A_1020 = arith.mulf %get3A_1015, %get3A_1019 : vector<16xf32>
      %add3A_1021 = arith.addf %mul3A_1011, %mul3A_1020 : vector<16xf32>
      %get3A_1022 = arith.index_cast %add3A_1002 : i32 to index
      %get3A_1023 = arith.constant 32 : index
      %get3A_1024 = tpu.vector_load %arg9[%get3A_1022, %get3A_1023] {strides = array<i32>} : memref<256x128xf32, #tpu.memory_space<vmem>>, vector<1x16xf32>,
      %get3A_1025 = vector.shape_cast %get3A_1024 : vector<1x16xf32> to vector<16xf32>
      %get3A_1026 = arith.index_cast %add3A_1002 : i32 to index
      %get3A_1027 = arith.constant 96 : index
      %get3A_1028 = tpu.vector_load %arg10[%get3A_1026, %get3A_1027] {strides = array<i32>} : memref<256x128xf32, #tpu.memory_space<vmem>>, vector<1x16xf32>,
      %get3A_1029 = vector.shape_cast %get3A_1028 : vector<1x16xf32> to vector<16xf32>
      %mul3A_1030 = arith.mulf %get3A_1025, %get3A_1029 : vector<16xf32>
      %add3A_1031 = arith.addf %add3A_1021, %mul3A_1030 : vector<16xf32>
      %get3A_1032 = arith.index_cast %add3A_1002 : i32 to index
      %get3A_1033 = arith.constant 48 : index
      %get3A_1034 = tpu.vector_load %arg9[%get3A_1032, %get3A_1033] {strides = array<i32>} : memref<256x128xf32, #tpu.memory_space<vmem>>, vector<1x16xf32>,
      %get3A_1035 = vector.shape_cast %get3A_1034 : vector<1x16xf32> to vector<16xf32>
      %get3A_1036 = arith.index_cast %add3A_1002 : i32 to index
      %get3A_1037 = arith.constant 112 : index
      %get3A_1038 = tpu.vector_load %arg10[%get3A_1036, %get3A_1037] {strides = array<i32>} : memref<256x128xf32, #tpu.memory_space<vmem>>, vector<1x16xf32>,
      %get3A_1039 = vector.shape_cast %get3A_1038 : vector<1x16xf32> to vector<16xf32>
      %mul3A_1040 = arith.mulf %get3A_1035, %get3A_1039 : vector<16xf32>
      %add3A_1041 = arith.addf %add3A_1031, %mul3A_1040 : vector<16xf32>
      %rev3A_1042 = arith.constant 15 : i32
      %rev3A_1043 = vector.broadcast %rev3A_1042 : i32 to vector<16xi32>
      %rev3A_1044 = tpu.iota {dimensions = array<i32: 0>} : vector<16xi32>
      %rev3A_1045 = arith.subi %rev3A_1043, %rev3A_1044 : vector<16xi32>
      %rev3A_1046 = tpu.dynamic_gather %add3A_1041[%rev3A_1045] in [0] : vector<16xf32>, vector<16xi32> -> vector<16xf32>
      %add3A_1047 = arith.addf %add3A_1041, %rev3A_1046 : vector<16xf32>
      %swap3A_1048 = arith.constant 352 : index
      %swap3A_1049 = tpu.vector_load %arg12[%swap3A_1048] {strides = array<i32>} : memref<1536xf32, #tpu.memory_space<vmem>>, vector<16xf32>,
      %swap3A_1050 = vector.shape_cast %swap3A_1049 : vector<16xf32> to vector<16xf32>
      %swap3A_1051 = vector.shape_cast %add3A_1047 : vector<16xf32> to vector<16xf32>
      tpu.vector_store %arg12[%swap3A_1048], %swap3A_1051 {strides = array<i32>} : memref<1536xf32, #tpu.memory_space<vmem>>, vector<16xf32>,
      %get3A_1052 = arith.constant 356 : index
      %get3A_1053 = tpu.vector_load %arg12[%get3A_1052] {strides = array<i32>} : memref<1536xf32, #tpu.memory_space<vmem>>, vector<16xf32>,
      %get3A_1054 = vector.shape_cast %get3A_1053 : vector<16xf32> to vector<16xf32>
      %add3A_1055 = arith.addf %add3A_1047, %get3A_1054 : vector<16xf32>
      %swap3A_1056 = arith.constant 864 : index
      %swap3A_1057 = tpu.vector_load %arg12[%swap3A_1056] {strides = array<i32>} : memref<1536xf32, #tpu.memory_space<vmem>>, vector<16xf32>,
      %swap3A_1058 = vector.shape_cast %swap3A_1057 : vector<16xf32> to vector<16xf32>
      %swap3A_1059 = vector.shape_cast %add3A_1055 : vector<16xf32> to vector<16xf32>
      tpu.vector_store %arg12[%swap3A_1056], %swap3A_1059 {strides = array<i32>} : memref<1536xf32, #tpu.memory_space<vmem>>, vector<16xf32>,
      %get3A_1060 = arith.constant 866 : index
      %get3A_1061 = tpu.vector_load %arg12[%get3A_1060] {strides = array<i32>} : memref<1536xf32, #tpu.memory_space<vmem>>, vector<16xf32>,
      %get3A_1062 = vector.shape_cast %get3A_1061 : vector<16xf32> to vector<16xf32>
      %add3A_1063 = arith.addf %add3A_1055, %get3A_1062 : vector<16xf32>
      %swap3A_1064 = arith.constant 1376 : index
      %swap3A_1065 = tpu.vector_load %arg12[%swap3A_1064] {strides = array<i32>} : memref<1536xf32, #tpu.memory_space<vmem>>, vector<16xf32>,
      %swap3A_1066 = vector.shape_cast %swap3A_1065 : vector<16xf32> to vector<16xf32>
      %swap3A_1067 = vector.shape_cast %add3A_1063 : vector<16xf32> to vector<16xf32>
      tpu.vector_store %arg12[%swap3A_1064], %swap3A_1067 {strides = array<i32>} : memref<1536xf32, #tpu.memory_space<vmem>>, vector<16xf32>,
      %get3A_1068 = arith.constant 1377 : index
      %get3A_1069 = tpu.vector_load %arg12[%get3A_1068] {strides = array<i32>} : memref<1536xf32, #tpu.memory_space<vmem>>, vector<16xf32>,
      %get3A_1070 = vector.shape_cast %get3A_1069 : vector<16xf32> to vector<16xf32>
      %add3A_1071 = arith.addf %add3A_1063, %get3A_1070 : vector<16xf32>
      %eq3A_1072 = arith.constant 11 : i32
      %eq3A_1073 = vector.broadcast %eq3A_1072 : i32 to vector<16xi32>
      %eq3A_1074 = arith.cmpi eq, %iota3A, %eq3A_1073 : vector<16xi32>
      %slice3A_1075 = vector.extract_strided_slice %add3A_1071 {offsets = [0], sizes = [1], strides = [1]} : vector<16xf32> to vector<1xf32>
      %squeeze3A_1076 = vector.extract %slice3A_1075[0] : f32 from vector<1xf32>
      %broadcast_in_dim3A_1077 = vector.broadcast %squeeze3A_1076 : f32 to vector<16xf32>
      %select_n3A_1078 = arith.select %eq3A_1074, %broadcast_in_dim3A_1077, %select_n3A_1000 : vector<16xi1>, vector<16xf32>
      %add3A_1079 = arith.constant 12 : i32
      %add3A_1080 = arith.addi %mul3A_142, %add3A_1079 : i32
      %get3A_1081 = arith.index_cast %add3A_1080 : i32 to index
      %get3A_1082 = arith.constant 0 : index
      %get3A_1083 = tpu.vector_load %arg9[%get3A_1081, %get3A_1082] {strides = array<i32>} : memref<256x128xf32, #tpu.memory_space<vmem>>, vector<1x16xf32>,
      %get3A_1084 = vector.shape_cast %get3A_1083 : vector<1x16xf32> to vector<16xf32>
      %get3A_1085 = arith.index_cast %add3A_1080 : i32 to index
      %get3A_1086 = arith.constant 64 : index
      %get3A_1087 = tpu.vector_load %arg10[%get3A_1085, %get3A_1086] {strides = array<i32>} : memref<256x128xf32, #tpu.memory_space<vmem>>, vector<1x16xf32>,
      %get3A_1088 = vector.shape_cast %get3A_1087 : vector<1x16xf32> to vector<16xf32>
      %mul3A_1089 = arith.mulf %get3A_1084, %get3A_1088 : vector<16xf32>
      %get3A_1090 = arith.index_cast %add3A_1080 : i32 to index
      %get3A_1091 = arith.constant 16 : index
      %get3A_1092 = tpu.vector_load %arg9[%get3A_1090, %get3A_1091] {strides = array<i32>} : memref<256x128xf32, #tpu.memory_space<vmem>>, vector<1x16xf32>,
      %get3A_1093 = vector.shape_cast %get3A_1092 : vector<1x16xf32> to vector<16xf32>
      %get3A_1094 = arith.index_cast %add3A_1080 : i32 to index
      %get3A_1095 = arith.constant 80 : index
      %get3A_1096 = tpu.vector_load %arg10[%get3A_1094, %get3A_1095] {strides = array<i32>} : memref<256x128xf32, #tpu.memory_space<vmem>>, vector<1x16xf32>,
      %get3A_1097 = vector.shape_cast %get3A_1096 : vector<1x16xf32> to vector<16xf32>
      %mul3A_1098 = arith.mulf %get3A_1093, %get3A_1097 : vector<16xf32>
      %add3A_1099 = arith.addf %mul3A_1089, %mul3A_1098 : vector<16xf32>
      %get3A_1100 = arith.index_cast %add3A_1080 : i32 to index
      %get3A_1101 = arith.constant 32 : index
      %get3A_1102 = tpu.vector_load %arg9[%get3A_1100, %get3A_1101] {strides = array<i32>} : memref<256x128xf32, #tpu.memory_space<vmem>>, vector<1x16xf32>,
      %get3A_1103 = vector.shape_cast %get3A_1102 : vector<1x16xf32> to vector<16xf32>
      %get3A_1104 = arith.index_cast %add3A_1080 : i32 to index
      %get3A_1105 = arith.constant 96 : index
      %get3A_1106 = tpu.vector_load %arg10[%get3A_1104, %get3A_1105] {strides = array<i32>} : memref<256x128xf32, #tpu.memory_space<vmem>>, vector<1x16xf32>,
      %get3A_1107 = vector.shape_cast %get3A_1106 : vector<1x16xf32> to vector<16xf32>
      %mul3A_1108 = arith.mulf %get3A_1103, %get3A_1107 : vector<16xf32>
      %add3A_1109 = arith.addf %add3A_1099, %mul3A_1108 : vector<16xf32>
      %get3A_1110 = arith.index_cast %add3A_1080 : i32 to index
      %get3A_1111 = arith.constant 48 : index
      %get3A_1112 = tpu.vector_load %arg9[%get3A_1110, %get3A_1111] {strides = array<i32>} : memref<256x128xf32, #tpu.memory_space<vmem>>, vector<1x16xf32>,
      %get3A_1113 = vector.shape_cast %get3A_1112 : vector<1x16xf32> to vector<16xf32>
      %get3A_1114 = arith.index_cast %add3A_1080 : i32 to index
      %get3A_1115 = arith.constant 112 : index
      %get3A_1116 = tpu.vector_load %arg10[%get3A_1114, %get3A_1115] {strides = array<i32>} : memref<256x128xf32, #tpu.memory_space<vmem>>, vector<1x16xf32>,
      %get3A_1117 = vector.shape_cast %get3A_1116 : vector<1x16xf32> to vector<16xf32>
      %mul3A_1118 = arith.mulf %get3A_1113, %get3A_1117 : vector<16xf32>
      %add3A_1119 = arith.addf %add3A_1109, %mul3A_1118 : vector<16xf32>
      %rev3A_1120 = arith.constant 15 : i32
      %rev3A_1121 = vector.broadcast %rev3A_1120 : i32 to vector<16xi32>
      %rev3A_1122 = tpu.iota {dimensions = array<i32: 0>} : vector<16xi32>
      %rev3A_1123 = arith.subi %rev3A_1121, %rev3A_1122 : vector<16xi32>
      %rev3A_1124 = tpu.dynamic_gather %add3A_1119[%rev3A_1123] in [0] : vector<16xf32>, vector<16xi32> -> vector<16xf32>
      %add3A_1125 = arith.addf %add3A_1119, %rev3A_1124 : vector<16xf32>
      %swap3A_1126 = arith.constant 384 : index
      %swap3A_1127 = tpu.vector_load %arg12[%swap3A_1126] {strides = array<i32>} : memref<1536xf32, #tpu.memory_space<vmem>>, vector<16xf32>,
      %swap3A_1128 = vector.shape_cast %swap3A_1127 : vector<16xf32> to vector<16xf32>
      %swap3A_1129 = vector.shape_cast %add3A_1125 : vector<16xf32> to vector<16xf32>
      tpu.vector_store %arg12[%swap3A_1126], %swap3A_1129 {strides = array<i32>} : memref<1536xf32, #tpu.memory_space<vmem>>, vector<16xf32>,
      %get3A_1130 = arith.constant 388 : index
      %get3A_1131 = tpu.vector_load %arg12[%get3A_1130] {strides = array<i32>} : memref<1536xf32, #tpu.memory_space<vmem>>, vector<16xf32>,
      %get3A_1132 = vector.shape_cast %get3A_1131 : vector<16xf32> to vector<16xf32>
      %add3A_1133 = arith.addf %add3A_1125, %get3A_1132 : vector<16xf32>
      %swap3A_1134 = arith.constant 896 : index
      %swap3A_1135 = tpu.vector_load %arg12[%swap3A_1134] {strides = array<i32>} : memref<1536xf32, #tpu.memory_space<vmem>>, vector<16xf32>,
      %swap3A_1136 = vector.shape_cast %swap3A_1135 : vector<16xf32> to vector<16xf32>
      %swap3A_1137 = vector.shape_cast %add3A_1133 : vector<16xf32> to vector<16xf32>
      tpu.vector_store %arg12[%swap3A_1134], %swap3A_1137 {strides = array<i32>} : memref<1536xf32, #tpu.memory_space<vmem>>, vector<16xf32>,
      %get3A_1138 = arith.constant 898 : index
      %get3A_1139 = tpu.vector_load %arg12[%get3A_1138] {strides = array<i32>} : memref<1536xf32, #tpu.memory_space<vmem>>, vector<16xf32>,
      %get3A_1140 = vector.shape_cast %get3A_1139 : vector<16xf32> to vector<16xf32>
      %add3A_1141 = arith.addf %add3A_1133, %get3A_1140 : vector<16xf32>
      %swap3A_1142 = arith.constant 1408 : index
      %swap3A_1143 = tpu.vector_load %arg12[%swap3A_1142] {strides = array<i32>} : memref<1536xf32, #tpu.memory_space<vmem>>, vector<16xf32>,
      %swap3A_1144 = vector.shape_cast %swap3A_1143 : vector<16xf32> to vector<16xf32>
      %swap3A_1145 = vector.shape_cast %add3A_1141 : vector<16xf32> to vector<16xf32>
      tpu.vector_store %arg12[%swap3A_1142], %swap3A_1145 {strides = array<i32>} : memref<1536xf32, #tpu.memory_space<vmem>>, vector<16xf32>,
      %get3A_1146 = arith.constant 1409 : index
      %get3A_1147 = tpu.vector_load %arg12[%get3A_1146] {strides = array<i32>} : memref<1536xf32, #tpu.memory_space<vmem>>, vector<16xf32>,
      %get3A_1148 = vector.shape_cast %get3A_1147 : vector<16xf32> to vector<16xf32>
      %add3A_1149 = arith.addf %add3A_1141, %get3A_1148 : vector<16xf32>
      %eq3A_1150 = arith.constant 12 : i32
      %eq3A_1151 = vector.broadcast %eq3A_1150 : i32 to vector<16xi32>
      %eq3A_1152 = arith.cmpi eq, %iota3A, %eq3A_1151 : vector<16xi32>
      %slice3A_1153 = vector.extract_strided_slice %add3A_1149 {offsets = [0], sizes = [1], strides = [1]} : vector<16xf32> to vector<1xf32>
      %squeeze3A_1154 = vector.extract %slice3A_1153[0] : f32 from vector<1xf32>
      %broadcast_in_dim3A_1155 = vector.broadcast %squeeze3A_1154 : f32 to vector<16xf32>
      %select_n3A_1156 = arith.select %eq3A_1152, %broadcast_in_dim3A_1155, %select_n3A_1078 : vector<16xi1>, vector<16xf32>
      %add3A_1157 = arith.constant 13 : i32
      %add3A_1158 = arith.addi %mul3A_142, %add3A_1157 : i32
      %get3A_1159 = arith.index_cast %add3A_1158 : i32 to index
      %get3A_1160 = arith.constant 0 : index
      %get3A_1161 = tpu.vector_load %arg9[%get3A_1159, %get3A_1160] {strides = array<i32>} : memref<256x128xf32, #tpu.memory_space<vmem>>, vector<1x16xf32>,
      %get3A_1162 = vector.shape_cast %get3A_1161 : vector<1x16xf32> to vector<16xf32>
      %get3A_1163 = arith.index_cast %add3A_1158 : i32 to index
      %get3A_1164 = arith.constant 64 : index
      %get3A_1165 = tpu.vector_load %arg10[%get3A_1163, %get3A_1164] {strides = array<i32>} : memref<256x128xf32, #tpu.memory_space<vmem>>, vector<1x16xf32>,
      %get3A_1166 = vector.shape_cast %get3A_1165 : vector<1x16xf32> to vector<16xf32>
      %mul3A_1167 = arith.mulf %get3A_1162, %get3A_1166 : vector<16xf32>
      %get3A_1168 = arith.index_cast %add3A_1158 : i32 to index
      %get3A_1169 = arith.constant 16 : index
      %get3A_1170 = tpu.vector_load %arg9[%get3A_1168, %get3A_1169] {strides = array<i32>} : memref<256x128xf32, #tpu.memory_space<vmem>>, vector<1x16xf32>,
      %get3A_1171 = vector.shape_cast %get3A_1170 : vector<1x16xf32> to vector<16xf32>
      %get3A_1172 = arith.index_cast %add3A_1158 : i32 to index
      %get3A_1173 = arith.constant 80 : index
      %get3A_1174 = tpu.vector_load %arg10[%get3A_1172, %get3A_1173] {strides = array<i32>} : memref<256x128xf32, #tpu.memory_space<vmem>>, vector<1x16xf32>,
      %get3A_1175 = vector.shape_cast %get3A_1174 : vector<1x16xf32> to vector<16xf32>
      %mul3A_1176 = arith.mulf %get3A_1171, %get3A_1175 : vector<16xf32>
      %add3A_1177 = arith.addf %mul3A_1167, %mul3A_1176 : vector<16xf32>
      %get3A_1178 = arith.index_cast %add3A_1158 : i32 to index
      %get3A_1179 = arith.constant 32 : index
      %get3A_1180 = tpu.vector_load %arg9[%get3A_1178, %get3A_1179] {strides = array<i32>} : memref<256x128xf32, #tpu.memory_space<vmem>>, vector<1x16xf32>,
      %get3A_1181 = vector.shape_cast %get3A_1180 : vector<1x16xf32> to vector<16xf32>
      %get3A_1182 = arith.index_cast %add3A_1158 : i32 to index
      %get3A_1183 = arith.constant 96 : index
      %get3A_1184 = tpu.vector_load %arg10[%get3A_1182, %get3A_1183] {strides = array<i32>} : memref<256x128xf32, #tpu.memory_space<vmem>>, vector<1x16xf32>,
      %get3A_1185 = vector.shape_cast %get3A_1184 : vector<1x16xf32> to vector<16xf32>
      %mul3A_1186 = arith.mulf %get3A_1181, %get3A_1185 : vector<16xf32>
      %add3A_1187 = arith.addf %add3A_1177, %mul3A_1186 : vector<16xf32>
      %get3A_1188 = arith.index_cast %add3A_1158 : i32 to index
      %get3A_1189 = arith.constant 48 : index
      %get3A_1190 = tpu.vector_load %arg9[%get3A_1188, %get3A_1189] {strides = array<i32>} : memref<256x128xf32, #tpu.memory_space<vmem>>, vector<1x16xf32>,
      %get3A_1191 = vector.shape_cast %get3A_1190 : vector<1x16xf32> to vector<16xf32>
      %get3A_1192 = arith.index_cast %add3A_1158 : i32 to index
      %get3A_1193 = arith.constant 112 : index
      %get3A_1194 = tpu.vector_load %arg10[%get3A_1192, %get3A_1193] {strides = array<i32>} : memref<256x128xf32, #tpu.memory_space<vmem>>, vector<1x16xf32>,
      %get3A_1195 = vector.shape_cast %get3A_1194 : vector<1x16xf32> to vector<16xf32>
      %mul3A_1196 = arith.mulf %get3A_1191, %get3A_1195 : vector<16xf32>
      %add3A_1197 = arith.addf %add3A_1187, %mul3A_1196 : vector<16xf32>
      %rev3A_1198 = arith.constant 15 : i32
      %rev3A_1199 = vector.broadcast %rev3A_1198 : i32 to vector<16xi32>
      %rev3A_1200 = tpu.iota {dimensions = array<i32: 0>} : vector<16xi32>
      %rev3A_1201 = arith.subi %rev3A_1199, %rev3A_1200 : vector<16xi32>
      %rev3A_1202 = tpu.dynamic_gather %add3A_1197[%rev3A_1201] in [0] : vector<16xf32>, vector<16xi32> -> vector<16xf32>
      %add3A_1203 = arith.addf %add3A_1197, %rev3A_1202 : vector<16xf32>
      %swap3A_1204 = arith.constant 416 : index
      %swap3A_1205 = tpu.vector_load %arg12[%swap3A_1204] {strides = array<i32>} : memref<1536xf32, #tpu.memory_space<vmem>>, vector<16xf32>,
      %swap3A_1206 = vector.shape_cast %swap3A_1205 : vector<16xf32> to vector<16xf32>
      %swap3A_1207 = vector.shape_cast %add3A_1203 : vector<16xf32> to vector<16xf32>
      tpu.vector_store %arg12[%swap3A_1204], %swap3A_1207 {strides = array<i32>} : memref<1536xf32, #tpu.memory_space<vmem>>, vector<16xf32>,
      %get3A_1208 = arith.constant 420 : index
      %get3A_1209 = tpu.vector_load %arg12[%get3A_1208] {strides = array<i32>} : memref<1536xf32, #tpu.memory_space<vmem>>, vector<16xf32>,
      %get3A_1210 = vector.shape_cast %get3A_1209 : vector<16xf32> to vector<16xf32>
      %add3A_1211 = arith.addf %add3A_1203, %get3A_1210 : vector<16xf32>
      %swap3A_1212 = arith.constant 928 : index
      %swap3A_1213 = tpu.vector_load %arg12[%swap3A_1212] {strides = array<i32>} : memref<1536xf32, #tpu.memory_space<vmem>>, vector<16xf32>,
      %swap3A_1214 = vector.shape_cast %swap3A_1213 : vector<16xf32> to vector<16xf32>
      %swap3A_1215 = vector.shape_cast %add3A_1211 : vector<16xf32> to vector<16xf32>
      tpu.vector_store %arg12[%swap3A_1212], %swap3A_1215 {strides = array<i32>} : memref<1536xf32, #tpu.memory_space<vmem>>, vector<16xf32>,
      %get3A_1216 = arith.constant 930 : index
      %get3A_1217 = tpu.vector_load %arg12[%get3A_1216] {strides = array<i32>} : memref<1536xf32, #tpu.memory_space<vmem>>, vector<16xf32>,
      %get3A_1218 = vector.shape_cast %get3A_1217 : vector<16xf32> to vector<16xf32>
      %add3A_1219 = arith.addf %add3A_1211, %get3A_1218 : vector<16xf32>
      %swap3A_1220 = arith.constant 1440 : index
      %swap3A_1221 = tpu.vector_load %arg12[%swap3A_1220] {strides = array<i32>} : memref<1536xf32, #tpu.memory_space<vmem>>, vector<16xf32>,
      %swap3A_1222 = vector.shape_cast %swap3A_1221 : vector<16xf32> to vector<16xf32>
      %swap3A_1223 = vector.shape_cast %add3A_1219 : vector<16xf32> to vector<16xf32>
      tpu.vector_store %arg12[%swap3A_1220], %swap3A_1223 {strides = array<i32>} : memref<1536xf32, #tpu.memory_space<vmem>>, vector<16xf32>,
      %get3A_1224 = arith.constant 1441 : index
      %get3A_1225 = tpu.vector_load %arg12[%get3A_1224] {strides = array<i32>} : memref<1536xf32, #tpu.memory_space<vmem>>, vector<16xf32>,
      %get3A_1226 = vector.shape_cast %get3A_1225 : vector<16xf32> to vector<16xf32>
      %add3A_1227 = arith.addf %add3A_1219, %get3A_1226 : vector<16xf32>
      %eq3A_1228 = arith.constant 13 : i32
      %eq3A_1229 = vector.broadcast %eq3A_1228 : i32 to vector<16xi32>
      %eq3A_1230 = arith.cmpi eq, %iota3A, %eq3A_1229 : vector<16xi32>
      %slice3A_1231 = vector.extract_strided_slice %add3A_1227 {offsets = [0], sizes = [1], strides = [1]} : vector<16xf32> to vector<1xf32>
      %squeeze3A_1232 = vector.extract %slice3A_1231[0] : f32 from vector<1xf32>
      %broadcast_in_dim3A_1233 = vector.broadcast %squeeze3A_1232 : f32 to vector<16xf32>
      %select_n3A_1234 = arith.select %eq3A_1230, %broadcast_in_dim3A_1233, %select_n3A_1156 : vector<16xi1>, vector<16xf32>
      %add3A_1235 = arith.constant 14 : i32
      %add3A_1236 = arith.addi %mul3A_142, %add3A_1235 : i32
      %get3A_1237 = arith.index_cast %add3A_1236 : i32 to index
      %get3A_1238 = arith.constant 0 : index
      %get3A_1239 = tpu.vector_load %arg9[%get3A_1237, %get3A_1238] {strides = array<i32>} : memref<256x128xf32, #tpu.memory_space<vmem>>, vector<1x16xf32>,
      %get3A_1240 = vector.shape_cast %get3A_1239 : vector<1x16xf32> to vector<16xf32>
      %get3A_1241 = arith.index_cast %add3A_1236 : i32 to index
      %get3A_1242 = arith.constant 64 : index
      %get3A_1243 = tpu.vector_load %arg10[%get3A_1241, %get3A_1242] {strides = array<i32>} : memref<256x128xf32, #tpu.memory_space<vmem>>, vector<1x16xf32>,
      %get3A_1244 = vector.shape_cast %get3A_1243 : vector<1x16xf32> to vector<16xf32>
      %mul3A_1245 = arith.mulf %get3A_1240, %get3A_1244 : vector<16xf32>
      %get3A_1246 = arith.index_cast %add3A_1236 : i32 to index
      %get3A_1247 = arith.constant 16 : index
      %get3A_1248 = tpu.vector_load %arg9[%get3A_1246, %get3A_1247] {strides = array<i32>} : memref<256x128xf32, #tpu.memory_space<vmem>>, vector<1x16xf32>,
      %get3A_1249 = vector.shape_cast %get3A_1248 : vector<1x16xf32> to vector<16xf32>
      %get3A_1250 = arith.index_cast %add3A_1236 : i32 to index
      %get3A_1251 = arith.constant 80 : index
      %get3A_1252 = tpu.vector_load %arg10[%get3A_1250, %get3A_1251] {strides = array<i32>} : memref<256x128xf32, #tpu.memory_space<vmem>>, vector<1x16xf32>,
      %get3A_1253 = vector.shape_cast %get3A_1252 : vector<1x16xf32> to vector<16xf32>
      %mul3A_1254 = arith.mulf %get3A_1249, %get3A_1253 : vector<16xf32>
      %add3A_1255 = arith.addf %mul3A_1245, %mul3A_1254 : vector<16xf32>
      %get3A_1256 = arith.index_cast %add3A_1236 : i32 to index
      %get3A_1257 = arith.constant 32 : index
      %get3A_1258 = tpu.vector_load %arg9[%get3A_1256, %get3A_1257] {strides = array<i32>} : memref<256x128xf32, #tpu.memory_space<vmem>>, vector<1x16xf32>,
      %get3A_1259 = vector.shape_cast %get3A_1258 : vector<1x16xf32> to vector<16xf32>
      %get3A_1260 = arith.index_cast %add3A_1236 : i32 to index
      %get3A_1261 = arith.constant 96 : index
      %get3A_1262 = tpu.vector_load %arg10[%get3A_1260, %get3A_1261] {strides = array<i32>} : memref<256x128xf32, #tpu.memory_space<vmem>>, vector<1x16xf32>,
      %get3A_1263 = vector.shape_cast %get3A_1262 : vector<1x16xf32> to vector<16xf32>
      %mul3A_1264 = arith.mulf %get3A_1259, %get3A_1263 : vector<16xf32>
      %add3A_1265 = arith.addf %add3A_1255, %mul3A_1264 : vector<16xf32>
      %get3A_1266 = arith.index_cast %add3A_1236 : i32 to index
      %get3A_1267 = arith.constant 48 : index
      %get3A_1268 = tpu.vector_load %arg9[%get3A_1266, %get3A_1267] {strides = array<i32>} : memref<256x128xf32, #tpu.memory_space<vmem>>, vector<1x16xf32>,
      %get3A_1269 = vector.shape_cast %get3A_1268 : vector<1x16xf32> to vector<16xf32>
      %get3A_1270 = arith.index_cast %add3A_1236 : i32 to index
      %get3A_1271 = arith.constant 112 : index
      %get3A_1272 = tpu.vector_load %arg10[%get3A_1270, %get3A_1271] {strides = array<i32>} : memref<256x128xf32, #tpu.memory_space<vmem>>, vector<1x16xf32>,
      %get3A_1273 = vector.shape_cast %get3A_1272 : vector<1x16xf32> to vector<16xf32>
      %mul3A_1274 = arith.mulf %get3A_1269, %get3A_1273 : vector<16xf32>
      %add3A_1275 = arith.addf %add3A_1265, %mul3A_1274 : vector<16xf32>
      %rev3A_1276 = arith.constant 15 : i32
      %rev3A_1277 = vector.broadcast %rev3A_1276 : i32 to vector<16xi32>
      %rev3A_1278 = tpu.iota {dimensions = array<i32: 0>} : vector<16xi32>
      %rev3A_1279 = arith.subi %rev3A_1277, %rev3A_1278 : vector<16xi32>
      %rev3A_1280 = tpu.dynamic_gather %add3A_1275[%rev3A_1279] in [0] : vector<16xf32>, vector<16xi32> -> vector<16xf32>
      %add3A_1281 = arith.addf %add3A_1275, %rev3A_1280 : vector<16xf32>
      %swap3A_1282 = arith.constant 448 : index
      %swap3A_1283 = tpu.vector_load %arg12[%swap3A_1282] {strides = array<i32>} : memref<1536xf32, #tpu.memory_space<vmem>>, vector<16xf32>,
      %swap3A_1284 = vector.shape_cast %swap3A_1283 : vector<16xf32> to vector<16xf32>
      %swap3A_1285 = vector.shape_cast %add3A_1281 : vector<16xf32> to vector<16xf32>
      tpu.vector_store %arg12[%swap3A_1282], %swap3A_1285 {strides = array<i32>} : memref<1536xf32, #tpu.memory_space<vmem>>, vector<16xf32>,
      %get3A_1286 = arith.constant 452 : index
      %get3A_1287 = tpu.vector_load %arg12[%get3A_1286] {strides = array<i32>} : memref<1536xf32, #tpu.memory_space<vmem>>, vector<16xf32>,
      %get3A_1288 = vector.shape_cast %get3A_1287 : vector<16xf32> to vector<16xf32>
      %add3A_1289 = arith.addf %add3A_1281, %get3A_1288 : vector<16xf32>
      %swap3A_1290 = arith.constant 960 : index
      %swap3A_1291 = tpu.vector_load %arg12[%swap3A_1290] {strides = array<i32>} : memref<1536xf32, #tpu.memory_space<vmem>>, vector<16xf32>,
      %swap3A_1292 = vector.shape_cast %swap3A_1291 : vector<16xf32> to vector<16xf32>
      %swap3A_1293 = vector.shape_cast %add3A_1289 : vector<16xf32> to vector<16xf32>
      tpu.vector_store %arg12[%swap3A_1290], %swap3A_1293 {strides = array<i32>} : memref<1536xf32, #tpu.memory_space<vmem>>, vector<16xf32>,
      %get3A_1294 = arith.constant 962 : index
      %get3A_1295 = tpu.vector_load %arg12[%get3A_1294] {strides = array<i32>} : memref<1536xf32, #tpu.memory_space<vmem>>, vector<16xf32>,
      %get3A_1296 = vector.shape_cast %get3A_1295 : vector<16xf32> to vector<16xf32>
      %add3A_1297 = arith.addf %add3A_1289, %get3A_1296 : vector<16xf32>
      %swap3A_1298 = arith.constant 1472 : index
      %swap3A_1299 = tpu.vector_load %arg12[%swap3A_1298] {strides = array<i32>} : memref<1536xf32, #tpu.memory_space<vmem>>, vector<16xf32>,
      %swap3A_1300 = vector.shape_cast %swap3A_1299 : vector<16xf32> to vector<16xf32>
      %swap3A_1301 = vector.shape_cast %add3A_1297 : vector<16xf32> to vector<16xf32>
      tpu.vector_store %arg12[%swap3A_1298], %swap3A_1301 {strides = array<i32>} : memref<1536xf32, #tpu.memory_space<vmem>>, vector<16xf32>,
      %get3A_1302 = arith.constant 1473 : index
      %get3A_1303 = tpu.vector_load %arg12[%get3A_1302] {strides = array<i32>} : memref<1536xf32, #tpu.memory_space<vmem>>, vector<16xf32>,
      %get3A_1304 = vector.shape_cast %get3A_1303 : vector<16xf32> to vector<16xf32>
      %add3A_1305 = arith.addf %add3A_1297, %get3A_1304 : vector<16xf32>
      %eq3A_1306 = arith.constant 14 : i32
      %eq3A_1307 = vector.broadcast %eq3A_1306 : i32 to vector<16xi32>
      %eq3A_1308 = arith.cmpi eq, %iota3A, %eq3A_1307 : vector<16xi32>
      %slice3A_1309 = vector.extract_strided_slice %add3A_1305 {offsets = [0], sizes = [1], strides = [1]} : vector<16xf32> to vector<1xf32>
      %squeeze3A_1310 = vector.extract %slice3A_1309[0] : f32 from vector<1xf32>
      %broadcast_in_dim3A_1311 = vector.broadcast %squeeze3A_1310 : f32 to vector<16xf32>
      %select_n3A_1312 = arith.select %eq3A_1308, %broadcast_in_dim3A_1311, %select_n3A_1234 : vector<16xi1>, vector<16xf32>
      %add3A_1313 = arith.constant 15 : i32
      %add3A_1314 = arith.addi %mul3A_142, %add3A_1313 : i32
      %get3A_1315 = arith.index_cast %add3A_1314 : i32 to index
      %get3A_1316 = arith.constant 0 : index
      %get3A_1317 = tpu.vector_load %arg9[%get3A_1315, %get3A_1316] {strides = array<i32>} : memref<256x128xf32, #tpu.memory_space<vmem>>, vector<1x16xf32>,
      %get3A_1318 = vector.shape_cast %get3A_1317 : vector<1x16xf32> to vector<16xf32>
      %get3A_1319 = arith.index_cast %add3A_1314 : i32 to index
      %get3A_1320 = arith.constant 64 : index
      %get3A_1321 = tpu.vector_load %arg10[%get3A_1319, %get3A_1320] {strides = array<i32>} : memref<256x128xf32, #tpu.memory_space<vmem>>, vector<1x16xf32>,
      %get3A_1322 = vector.shape_cast %get3A_1321 : vector<1x16xf32> to vector<16xf32>
      %mul3A_1323 = arith.mulf %get3A_1318, %get3A_1322 : vector<16xf32>
      %get3A_1324 = arith.index_cast %add3A_1314 : i32 to index
      %get3A_1325 = arith.constant 16 : index
      %get3A_1326 = tpu.vector_load %arg9[%get3A_1324, %get3A_1325] {strides = array<i32>} : memref<256x128xf32, #tpu.memory_space<vmem>>, vector<1x16xf32>,
      %get3A_1327 = vector.shape_cast %get3A_1326 : vector<1x16xf32> to vector<16xf32>
      %get3A_1328 = arith.index_cast %add3A_1314 : i32 to index
      %get3A_1329 = arith.constant 80 : index
      %get3A_1330 = tpu.vector_load %arg10[%get3A_1328, %get3A_1329] {strides = array<i32>} : memref<256x128xf32, #tpu.memory_space<vmem>>, vector<1x16xf32>,
      %get3A_1331 = vector.shape_cast %get3A_1330 : vector<1x16xf32> to vector<16xf32>
      %mul3A_1332 = arith.mulf %get3A_1327, %get3A_1331 : vector<16xf32>
      %add3A_1333 = arith.addf %mul3A_1323, %mul3A_1332 : vector<16xf32>
      %get3A_1334 = arith.index_cast %add3A_1314 : i32 to index
      %get3A_1335 = arith.constant 32 : index
      %get3A_1336 = tpu.vector_load %arg9[%get3A_1334, %get3A_1335] {strides = array<i32>} : memref<256x128xf32, #tpu.memory_space<vmem>>, vector<1x16xf32>,
      %get3A_1337 = vector.shape_cast %get3A_1336 : vector<1x16xf32> to vector<16xf32>
      %get3A_1338 = arith.index_cast %add3A_1314 : i32 to index
      %get3A_1339 = arith.constant 96 : index
      %get3A_1340 = tpu.vector_load %arg10[%get3A_1338, %get3A_1339] {strides = array<i32>} : memref<256x128xf32, #tpu.memory_space<vmem>>, vector<1x16xf32>,
      %get3A_1341 = vector.shape_cast %get3A_1340 : vector<1x16xf32> to vector<16xf32>
      %mul3A_1342 = arith.mulf %get3A_1337, %get3A_1341 : vector<16xf32>
      %add3A_1343 = arith.addf %add3A_1333, %mul3A_1342 : vector<16xf32>
      %get3A_1344 = arith.index_cast %add3A_1314 : i32 to index
      %get3A_1345 = arith.constant 48 : index
      %get3A_1346 = tpu.vector_load %arg9[%get3A_1344, %get3A_1345] {strides = array<i32>} : memref<256x128xf32, #tpu.memory_space<vmem>>, vector<1x16xf32>,
      %get3A_1347 = vector.shape_cast %get3A_1346 : vector<1x16xf32> to vector<16xf32>
      %get3A_1348 = arith.index_cast %add3A_1314 : i32 to index
      %get3A_1349 = arith.constant 112 : index
      %get3A_1350 = tpu.vector_load %arg10[%get3A_1348, %get3A_1349] {strides = array<i32>} : memref<256x128xf32, #tpu.memory_space<vmem>>, vector<1x16xf32>,
      %get3A_1351 = vector.shape_cast %get3A_1350 : vector<1x16xf32> to vector<16xf32>
      %mul3A_1352 = arith.mulf %get3A_1347, %get3A_1351 : vector<16xf32>
      %add3A_1353 = arith.addf %add3A_1343, %mul3A_1352 : vector<16xf32>
      %rev3A_1354 = arith.constant 15 : i32
      %rev3A_1355 = vector.broadcast %rev3A_1354 : i32 to vector<16xi32>
      %rev3A_1356 = tpu.iota {dimensions = array<i32: 0>} : vector<16xi32>
      %rev3A_1357 = arith.subi %rev3A_1355, %rev3A_1356 : vector<16xi32>
      %rev3A_1358 = tpu.dynamic_gather %add3A_1353[%rev3A_1357] in [0] : vector<16xf32>, vector<16xi32> -> vector<16xf32>
      %add3A_1359 = arith.addf %add3A_1353, %rev3A_1358 : vector<16xf32>
      %swap3A_1360 = arith.constant 480 : index
      %swap3A_1361 = tpu.vector_load %arg12[%swap3A_1360] {strides = array<i32>} : memref<1536xf32, #tpu.memory_space<vmem>>, vector<16xf32>,
      %swap3A_1362 = vector.shape_cast %swap3A_1361 : vector<16xf32> to vector<16xf32>
      %swap3A_1363 = vector.shape_cast %add3A_1359 : vector<16xf32> to vector<16xf32>
      tpu.vector_store %arg12[%swap3A_1360], %swap3A_1363 {strides = array<i32>} : memref<1536xf32, #tpu.memory_space<vmem>>, vector<16xf32>,
      %get3A_1364 = arith.constant 484 : index
      %get3A_1365 = tpu.vector_load %arg12[%get3A_1364] {strides = array<i32>} : memref<1536xf32, #tpu.memory_space<vmem>>, vector<16xf32>,
      %get3A_1366 = vector.shape_cast %get3A_1365 : vector<16xf32> to vector<16xf32>
      %add3A_1367 = arith.addf %add3A_1359, %get3A_1366 : vector<16xf32>
      %swap3A_1368 = arith.constant 992 : index
      %swap3A_1369 = tpu.vector_load %arg12[%swap3A_1368] {strides = array<i32>} : memref<1536xf32, #tpu.memory_space<vmem>>, vector<16xf32>,
      %swap3A_1370 = vector.shape_cast %swap3A_1369 : vector<16xf32> to vector<16xf32>
      %swap3A_1371 = vector.shape_cast %add3A_1367 : vector<16xf32> to vector<16xf32>
      tpu.vector_store %arg12[%swap3A_1368], %swap3A_1371 {strides = array<i32>} : memref<1536xf32, #tpu.memory_space<vmem>>, vector<16xf32>,
      %get3A_1372 = arith.constant 994 : index
      %get3A_1373 = tpu.vector_load %arg12[%get3A_1372] {strides = array<i32>} : memref<1536xf32, #tpu.memory_space<vmem>>, vector<16xf32>,
      %get3A_1374 = vector.shape_cast %get3A_1373 : vector<16xf32> to vector<16xf32>
      %add3A_1375 = arith.addf %add3A_1367, %get3A_1374 : vector<16xf32>
      %swap3A_1376 = arith.constant 1504 : index
      %swap3A_1377 = tpu.vector_load %arg12[%swap3A_1376] {strides = array<i32>} : memref<1536xf32, #tpu.memory_space<vmem>>, vector<16xf32>,
      %swap3A_1378 = vector.shape_cast %swap3A_1377 : vector<16xf32> to vector<16xf32>
      %swap3A_1379 = vector.shape_cast %add3A_1375 : vector<16xf32> to vector<16xf32>
      tpu.vector_store %arg12[%swap3A_1376], %swap3A_1379 {strides = array<i32>} : memref<1536xf32, #tpu.memory_space<vmem>>, vector<16xf32>,
      %get3A_1380 = arith.constant 1505 : index
      %get3A_1381 = tpu.vector_load %arg12[%get3A_1380] {strides = array<i32>} : memref<1536xf32, #tpu.memory_space<vmem>>, vector<16xf32>,
      %get3A_1382 = vector.shape_cast %get3A_1381 : vector<16xf32> to vector<16xf32>
      %add3A_1383 = arith.addf %add3A_1375, %get3A_1382 : vector<16xf32>
      %eq3A_1384 = arith.constant 15 : i32
      %eq3A_1385 = vector.broadcast %eq3A_1384 : i32 to vector<16xi32>
      %eq3A_1386 = arith.cmpi eq, %iota3A, %eq3A_1385 : vector<16xi32>
      %slice3A_1387 = vector.extract_strided_slice %add3A_1383 {offsets = [0], sizes = [1], strides = [1]} : vector<16xf32> to vector<1xf32>
      %squeeze3A_1388 = vector.extract %slice3A_1387[0] : f32 from vector<1xf32>
      %broadcast_in_dim3A_1389 = vector.broadcast %squeeze3A_1388 : f32 to vector<16xf32>
      %select_n3A_1390 = arith.select %eq3A_1386, %broadcast_in_dim3A_1389, %select_n3A_1312 : vector<16xi1>, vector<16xf32>
      %add3A_1391 = arith.addf %select_n3A_1390, %get3A_146 : vector<16xf32>
      %add3A_1392 = arith.constant 256 : i32
      %add3A_1393 = arith.addi %add3A_1392, %mul3A_142 : i32
      %swap3A_1394 = arith.index_cast %add3A_1393 : i32 to index
      %swap3A_1395 = tpu.vector_load %arg13[%swap3A_1394] {strides = array<i32>} : memref<512xf32, #tpu.memory_space<vmem>>, vector<16xf32>,
      %swap3A_1396 = vector.shape_cast %swap3A_1395 : vector<16xf32> to vector<16xf32>
      %swap3A_1397 = vector.shape_cast %add3A_1391 : vector<16xf32> to vector<16xf32>
      tpu.vector_store %arg13[%swap3A_1394], %swap3A_1397 {strides = array<i32>} : memref<512xf32, #tpu.memory_space<vmem>>, vector<16xf32>,
    }
    %scan3A_139 = arith.constant 16 : i32
    "tpu.region"() ({
      %run_scoped3A = tpu.sem_alloc : memref<!tpu.dma_semaphore, #tpu.memory_space<semaphore_mem>>
      %dma_start3A_140 = tpu.memref_slice %arg6[%mul3A_2] : memref<16384xf32, #tpu.memory_space<hbm>> -> memref<512xf32, #tpu.memory_space<hbm>>
      %dma_start3A_141 = tpu.memref_slice %arg6[%mul3A_2] : memref<16384xf32, #tpu.memory_space<hbm>> -> memref<512xf32, #tpu.memory_space<hbm>>
      tpu.enqueue_dma source(%arg13 : memref<512xf32, #tpu.memory_space<vmem>>) target(%dma_start3A_141 : memref<512xf32, #tpu.memory_space<hbm>>) target_semaphore(%run_scoped3A : memref<!tpu.dma_semaphore, #tpu.memory_space<semaphore_mem>>)
      %dma_wait3A_142 = tpu.memref_slice %arg6[%mul3A_2] : memref<16384xf32, #tpu.memory_space<hbm>> -> memref<512xf32, #tpu.memory_space<hbm>>
      %dma_wait3A_143 = tpu.memref_slice %arg6[%mul3A_2] : memref<16384xf32, #tpu.memory_space<hbm>> -> memref<512xf32, #tpu.memory_space<hbm>>
      tpu.wait_dma2 semaphore(%run_scoped3A : memref<!tpu.dma_semaphore, #tpu.memory_space<semaphore_mem>>) src(%arg13 : memref<512xf32, #tpu.memory_space<vmem>>) dst(%dma_wait3A_143 : memref<512xf32, #tpu.memory_space<hbm>>)
      tpu.yield
    }) : () -> ()
    return
  }
}

</mosaic_0001>

<sc_bundles>
// kernel: kernel.4.cloned.1.call-start
scs
__scs_entry_jumppad:
0x0: {  	(pc) =	sbr.rel $0x88, $3  }
0x1: {  	(tag) =	ssettag $0x0;
	lr =	simm.s32 $0x1  }
0x2: {  	[smem:$0x3F9A] =	sst lr;
	_ =	strace $0xD0000000  }
0x3: {  	_ = 	snop  }
0x4: {  	_ = 	snop  }
0x5: {  	_ = 	snop  }
0x6: {  	_ = 	snop  }
0x7: {  	_ = 	snop  }
__scs_overlays_trampoline_lowered:
0x8: {  	[smem:$0x3FA9] =	sst s0  }
0x9: {  	[smem:$0x3FAA] =	sst s1  }
0xa: {  	[smem:$0x3FAB] =	sst s2  }
0xb: {  	[smem:$0x3FAC] =	sst s3  }
0xc: {  	[smem:$0x3FAD] =	sst s4  }
0xd: {  	[smem:$0x3FAE] =	sst s5  }
0xe: {  	[smem:$0x3FAF] =	sst s6  }
0xf: {  	[smem:$0x3FB0] =	sst s7  }
0x10: {  	[smem:$0x3FB1] =	sst s8  }
0x11: {  	[smem:$0x3FB2] =	sst s9;
	s0 =	simm.s32 @!p0 $0x0  }
0x12: {  	s1 =	sld [smem:$0x3F98];
	s0 =	simm.s32 @p0 $0x1  }
0x13: {  	[smem:$0x3FB3] =	sst s0;
	s0 =	simm.s32 @!p1 $0x0  }
0x14: {  	s2 =	sld [smem:$0x3F97];
	s0 =	simm.s32 @p1 $0x1  }
0x15: {  	[smem:$0x3FB4] =	sst s0;
	s0 =	simm.s32 @!p2 $0x0  }
0x16: {  	s3 =	sld [smem:$0x3FDB];
	s0 =	simm.s32 @p2 $0x1  }
0x17: {  	s4 =	simm.s32 $0x1BF5;
	[smem:$0x3FB6] =	sst s0  }
0x18: {  	s0 =	sld [smem:$0x3F99];
	_ =	swait.ge [sflag:s4], $0x0  }
0x19: {  	s7 =	sld [smem:$0x3F9A]  }
0x1a: {  	s8 =	sadd.s32 $0xFFFFE003, lr  }
0x1b: {  	s9 =	sadd.s32 $0xFFFFFEF7, lr;
	s5 =	simm.s32 $0xFFFFFFFF;
	p2 =	slt.u32 s8, $0xFFFFF086  }
0x1c: {  	p1 =	slt.u32 s9, $0xF7A;
	s5 =	simm.s32 @!p2 $0x0  }
0x1d: {  	s5 =	simm.s32 @p1 $0x1;
	p0 =	seq.s32 s7, s2  }
0x1e: {  	s7 =	smul.u32 @!p0 $0xF7A, s2;
	p2 =	seq.s32 @!p0 s5, $0x0  }
0x1f: {  	s9 =	smul.u32 $0xF7A, s1;
	s8 =	simm.s32 @!p0 $0x1BF5;
	p2 =	por !p2, p0  }
0x20: {  	[sflag:s8] =	ssyncset.s32 @!p0 $0xFFFFF086;
	s6 =	sadd.s32 @!p0 s3, s7;
	s7 =	simm.s32 @!p0 $0x108  }
0x21: {  	s3 =	sadd.s32 s3, s9;
	s6 =	sadd.s32 @!p0 $0x88, s6;
	s7 =	simm.s32 @p2 $0x1082  }
0x22: {  	[simem:s7], [sflag:s8] =	dma.local @!p0 [hbm:s6], $0xF7A  }
0x23: {  	s9 =	sor.u32 $0xD0000000, s2;
	s6 =	simm.s32 $0x108;
	_ =	swait.ge @!p0 [sflag:s8], $0x0  }
0x24: {  	s3 =	sadd.s32 $0x88, s3;
	s6 =	simm.s32 @!p1 $0x1082;
	[sflag:s4] =	ssyncset.s32 $0xFFFFF086  }
0x25: {  	[simem:s6], [sflag:s4] =	dma.local [hbm:s3], $0xF7A  }
0x26: {  	[smem:$0x3F9A] =	sst s1;
	(tag) =	ssettag s2;
	_ =	strace s9  }
0x27: {  	s1 =	sld [smem:$0x3FAA]  }
0x28: {  	s2 =	sld [smem:$0x3FAB]  }
0x29: {  	s4 =	sld [smem:$0x3FAD]  }
0x2a: {  	p0 =	seq.s32 s5, $0x0;
	s5 =	sld [smem:$0x3FAE]  }
0x2b: {  	s6 =	sld [smem:$0x3FAF]  }
0x2c: {  	s7 =	sld [smem:$0x3FB0]  }
0x2d: {  	s3 =	simm.s32 $0x108;
	s8 =	sld [smem:$0x3FB1]  }
0x2e: {  	s3 =	simm.s32 @!p0 $0x1082;
	s9 =	sld [smem:$0x3FB2]  }
0x2f: {  	lr =	sadd.s32 s0, s3;
	s0 =	sld [smem:$0x3FA9]  }
0x30: {  	s3 =	sld [smem:$0x3FAC]  }
0x31: {  	[smem:$0x3FB5] =	sst s10  }
0x32: {  	s10 =	sld [smem:$0x3FB3];
	_ =	sdelay $0x3  }
0x33: {  	p0 =	seq.s32 s10, $0x1;
	s10 =	sld [smem:$0x3FB5];
	_ =	sdelay $0x3  }
0x34: {  	[smem:$0x3FB5] =	sst s10  }
0x35: {  	s10 =	sld [smem:$0x3FB4];
	_ =	sdelay $0x3  }
0x36: {  	p1 =	seq.s32 s10, $0x1;
	s10 =	sld [smem:$0x3FB5];
	_ =	sdelay $0x3  }
0x37: {  	[smem:$0x3FB5] =	sst s10  }
0x38: {  	s10 =	sld [smem:$0x3FB6]  }
0x39: {  	_ = 	snop;
	(pc) =	sbr.ind lr, $3  }
0x3a: {  	_ = 	snop  }
0x3b: {  	_ = 	snop  }
0x3c: {  	p2 =	seq.s32 s10, $0x1;
	s10 =	sld [smem:$0x3FB5]  }
0x3d: {  	_ =	shalt  }
0x3e: {  	_ =	shalt  }
0x3f: {  	_ =	shalt  }
0x40: {  	_ =	shalt  }
0x41: {  	_ =	shalt  }
0x42: {  	_ =	shalt  }
0x43: {  	_ =	shalt  }
0x44: {  	_ =	shalt  }
0x45: {  	_ =	shalt  }
0x46: {  	_ =	shalt  }
0x47: {  	_ =	shalt  }
0x48: {  	_ =	shalt  }
0x49: {  	_ =	shalt  }
0x4a: {  	_ =	shalt  }
0x4b: {  	_ =	shalt  }
0x4c: {  	_ =	shalt  }
0x4d: {  	_ =	shalt  }
0x4e: {  	_ =	shalt  }
0x4f: {  	_ =	shalt  }
0x50: {  	_ =	shalt  }
0x51: {  	_ =	shalt  }
0x52: {  	_ =	shalt  }
0x53: {  	_ =	shalt  }
0x54: {  	_ =	shalt  }
0x55: {  	_ =	shalt  }
0x56: {  	_ =	shalt  }
0x57: {  	_ =	shalt  }
0x58: {  	_ =	shalt  }
0x59: {  	_ =	shalt  }
0x5a: {  	_ =	shalt  }
0x5b: {  	_ =	shalt  }
0x5c: {  	_ =	shalt  }
0x5d: {  	_ =	shalt  }
0x5e: {  	_ =	shalt  }
0x5f: {  	_ =	shalt  }
0x60: {  	_ =	shalt  }
0x61: {  	_ =	shalt  }
0x62: {  	_ =	shalt  }
0x63: {  	_ =	shalt  }
0x64: {  	_ =	shalt  }
0x65: {  	_ =	shalt  }
0x66: {  	_ =	shalt  }
0x67: {  	_ =	shalt  }
0x68: {  	_ =	shalt  }
0x69: {  	_ =	shalt  }
0x6a: {  	_ =	shalt  }
0x6b: {  	_ =	shalt  }
0x6c: {  	_ =	shalt  }
0x6d: {  	_ =	shalt  }
0x6e: {  	_ =	shalt  }
0x6f: {  	_ =	shalt  }
0x70: {  	_ =	shalt  }
0x71: {  	_ =	shalt  }
0x72: {  	_ =	shalt  }
0x73: {  	_ =	shalt  }
0x74: {  	_ =	shalt  }
0x75: {  	_ =	shalt  }
0x76: {  	_ =	shalt  }
0x77: {  	_ =	shalt  }
0x78: {  	_ =	shalt  }
0x79: {  	_ =	shalt  }
0x7a: {  	_ =	shalt  }
0x7b: {  	_ =	shalt  }
0x7c: {  	_ =	shalt  }
0x7d: {  	_ =	shalt  }
0x7e: {  	_ =	shalt  }
0x7f: {  	_ =	shalt  }
0x80: {  	_ =	shalt  }
0x81: {  	_ =	shalt  }
0x82: {  	_ =	shalt  }
0x83: {  	_ =	shalt  }
0x84: {  	_ =	shalt  }
0x85: {  	_ =	shalt  }
0x86: {  	_ =	shalt  }
0x87: {  	_ =	shalt  }
.Lfunc_end0:
.L_simem_size_0:
called_computation_lowered:
.L_overlay_start_0:
0x88: {  	s2 =	sld [smem:$0x3FD9]  }
0x89: {  	s3 =	sld [smem:$0x3FFE];
	_ =	sdelay $0x1  }
0x8a: {  	s1 =	srdreg.scid  }
0x8b: {  	s0 =	sand.u32 $0x1, s1  }
0x8c: {  	s17 =	sshll.u32 s0, $0xA;
	s2 =	sadd.s32 s3, s2  }
0x8d: {  	s2 =	sadd.s32 s2, s17  }
0x8e: {  	[smem:$0x3FC1] =	sst s2  }
0x8f: {  	_ = 	snop  }
0x90: {  	s2 =	sld [smem:$0x3FC9]  }
0x91: {  	s18 =	sld [smem:$0x3FC8]  }
0x92: {  	s4 =	sld [smem:$0x3FC3];
	(tm) =	ssettm $0x1  }
0x93: {  	s5 =	sld [smem:$0x3FFB];
	_ =	sdelay $0x3  }
0x94: {  	_ =	strace s5  }
0x95: {  	s5 =	sld [smem:$0x3FFC];
	_ =	sdelay $0x3  }
0x96: {  	_ =	strace s5  }
0x97: {  	s5 =	sld [smem:$0x3FFD];
	_ =	sdelay $0x3  }
0x98: {  	_ =	strace s5  }
0x99: {  	_ =	strace $0x8FFFFFFF  }
0x9a: {  	s19 =	sld [smem:$0x3FDB];
	_ =	sdelay $0x1  }
0x9b: {  	s6 =	simm.s32 $_scs_section_size  }
0x9c: {  	s7 =	simm.s32 $_size__tile_overlayer_lowered;
	s8 =	simm.s32 $_tile_overlayer_lowered  }
0x9d: {  	s22 =	simm.s32 $0x1BFF;
	s21 =	sshll.u32 s8, $0x1;
	s5 =	sadd.s32 s6, s19  }
0x9e: {  	s9 =	simm.s32 $0x0;
	s20 =	sshll.u32 s7, $0x1;
	s7 =	sadd.s32 s21, s5  }
0x9f: {  	[timem:s9], [sflag:s22] =	dma.local [hbm:s7], s20  }
0xa0: {  	_ =	swait.ge [sflag:s22], s20  }
0xa1: {  	s6 =	ssub.s32 $0x0, s20;
	[sflag:s22] =	ssyncset.done $0x0  }
0xa2: {  	[sflag:s22] =	ssyncadd.s32 s6;
	_ =	sdelay $0x1  }
0xa3: {  	s23 =	simm.s32 $0x1B8B  }
0xa4: {  	_ =	swait.ge [sflag:s23], $0x1  }
0xa5: {  	[sflag:s23] =	ssyncset.done $0x0  }
0xa6: {  	s25 =	simm.s32 $0x1B8E;
	s24 =	sld [smem:$0x3FFE];
	[sflag:s23] =	ssyncadd.s32 $0xFFFFFFFF  }
0xa7: {  	s26 =	simm.s32 $execute0_lowered;
	[smem:$0x3FD2] =	sst s25  }
0xa8: {  	s7 =	sshll.u32 s26, $0x1;
	_ =	strace $0x80000046;
	[dreg:$0x1] =	wrdreg $0xFFFFFFFF  }
0xa9: {  	s28 =	simm.s32 $_size_execute0_lowered;
	s5 =	sadd.s32 s5, s7;
	[dreg:$0x0] =	wrdreg $0x0  }
0xaa: {  	s7 =	sshll.u32 s28, $0x1;
	[dreg:$0x2] =	wrdreg s5  }
0xab: {  	[dreg:$0x3] =	wrdreg s7  }
0xac: {  	[dreg:$0x4] =	wrdreg $0xC0  }
0xad: {  	_ =	task [dreg:s9], $0x5FFFF  }
0xae: {  	[dreg:$0x1] =	wrdreg $0xFFFFFFFF  }
0xaf: {  	[dreg:$0x0] =	wrdreg $0x60  }
0xb0: {  	[dreg:$0x2] =	wrdreg s2  }
0xb1: {  	[dreg:$0x3] =	wrdreg s18  }
0xb2: {  	[dreg:$0x4] =	wrdreg s24  }
0xb3: {  	[dreg:$0x5] =	wrdreg s4  }
0xb4: {  	[dreg:$0x6] =	wrdreg $0x9  }
0xb5: {  	_ =	task.clear_ibuf [dreg:s9], $0x7FFFF;
	_ =	strace $0x90000046  }
0xb6: {  	s29 =	simm.s32 $0x9;
	_ =	strace $0x80000048  }
0xb7: {  	_ =	swait.ge [sflag:s29], $0x1  }
0xb8: {  	[sflag:s29] =	ssyncadd.s32 $0xFFFFFFFF  }
0xb9: {  	_ =	strace $0x90000048  }
0xba: {  	_ =	sfence  }
0xbb: {  	s30 =	sld [smem:$0x0];
	_ =	sdelay $0x2  }
0xbc: {  	s31 =	sshll.u32 s1, $0xD;
	s1 =	sshrl.u32 s1, $0x2  }
0xbd: {  	s3 =	sand.u32 $0x4000, s31;
	s1 =	sadd.s32 s1, s30  }
0xbe: {  	s0 =	sor.u32 s3, s0;
	s1 =	sshll.u32 s1, $0x11  }
0xbf: {  	s0 =	sor.u32 s1, s0  }
0xc0: {  	s0 =	sadd.s32 $0x8F2B, s0  }
0xc1: {  	[sflag:s0] =	ssyncadd.remote.s32 $0x1  }
0xc2: {  	_ =	sfence.sel $0xFFFF  }
0xc3: {  	[dreg:$0x0] =	wrdreg $0xFFFFFFFF;
	(pc) =	sbr.abs _section_cstart, $3  }
0xc4: {  	[dreg:$0x1] =	wrdreg $0xFFFFFFFF  }
0xc5: {  	_ =	task.clear_ibuf [dreg:s9], $0x2FFFF;
	_ =	strace $0x9FFFFFFF  }
0xc6: {  	(tm) =	ssettm $0x7FFFFFFF  }
0xc7: {  	_ =	shalt  }
tec
execute0_lowered:
.L_overlay_start_1:
0x0: {  	(tag) =	ssettag $0x1  }
0x1: {  	s0 =	rddreg [dreg:$0x0]  }
0x2: {  	s7 =	rddreg [dreg:$0x1]  }
0x3: {  	s1 =	rddreg [dreg:$0x2]  }
0x4: {  	s2 =	rddreg [dreg:$0x3];
	s4 =	simm.s32 $0x0;
	s5 =	srdreg.scid  }
0x5: {  	s3 =	stileid.u32;
	s11 =	simm.s32 $0x200;
	s12 =	simm.s32 $0x800  }
0x6: {  	s13 =	simm.s32 $0x80;
	s14 =	simm.s32 $0x400;
	s15 =	simm.s32 $0x600  }
0x7: {  	s16 =	simm.s32 $0x480;
	s17 =	simm.s32 $0x280;
	s18 =	simm.s32 $0x680  }
0x8: {  	s19 =	simm.s32 $0x100;
	s20 =	simm.s32 $0x500;
	s21 =	simm.s32 $0x300  }
0x9: {  	s22 =	simm.s32 $0x700;
	s23 =	simm.s32 $0x180;
	s24 =	simm.s32 $0x580  }
0xa: {  	s25 =	simm.s32 $0x380;
	s26 =	simm.s32 $0x780;
	s28 =	simm.s32 $0x1  }
0xb: {  	s29 =	simm.s32 $0x810;
	s30 =	simm.s32 $0x0;
	s5 =	sand.u32 $0x1, s5  }
0xc: {  	[smem:$0x7FF] =	sst s4;
	s6 =	sshll.u32 s3, $0x7;
	s8 =	sshll.u32 s5, $0x6  }
0xd: {  	s9 =	ssub.s32 $0x2, s5;
	_ =	strace $0x80000047;
	s8 =	sor.u32 s8, s6  }
0xe: {  	s5 =	sadd.s32 $0x1EA00, s1;
	s31 =	sshrl.u32 s9, $0x1;
	s10 =	sadd.s32 s8, s1  }
0xf: {  	s9 =	ssub.s32 s9, s31;
	s6 =	sadd.s32 s0, s8;
	s7 =	sadd.s32 s7, s8  }
0x10: {  	s8 =	sadd.s32 $0x3D400, s10;
	s9 =	smax.u32 s9, $0x1;
	s10 =	simm.s32 $0x2  }
.LBB2_1:
0x11: {  	[tilespmem:s4], [sflag:$0x2] =	stream.linear.gather [hbm4b:s6+s4], $0x200, $0x38;
	[tilespmem:$0xA10] =	vst v63  }
0x12: {  	_ =	swait.ge [sflag:s10], $0x200  }
0x13: {  	[sflag:s10] =	ssyncset.done $0x0  }
0x14: {  	[sflag:s10] =	ssyncadd.s32 $0xFFFFFE00  }
0x15: {  	[tilespmem:s11], [sflag:$0x2] =	stream.linear.gather [hbm4b:s7+s4], $0x200, $0x38;
	[tilespmem:$0xA10] =	vst v63  }
0x16: {  	_ =	swait.ge [sflag:s10], $0x200  }
0x17: {  	[sflag:s10] =	ssyncset.done $0x0  }
0x18: {  	[sflag:s10] =	ssyncadd.s32 $0xFFFFFE00  }
0x19: {  	[tilespmem:s12], [sflag:$0x2] =	stream.linear.gather [hbm4b:s2+s4], $0x1, $0x38;
	[tilespmem:$0xA10] =	vst v63  }
0x1a: {  	_ =	swait.ge [sflag:s10], $0x1  }
0x1b: {  	[sflag:s10] =	ssyncset.done $0x0  }
0x1c: {  	[sflag:s10] =	ssyncadd.s32 $0xFFFFFFFF  }
0x1d: {  	[tilespmem:s14], [sflag:$0x1] =	stream.indirect.gather [hbm4b:s5+s13], $0x1, s4, s13, $0xb8;
	[tilespmem:$0xA10] =	vst v63  }
0x1e: {  	_ = 	snop  }
0x1f: {  	[tilespmem:s15], [sflag:$0x1] =	stream.indirect.gather [hbm4b:s1+s13], $0x1, s11, s13, $0xb8;
	[tilespmem:$0xA10] =	vst v63  }
0x20: {  	_ = 	snop  }
0x21: {  	[tilespmem:s16], [sflag:$0x1] =	stream.indirect.gather [hbm4b:s5+s13], $0x1, s13, s13, $0xb8;
	[tilespmem:$0xA10] =	vst v63  }
0x22: {  	_ = 	snop  }
0x23: {  	[tilespmem:s18], [sflag:$0x1] =	stream.indirect.gather [hbm4b:s1+s13], $0x1, s17, s13, $0xb8;
	[tilespmem:$0xA10] =	vst v63  }
0x24: {  	_ = 	snop  }
0x25: {  	[tilespmem:s20], [sflag:$0x1] =	stream.indirect.gather [hbm4b:s5+s13], $0x1, s19, s13, $0xb8;
	[tilespmem:$0xA10] =	vst v63  }
0x26: {  	_ = 	snop  }
0x27: {  	[tilespmem:s22], [sflag:$0x1] =	stream.indirect.gather [hbm4b:s1+s13], $0x1, s21, s13, $0xb8;
	[tilespmem:$0xA10] =	vst v63  }
0x28: {  	_ = 	snop  }
0x29: {  	[tilespmem:s24], [sflag:$0x1] =	stream.indirect.gather [hbm4b:s5+s13], $0x1, s23, s13, $0xb8;
	[tilespmem:$0xA10] =	vst v63  }
0x2a: {  	_ = 	snop  }
0x2b: {  	[tilespmem:s26], [sflag:$0x1] =	stream.indirect.gather [hbm4b:s1+s13], $0x1, s25, s13, $0xb8;
	[tilespmem:$0xA10] =	vst v63  }
0x2c: {  	_ =	swait.ge [sflag:s28], $0x80  }
0x2d: {  	[sflag:s28] =	ssyncset.done $0x0  }
0x2e: {  	[sflag:s28] =	ssyncadd.s32 $0xFFFFFF80  }
0x2f: {  	_ =	swait.ge [sflag:s28], $0x80  }
0x30: {  	[sflag:s28] =	ssyncset.done $0x0  }
0x31: {  	[sflag:s28] =	ssyncadd.s32 $0xFFFFFF80  }
0x32: {  	_ =	swait.ge [sflag:s28], $0x80  }
0x33: {  	[sflag:s28] =	ssyncset.done $0x0  }
0x34: {  	[sflag:s28] =	ssyncadd.s32 $0xFFFFFF80  }
0x35: {  	_ =	swait.ge [sflag:s28], $0x80  }
0x36: {  	[sflag:s28] =	ssyncset.done $0x0  }
0x37: {  	[sflag:s28] =	ssyncadd.s32 $0xFFFFFF80  }
0x38: {  	_ =	swait.ge [sflag:s28], $0x80  }
0x39: {  	[sflag:s28] =	ssyncset.done $0x0  }
0x3a: {  	[sflag:s28] =	ssyncadd.s32 $0xFFFFFF80  }
0x3b: {  	_ =	swait.ge [sflag:s28], $0x80  }
0x3c: {  	[sflag:s28] =	ssyncset.done $0x0  }
0x3d: {  	[sflag:s28] =	ssyncadd.s32 $0xFFFFFF80  }
0x3e: {  	_ =	swait.ge [sflag:s28], $0x80  }
0x3f: {  	[sflag:s28] =	ssyncset.done $0x0  }
0x40: {  	[sflag:s28] =	ssyncadd.s32 $0xFFFFFF80  }
0x41: {  	_ =	swait.ge [sflag:s28], $0x80  }
0x42: {  	[sflag:s28] =	ssyncset.done $0x0  }
0x43: {  	s31 =	simm.s32 $0x0;
	[sflag:s28] =	ssyncadd.s32 $0xFFFFFF80  }
0x44: {  	v1 =	vld [tilespmem:s31+$0x400]  }
0x45: {  	v2 =	vld [tilespmem:s31+$0x600];
	_ =	sdelay $0x1  }
0x46: {  	v0 =	vld.msk [tilespmem:$0x800 ss:$0x0], $0xffff  }
0x47: {  	s0 =	simm.s32 $0x40  }
.LBB2_2:
0x48: {  	s3 =	sshra.s32 s0, $0x2;
	p0 =	sne.s32 s0, $0x7C0  }
.Ltmp0:
0x49: {  	s0 =	sadd.s32 $0x40, s0;
	v3 =	vadd.f32 v2, v1;
	v1 =	vld [tilespmem:s3+$0x400];
	(pc) =	sbr.rel @p0 .LBB2_2-.Ltmp0, $3  }
0x4a: {  	v2 =	vld [tilespmem:s3+$0x600]  }
0x4b: {  	v3 =	vadd.f32 v3, v0;
	_ =	sdelay $0x1  }
0x4c: {  	[tilespmem:s31+$0x810] =	vst v3;
	s31 =	smov.u32 s3  }
0x4d: {  	_ = 	snop  }
0x4e: {  	v1 =	vadd.f32 v2, v1;
	_ =	sdelay $0x1  }
0x4f: {  	s30 =	sadd.s32 $0x1, s30;
	v0 =	vadd.f32 v1, v0  }
0x50: {  	p0 =	sne.s32 s30, s9  }
.Ltmp1:
0x51: {  	[tilespmem:s31+$0x810] =	vst v0;
	(pc) =	sbr.rel @p0 .LBB2_1-.Ltmp1, $4  }
0x52: {  	[hbm4b:s8+s4] =	stream.linear.scatter [tilespmem:s29], [sflag:$0x2], $0x200, $0x38;
	[tilespmem:$0xA10] =	vst v63  }
0x53: {  	_ =	swait.ge [sflag:s10], $0x200  }
0x54: {  	[sflag:s10] =	ssyncset.done $0x0  }
0x55: {  	[sflag:s10] =	ssyncadd.s32 $0xFFFFFE00  }
0x56: {  	_ =	sfence.sel $0x180000  }
0x57: {  	[bflag:$0x0] =	sbarrier.arrive $0xFFFF  }
0x58: {  	_ =	strace $0x90000047  }
0x59: {  	s0 =	stileid.u32;
	[bflag:$0x2] =	sbarrier.arrive $0xFFFF  }
0x5a: {  	p0 =	sne.s32 s0, $0x0;
	s0 =	rddreg [dreg:$0x4]  }
0x5b: {  	s0 =	sadd.s32 @!p0 $0x100000, s0  }
0x5c: {  	[sflag:s0] =	ssyncadd.tile.s32 @!p0 $0x1;
	_ =	shalt  }
.Lfunc_end2:
_tile_overlayer_lowered:
.L_overlay_start_2:
0x5d: {  	(tag) =	ssettag $0x2  }
0x5e: {  	s0 =	rddreg [dreg:$0x0];
	s2 =	stileid.u32  }
0x5f: {  	s1 =	rddreg [dreg:$0x1];
	p0 =	sne.s32 s2, $0x0  }
0x60: {  	s3 =	rddreg [dreg:$0x2];
	[bflag:$0x3] =	sbarrier.arrive $0xFFFF;
	s2 =	simm.s32 @!p0 $0x1C02  }
0x61: {  	[timem:s3], [sflag:s2] =	dma.local @!p0 [hbm:s0], s1  }
0x62: {  	s0 =	simm.s32 @!p0 $0x2  }
0x63: {  	_ =	swait.ge @!p0 [sflag:s0], s1  }
0x64: {  	s1 =	ssub.s32 @!p0 $0x0, s1;
	[sflag:s0] =	ssyncset.done @!p0 $0x0  }
0x65: {  	[sflag:s0] =	ssyncadd.s32 @!p0 s1  }
0x66: {  	[bflag:$0x3] =	sbarrier.arrive $0xFFFF  }
0x67: {  	_ =	shalt  }

// kernel: kernel.7.cloned.1.call-start
scs
__scs_entry_jumppad:
0x0: {  	(pc) =	sbr.rel $0x88, $3  }
0x1: {  	(tag) =	ssettag $0x0;
	lr =	simm.s32 $0x1  }
0x2: {  	[smem:$0x3F9A] =	sst lr;
	_ =	strace $0xD0000000  }
0x3: {  	_ = 	snop  }
0x4: {  	_ = 	snop  }
0x5: {  	_ = 	snop  }
0x6: {  	_ = 	snop  }
0x7: {  	_ = 	snop  }
__scs_overlays_trampoline_lowered:
0x8: {  	[smem:$0x3FA9] =	sst s0  }
0x9: {  	[smem:$0x3FAA] =	sst s1  }
0xa: {  	[smem:$0x3FAB] =	sst s2  }
0xb: {  	[smem:$0x3FAC] =	sst s3  }
0xc: {  	[smem:$0x3FAD] =	sst s4  }
0xd: {  	[smem:$0x3FAE] =	sst s5  }
0xe: {  	[smem:$0x3FAF] =	sst s6  }
0xf: {  	[smem:$0x3FB0] =	sst s7  }
0x10: {  	[smem:$0x3FB1] =	sst s8  }
0x11: {  	[smem:$0x3FB2] =	sst s9;
	s0 =	simm.s32 @!p0 $0x0  }
0x12: {  	s1 =	sld [smem:$0x3F98];
	s0 =	simm.s32 @p0 $0x1  }
0x13: {  	[smem:$0x3FB3] =	sst s0;
	s0 =	simm.s32 @!p1 $0x0  }
0x14: {  	s2 =	sld [smem:$0x3F97];
	s0 =	simm.s32 @p1 $0x1  }
0x15: {  	[smem:$0x3FB4] =	sst s0;
	s0 =	simm.s32 @!p2 $0x0  }
0x16: {  	s3 =	sld [smem:$0x3FDB];
	s0 =	simm.s32 @p2 $0x1  }
0x17: {  	s4 =	simm.s32 $0x1BF5;
	[smem:$0x3FB6] =	sst s0  }
0x18: {  	s0 =	sld [smem:$0x3F99];
	_ =	swait.ge [sflag:s4], $0x0  }
0x19: {  	s7 =	sld [smem:$0x3F9A]  }
0x1a: {  	s8 =	sadd.s32 $0xFFFFE003, lr  }
0x1b: {  	s9 =	sadd.s32 $0xFFFFFEF7, lr;
	s5 =	simm.s32 $0xFFFFFFFF;
	p2 =	slt.u32 s8, $0xFFFFF086  }
0x1c: {  	p1 =	slt.u32 s9, $0xF7A;
	s5 =	simm.s32 @!p2 $0x0  }
0x1d: {  	s5 =	simm.s32 @p1 $0x1;
	p0 =	seq.s32 s7, s2  }
0x1e: {  	s7 =	smul.u32 @!p0 $0xF7A, s2;
	p2 =	seq.s32 @!p0 s5, $0x0  }
0x1f: {  	s9 =	smul.u32 $0xF7A, s1;
	s8 =	simm.s32 @!p0 $0x1BF5;
	p2 =	por !p2, p0  }
0x20: {  	[sflag:s8] =	ssyncset.s32 @!p0 $0xFFFFF086;
	s6 =	sadd.s32 @!p0 s3, s7;
	s7 =	simm.s32 @!p0 $0x108  }
0x21: {  	s3 =	sadd.s32 s3, s9;
	s6 =	sadd.s32 @!p0 $0x88, s6;
	s7 =	simm.s32 @p2 $0x1082  }
0x22: {  	[simem:s7], [sflag:s8] =	dma.local @!p0 [hbm:s6], $0xF7A  }
0x23: {  	s9 =	sor.u32 $0xD0000000, s2;
	s6 =	simm.s32 $0x108;
	_ =	swait.ge @!p0 [sflag:s8], $0x0  }
0x24: {  	s3 =	sadd.s32 $0x88, s3;
	s6 =	simm.s32 @!p1 $0x1082;
	[sflag:s4] =	ssyncset.s32 $0xFFFFF086  }
0x25: {  	[simem:s6], [sflag:s4] =	dma.local [hbm:s3], $0xF7A  }
0x26: {  	[smem:$0x3F9A] =	sst s1;
	(tag) =	ssettag s2;
	_ =	strace s9  }
0x27: {  	s1 =	sld [smem:$0x3FAA]  }
0x28: {  	s2 =	sld [smem:$0x3FAB]  }
0x29: {  	s4 =	sld [smem:$0x3FAD]  }
0x2a: {  	p0 =	seq.s32 s5, $0x0;
	s5 =	sld [smem:$0x3FAE]  }
0x2b: {  	s6 =	sld [smem:$0x3FAF]  }
0x2c: {  	s7 =	sld [smem:$0x3FB0]  }
0x2d: {  	s3 =	simm.s32 $0x108;
	s8 =	sld [smem:$0x3FB1]  }
0x2e: {  	s3 =	simm.s32 @!p0 $0x1082;
	s9 =	sld [smem:$0x3FB2]  }
0x2f: {  	lr =	sadd.s32 s0, s3;
	s0 =	sld [smem:$0x3FA9]  }
0x30: {  	s3 =	sld [smem:$0x3FAC]  }
0x31: {  	[smem:$0x3FB5] =	sst s10  }
0x32: {  	s10 =	sld [smem:$0x3FB3];
	_ =	sdelay $0x3  }
0x33: {  	p0 =	seq.s32 s10, $0x1;
	s10 =	sld [smem:$0x3FB5];
	_ =	sdelay $0x3  }
0x34: {  	[smem:$0x3FB5] =	sst s10  }
0x35: {  	s10 =	sld [smem:$0x3FB4];
	_ =	sdelay $0x3  }
0x36: {  	p1 =	seq.s32 s10, $0x1;
	s10 =	sld [smem:$0x3FB5];
	_ =	sdelay $0x3  }
0x37: {  	[smem:$0x3FB5] =	sst s10  }
0x38: {  	s10 =	sld [smem:$0x3FB6]  }
0x39: {  	_ = 	snop;
	(pc) =	sbr.ind lr, $3  }
0x3a: {  	_ = 	snop  }
0x3b: {  	_ = 	snop  }
0x3c: {  	p2 =	seq.s32 s10, $0x1;
	s10 =	sld [smem:$0x3FB5]  }
0x3d: {  	_ =	shalt  }
0x3e: {  	_ =	shalt  }
0x3f: {  	_ =	shalt  }
0x40: {  	_ =	shalt  }
0x41: {  	_ =	shalt  }
0x42: {  	_ =	shalt  }
0x43: {  	_ =	shalt  }
0x44: {  	_ =	shalt  }
0x45: {  	_ =	shalt  }
0x46: {  	_ =	shalt  }
0x47: {  	_ =	shalt  }
0x48: {  	_ =	shalt  }
0x49: {  	_ =	shalt  }
0x4a: {  	_ =	shalt  }
0x4b: {  	_ =	shalt  }
0x4c: {  	_ =	shalt  }
0x4d: {  	_ =	shalt  }
0x4e: {  	_ =	shalt  }
0x4f: {  	_ =	shalt  }
0x50: {  	_ =	shalt  }
0x51: {  	_ =	shalt  }
0x52: {  	_ =	shalt  }
0x53: {  	_ =	shalt  }
0x54: {  	_ =	shalt  }
0x55: {  	_ =	shalt  }
0x56: {  	_ =	shalt  }
0x57: {  	_ =	shalt  }
0x58: {  	_ =	shalt  }
0x59: {  	_ =	shalt  }
0x5a: {  	_ =	shalt  }
0x5b: {  	_ =	shalt  }
0x5c: {  	_ =	shalt  }
0x5d: {  	_ =	shalt  }
0x5e: {  	_ =	shalt  }
0x5f: {  	_ =	shalt  }
0x60: {  	_ =	shalt  }
0x61: {  	_ =	shalt  }
0x62: {  	_ =	shalt  }
0x63: {  	_ =	shalt  }
0x64: {  	_ =	shalt  }
0x65: {  	_ =	shalt  }
0x66: {  	_ =	shalt  }
0x67: {  	_ =	shalt  }
0x68: {  	_ =	shalt  }
0x69: {  	_ =	shalt  }
0x6a: {  	_ =	shalt  }
0x6b: {  	_ =	shalt  }
0x6c: {  	_ =	shalt  }
0x6d: {  	_ =	shalt  }
0x6e: {  	_ =	shalt  }
0x6f: {  	_ =	shalt  }
0x70: {  	_ =	shalt  }
0x71: {  	_ =	shalt  }
0x72: {  	_ =	shalt  }
0x73: {  	_ =	shalt  }
0x74: {  	_ =	shalt  }
0x75: {  	_ =	shalt  }
0x76: {  	_ =	shalt  }
0x77: {  	_ =	shalt  }
0x78: {  	_ =	shalt  }
0x79: {  	_ =	shalt  }
0x7a: {  	_ =	shalt  }
0x7b: {  	_ =	shalt  }
0x7c: {  	_ =	shalt  }
0x7d: {  	_ =	shalt  }
0x7e: {  	_ =	shalt  }
0x7f: {  	_ =	shalt  }
0x80: {  	_ =	shalt  }
0x81: {  	_ =	shalt  }
0x82: {  	_ =	shalt  }
0x83: {  	_ =	shalt  }
0x84: {  	_ =	shalt  }
0x85: {  	_ =	shalt  }
0x86: {  	_ =	shalt  }
0x87: {  	_ =	shalt  }
.Lfunc_end0:
.L_simem_size_0:
called_computation.1_lowered:
.L_overlay_start_0:
0x88: {  	s2 =	sld [smem:$0x3FD9]  }
0x89: {  	s3 =	sld [smem:$0x3FFE];
	_ =	sdelay $0x1  }
0x8a: {  	s1 =	srdreg.scid  }
0x8b: {  	s0 =	sand.u32 $0x1, s1  }
0x8c: {  	s17 =	sshll.u32 s0, $0xA;
	s2 =	sadd.s32 s3, s2  }
0x8d: {  	s2 =	sadd.s32 s2, s17  }
0x8e: {  	[smem:$0x3FC1] =	sst s2  }
0x8f: {  	_ = 	snop  }
0x90: {  	s2 =	sld [smem:$0x3FC9]  }
0x91: {  	s18 =	sld [smem:$0x3FC8]  }
0x92: {  	s4 =	sld [smem:$0x3FD0];
	(tm) =	ssettm $0x1  }
0x93: {  	s5 =	sld [smem:$0x3FFB];
	_ =	sdelay $0x3  }
0x94: {  	_ =	strace s5  }
0x95: {  	s5 =	sld [smem:$0x3FFC];
	_ =	sdelay $0x3  }
0x96: {  	_ =	strace s5  }
0x97: {  	s5 =	sld [smem:$0x3FFD];
	_ =	sdelay $0x3  }
0x98: {  	_ =	strace s5  }
0x99: {  	_ =	strace $0x8FFFFFFF  }
0x9a: {  	s19 =	sld [smem:$0x3FDB];
	_ =	sdelay $0x1  }
0x9b: {  	s6 =	simm.s32 $_scs_section_size  }
0x9c: {  	s7 =	simm.s32 $_size__tile_overlayer_lowered;
	s8 =	simm.s32 $_tile_overlayer_lowered  }
0x9d: {  	s22 =	simm.s32 $0x1BFF;
	s21 =	sshll.u32 s8, $0x1;
	s5 =	sadd.s32 s6, s19  }
0x9e: {  	s9 =	simm.s32 $0x0;
	s20 =	sshll.u32 s7, $0x1;
	s7 =	sadd.s32 s21, s5  }
0x9f: {  	[timem:s9], [sflag:s22] =	dma.local [hbm:s7], s20  }
0xa0: {  	_ =	swait.ge [sflag:s22], s20  }
0xa1: {  	s6 =	ssub.s32 $0x0, s20;
	[sflag:s22] =	ssyncset.done $0x0  }
0xa2: {  	[sflag:s22] =	ssyncadd.s32 s6;
	_ =	sdelay $0x1  }
0xa3: {  	s23 =	simm.s32 $0x1B8B  }
0xa4: {  	_ =	swait.ge [sflag:s23], $0x1  }
0xa5: {  	[sflag:s23] =	ssyncset.done $0x0  }
0xa6: {  	s25 =	simm.s32 $0x1B8E;
	s24 =	sld [smem:$0x3FFE];
	[sflag:s23] =	ssyncadd.s32 $0xFFFFFFFF  }
0xa7: {  	s26 =	simm.s32 $execute0_lowered;
	[smem:$0x3FD2] =	sst s25  }
0xa8: {  	s7 =	sshll.u32 s26, $0x1;
	_ =	strace $0x80000049;
	[dreg:$0x1] =	wrdreg $0xFFFFFFFF  }
0xa9: {  	s28 =	simm.s32 $_size_execute0_lowered;
	s5 =	sadd.s32 s5, s7;
	[dreg:$0x0] =	wrdreg $0x0  }
0xaa: {  	s7 =	sshll.u32 s28, $0x1;
	[dreg:$0x2] =	wrdreg s5  }
0xab: {  	[dreg:$0x3] =	wrdreg s7  }
0xac: {  	[dreg:$0x4] =	wrdreg $0xC0  }
0xad: {  	_ =	task [dreg:s9], $0x5FFFF  }
0xae: {  	[dreg:$0x1] =	wrdreg $0xFFFFFFFF  }
0xaf: {  	[dreg:$0x0] =	wrdreg $0x60  }
0xb0: {  	[dreg:$0x2] =	wrdreg s2  }
0xb1: {  	[dreg:$0x3] =	wrdreg s18  }
0xb2: {  	[dreg:$0x4] =	wrdreg s24  }
0xb3: {  	[dreg:$0x5] =	wrdreg s4  }
0xb4: {  	[dreg:$0x6] =	wrdreg $0x9  }
0xb5: {  	_ =	task.clear_ibuf [dreg:s9], $0x7FFFF;
	_ =	strace $0x90000049  }
0xb6: {  	s29 =	simm.s32 $0x9;
	_ =	strace $0x8000004B  }
0xb7: {  	_ =	swait.ge [sflag:s29], $0x1  }
0xb8: {  	[sflag:s29] =	ssyncadd.s32 $0xFFFFFFFF  }
0xb9: {  	_ =	strace $0x9000004B  }
0xba: {  	_ =	sfence  }
0xbb: {  	s30 =	sld [smem:$0x0];
	_ =	sdelay $0x2  }
0xbc: {  	s31 =	sshll.u32 s1, $0xD;
	s1 =	sshrl.u32 s1, $0x2  }
0xbd: {  	s3 =	sand.u32 $0x4000, s31;
	s1 =	sadd.s32 s1, s30  }
0xbe: {  	s0 =	sor.u32 s3, s0;
	s1 =	sshll.u32 s1, $0x11  }
0xbf: {  	s0 =	sor.u32 s1, s0  }
0xc0: {  	s0 =	sadd.s32 $0x8F2B, s0  }
0xc1: {  	[sflag:s0] =	ssyncadd.remote.s32 $0x1  }
0xc2: {  	_ =	sfence.sel $0xFFFF  }
0xc3: {  	[dreg:$0x0] =	wrdreg $0xFFFFFFFF;
	(pc) =	sbr.abs _section_cstart, $3  }
0xc4: {  	[dreg:$0x1] =	wrdreg $0xFFFFFFFF  }
0xc5: {  	_ =	task.clear_ibuf [dreg:s9], $0x2FFFF;
	_ =	strace $0x9FFFFFFF  }
0xc6: {  	(tm) =	ssettm $0x7FFFFFFF  }
0xc7: {  	_ =	shalt  }
tec
execute0_lowered:
.L_overlay_start_1:
0x0: {  	(tag) =	ssettag $0x1  }
0x1: {  	s4 =	rddreg [dreg:$0x0]  }
0x2: {  	s5 =	rddreg [dreg:$0x1]  }
0x3: {  	s6 =	rddreg [dreg:$0x2]  }
0x4: {  	s7 =	rddreg [dreg:$0x3];
	s3 =	srdreg.scid  }
0x5: {  	s1 =	simm.s32 $0x0;
	s0 =	stileid.u32;
	s3 =	sand.u32 $0x1, s3  }
0x6: {  	[smem:$0x7FF] =	sst s1;
	s8 =	sshll.u32 s0, $0x7;
	s9 =	sshll.u32 s3, $0x6  }
0x7: {  	s25 =	sadd.s32 $0x1EC2400, s6;
	s10 =	ssub.s32 $0x2, s3;
	s8 =	sor.u32 s9, s8  }
0x8: {  	v0 =	vlaneseq.u32;
	vm0 =	vcmask $0x300;
	vm1 =	vcmask $0x704;
	_ =	strace $0x8000004A;
	[dreg:$0x5] =	wrdreg s25;
	s26 =	sadd.s32 s4, s8  }
0x9: {  	vm2 =	vcmask $0xB08;
	vm3 =	vcmask $0xF0C;
	vm4 =	vcmask $0x1310;
	s24 =	sshrl.u32 s10, $0x1;
	s28 =	sadd.s32 s5, s8;
	[dreg:$0x6] =	wrdreg s26  }
0xa: {  	vm5 =	vcmask $0x1714;
	vm6 =	vcmask $0x1B18;
	vm7 =	vcmask $0x1F1C;
	s6 =	sadd.s32 s8, s6;
	s30 =	sadd.s32 s7, s8;
	[dreg:$0x7] =	wrdreg s28  }
0xb: {  	vm8 =	vcmask $0x2320;
	vm9 =	vcmask $0x2724;
	v0 =	vmul.u32 $0xFFFFFFFF, v0;
	s9 =	ssub.s32 s10, s24;
	s29 =	sadd.s32 $0x3D400, s6;
	[dreg:$0x9] =	wrdreg s30  }
0xc: {  	vm10 =	vcmask $0x2B28;
	vm11 =	vcmask $0x2F2C;
	vm12 =	vcmask $0x3330;
	s31 =	smax.u32 s9, $0x1;
	[dreg:$0x8] =	wrdreg s29  }
0xd: {  	s2 =	simm.s32 $0x2;
	vm13 =	vcmask $0x3734;
	vm14 =	vcmask $0x3B38;
	s3 =	simm.s32 $0x0;
	v0 =	vadd.s32 $0xF, v0;
	[dreg:$0xa] =	wrdreg s31  }
.LBB2_1:
0xe: {  	[dreg:$0xb] =	wrdreg s3  }
0xf: {  	s0 =	rddreg [dreg:$0x6]  }
0x10: {  	[tilespmem:s1], [sflag:$0x2] =	stream.linear.gather [hbm4b:s0+s1], $0x200, $0x38;
	[tilespmem:$0x10E00] =	vst v63  }
0x11: {  	_ =	swait.ge [sflag:s2], $0x200  }
0x12: {  	[sflag:s2] =	ssyncset.done $0x0  }
0x13: {  	s21 =	simm.s32 $0x200;
	s20 =	rddreg [dreg:$0x7];
	[sflag:s2] =	ssyncadd.s32 $0xFFFFFE00  }
0x14: {  	[tilespmem:s21], [sflag:$0x2] =	stream.linear.gather [hbm4b:s20+s1], $0x200, $0x38;
	[tilespmem:$0x10E00] =	vst v63  }
0x15: {  	_ =	swait.ge [sflag:s2], $0x200  }
0x16: {  	[sflag:s2] =	ssyncset.done $0x0  }
0x17: {  	s4 =	simm.s32 $0x10400;
	s22 =	rddreg [dreg:$0x8];
	[sflag:s2] =	ssyncadd.s32 $0xFFFFFE00  }
0x18: {  	[tilespmem:s4], [sflag:$0x2] =	stream.linear.gather [hbm4b:s22+s1], $0x200, $0x38;
	[tilespmem:$0x10E00] =	vst v63  }
0x19: {  	_ =	swait.ge [sflag:s2], $0x200  }
0x1a: {  	s24 =	simm.s32 $0x80;
	[sflag:s2] =	ssyncset.done $0x0  }
0x1b: {  	s25 =	simm.s32 $0x400;
	s23 =	rddreg [dreg:$0x5];
	[sflag:s2] =	ssyncadd.s32 $0xFFFFFE00  }
0x1c: {  	[tilespmem:s25], [sflag:$0x1] =	stream.indirect.gather [hbm4b:s23+s24], $0x80, s1, s24, $0xb8;
	[tilespmem:$0x10E00] =	vst v63  }
0x1d: {  	s26 =	simm.s32 $0x8400  }
0x1e: {  	[tilespmem:s26], [sflag:$0x1] =	stream.indirect.gather [hbm4b:s23+s24], $0x80, s21, s24, $0xb8;
	[tilespmem:$0x10E00] =	vst v63  }
0x1f: {  	s28 =	simm.s32 $0x4400  }
0x20: {  	[tilespmem:s28], [sflag:$0x1] =	stream.indirect.gather [hbm4b:s23+s24], $0x80, s24, s24, $0xb8;
	[tilespmem:$0x10E00] =	vst v63  }
0x21: {  	s29 =	simm.s32 $0x280;
	s30 =	simm.s32 $0xC400;
	s31 =	simm.s32 $0x1  }
0x22: {  	[tilespmem:s30], [sflag:$0x1] =	stream.indirect.gather [hbm4b:s23+s24], $0x80, s29, s24, $0xb8;
	[tilespmem:$0x10E00] =	vst v63  }
0x23: {  	_ =	swait.ge [sflag:s31], $0x4000  }
0x24: {  	[sflag:s31] =	ssyncset.done $0x0  }
0x25: {  	[sflag:s31] =	ssyncadd.s32 $0xFFFFC000  }
0x26: {  	_ =	swait.ge [sflag:s31], $0x4000  }
0x27: {  	[sflag:s31] =	ssyncset.done $0x0  }
0x28: {  	[sflag:s31] =	ssyncadd.s32 $0xFFFFC000  }
0x29: {  	_ =	swait.ge [sflag:s31], $0x4000  }
0x2a: {  	[sflag:s31] =	ssyncset.done $0x0  }
0x2b: {  	[sflag:s31] =	ssyncadd.s32 $0xFFFFC000  }
0x2c: {  	_ =	swait.ge [sflag:s31], $0x4000  }
0x2d: {  	s13 =	simm.s32 $0x0;
	[sflag:s31] =	ssyncset.done $0x0  }
0x2e: {  	s25 =	simm.s32 $0x800;
	s26 =	simm.s32 $0x8840;
	[sflag:s31] =	ssyncadd.s32 $0xFFFFC000  }
.LBB2_2:
0x2f: {  	v1 =	vld [tilespmem:s25+$0xFFFFFC00]  }
0x30: {  	v2 =	vld [tilespmem:s26+$0xFFFFFC00]  }
0x31: {  	v3 =	vld [tilespmem:s25+$0xFFFFFC10]  }
0x32: {  	v4 =	vld [tilespmem:s26+$0xFFFFFC10]  }
0x33: {  	v5 =	vld [tilespmem:s25+$0xFFFFFC20]  }
0x34: {  	v6 =	vld [tilespmem:s26+$0xFFFFFC20]  }
0x35: {  	v7 =	vld [tilespmem:s25+$0xFFFFFC30]  }
0x36: {  	v8 =	vld [tilespmem:s26+$0xFFFFFC30]  }
0x37: {  	v1 =	vmul.f32 v2, v1;
	v2 =	vmul.f32 v4, v3;
	_ =	sdelay $0x1  }
0x38: {  	v1 =	vadd.f32 v2, v1;
	v2 =	vmul.f32 v6, v5;
	_ =	sdelay $0x1  }
0x39: {  	v1 =	vadd.f32 v2, v1;
	v2 =	vmul.f32 v8, v7;
	_ =	sdelay $0x1  }
0x3a: {  	v1 =	vadd.f32 v2, v1;
	_ =	sdelay $0x1  }
0x3b: {  	v2 =	vperm.xlane v1, v0;
	_ =	sdelay $0x1  }
0x3c: {  	v2 =	vadd.f32 v1, v2  }
0x3d: {  	s1 =	sshra.s32 s13, $0x2  }
0x3e: {  	v1 =	vld [tilespmem:s1+$0x10400];
	[tilespmem:$0x10600] =	vst v2  }
0x3f: {  	v3 =	vld [tilespmem:$0x10604];
	_ =	sdelay $0x4  }
0x40: {  	v2 =	vadd.f32 v3, v2;
	_ =	sdelay $0x1  }
0x41: {  	[tilespmem:$0x10800] =	vst v2  }
0x42: {  	v3 =	vld [tilespmem:$0x10802];
	_ =	sdelay $0x4  }
0x43: {  	v2 =	vadd.f32 v3, v2;
	_ =	sdelay $0x1  }
0x44: {  	[tilespmem:$0x10A00] =	vst v2  }
0x45: {  	v3 =	vld [tilespmem:s25+$0xFFFFFC80]  }
0x46: {  	v63 =	vld [tilespmem:s26+$0xFFFFFC80]  }
0x47: {  	v12 =	vld [tilespmem:s25+$0xFFFFFC90]  }
0x48: {  	v13 =	vld [tilespmem:s26+$0xFFFFFC90]  }
0x49: {  	v14 =	vld [tilespmem:s25+$0xFFFFFCA0]  }
0x4a: {  	v15 =	vld [tilespmem:s26+$0xFFFFFCA0]  }
0x4b: {  	v9 =	vld [tilespmem:s25+$0xFFFFFCB0]  }
0x4c: {  	v10 =	vld [tilespmem:s26+$0xFFFFFCB0]  }
0x4d: {  	v3 =	vmul.f32 v63, v3;
	v16 =	vmul.f32 v13, v12;
	_ =	sdelay $0x1  }
0x4e: {  	v17 =	vmul.f32 v15, v14;
	v3 =	vadd.f32 v16, v3;
	_ =	sdelay $0x1  }
0x4f: {  	v18 =	vmul.f32 v10, v9;
	v3 =	vadd.f32 v17, v3;
	_ =	sdelay $0x1  }
0x50: {  	v3 =	vadd.f32 v18, v3;
	_ =	sdelay $0x1  }
0x51: {  	v4 =	vperm.xlane v3, v0;
	_ =	sdelay $0x1  }
0x52: {  	v3 =	vadd.f32 v3, v4;
	_ =	sdelay $0x1  }
0x53: {  	[tilespmem:$0x10620] =	vst v3  }
0x54: {  	v19 =	vld [tilespmem:$0x10624];
	_ =	sdelay $0x4  }
0x55: {  	v3 =	vadd.f32 v19, v3;
	_ =	sdelay $0x1  }
0x56: {  	[tilespmem:$0x10820] =	vst v3  }
0x57: {  	v20 =	vld [tilespmem:$0x10822];
	_ =	sdelay $0x4  }
0x58: {  	v3 =	vadd.f32 v20, v3;
	_ =	sdelay $0x1  }
0x59: {  	[tilespmem:$0x10A20] =	vst v3  }
0x5a: {  	v21 =	vld [tilespmem:s25+$0xFFFFFD00]  }
0x5b: {  	v22 =	vld [tilespmem:s26+$0xFFFFFD00]  }
0x5c: {  	v23 =	vld [tilespmem:s25+$0xFFFFFD10]  }
0x5d: {  	v24 =	vld [tilespmem:s26+$0xFFFFFD10]  }
0x5e: {  	v25 =	vld [tilespmem:s25+$0xFFFFFD20]  }
0x5f: {  	v26 =	vld [tilespmem:s26+$0xFFFFFD20]  }
0x60: {  	v27 =	vld [tilespmem:s25+$0xFFFFFD30]  }
0x61: {  	v11 =	vld [tilespmem:s26+$0xFFFFFD30]  }
0x62: {  	v4 =	vmul.f32 v22, v21;
	v28 =	vmul.f32 v24, v23;
	_ =	sdelay $0x1  }
0x63: {  	v29 =	vmul.f32 v26, v25;
	v4 =	vadd.f32 v28, v4;
	_ =	sdelay $0x1  }
0x64: {  	v30 =	vmul.f32 v11, v27;
	v4 =	vadd.f32 v29, v4;
	_ =	sdelay $0x1  }
0x65: {  	v4 =	vadd.f32 v30, v4;
	_ =	sdelay $0x1  }
0x66: {  	v5 =	vperm.xlane v4, v0;
	_ =	sdelay $0x1  }
0x67: {  	v4 =	vadd.f32 v4, v5;
	_ =	sdelay $0x1  }
0x68: {  	[tilespmem:$0x10640] =	vst v4  }
0x69: {  	v31 =	vld [tilespmem:$0x10644];
	_ =	sdelay $0x4  }
0x6a: {  	v4 =	vadd.f32 v31, v4;
	_ =	sdelay $0x1  }
0x6b: {  	[tilespmem:$0x10840] =	vst v4  }
0x6c: {  	v32 =	vld [tilespmem:$0x10842];
	_ =	sdelay $0x4  }
0x6d: {  	v4 =	vadd.f32 v32, v4;
	_ =	sdelay $0x1  }
0x6e: {  	[tilespmem:$0x10A40] =	vst v4  }
0x6f: {  	v33 =	vld [tilespmem:s25+$0xFFFFFD80]  }
0x70: {  	v34 =	vld [tilespmem:s26+$0xFFFFFD80]  }
0x71: {  	v35 =	vld [tilespmem:s25+$0xFFFFFD90]  }
0x72: {  	v36 =	vld [tilespmem:s26+$0xFFFFFD90]  }
0x73: {  	v37 =	vld [tilespmem:s25+$0xFFFFFDA0]  }
0x74: {  	v38 =	vld [tilespmem:s26+$0xFFFFFDA0]  }
0x75: {  	v39 =	vld [tilespmem:s25+$0xFFFFFDB0]  }
0x76: {  	v12 =	vld [tilespmem:s26+$0xFFFFFDB0]  }
0x77: {  	v5 =	vmul.f32 v34, v33;
	v40 =	vmul.f32 v36, v35;
	_ =	sdelay $0x1  }
0x78: {  	v41 =	vmul.f32 v38, v37;
	v5 =	vadd.f32 v40, v5;
	_ =	sdelay $0x1  }
0x79: {  	v42 =	vmul.f32 v12, v39;
	v5 =	vadd.f32 v41, v5;
	_ =	sdelay $0x1  }
0x7a: {  	v5 =	vadd.f32 v42, v5;
	_ =	sdelay $0x1  }
0x7b: {  	v6 =	vperm.xlane v5, v0;
	_ =	sdelay $0x1  }
0x7c: {  	v5 =	vadd.f32 v5, v6;
	_ =	sdelay $0x1  }
0x7d: {  	[tilespmem:$0x10660] =	vst v5  }
0x7e: {  	v43 =	vld [tilespmem:$0x10664];
	_ =	sdelay $0x4  }
0x7f: {  	v5 =	vadd.f32 v43, v5;
	_ =	sdelay $0x1  }
0x80: {  	[tilespmem:$0x10860] =	vst v5  }
0x81: {  	v44 =	vld [tilespmem:$0x10862];
	_ =	sdelay $0x4  }
0x82: {  	v5 =	vadd.f32 v44, v5;
	_ =	sdelay $0x1  }
0x83: {  	[tilespmem:$0x10A60] =	vst v5  }
0x84: {  	v45 =	vld [tilespmem:s25+$0xFFFFFE00]  }
0x85: {  	v46 =	vld [tilespmem:s26+$0xFFFFFE00]  }
0x86: {  	v47 =	vld [tilespmem:s25+$0xFFFFFE10]  }
0x87: {  	v48 =	vld [tilespmem:s26+$0xFFFFFE10]  }
0x88: {  	v49 =	vld [tilespmem:s25+$0xFFFFFE20]  }
0x89: {  	v50 =	vld [tilespmem:s26+$0xFFFFFE20]  }
0x8a: {  	v51 =	vld [tilespmem:s25+$0xFFFFFE30]  }
0x8b: {  	v13 =	vld [tilespmem:s26+$0xFFFFFE30]  }
0x8c: {  	v6 =	vmul.f32 v46, v45;
	v52 =	vmul.f32 v48, v47;
	_ =	sdelay $0x1  }
0x8d: {  	v53 =	vmul.f32 v50, v49;
	v6 =	vadd.f32 v52, v6;
	_ =	sdelay $0x1  }
0x8e: {  	v54 =	vmul.f32 v13, v51;
	v6 =	vadd.f32 v53, v6;
	_ =	sdelay $0x1  }
0x8f: {  	v6 =	vadd.f32 v54, v6;
	_ =	sdelay $0x1  }
0x90: {  	v7 =	vperm.xlane v6, v0;
	_ =	sdelay $0x1  }
0x91: {  	v6 =	vadd.f32 v6, v7;
	_ =	sdelay $0x1  }
0x92: {  	[tilespmem:$0x10680] =	vst v6  }
0x93: {  	v55 =	vld [tilespmem:$0x10684];
	_ =	sdelay $0x4  }
0x94: {  	v6 =	vadd.f32 v55, v6;
	_ =	sdelay $0x1  }
0x95: {  	[tilespmem:$0x10880] =	vst v6  }
0x96: {  	v56 =	vld [tilespmem:$0x10882];
	_ =	sdelay $0x4  }
0x97: {  	v6 =	vadd.f32 v56, v6;
	_ =	sdelay $0x1  }
0x98: {  	[tilespmem:$0x10A80] =	vst v6  }
0x99: {  	v57 =	vld [tilespmem:s25+$0xFFFFFE80]  }
0x9a: {  	v58 =	vld [tilespmem:s26+$0xFFFFFE80]  }
0x9b: {  	v59 =	vld [tilespmem:s25+$0xFFFFFE90]  }
0x9c: {  	v60 =	vld [tilespmem:s26+$0xFFFFFE90]  }
0x9d: {  	v61 =	vld [tilespmem:s25+$0xFFFFFEA0]  }
0x9e: {  	v62 =	vld [tilespmem:s26+$0xFFFFFEA0]  }
0x9f: {  	v63 =	vld [tilespmem:s25+$0xFFFFFEB0]  }
0xa0: {  	v14 =	vld [tilespmem:s26+$0xFFFFFEB0]  }
0xa1: {  	v7 =	vmul.f32 v58, v57;
	v15 =	vmul.f32 v60, v59;
	_ =	sdelay $0x1  }
0xa2: {  	v16 =	vmul.f32 v62, v61;
	v7 =	vadd.f32 v15, v7;
	_ =	sdelay $0x1  }
0xa3: {  	v17 =	vmul.f32 v14, v63;
	v7 =	vadd.f32 v16, v7;
	_ =	sdelay $0x1  }
0xa4: {  	v7 =	vadd.f32 v17, v7;
	_ =	sdelay $0x1  }
0xa5: {  	v8 =	vperm.xlane v7, v0;
	_ =	sdelay $0x1  }
0xa6: {  	v7 =	vadd.f32 v7, v8;
	_ =	sdelay $0x1  }
0xa7: {  	[tilespmem:$0x106A0] =	vst v7  }
0xa8: {  	v18 =	vld [tilespmem:$0x106A4];
	_ =	sdelay $0x4  }
0xa9: {  	v7 =	vadd.f32 v18, v7;
	_ =	sdelay $0x1  }
0xaa: {  	[tilespmem:$0x108A0] =	vst v7  }
0xab: {  	v19 =	vld [tilespmem:$0x108A2];
	_ =	sdelay $0x4  }
0xac: {  	v7 =	vadd.f32 v19, v7;
	_ =	sdelay $0x1  }
0xad: {  	[tilespmem:$0x10AA0] =	vst v7  }
0xae: {  	v20 =	vld [tilespmem:s25+$0xFFFFFF00]  }
0xaf: {  	v21 =	vld [tilespmem:s26+$0xFFFFFF00]  }
0xb0: {  	v22 =	vld [tilespmem:s25+$0xFFFFFF10]  }
0xb1: {  	v23 =	vld [tilespmem:s26+$0xFFFFFF10]  }
0xb2: {  	v24 =	vld [tilespmem:s25+$0xFFFFFF20]  }
0xb3: {  	v25 =	vld [tilespmem:s26+$0xFFFFFF20]  }
0xb4: {  	v26 =	vld [tilespmem:s25+$0xFFFFFF30]  }
0xb5: {  	v15 =	vld [tilespmem:s26+$0xFFFFFF30]  }
0xb6: {  	v8 =	vmul.f32 v21, v20;
	v27 =	vmul.f32 v23, v22;
	_ =	sdelay $0x1  }
0xb7: {  	v28 =	vmul.f32 v25, v24;
	v8 =	vadd.f32 v27, v8;
	_ =	sdelay $0x1  }
0xb8: {  	v29 =	vmul.f32 v15, v26;
	v8 =	vadd.f32 v28, v8;
	_ =	sdelay $0x1  }
0xb9: {  	v8 =	vadd.f32 v29, v8;
	_ =	sdelay $0x1  }
0xba: {  	v9 =	vperm.xlane v8, v0;
	_ =	sdelay $0x1  }
0xbb: {  	v8 =	vadd.f32 v8, v9;
	_ =	sdelay $0x1  }
0xbc: {  	[tilespmem:$0x106C0] =	vst v8  }
0xbd: {  	v30 =	vld [tilespmem:$0x106C4];
	_ =	sdelay $0x4  }
0xbe: {  	v8 =	vadd.f32 v30, v8;
	_ =	sdelay $0x1  }
0xbf: {  	[tilespmem:$0x108C0] =	vst v8  }
0xc0: {  	v31 =	vld [tilespmem:$0x108C2];
	_ =	sdelay $0x4  }
0xc1: {  	v8 =	vadd.f32 v31, v8;
	_ =	sdelay $0x1  }
0xc2: {  	[tilespmem:$0x10AC0] =	vst v8  }
0xc3: {  	v32 =	vld [tilespmem:s25+$0xFFFFFF80]  }
0xc4: {  	v33 =	vld [tilespmem:s26+$0xFFFFFF80]  }
0xc5: {  	v34 =	vld [tilespmem:s25+$0xFFFFFF90]  }
0xc6: {  	v35 =	vld [tilespmem:s26+$0xFFFFFF90]  }
0xc7: {  	v36 =	vld [tilespmem:s25+$0xFFFFFFA0]  }
0xc8: {  	v37 =	vld [tilespmem:s26+$0xFFFFFFA0]  }
0xc9: {  	v38 =	vld [tilespmem:s25+$0xFFFFFFB0]  }
0xca: {  	v16 =	vld [tilespmem:s26+$0xFFFFFFB0]  }
0xcb: {  	v9 =	vmul.f32 v33, v32;
	v39 =	vmul.f32 v35, v34;
	_ =	sdelay $0x1  }
0xcc: {  	v40 =	vmul.f32 v37, v36;
	v9 =	vadd.f32 v39, v9;
	_ =	sdelay $0x1  }
0xcd: {  	v41 =	vmul.f32 v16, v38;
	v9 =	vadd.f32 v40, v9;
	_ =	sdelay $0x1  }
0xce: {  	v9 =	vadd.f32 v41, v9;
	_ =	sdelay $0x1  }
0xcf: {  	v10 =	vperm.xlane v9, v0;
	_ =	sdelay $0x1  }
0xd0: {  	v9 =	vadd.f32 v9, v10;
	_ =	sdelay $0x1  }
0xd1: {  	[tilespmem:$0x106E0] =	vst v9  }
0xd2: {  	v42 =	vld [tilespmem:$0x106E4];
	_ =	sdelay $0x4  }
0xd3: {  	v9 =	vadd.f32 v42, v9;
	_ =	sdelay $0x1  }
0xd4: {  	[tilespmem:$0x108E0] =	vst v9  }
0xd5: {  	v43 =	vld [tilespmem:$0x108E2];
	_ =	sdelay $0x4  }
0xd6: {  	v9 =	vadd.f32 v43, v9;
	_ =	sdelay $0x1  }
0xd7: {  	[tilespmem:$0x10AE0] =	vst v9  }
0xd8: {  	v44 =	vld [tilespmem:s25+$0x0]  }
0xd9: {  	v45 =	vld [tilespmem:s26+$0x0]  }
0xda: {  	v46 =	vld [tilespmem:s25+$0x10]  }
0xdb: {  	v47 =	vld [tilespmem:s26+$0x10]  }
0xdc: {  	v48 =	vld [tilespmem:s25+$0x20]  }
0xdd: {  	v49 =	vld [tilespmem:s26+$0x20]  }
0xde: {  	v50 =	vld [tilespmem:s25+$0x30]  }
0xdf: {  	v17 =	vld [tilespmem:s26+$0x30]  }
0xe0: {  	v10 =	vmul.f32 v45, v44;
	v51 =	vmul.f32 v47, v46;
	_ =	sdelay $0x1  }
0xe1: {  	v52 =	vmul.f32 v49, v48;
	v10 =	vadd.f32 v51, v10;
	_ =	sdelay $0x1  }
0xe2: {  	v53 =	vmul.f32 v17, v50;
	v10 =	vadd.f32 v52, v10;
	_ =	sdelay $0x1  }
0xe3: {  	v10 =	vadd.f32 v53, v10;
	_ =	sdelay $0x1  }
0xe4: {  	v11 =	vperm.xlane v10, v0;
	_ =	sdelay $0x1  }
0xe5: {  	v10 =	vadd.f32 v10, v11;
	_ =	sdelay $0x1  }
0xe6: {  	[tilespmem:$0x10700] =	vst v10  }
0xe7: {  	v54 =	vld [tilespmem:$0x10704];
	_ =	sdelay $0x4  }
0xe8: {  	v10 =	vadd.f32 v54, v10;
	_ =	sdelay $0x1  }
0xe9: {  	[tilespmem:$0x10900] =	vst v10  }
0xea: {  	v55 =	vld [tilespmem:$0x10902];
	_ =	sdelay $0x4  }
0xeb: {  	v10 =	vadd.f32 v55, v10;
	_ =	sdelay $0x1  }
0xec: {  	[tilespmem:$0x10B00] =	vst v10  }
0xed: {  	v56 =	vld [tilespmem:s25+$0x80]  }
0xee: {  	v57 =	vld [tilespmem:s26+$0x80]  }
0xef: {  	v58 =	vld [tilespmem:s25+$0x90]  }
0xf0: {  	v59 =	vld [tilespmem:s26+$0x90]  }
0xf1: {  	v60 =	vld [tilespmem:s25+$0xA0]  }
0xf2: {  	v61 =	vld [tilespmem:s26+$0xA0]  }
0xf3: {  	v62 =	vld [tilespmem:s25+$0xB0]  }
0xf4: {  	v18 =	vld [tilespmem:s26+$0xB0]  }
0xf5: {  	v11 =	vmul.f32 v57, v56;
	v63 =	vmul.f32 v59, v58;
	_ =	sdelay $0x1  }
0xf6: {  	v16 =	vmul.f32 v61, v60;
	v11 =	vadd.f32 v63, v11;
	_ =	sdelay $0x1  }
0xf7: {  	v19 =	vmul.f32 v18, v62;
	v11 =	vadd.f32 v16, v11;
	_ =	sdelay $0x1  }
0xf8: {  	v11 =	vadd.f32 v19, v11;
	_ =	sdelay $0x1  }
0xf9: {  	v12 =	vperm.xlane v11, v0;
	_ =	sdelay $0x1  }
0xfa: {  	v11 =	vadd.f32 v11, v12;
	_ =	sdelay $0x1  }
0xfb: {  	[tilespmem:$0x10720] =	vst v11  }
0xfc: {  	v20 =	vld [tilespmem:$0x10724];
	_ =	sdelay $0x4  }
0xfd: {  	v11 =	vadd.f32 v20, v11;
	_ =	sdelay $0x1  }
0xfe: {  	[tilespmem:$0x10920] =	vst v11  }
0xff: {  	v21 =	vld [tilespmem:$0x10922];
	_ =	sdelay $0x4  }
0x100: {  	v11 =	vadd.f32 v21, v11;
	_ =	sdelay $0x1  }
0x101: {  	[tilespmem:$0x10B20] =	vst v11  }
0x102: {  	v22 =	vld [tilespmem:s25+$0x100]  }
0x103: {  	v23 =	vld [tilespmem:s26+$0x100]  }
0x104: {  	v24 =	vld [tilespmem:s25+$0x110]  }
0x105: {  	v25 =	vld [tilespmem:s26+$0x110]  }
0x106: {  	v26 =	vld [tilespmem:s25+$0x120]  }
0x107: {  	v27 =	vld [tilespmem:s26+$0x120]  }
0x108: {  	v28 =	vld [tilespmem:s25+$0x130]  }
0x109: {  	v19 =	vld [tilespmem:s26+$0x130]  }
0x10a: {  	v12 =	vmul.f32 v23, v22;
	v29 =	vmul.f32 v25, v24;
	_ =	sdelay $0x1  }
0x10b: {  	v30 =	vmul.f32 v27, v26;
	v12 =	vadd.f32 v29, v12;
	_ =	sdelay $0x1  }
0x10c: {  	v31 =	vmul.f32 v19, v28;
	v12 =	vadd.f32 v30, v12;
	_ =	sdelay $0x1  }
0x10d: {  	v12 =	vadd.f32 v31, v12;
	_ =	sdelay $0x1  }
0x10e: {  	v13 =	vperm.xlane v12, v0;
	_ =	sdelay $0x1  }
0x10f: {  	v12 =	vadd.f32 v12, v13;
	_ =	sdelay $0x1  }
0x110: {  	[tilespmem:$0x10740] =	vst v12  }
0x111: {  	v32 =	vld [tilespmem:$0x10744];
	_ =	sdelay $0x4  }
0x112: {  	v12 =	vadd.f32 v32, v12;
	_ =	sdelay $0x1  }
0x113: {  	[tilespmem:$0x10940] =	vst v12  }
0x114: {  	v33 =	vld [tilespmem:$0x10942];
	_ =	sdelay $0x4  }
0x115: {  	v12 =	vadd.f32 v33, v12;
	_ =	sdelay $0x1  }
0x116: {  	[tilespmem:$0x10B40] =	vst v12  }
0x117: {  	v34 =	vld [tilespmem:s25+$0x180]  }
0x118: {  	v35 =	vld [tilespmem:s26+$0x180]  }
0x119: {  	v36 =	vld [tilespmem:s25+$0x190]  }
0x11a: {  	v37 =	vld [tilespmem:s26+$0x190]  }
0x11b: {  	v38 =	vld [tilespmem:s25+$0x1A0]  }
0x11c: {  	v39 =	vld [tilespmem:s26+$0x1A0]  }
0x11d: {  	v40 =	vld [tilespmem:s25+$0x1B0]  }
0x11e: {  	v20 =	vld [tilespmem:s26+$0x1B0]  }
0x11f: {  	v13 =	vmul.f32 v35, v34;
	v41 =	vmul.f32 v37, v36;
	_ =	sdelay $0x1  }
0x120: {  	v42 =	vmul.f32 v39, v38;
	v13 =	vadd.f32 v41, v13;
	_ =	sdelay $0x1  }
0x121: {  	v43 =	vmul.f32 v20, v40;
	v13 =	vadd.f32 v42, v13;
	_ =	sdelay $0x1  }
0x122: {  	v13 =	vadd.f32 v43, v13;
	_ =	sdelay $0x1  }
0x123: {  	v14 =	vperm.xlane v13, v0;
	_ =	sdelay $0x1  }
0x124: {  	v13 =	vadd.f32 v13, v14;
	_ =	sdelay $0x1  }
0x125: {  	[tilespmem:$0x10760] =	vst v13  }
0x126: {  	v44 =	vld [tilespmem:$0x10764];
	_ =	sdelay $0x4  }
0x127: {  	v13 =	vadd.f32 v44, v13;
	_ =	sdelay $0x1  }
0x128: {  	[tilespmem:$0x10960] =	vst v13  }
0x129: {  	v45 =	vld [tilespmem:$0x10962];
	_ =	sdelay $0x4  }
0x12a: {  	v13 =	vadd.f32 v45, v13;
	_ =	sdelay $0x1  }
0x12b: {  	[tilespmem:$0x10B60] =	vst v13  }
0x12c: {  	v46 =	vld [tilespmem:s25+$0x200]  }
0x12d: {  	v47 =	vld [tilespmem:s26+$0x200]  }
0x12e: {  	v48 =	vld [tilespmem:s25+$0x210]  }
0x12f: {  	v49 =	vld [tilespmem:s26+$0x210]  }
0x130: {  	v50 =	vld [tilespmem:s25+$0x220]  }
0x131: {  	v51 =	vld [tilespmem:s26+$0x220]  }
0x132: {  	v52 =	vld [tilespmem:s25+$0x230]  }
0x133: {  	v21 =	vld [tilespmem:s26+$0x230]  }
0x134: {  	v14 =	vmul.f32 v47, v46;
	v53 =	vmul.f32 v49, v48;
	_ =	sdelay $0x1  }
0x135: {  	v54 =	vmul.f32 v51, v50;
	v14 =	vadd.f32 v53, v14;
	_ =	sdelay $0x1  }
0x136: {  	v55 =	vmul.f32 v21, v52;
	v14 =	vadd.f32 v54, v14;
	_ =	sdelay $0x1  }
0x137: {  	v14 =	vadd.f32 v55, v14;
	_ =	sdelay $0x1  }
0x138: {  	v15 =	vperm.xlane v14, v0;
	_ =	sdelay $0x1  }
0x139: {  	v14 =	vadd.f32 v14, v15;
	_ =	sdelay $0x1  }
0x13a: {  	[tilespmem:$0x10780] =	vst v14  }
0x13b: {  	v56 =	vld [tilespmem:$0x10784];
	_ =	sdelay $0x4  }
0x13c: {  	v14 =	vadd.f32 v56, v14;
	_ =	sdelay $0x1  }
0x13d: {  	[tilespmem:$0x10980] =	vst v14  }
0x13e: {  	v57 =	vld [tilespmem:$0x10982];
	_ =	sdelay $0x4  }
0x13f: {  	v14 =	vadd.f32 v57, v14;
	_ =	sdelay $0x1  }
0x140: {  	[tilespmem:$0x10B80] =	vst v14  }
0x141: {  	v58 =	vld [tilespmem:s25+$0x280]  }
0x142: {  	v59 =	vld [tilespmem:s26+$0x280]  }
0x143: {  	v60 =	vld [tilespmem:s25+$0x290]  }
0x144: {  	v61 =	vld [tilespmem:s26+$0x290]  }
0x145: {  	v62 =	vld [tilespmem:s25+$0x2A0]  }
0x146: {  	v63 =	vld [tilespmem:s26+$0x2A0]  }
0x147: {  	v24 =	vld [tilespmem:s25+$0x2B0]  }
0x148: {  	v22 =	vld [tilespmem:s26+$0x2B0]  }
0x149: {  	v15 =	vmul.f32 v59, v58;
	v25 =	vmul.f32 v61, v60;
	_ =	sdelay $0x1  }
0x14a: {  	v26 =	vmul.f32 v63, v62;
	v15 =	vadd.f32 v25, v15;
	_ =	sdelay $0x1  }
0x14b: {  	v27 =	vmul.f32 v22, v24;
	v15 =	vadd.f32 v26, v15;
	_ =	sdelay $0x1  }
0x14c: {  	v15 =	vadd.f32 v27, v15;
	_ =	sdelay $0x1  }
0x14d: {  	v16 =	vperm.xlane v15, v0;
	_ =	sdelay $0x1  }
0x14e: {  	v15 =	vadd.f32 v15, v16;
	_ =	sdelay $0x1  }
0x14f: {  	[tilespmem:$0x107A0] =	vst v15  }
0x150: {  	v28 =	vld [tilespmem:$0x107A4];
	_ =	sdelay $0x4  }
0x151: {  	v15 =	vadd.f32 v28, v15;
	_ =	sdelay $0x1  }
0x152: {  	[tilespmem:$0x109A0] =	vst v15  }
0x153: {  	v29 =	vld [tilespmem:$0x109A2];
	_ =	sdelay $0x4  }
0x154: {  	v15 =	vadd.f32 v29, v15;
	_ =	sdelay $0x1  }
0x155: {  	[tilespmem:$0x10BA0] =	vst v15  }
0x156: {  	v30 =	vld [tilespmem:s25+$0x300]  }
0x157: {  	v31 =	vld [tilespmem:s26+$0x300]  }
0x158: {  	v32 =	vld [tilespmem:s25+$0x310]  }
0x159: {  	v33 =	vld [tilespmem:s26+$0x310]  }
0x15a: {  	v34 =	vld [tilespmem:s25+$0x320]  }
0x15b: {  	v35 =	vld [tilespmem:s26+$0x320]  }
0x15c: {  	v36 =	vld [tilespmem:s25+$0x330]  }
0x15d: {  	v23 =	vld [tilespmem:s26+$0x330]  }
0x15e: {  	v16 =	vmul.f32 v31, v30;
	v37 =	vmul.f32 v33, v32;
	_ =	sdelay $0x1  }
0x15f: {  	v38 =	vmul.f32 v35, v34;
	v16 =	vadd.f32 v37, v16;
	_ =	sdelay $0x1  }
0x160: {  	v39 =	vmul.f32 v23, v36;
	v16 =	vadd.f32 v38, v16;
	_ =	sdelay $0x1  }
0x161: {  	v16 =	vadd.f32 v39, v16;
	_ =	sdelay $0x1  }
0x162: {  	v17 =	vperm.xlane v16, v0;
	_ =	sdelay $0x1  }
0x163: {  	v16 =	vadd.f32 v16, v17;
	_ =	sdelay $0x1  }
0x164: {  	[tilespmem:$0x107C0] =	vst v16  }
0x165: {  	v40 =	vld [tilespmem:$0x107C4];
	_ =	sdelay $0x4  }
0x166: {  	v16 =	vadd.f32 v40, v16;
	_ =	sdelay $0x1  }
0x167: {  	[tilespmem:$0x109C0] =	vst v16  }
0x168: {  	v41 =	vld [tilespmem:$0x109C2];
	_ =	sdelay $0x4  }
0x169: {  	v16 =	vadd.f32 v41, v16;
	_ =	sdelay $0x1  }
0x16a: {  	v42 =	vld [tilespmem:$0x10A01];
	[tilespmem:$0x10BC0] =	vst v16  }
0x16b: {  	v43 =	vld [tilespmem:s25+$0x380]  }
0x16c: {  	v44 =	vld [tilespmem:s26+$0x380]  }
0x16d: {  	v45 =	vld [tilespmem:s25+$0x390]  }
0x16e: {  	v46 =	vld [tilespmem:s26+$0x390]  }
0x16f: {  	v47 =	vld [tilespmem:s25+$0x3A0]  }
0x170: {  	v48 =	vld [tilespmem:s26+$0x3A0]  }
0x171: {  	v24 =	vld [tilespmem:s25+$0x3B0]  }
0x172: {  	v25 =	vld [tilespmem:s26+$0x3B0]  }
0x173: {  	v18 =	vmul.f32 v44, v43;
	v49 =	vmul.f32 v46, v45  }
0x174: {  	v50 =	vld [tilespmem:$0x10A21]  }
0x175: {  	v51 =	vmul.f32 v48, v47;
	v18 =	vadd.f32 v49, v18  }
0x176: {  	(v2sf) =	vpush v2, $0x0;
	v2 =	vld [tilespmem:$0x10A41]  }
0x177: {  	(v2sf) =	vpush v42, $0x0;
	v53 =	vmul.f32 v25, v24;
	v52 =	vadd.f32 v51, v18  }
0x178: {  	(v2sf) =	vpush v3, $0x0;
	v3 =	vld [tilespmem:$0x10A61]  }
0x179: {  	(v2sf) =	vpush v50, $0x0;
	v17 =	vadd.f32 v53, v52  }
0x17a: {  	v54 =	vld [tilespmem:$0x10A81];
	(v2sf) =	vpush v4, $0x0  }
0x17b: {  	(v2sf) =	vpush v2, $0x0;
	v2 =	vperm.xlane v17, v0  }
0x17c: {  	v55 =	vld [tilespmem:$0x10AA1];
	(v2sf) =	vpush v5, $0x0  }
0x17d: {  	(v2sf) =	vpush v3, $0x0;
	v2 =	vadd.f32 v17, v2  }
0x17e: {  	v3 =	vld [tilespmem:$0x10AC1];
	(v2sf) =	vpush v6, $0x0  }
0x17f: {  	(v2sf) =	vpush v54, $0x0;
	v56 =	vld [tilespmem:$0x10AE1];
	[tilespmem:$0x107E0] =	vst v2  }
0x180: {  	(v2sf) =	vpush v7, $0x0;
	v57 =	vld [tilespmem:$0x107E4]  }
0x181: {  	(v2sf) =	vpush v55, $0x0  }
0x182: {  	(v2sf) =	vpush v8, $0x0;
	v58 =	vld [tilespmem:$0x10B01]  }
0x183: {  	(v2sf) =	vpush v3, $0x0  }
0x184: {  	v3 =	vld [tilespmem:$0x10B21];
	(v2sf) =	vpush v9, $0x0  }
0x185: {  	s9 =	spop (v2sf);
	(v2sf) =	vpush v56, $0x0;
	v2 =	vadd.f32 v57, v2  }
0x186: {  	s10 =	spop (v2sf);
	(v2sf) =	vpush v10, $0x0;
	v59 =	vld [tilespmem:$0x10B41]  }
0x187: {  	s11 =	spop (v2sf);
	v60 =	vld [tilespmem:$0x10B61];
	(v2sf) =	vpush v58, $0x0;
	[tilespmem:$0x109E0] =	vst v2  }
0x188: {  	s12 =	spop (v2sf);
	(v2sf) =	vpush v11, $0x0;
	v61 =	vld [tilespmem:$0x109E2]  }
0x189: {  	s14 =	spop (v2sf);
	(v2sf) =	vpush v3, $0x0  }
0x18a: {  	s15 =	spop (v2sf);
	v3 =	vld [tilespmem:$0x10B81];
	(v2sf) =	vpush v12, $0x0  }
0x18b: {  	[dreg:$0x12] =	wrdreg s11;
	s11 =	spop (v2sf);
	(v2sf) =	vpush v59, $0x0  }
0x18c: {  	s20 =	spop (v2sf);
	(v2sf) =	vpush v13, $0x0;
	v62 =	vld [tilespmem:$0x10BA1]  }
0x18d: {  	s21 =	spop (v2sf);
	(v2sf) =	vpush v60, $0x0;
	v2 =	vadd.f32 v61, v2  }
0x18e: {  	s22 =	spop (v2sf);
	(v2sf) =	vpush v14, $0x0;
	v63 =	vld [tilespmem:$0x10BC1]  }
0x18f: {  	s23 =	spop (v2sf);
	(v2sf) =	vpush v3, $0x0;
	[tilespmem:$0x10BE0] =	vst v2  }
0x190: {  	s19 =	spop (v2sf);
	(v2sf) =	vpush v15, $0x0;
	v3 =	vld [tilespmem:$0x10BE1]  }
0x191: {  	[dreg:$0x10] =	wrdreg s10;
	s10 =	spop (v2sf);
	(v2sf) =	vpush v62, $0x0  }
0x192: {  	[dreg:$0x16] =	wrdreg s14;
	s14 =	spop (v2sf);
	(v2sf) =	vpush v16, $0x0  }
0x193: {  	[dreg:$0x18] =	wrdreg s15;
	s15 =	spop (v2sf);
	(v2sf) =	vpush v63, $0x0  }
0x194: {  	s4 =	spop (v2sf);
	(v2sf) =	vpush v2, $0x0  }
0x195: {  	s5 =	spop (v2sf);
	(v2sf) =	vpush v3, $0x0  }
0x196: {  	s6 =	spop (v2sf)  }
0x197: {  	s17 =	spop (v2sf)  }
0x198: {  	s7 =	spop (v2sf)  }
0x199: {  	s8 =	spop (v2sf)  }
0x19a: {  	s2 =	spop (v2sf)  }
0x19b: {  	[dreg:$0x14] =	wrdreg s12;
	s12 =	spop (v2sf)  }
0x19c: {  	[dreg:$0xe] =	wrdreg s9;
	s9 =	spop (v2sf)  }
0x19d: {  	s24 =	spop (v2sf)  }
0x19e: {  	s3 =	spop (v2sf)  }
0x19f: {  	s18 =	spop (v2sf)  }
0x1a0: {  	s28 =	spop (v2sf)  }
0x1a1: {  	s29 =	spop (v2sf)  }
0x1a2: {  	[dreg:$0xc] =	wrdreg s1;
	s1 =	spop (v2sf)  }
0x1a3: {  	s16 =	rddreg [dreg:$0xe];
	s0 =	spop (v2sf)  }
0x1a4: {  	s30 =	rddreg [dreg:$0x10];
	s31 =	spop (v2sf)  }
0x1a5: {  	s0 =	sadd.f32 s31, s0  }
0x1a6: {  	s31 =	sadd.f32 s30, s16  }
0x1a7: {  	s30 =	rddreg [dreg:$0x12]  }
0x1a8: {  	s16 =	rddreg [dreg:$0x14]  }
0x1a9: {  	s30 =	sadd.f32 s16, s30  }
0x1aa: {  	s16 =	rddreg [dreg:$0x18]  }
0x1ab: {  	v2 =	vmov s0;
	s0 =	rddreg [dreg:$0x16]  }
0x1ac: {  	s0 =	sadd.f32 s16, s0;
	v2 =	vsel vm0, s31, v2  }
0x1ad: {  	s11 =	sadd.f32 s20, s11;
	v2 =	vsel vm1, s30, v2  }
0x1ae: {  	s31 =	sadd.f32 s22, s21;
	v2 =	vsel vm2, s0, v2  }
0x1af: {  	s20 =	sadd.f32 s19, s23;
	v2 =	vsel vm3, s11, v2  }
0x1b0: {  	s10 =	sadd.f32 s14, s10;
	v2 =	vsel vm4, s31, v2  }
0x1b1: {  	s4 =	sadd.f32 s4, s15;
	v2 =	vsel vm5, s20, v2  }
0x1b2: {  	s21 =	sadd.f32 s6, s5;
	v2 =	vsel vm6, s10, v2  }
0x1b3: {  	s22 =	sadd.f32 s7, s17;
	v2 =	vsel vm7, s4, v2  }
0x1b4: {  	s2 =	sadd.f32 s2, s8;
	v2 =	vsel vm8, s21, v2  }
0x1b5: {  	s23 =	sadd.f32 s9, s12;
	v2 =	vsel vm9, s22, v2  }
0x1b6: {  	s3 =	sadd.f32 s3, s24;
	v2 =	vsel vm10, s2, v2  }
0x1b7: {  	s28 =	sadd.f32 s28, s18;
	v2 =	vsel vm11, s23, v2  }
0x1b8: {  	p0 =	sne.s32 s13, $0x3C0;
	s30 =	sadd.f32 s1, s29;
	v2 =	vsel vm12, s3, v2  }
.Ltmp0:
0x1b9: {  	v2 =	vsel vm13, s28, v2;
	(pc) =	sbr.rel @p0 .LBB2_2-.Ltmp0, $4  }
0x1ba: {  	v2 =	vsel vm14, s30, v2  }
0x1bb: {  	v1 =	vadd.f32 v2, v1  }
0x1bc: {  	s31 =	rddreg [dreg:$0xc]  }
0x1bd: {  	s13 =	sadd.s32 $0x40, s13;
	s25 =	sadd.s32 $0x800, s25;
	s26 =	sadd.s32 $0x800, s26;
	[tilespmem:s31+$0x10C00] =	vst v1  }
0x1be: {  	s0 =	rddreg [dreg:$0x5]  }
0x1bf: {  	s1 =	simm.s32 $0x80;
	s2 =	simm.s32 $0x400;
	s3 =	simm.s32 $0x100  }
0x1c0: {  	[tilespmem:s2], [sflag:$0x1] =	stream.indirect.gather [hbm4b:s0+s1], $0x80, s3, s1, $0xb8;
	[tilespmem:$0x10E00] =	vst v63  }
0x1c1: {  	s23 =	simm.s32 $0x8400;
	s24 =	simm.s32 $0x300  }
0x1c2: {  	[tilespmem:s23], [sflag:$0x1] =	stream.indirect.gather [hbm4b:s0+s1], $0x80, s24, s1, $0xb8;
	[tilespmem:$0x10E00] =	vst v63  }
0x1c3: {  	s25 =	simm.s32 $0x4400;
	s26 =	simm.s32 $0x180  }
0x1c4: {  	[tilespmem:s25], [sflag:$0x1] =	stream.indirect.gather [hbm4b:s0+s1], $0x80, s26, s1, $0xb8;
	[tilespmem:$0x10E00] =	vst v63  }
0x1c5: {  	s29 =	simm.s32 $0xC400;
	s30 =	simm.s32 $0x380;
	s31 =	simm.s32 $0x1  }
0x1c6: {  	[tilespmem:s29], [sflag:$0x1] =	stream.indirect.gather [hbm4b:s0+s1], $0x80, s30, s1, $0xb8;
	[tilespmem:$0x10E00] =	vst v63  }
0x1c7: {  	_ =	swait.ge [sflag:s31], $0x4000  }
0x1c8: {  	[sflag:s31] =	ssyncset.done $0x0  }
0x1c9: {  	[sflag:s31] =	ssyncadd.s32 $0xFFFFC000  }
0x1ca: {  	_ =	swait.ge [sflag:s31], $0x4000  }
0x1cb: {  	[sflag:s31] =	ssyncset.done $0x0  }
0x1cc: {  	[sflag:s31] =	ssyncadd.s32 $0xFFFFC000  }
0x1cd: {  	_ =	swait.ge [sflag:s31], $0x4000  }
0x1ce: {  	[sflag:s31] =	ssyncset.done $0x0  }
0x1cf: {  	[sflag:s31] =	ssyncadd.s32 $0xFFFFC000  }
0x1d0: {  	_ =	swait.ge [sflag:s31], $0x4000  }
0x1d1: {  	s4 =	simm.s32 $0x0;
	[sflag:s31] =	ssyncset.done $0x0  }
0x1d2: {  	s28 =	simm.s32 $0x8840;
	s26 =	simm.s32 $0x800;
	[sflag:s31] =	ssyncadd.s32 $0xFFFFC000  }
.LBB2_4:
0x1d3: {  	v1 =	vld [tilespmem:s26+$0xFFFFFC00]  }
0x1d4: {  	v2 =	vld [tilespmem:s28+$0xFFFFFC00]  }
0x1d5: {  	v3 =	vld [tilespmem:s26+$0xFFFFFC10]  }
0x1d6: {  	v4 =	vld [tilespmem:s28+$0xFFFFFC10]  }
0x1d7: {  	v5 =	vld [tilespmem:s26+$0xFFFFFC20]  }
0x1d8: {  	v6 =	vld [tilespmem:s28+$0xFFFFFC20]  }
0x1d9: {  	v7 =	vld [tilespmem:s26+$0xFFFFFC30]  }
0x1da: {  	v8 =	vld [tilespmem:s28+$0xFFFFFC30]  }
0x1db: {  	v1 =	vmul.f32 v2, v1;
	v2 =	vmul.f32 v4, v3;
	_ =	sdelay $0x1  }
0x1dc: {  	v1 =	vadd.f32 v2, v1;
	v2 =	vmul.f32 v6, v5;
	_ =	sdelay $0x1  }
0x1dd: {  	v1 =	vadd.f32 v2, v1;
	v2 =	vmul.f32 v8, v7;
	_ =	sdelay $0x1  }
0x1de: {  	v1 =	vadd.f32 v2, v1;
	_ =	sdelay $0x1  }
0x1df: {  	v2 =	vperm.xlane v1, v0;
	_ =	sdelay $0x1  }
0x1e0: {  	v2 =	vadd.f32 v1, v2  }
0x1e1: {  	s1 =	sshra.s32 s4, $0x2  }
0x1e2: {  	v1 =	vld [tilespmem:s1+$0x10500];
	[tilespmem:$0x10600] =	vst v2  }
0x1e3: {  	v3 =	vld [tilespmem:$0x10604];
	_ =	sdelay $0x4  }
0x1e4: {  	v2 =	vadd.f32 v3, v2;
	_ =	sdelay $0x1  }
0x1e5: {  	[tilespmem:$0x10800] =	vst v2  }
0x1e6: {  	v3 =	vld [tilespmem:$0x10802];
	_ =	sdelay $0x4  }
0x1e7: {  	v2 =	vadd.f32 v3, v2;
	_ =	sdelay $0x1  }
0x1e8: {  	[tilespmem:$0x10A00] =	vst v2  }
0x1e9: {  	v3 =	vld [tilespmem:s26+$0xFFFFFC80]  }
0x1ea: {  	v63 =	vld [tilespmem:s28+$0xFFFFFC80]  }
0x1eb: {  	v12 =	vld [tilespmem:s26+$0xFFFFFC90]  }
0x1ec: {  	v13 =	vld [tilespmem:s28+$0xFFFFFC90]  }
0x1ed: {  	v14 =	vld [tilespmem:s26+$0xFFFFFCA0]  }
0x1ee: {  	v15 =	vld [tilespmem:s28+$0xFFFFFCA0]  }
0x1ef: {  	v9 =	vld [tilespmem:s26+$0xFFFFFCB0]  }
0x1f0: {  	v10 =	vld [tilespmem:s28+$0xFFFFFCB0]  }
0x1f1: {  	v3 =	vmul.f32 v63, v3;
	v16 =	vmul.f32 v13, v12;
	_ =	sdelay $0x1  }
0x1f2: {  	v17 =	vmul.f32 v15, v14;
	v3 =	vadd.f32 v16, v3;
	_ =	sdelay $0x1  }
0x1f3: {  	v18 =	vmul.f32 v10, v9;
	v3 =	vadd.f32 v17, v3;
	_ =	sdelay $0x1  }
0x1f4: {  	v3 =	vadd.f32 v18, v3;
	_ =	sdelay $0x1  }
0x1f5: {  	v4 =	vperm.xlane v3, v0;
	_ =	sdelay $0x1  }
0x1f6: {  	v3 =	vadd.f32 v3, v4;
	_ =	sdelay $0x1  }
0x1f7: {  	[tilespmem:$0x10620] =	vst v3  }
0x1f8: {  	v19 =	vld [tilespmem:$0x10624];
	_ =	sdelay $0x4  }
0x1f9: {  	v3 =	vadd.f32 v19, v3;
	_ =	sdelay $0x1  }
0x1fa: {  	[tilespmem:$0x10820] =	vst v3  }
0x1fb: {  	v20 =	vld [tilespmem:$0x10822];
	_ =	sdelay $0x4  }
0x1fc: {  	v3 =	vadd.f32 v20, v3;
	_ =	sdelay $0x1  }
0x1fd: {  	[tilespmem:$0x10A20] =	vst v3  }
0x1fe: {  	v21 =	vld [tilespmem:s26+$0xFFFFFD00]  }
0x1ff: {  	v22 =	vld [tilespmem:s28+$0xFFFFFD00]  }
0x200: {  	v23 =	vld [tilespmem:s26+$0xFFFFFD10]  }
0x201: {  	v24 =	vld [tilespmem:s28+$0xFFFFFD10]  }
0x202: {  	v25 =	vld [tilespmem:s26+$0xFFFFFD20]  }
0x203: {  	v26 =	vld [tilespmem:s28+$0xFFFFFD20]  }
0x204: {  	v27 =	vld [tilespmem:s26+$0xFFFFFD30]  }
0x205: {  	v11 =	vld [tilespmem:s28+$0xFFFFFD30]  }
0x206: {  	v4 =	vmul.f32 v22, v21;
	v28 =	vmul.f32 v24, v23;
	_ =	sdelay $0x1  }
0x207: {  	v29 =	vmul.f32 v26, v25;
	v4 =	vadd.f32 v28, v4;
	_ =	sdelay $0x1  }
0x208: {  	v30 =	vmul.f32 v11, v27;
	v4 =	vadd.f32 v29, v4;
	_ =	sdelay $0x1  }
0x209: {  	v4 =	vadd.f32 v30, v4;
	_ =	sdelay $0x1  }
0x20a: {  	v5 =	vperm.xlane v4, v0;
	_ =	sdelay $0x1  }
0x20b: {  	v4 =	vadd.f32 v4, v5;
	_ =	sdelay $0x1  }
0x20c: {  	[tilespmem:$0x10640] =	vst v4  }
0x20d: {  	v31 =	vld [tilespmem:$0x10644];
	_ =	sdelay $0x4  }
0x20e: {  	v4 =	vadd.f32 v31, v4;
	_ =	sdelay $0x1  }
0x20f: {  	[tilespmem:$0x10840] =	vst v4  }
0x210: {  	v32 =	vld [tilespmem:$0x10842];
	_ =	sdelay $0x4  }
0x211: {  	v4 =	vadd.f32 v32, v4;
	_ =	sdelay $0x1  }
0x212: {  	[tilespmem:$0x10A40] =	vst v4  }
0x213: {  	v33 =	vld [tilespmem:s26+$0xFFFFFD80]  }
0x214: {  	v34 =	vld [tilespmem:s28+$0xFFFFFD80]  }
0x215: {  	v35 =	vld [tilespmem:s26+$0xFFFFFD90]  }
0x216: {  	v36 =	vld [tilespmem:s28+$0xFFFFFD90]  }
0x217: {  	v37 =	vld [tilespmem:s26+$0xFFFFFDA0]  }
0x218: {  	v38 =	vld [tilespmem:s28+$0xFFFFFDA0]  }
0x219: {  	v39 =	vld [tilespmem:s26+$0xFFFFFDB0]  }
0x21a: {  	v12 =	vld [tilespmem:s28+$0xFFFFFDB0]  }
0x21b: {  	v5 =	vmul.f32 v34, v33;
	v40 =	vmul.f32 v36, v35;
	_ =	sdelay $0x1  }
0x21c: {  	v41 =	vmul.f32 v38, v37;
	v5 =	vadd.f32 v40, v5;
	_ =	sdelay $0x1  }
0x21d: {  	v42 =	vmul.f32 v12, v39;
	v5 =	vadd.f32 v41, v5;
	_ =	sdelay $0x1  }
0x21e: {  	v5 =	vadd.f32 v42, v5;
	_ =	sdelay $0x1  }
0x21f: {  	v6 =	vperm.xlane v5, v0;
	_ =	sdelay $0x1  }
0x220: {  	v5 =	vadd.f32 v5, v6;
	_ =	sdelay $0x1  }
0x221: {  	[tilespmem:$0x10660] =	vst v5  }
0x222: {  	v43 =	vld [tilespmem:$0x10664];
	_ =	sdelay $0x4  }
0x223: {  	v5 =	vadd.f32 v43, v5;
	_ =	sdelay $0x1  }
0x224: {  	[tilespmem:$0x10860] =	vst v5  }
0x225: {  	v44 =	vld [tilespmem:$0x10862];
	_ =	sdelay $0x4  }
0x226: {  	v5 =	vadd.f32 v44, v5;
	_ =	sdelay $0x1  }
0x227: {  	[tilespmem:$0x10A60] =	vst v5  }
0x228: {  	v45 =	vld [tilespmem:s26+$0xFFFFFE00]  }
0x229: {  	v46 =	vld [tilespmem:s28+$0xFFFFFE00]  }
0x22a: {  	v47 =	vld [tilespmem:s26+$0xFFFFFE10]  }
0x22b: {  	v48 =	vld [tilespmem:s28+$0xFFFFFE10]  }
0x22c: {  	v49 =	vld [tilespmem:s26+$0xFFFFFE20]  }
0x22d: {  	v50 =	vld [tilespmem:s28+$0xFFFFFE20]  }
0x22e: {  	v51 =	vld [tilespmem:s26+$0xFFFFFE30]  }
0x22f: {  	v13 =	vld [tilespmem:s28+$0xFFFFFE30]  }
0x230: {  	v6 =	vmul.f32 v46, v45;
	v52 =	vmul.f32 v48, v47;
	_ =	sdelay $0x1  }
0x231: {  	v53 =	vmul.f32 v50, v49;
	v6 =	vadd.f32 v52, v6;
	_ =	sdelay $0x1  }
0x232: {  	v54 =	vmul.f32 v13, v51;
	v6 =	vadd.f32 v53, v6;
	_ =	sdelay $0x1  }
0x233: {  	v6 =	vadd.f32 v54, v6;
	_ =	sdelay $0x1  }
0x234: {  	v7 =	vperm.xlane v6, v0;
	_ =	sdelay $0x1  }
0x235: {  	v6 =	vadd.f32 v6, v7;
	_ =	sdelay $0x1  }
0x236: {  	[tilespmem:$0x10680] =	vst v6  }
0x237: {  	v55 =	vld [tilespmem:$0x10684];
	_ =	sdelay $0x4  }
0x238: {  	v6 =	vadd.f32 v55, v6;
	_ =	sdelay $0x1  }
0x239: {  	[tilespmem:$0x10880] =	vst v6  }
0x23a: {  	v56 =	vld [tilespmem:$0x10882];
	_ =	sdelay $0x4  }
0x23b: {  	v6 =	vadd.f32 v56, v6;
	_ =	sdelay $0x1  }
0x23c: {  	[tilespmem:$0x10A80] =	vst v6  }
0x23d: {  	v57 =	vld [tilespmem:s26+$0xFFFFFE80]  }
0x23e: {  	v58 =	vld [tilespmem:s28+$0xFFFFFE80]  }
0x23f: {  	v59 =	vld [tilespmem:s26+$0xFFFFFE90]  }
0x240: {  	v60 =	vld [tilespmem:s28+$0xFFFFFE90]  }
0x241: {  	v61 =	vld [tilespmem:s26+$0xFFFFFEA0]  }
0x242: {  	v62 =	vld [tilespmem:s28+$0xFFFFFEA0]  }
0x243: {  	v63 =	vld [tilespmem:s26+$0xFFFFFEB0]  }
0x244: {  	v14 =	vld [tilespmem:s28+$0xFFFFFEB0]  }
0x245: {  	v7 =	vmul.f32 v58, v57;
	v15 =	vmul.f32 v60, v59;
	_ =	sdelay $0x1  }
0x246: {  	v16 =	vmul.f32 v62, v61;
	v7 =	vadd.f32 v15, v7;
	_ =	sdelay $0x1  }
0x247: {  	v17 =	vmul.f32 v14, v63;
	v7 =	vadd.f32 v16, v7;
	_ =	sdelay $0x1  }
0x248: {  	v7 =	vadd.f32 v17, v7;
	_ =	sdelay $0x1  }
0x249: {  	v8 =	vperm.xlane v7, v0;
	_ =	sdelay $0x1  }
0x24a: {  	v7 =	vadd.f32 v7, v8;
	_ =	sdelay $0x1  }
0x24b: {  	[tilespmem:$0x106A0] =	vst v7  }
0x24c: {  	v18 =	vld [tilespmem:$0x106A4];
	_ =	sdelay $0x4  }
0x24d: {  	v7 =	vadd.f32 v18, v7;
	_ =	sdelay $0x1  }
0x24e: {  	[tilespmem:$0x108A0] =	vst v7  }
0x24f: {  	v19 =	vld [tilespmem:$0x108A2];
	_ =	sdelay $0x4  }
0x250: {  	v7 =	vadd.f32 v19, v7;
	_ =	sdelay $0x1  }
0x251: {  	[tilespmem:$0x10AA0] =	vst v7  }
0x252: {  	v20 =	vld [tilespmem:s26+$0xFFFFFF00]  }
0x253: {  	v21 =	vld [tilespmem:s28+$0xFFFFFF00]  }
0x254: {  	v22 =	vld [tilespmem:s26+$0xFFFFFF10]  }
0x255: {  	v23 =	vld [tilespmem:s28+$0xFFFFFF10]  }
0x256: {  	v24 =	vld [tilespmem:s26+$0xFFFFFF20]  }
0x257: {  	v25 =	vld [tilespmem:s28+$0xFFFFFF20]  }
0x258: {  	v26 =	vld [tilespmem:s26+$0xFFFFFF30]  }
0x259: {  	v15 =	vld [tilespmem:s28+$0xFFFFFF30]  }
0x25a: {  	v8 =	vmul.f32 v21, v20;
	v27 =	vmul.f32 v23, v22;
	_ =	sdelay $0x1  }
0x25b: {  	v28 =	vmul.f32 v25, v24;
	v8 =	vadd.f32 v27, v8;
	_ =	sdelay $0x1  }
0x25c: {  	v29 =	vmul.f32 v15, v26;
	v8 =	vadd.f32 v28, v8;
	_ =	sdelay $0x1  }
0x25d: {  	v8 =	vadd.f32 v29, v8;
	_ =	sdelay $0x1  }
0x25e: {  	v9 =	vperm.xlane v8, v0;
	_ =	sdelay $0x1  }
0x25f: {  	v8 =	vadd.f32 v8, v9;
	_ =	sdelay $0x1  }
0x260: {  	[tilespmem:$0x106C0] =	vst v8  }
0x261: {  	v30 =	vld [tilespmem:$0x106C4];
	_ =	sdelay $0x4  }
0x262: {  	v8 =	vadd.f32 v30, v8;
	_ =	sdelay $0x1  }
0x263: {  	[tilespmem:$0x108C0] =	vst v8  }
0x264: {  	v31 =	vld [tilespmem:$0x108C2];
	_ =	sdelay $0x4  }
0x265: {  	v8 =	vadd.f32 v31, v8;
	_ =	sdelay $0x1  }
0x266: {  	[tilespmem:$0x10AC0] =	vst v8  }
0x267: {  	v32 =	vld [tilespmem:s26+$0xFFFFFF80]  }
0x268: {  	v33 =	vld [tilespmem:s28+$0xFFFFFF80]  }
0x269: {  	v34 =	vld [tilespmem:s26+$0xFFFFFF90]  }
0x26a: {  	v35 =	vld [tilespmem:s28+$0xFFFFFF90]  }
0x26b: {  	v36 =	vld [tilespmem:s26+$0xFFFFFFA0]  }
0x26c: {  	v37 =	vld [tilespmem:s28+$0xFFFFFFA0]  }
0x26d: {  	v38 =	vld [tilespmem:s26+$0xFFFFFFB0]  }
0x26e: {  	v16 =	vld [tilespmem:s28+$0xFFFFFFB0]  }
0x26f: {  	v9 =	vmul.f32 v33, v32;
	v39 =	vmul.f32 v35, v34;
	_ =	sdelay $0x1  }
0x270: {  	v40 =	vmul.f32 v37, v36;
	v9 =	vadd.f32 v39, v9;
	_ =	sdelay $0x1  }
0x271: {  	v41 =	vmul.f32 v16, v38;
	v9 =	vadd.f32 v40, v9;
	_ =	sdelay $0x1  }
0x272: {  	v9 =	vadd.f32 v41, v9;
	_ =	sdelay $0x1  }
0x273: {  	v10 =	vperm.xlane v9, v0;
	_ =	sdelay $0x1  }
0x274: {  	v9 =	vadd.f32 v9, v10;
	_ =	sdelay $0x1  }
0x275: {  	[tilespmem:$0x106E0] =	vst v9  }
0x276: {  	v42 =	vld [tilespmem:$0x106E4];
	_ =	sdelay $0x4  }
0x277: {  	v9 =	vadd.f32 v42, v9;
	_ =	sdelay $0x1  }
0x278: {  	[tilespmem:$0x108E0] =	vst v9  }
0x279: {  	v43 =	vld [tilespmem:$0x108E2];
	_ =	sdelay $0x4  }
0x27a: {  	v9 =	vadd.f32 v43, v9;
	_ =	sdelay $0x1  }
0x27b: {  	[tilespmem:$0x10AE0] =	vst v9  }
0x27c: {  	v44 =	vld [tilespmem:s26+$0x0]  }
0x27d: {  	v45 =	vld [tilespmem:s28+$0x0]  }
0x27e: {  	v46 =	vld [tilespmem:s26+$0x10]  }
0x27f: {  	v47 =	vld [tilespmem:s28+$0x10]  }
0x280: {  	v48 =	vld [tilespmem:s26+$0x20]  }
0x281: {  	v49 =	vld [tilespmem:s28+$0x20]  }
0x282: {  	v50 =	vld [tilespmem:s26+$0x30]  }
0x283: {  	v17 =	vld [tilespmem:s28+$0x30]  }
0x284: {  	v10 =	vmul.f32 v45, v44;
	v51 =	vmul.f32 v47, v46;
	_ =	sdelay $0x1  }
0x285: {  	v52 =	vmul.f32 v49, v48;
	v10 =	vadd.f32 v51, v10;
	_ =	sdelay $0x1  }
0x286: {  	v53 =	vmul.f32 v17, v50;
	v10 =	vadd.f32 v52, v10;
	_ =	sdelay $0x1  }
0x287: {  	v10 =	vadd.f32 v53, v10;
	_ =	sdelay $0x1  }
0x288: {  	v11 =	vperm.xlane v10, v0;
	_ =	sdelay $0x1  }
0x289: {  	v10 =	vadd.f32 v10, v11;
	_ =	sdelay $0x1  }
0x28a: {  	[tilespmem:$0x10700] =	vst v10  }
0x28b: {  	v54 =	vld [tilespmem:$0x10704];
	_ =	sdelay $0x4  }
0x28c: {  	v10 =	vadd.f32 v54, v10;
	_ =	sdelay $0x1  }
0x28d: {  	[tilespmem:$0x10900] =	vst v10  }
0x28e: {  	v55 =	vld [tilespmem:$0x10902];
	_ =	sdelay $0x4  }
0x28f: {  	v10 =	vadd.f32 v55, v10;
	_ =	sdelay $0x1  }
0x290: {  	[tilespmem:$0x10B00] =	vst v10  }
0x291: {  	v56 =	vld [tilespmem:s26+$0x80]  }
0x292: {  	v57 =	vld [tilespmem:s28+$0x80]  }
0x293: {  	v58 =	vld [tilespmem:s26+$0x90]  }
0x294: {  	v59 =	vld [tilespmem:s28+$0x90]  }
0x295: {  	v60 =	vld [tilespmem:s26+$0xA0]  }
0x296: {  	v61 =	vld [tilespmem:s28+$0xA0]  }
0x297: {  	v62 =	vld [tilespmem:s26+$0xB0]  }
0x298: {  	v18 =	vld [tilespmem:s28+$0xB0]  }
0x299: {  	v11 =	vmul.f32 v57, v56;
	v63 =	vmul.f32 v59, v58;
	_ =	sdelay $0x1  }
0x29a: {  	v16 =	vmul.f32 v61, v60;
	v11 =	vadd.f32 v63, v11;
	_ =	sdelay $0x1  }
0x29b: {  	v19 =	vmul.f32 v18, v62;
	v11 =	vadd.f32 v16, v11;
	_ =	sdelay $0x1  }
0x29c: {  	v11 =	vadd.f32 v19, v11;
	_ =	sdelay $0x1  }
0x29d: {  	v12 =	vperm.xlane v11, v0;
	_ =	sdelay $0x1  }
0x29e: {  	v11 =	vadd.f32 v11, v12;
	_ =	sdelay $0x1  }
0x29f: {  	[tilespmem:$0x10720] =	vst v11  }
0x2a0: {  	v20 =	vld [tilespmem:$0x10724];
	_ =	sdelay $0x4  }
0x2a1: {  	v11 =	vadd.f32 v20, v11;
	_ =	sdelay $0x1  }
0x2a2: {  	[tilespmem:$0x10920] =	vst v11  }
0x2a3: {  	v21 =	vld [tilespmem:$0x10922];
	_ =	sdelay $0x4  }
0x2a4: {  	v11 =	vadd.f32 v21, v11;
	_ =	sdelay $0x1  }
0x2a5: {  	[tilespmem:$0x10B20] =	vst v11  }
0x2a6: {  	v22 =	vld [tilespmem:s26+$0x100]  }
0x2a7: {  	v23 =	vld [tilespmem:s28+$0x100]  }
0x2a8: {  	v24 =	vld [tilespmem:s26+$0x110]  }
0x2a9: {  	v25 =	vld [tilespmem:s28+$0x110]  }
0x2aa: {  	v26 =	vld [tilespmem:s26+$0x120]  }
0x2ab: {  	v27 =	vld [tilespmem:s28+$0x120]  }
0x2ac: {  	v28 =	vld [tilespmem:s26+$0x130]  }
0x2ad: {  	v19 =	vld [tilespmem:s28+$0x130]  }
0x2ae: {  	v12 =	vmul.f32 v23, v22;
	v29 =	vmul.f32 v25, v24;
	_ =	sdelay $0x1  }
0x2af: {  	v30 =	vmul.f32 v27, v26;
	v12 =	vadd.f32 v29, v12;
	_ =	sdelay $0x1  }
0x2b0: {  	v31 =	vmul.f32 v19, v28;
	v12 =	vadd.f32 v30, v12;
	_ =	sdelay $0x1  }
0x2b1: {  	v12 =	vadd.f32 v31, v12;
	_ =	sdelay $0x1  }
0x2b2: {  	v13 =	vperm.xlane v12, v0;
	_ =	sdelay $0x1  }
0x2b3: {  	v12 =	vadd.f32 v12, v13;
	_ =	sdelay $0x1  }
0x2b4: {  	[tilespmem:$0x10740] =	vst v12  }
0x2b5: {  	v32 =	vld [tilespmem:$0x10744];
	_ =	sdelay $0x4  }
0x2b6: {  	v12 =	vadd.f32 v32, v12;
	_ =	sdelay $0x1  }
0x2b7: {  	[tilespmem:$0x10940] =	vst v12  }
0x2b8: {  	v33 =	vld [tilespmem:$0x10942];
	_ =	sdelay $0x4  }
0x2b9: {  	v12 =	vadd.f32 v33, v12;
	_ =	sdelay $0x1  }
0x2ba: {  	[tilespmem:$0x10B40] =	vst v12  }
0x2bb: {  	v34 =	vld [tilespmem:s26+$0x180]  }
0x2bc: {  	v35 =	vld [tilespmem:s28+$0x180]  }
0x2bd: {  	v36 =	vld [tilespmem:s26+$0x190]  }
0x2be: {  	v37 =	vld [tilespmem:s28+$0x190]  }
0x2bf: {  	v38 =	vld [tilespmem:s26+$0x1A0]  }
0x2c0: {  	v39 =	vld [tilespmem:s28+$0x1A0]  }
0x2c1: {  	v40 =	vld [tilespmem:s26+$0x1B0]  }
0x2c2: {  	v20 =	vld [tilespmem:s28+$0x1B0]  }
0x2c3: {  	v13 =	vmul.f32 v35, v34;
	v41 =	vmul.f32 v37, v36;
	_ =	sdelay $0x1  }
0x2c4: {  	v42 =	vmul.f32 v39, v38;
	v13 =	vadd.f32 v41, v13;
	_ =	sdelay $0x1  }
0x2c5: {  	v43 =	vmul.f32 v20, v40;
	v13 =	vadd.f32 v42, v13;
	_ =	sdelay $0x1  }
0x2c6: {  	v13 =	vadd.f32 v43, v13;
	_ =	sdelay $0x1  }
0x2c7: {  	v14 =	vperm.xlane v13, v0;
	_ =	sdelay $0x1  }
0x2c8: {  	v13 =	vadd.f32 v13, v14;
	_ =	sdelay $0x1  }
0x2c9: {  	[tilespmem:$0x10760] =	vst v13  }
0x2ca: {  	v44 =	vld [tilespmem:$0x10764];
	_ =	sdelay $0x4  }
0x2cb: {  	v13 =	vadd.f32 v44, v13;
	_ =	sdelay $0x1  }
0x2cc: {  	[tilespmem:$0x10960] =	vst v13  }
0x2cd: {  	v45 =	vld [tilespmem:$0x10962];
	_ =	sdelay $0x4  }
0x2ce: {  	v13 =	vadd.f32 v45, v13;
	_ =	sdelay $0x1  }
0x2cf: {  	[tilespmem:$0x10B60] =	vst v13  }
0x2d0: {  	v46 =	vld [tilespmem:s26+$0x200]  }
0x2d1: {  	v47 =	vld [tilespmem:s28+$0x200]  }
0x2d2: {  	v48 =	vld [tilespmem:s26+$0x210]  }
0x2d3: {  	v49 =	vld [tilespmem:s28+$0x210]  }
0x2d4: {  	v50 =	vld [tilespmem:s26+$0x220]  }
0x2d5: {  	v51 =	vld [tilespmem:s28+$0x220]  }
0x2d6: {  	v52 =	vld [tilespmem:s26+$0x230]  }
0x2d7: {  	v21 =	vld [tilespmem:s28+$0x230]  }
0x2d8: {  	v14 =	vmul.f32 v47, v46;
	v53 =	vmul.f32 v49, v48;
	_ =	sdelay $0x1  }
0x2d9: {  	v54 =	vmul.f32 v51, v50;
	v14 =	vadd.f32 v53, v14;
	_ =	sdelay $0x1  }
0x2da: {  	v55 =	vmul.f32 v21, v52;
	v14 =	vadd.f32 v54, v14;
	_ =	sdelay $0x1  }
0x2db: {  	v14 =	vadd.f32 v55, v14;
	_ =	sdelay $0x1  }
0x2dc: {  	v15 =	vperm.xlane v14, v0;
	_ =	sdelay $0x1  }
0x2dd: {  	v14 =	vadd.f32 v14, v15;
	_ =	sdelay $0x1  }
0x2de: {  	[tilespmem:$0x10780] =	vst v14  }
0x2df: {  	v56 =	vld [tilespmem:$0x10784];
	_ =	sdelay $0x4  }
0x2e0: {  	v14 =	vadd.f32 v56, v14;
	_ =	sdelay $0x1  }
0x2e1: {  	[tilespmem:$0x10980] =	vst v14  }
0x2e2: {  	v57 =	vld [tilespmem:$0x10982];
	_ =	sdelay $0x4  }
0x2e3: {  	v14 =	vadd.f32 v57, v14;
	_ =	sdelay $0x1  }
0x2e4: {  	[tilespmem:$0x10B80] =	vst v14  }
0x2e5: {  	v58 =	vld [tilespmem:s26+$0x280]  }
0x2e6: {  	v59 =	vld [tilespmem:s28+$0x280]  }
0x2e7: {  	v60 =	vld [tilespmem:s26+$0x290]  }
0x2e8: {  	v61 =	vld [tilespmem:s28+$0x290]  }
0x2e9: {  	v62 =	vld [tilespmem:s26+$0x2A0]  }
0x2ea: {  	v63 =	vld [tilespmem:s28+$0x2A0]  }
0x2eb: {  	v24 =	vld [tilespmem:s26+$0x2B0]  }
0x2ec: {  	v22 =	vld [tilespmem:s28+$0x2B0]  }
0x2ed: {  	v15 =	vmul.f32 v59, v58;
	v25 =	vmul.f32 v61, v60;
	_ =	sdelay $0x1  }
0x2ee: {  	v26 =	vmul.f32 v63, v62;
	v15 =	vadd.f32 v25, v15;
	_ =	sdelay $0x1  }
0x2ef: {  	v27 =	vmul.f32 v22, v24;
	v15 =	vadd.f32 v26, v15;
	_ =	sdelay $0x1  }
0x2f0: {  	v15 =	vadd.f32 v27, v15;
	_ =	sdelay $0x1  }
0x2f1: {  	v16 =	vperm.xlane v15, v0;
	_ =	sdelay $0x1  }
0x2f2: {  	v15 =	vadd.f32 v15, v16;
	_ =	sdelay $0x1  }
0x2f3: {  	[tilespmem:$0x107A0] =	vst v15  }
0x2f4: {  	v28 =	vld [tilespmem:$0x107A4];
	_ =	sdelay $0x4  }
0x2f5: {  	v15 =	vadd.f32 v28, v15;
	_ =	sdelay $0x1  }
0x2f6: {  	[tilespmem:$0x109A0] =	vst v15  }
0x2f7: {  	v29 =	vld [tilespmem:$0x109A2];
	_ =	sdelay $0x4  }
0x2f8: {  	v15 =	vadd.f32 v29, v15;
	_ =	sdelay $0x1  }
0x2f9: {  	[tilespmem:$0x10BA0] =	vst v15  }
0x2fa: {  	v30 =	vld [tilespmem:s26+$0x300]  }
0x2fb: {  	v31 =	vld [tilespmem:s28+$0x300]  }
0x2fc: {  	v32 =	vld [tilespmem:s26+$0x310]  }
0x2fd: {  	v33 =	vld [tilespmem:s28+$0x310]  }
0x2fe: {  	v34 =	vld [tilespmem:s26+$0x320]  }
0x2ff: {  	v35 =	vld [tilespmem:s28+$0x320]  }
0x300: {  	v36 =	vld [tilespmem:s26+$0x330]  }
0x301: {  	v23 =	vld [tilespmem:s28+$0x330]  }
0x302: {  	v16 =	vmul.f32 v31, v30;
	v37 =	vmul.f32 v33, v32;
	_ =	sdelay $0x1  }
0x303: {  	v38 =	vmul.f32 v35, v34;
	v16 =	vadd.f32 v37, v16;
	_ =	sdelay $0x1  }
0x304: {  	v39 =	vmul.f32 v23, v36;
	v16 =	vadd.f32 v38, v16;
	_ =	sdelay $0x1  }
0x305: {  	v16 =	vadd.f32 v39, v16;
	_ =	sdelay $0x1  }
0x306: {  	v17 =	vperm.xlane v16, v0;
	_ =	sdelay $0x1  }
0x307: {  	v16 =	vadd.f32 v16, v17;
	_ =	sdelay $0x1  }
0x308: {  	[tilespmem:$0x107C0] =	vst v16  }
0x309: {  	v40 =	vld [tilespmem:$0x107C4];
	_ =	sdelay $0x4  }
0x30a: {  	v16 =	vadd.f32 v40, v16;
	_ =	sdelay $0x1  }
0x30b: {  	[tilespmem:$0x109C0] =	vst v16  }
0x30c: {  	v41 =	vld [tilespmem:$0x109C2];
	_ =	sdelay $0x4  }
0x30d: {  	v16 =	vadd.f32 v41, v16;
	_ =	sdelay $0x1  }
0x30e: {  	v42 =	vld [tilespmem:$0x10A01];
	[tilespmem:$0x10BC0] =	vst v16  }
0x30f: {  	v43 =	vld [tilespmem:s26+$0x380]  }
0x310: {  	v44 =	vld [tilespmem:s28+$0x380]  }
0x311: {  	v45 =	vld [tilespmem:s26+$0x390]  }
0x312: {  	v46 =	vld [tilespmem:s28+$0x390]  }
0x313: {  	v47 =	vld [tilespmem:s26+$0x3A0]  }
0x314: {  	v48 =	vld [tilespmem:s28+$0x3A0]  }
0x315: {  	v24 =	vld [tilespmem:s26+$0x3B0]  }
0x316: {  	v25 =	vld [tilespmem:s28+$0x3B0]  }
0x317: {  	v18 =	vmul.f32 v44, v43;
	v49 =	vmul.f32 v46, v45  }
0x318: {  	v50 =	vld [tilespmem:$0x10A21]  }
0x319: {  	v51 =	vmul.f32 v48, v47;
	v18 =	vadd.f32 v49, v18  }
0x31a: {  	(v2sf) =	vpush v2, $0x0;
	v2 =	vld [tilespmem:$0x10A41]  }
0x31b: {  	(v2sf) =	vpush v42, $0x0;
	v53 =	vmul.f32 v25, v24;
	v52 =	vadd.f32 v51, v18  }
0x31c: {  	(v2sf) =	vpush v3, $0x0;
	v3 =	vld [tilespmem:$0x10A61]  }
0x31d: {  	(v2sf) =	vpush v50, $0x0;
	v17 =	vadd.f32 v53, v52  }
0x31e: {  	v54 =	vld [tilespmem:$0x10A81];
	(v2sf) =	vpush v4, $0x0  }
0x31f: {  	(v2sf) =	vpush v2, $0x0;
	v2 =	vperm.xlane v17, v0  }
0x320: {  	v55 =	vld [tilespmem:$0x10AA1];
	(v2sf) =	vpush v5, $0x0  }
0x321: {  	(v2sf) =	vpush v3, $0x0;
	v2 =	vadd.f32 v17, v2  }
0x322: {  	v3 =	vld [tilespmem:$0x10AC1];
	(v2sf) =	vpush v6, $0x0  }
0x323: {  	(v2sf) =	vpush v54, $0x0;
	v56 =	vld [tilespmem:$0x10AE1];
	[tilespmem:$0x107E0] =	vst v2  }
0x324: {  	(v2sf) =	vpush v7, $0x0;
	v57 =	vld [tilespmem:$0x107E4]  }
0x325: {  	(v2sf) =	vpush v55, $0x0  }
0x326: {  	(v2sf) =	vpush v8, $0x0;
	v58 =	vld [tilespmem:$0x10B01]  }
0x327: {  	(v2sf) =	vpush v3, $0x0  }
0x328: {  	v3 =	vld [tilespmem:$0x10B21];
	(v2sf) =	vpush v9, $0x0  }
0x329: {  	s29 =	spop (v2sf);
	(v2sf) =	vpush v56, $0x0;
	v2 =	vadd.f32 v57, v2  }
0x32a: {  	s30 =	spop (v2sf);
	(v2sf) =	vpush v10, $0x0;
	v59 =	vld [tilespmem:$0x10B41]  }
0x32b: {  	s31 =	spop (v2sf);
	v60 =	vld [tilespmem:$0x10B61];
	(v2sf) =	vpush v58, $0x0;
	[tilespmem:$0x109E0] =	vst v2  }
0x32c: {  	s0 =	spop (v2sf);
	(v2sf) =	vpush v11, $0x0;
	v61 =	vld [tilespmem:$0x109E2]  }
0x32d: {  	s2 =	spop (v2sf);
	(v2sf) =	vpush v3, $0x0  }
0x32e: {  	s3 =	spop (v2sf);
	v3 =	vld [tilespmem:$0x10B81];
	(v2sf) =	vpush v12, $0x0  }
0x32f: {  	s6 =	spop (v2sf);
	(v2sf) =	vpush v59, $0x0  }
0x330: {  	s7 =	spop (v2sf);
	(v2sf) =	vpush v13, $0x0;
	v62 =	vld [tilespmem:$0x10BA1]  }
0x331: {  	s8 =	spop (v2sf);
	(v2sf) =	vpush v60, $0x0;
	v2 =	vadd.f32 v61, v2  }
0x332: {  	s9 =	spop (v2sf);
	(v2sf) =	vpush v14, $0x0;
	v63 =	vld [tilespmem:$0x10BC1]  }
0x333: {  	s10 =	spop (v2sf);
	(v2sf) =	vpush v3, $0x0;
	[tilespmem:$0x10BE0] =	vst v2  }
0x334: {  	s11 =	spop (v2sf);
	(v2sf) =	vpush v15, $0x0;
	v3 =	vld [tilespmem:$0x10BE1]  }
0x335: {  	s12 =	spop (v2sf);
	(v2sf) =	vpush v62, $0x0  }
0x336: {  	s13 =	spop (v2sf);
	(v2sf) =	vpush v16, $0x0  }
0x337: {  	s14 =	spop (v2sf);
	(v2sf) =	vpush v63, $0x0  }
0x338: {  	s15 =	spop (v2sf);
	(v2sf) =	vpush v2, $0x0  }
0x339: {  	s16 =	spop (v2sf);
	(v2sf) =	vpush v3, $0x0  }
0x33a: {  	s17 =	spop (v2sf)  }
0x33b: {  	s18 =	spop (v2sf)  }
0x33c: {  	s19 =	spop (v2sf)  }
0x33d: {  	s20 =	spop (v2sf)  }
0x33e: {  	s21 =	spop (v2sf)  }
0x33f: {  	s22 =	spop (v2sf)  }
0x340: {  	[dreg:$0xd] =	wrdreg s1;
	s23 =	spop (v2sf)  }
0x341: {  	[dreg:$0xf] =	wrdreg s29;
	s24 =	spop (v2sf)  }
0x342: {  	[dreg:$0x11] =	wrdreg s30;
	s30 =	spop (v2sf)  }
0x343: {  	[dreg:$0x13] =	wrdreg s31;
	s31 =	spop (v2sf)  }
0x344: {  	s5 =	rddreg [dreg:$0xf];
	s25 =	spop (v2sf)  }
0x345: {  	[dreg:$0x15] =	wrdreg s0;
	s29 =	spop (v2sf)  }
0x346: {  	[dreg:$0x17] =	wrdreg s2;
	s1 =	spop (v2sf)  }
0x347: {  	[dreg:$0x19] =	wrdreg s3;
	s0 =	spop (v2sf)  }
0x348: {  	s3 =	rddreg [dreg:$0x11];
	s2 =	spop (v2sf)  }
0x349: {  	s0 =	sadd.f32 s2, s0  }
0x34a: {  	s2 =	sadd.f32 s3, s5  }
0x34b: {  	s3 =	rddreg [dreg:$0x13]  }
0x34c: {  	s5 =	rddreg [dreg:$0x15]  }
0x34d: {  	s3 =	sadd.f32 s5, s3  }
0x34e: {  	s5 =	rddreg [dreg:$0x19]  }
0x34f: {  	v2 =	vmov s0;
	s0 =	rddreg [dreg:$0x17]  }
0x350: {  	s0 =	sadd.f32 s5, s0;
	v2 =	vsel vm0, s2, v2  }
0x351: {  	s7 =	sadd.f32 s7, s6;
	v2 =	vsel vm1, s3, v2  }
0x352: {  	s9 =	sadd.f32 s9, s8;
	v2 =	vsel vm2, s0, v2  }
0x353: {  	s11 =	sadd.f32 s11, s10;
	v2 =	vsel vm3, s7, v2  }
0x354: {  	s13 =	sadd.f32 s13, s12;
	v2 =	vsel vm4, s9, v2  }
0x355: {  	s15 =	sadd.f32 s15, s14;
	v2 =	vsel vm5, s11, v2  }
0x356: {  	s17 =	sadd.f32 s17, s16;
	v2 =	vsel vm6, s13, v2  }
0x357: {  	s19 =	sadd.f32 s19, s18;
	v2 =	vsel vm7, s15, v2  }
0x358: {  	s21 =	sadd.f32 s21, s20;
	v2 =	vsel vm8, s17, v2  }
0x359: {  	s23 =	sadd.f32 s23, s22;
	v2 =	vsel vm9, s19, v2  }
0x35a: {  	s24 =	sadd.f32 s30, s24;
	v2 =	vsel vm10, s21, v2  }
0x35b: {  	s25 =	sadd.f32 s25, s31;
	v2 =	vsel vm11, s23, v2  }
0x35c: {  	p0 =	sne.s32 s4, $0x3C0;
	s30 =	sadd.f32 s1, s29;
	v2 =	vsel vm12, s24, v2  }
.Ltmp1:
0x35d: {  	v2 =	vsel vm13, s25, v2;
	(pc) =	sbr.rel @p0 .LBB2_4-.Ltmp1, $4  }
0x35e: {  	v2 =	vsel vm14, s30, v2  }
0x35f: {  	v1 =	vadd.f32 v2, v1  }
0x360: {  	s31 =	rddreg [dreg:$0xd]  }
0x361: {  	s4 =	sadd.s32 $0x40, s4;
	s26 =	sadd.s32 $0x800, s26;
	s28 =	sadd.s32 $0x800, s28;
	[tilespmem:s31+$0x10D00] =	vst v1  }
0x362: {  	s1 =	simm.s32 $0x0;
	s0 =	rddreg [dreg:$0x9];
	s2 =	simm.s32 $0x10C00  }
0x363: {  	[hbm4b:s0+s1] =	stream.linear.scatter [tilespmem:s2], [sflag:$0x2], $0x200, $0x38;
	[tilespmem:$0x10E00] =	vst v63  }
0x364: {  	s2 =	simm.s32 $0x2  }
0x365: {  	_ =	swait.ge [sflag:s2], $0x200  }
0x366: {  	s3 =	rddreg [dreg:$0xb]  }
0x367: {  	s31 =	rddreg [dreg:$0xa];
	s3 =	sadd.s32 $0x1, s3  }
0x368: {  	p0 =	sne.s32 s3, s31  }
.Ltmp2:
0x369: {  	_ = 	snop;
	(pc) =	sbr.rel @p0 .LBB2_1-.Ltmp2, $3  }
0x36a: {  	_ =	sdelay $0x1  }
0x36b: {  	[sflag:s2] =	ssyncset.done $0x0  }
0x36c: {  	[sflag:s2] =	ssyncadd.s32 $0xFFFFFE00  }
0x36d: {  	_ =	sfence.sel $0x180000  }
0x36e: {  	[bflag:$0x0] =	sbarrier.arrive $0xFFFF  }
0x36f: {  	_ =	strace $0x9000004A  }
0x370: {  	s0 =	stileid.u32;
	[bflag:$0x2] =	sbarrier.arrive $0xFFFF  }
0x371: {  	p0 =	sne.s32 s0, $0x0;
	s0 =	rddreg [dreg:$0x4]  }
0x372: {  	s0 =	sadd.s32 @!p0 $0x100000, s0  }
0x373: {  	[sflag:s0] =	ssyncadd.tile.s32 @!p0 $0x1;
	_ =	shalt  }
.Lfunc_end2:
_tile_overlayer_lowered:
.L_overlay_start_2:
0x374: {  	(tag) =	ssettag $0x2  }
0x375: {  	s0 =	rddreg [dreg:$0x0];
	s2 =	stileid.u32  }
0x376: {  	s1 =	rddreg [dreg:$0x1];
	p0 =	sne.s32 s2, $0x0  }
0x377: {  	s3 =	rddreg [dreg:$0x2];
	[bflag:$0x3] =	sbarrier.arrive $0xFFFF;
	s2 =	simm.s32 @!p0 $0x1C02  }
0x378: {  	[timem:s3], [sflag:s2] =	dma.local @!p0 [hbm:s0], s1  }
0x379: {  	s0 =	simm.s32 @!p0 $0x2  }
0x37a: {  	_ =	swait.ge @!p0 [sflag:s0], s1  }
0x37b: {  	s1 =	ssub.s32 @!p0 $0x0, s1;
	[sflag:s0] =	ssyncset.done @!p0 $0x0  }
0x37c: {  	[sflag:s0] =	ssyncadd.s32 @!p0 s1  }
0x37d: {  	[bflag:$0x3] =	sbarrier.arrive $0xFFFF  }
0x37e: {  	_ =	shalt  }

</sc_bundles>
